<compile_context>
chip_gen: v7x
topology: tpu7x:2x2x1
jax: 0.10.2.dev20260603
libtpu: 0.0.44.dev20260713+nightly
codegen_flags: <defaults>
</compile_context>

<pallas_src>
import jax
import jax.numpy as jnp
from jax import lax
from jax.experimental import pallas as pl
from jax.experimental.pallas import tpu as pltpu
from jax.experimental.pallas import tpu_sc as plsc

N = 10000
E = 320000
D = 128

NC = 2
NS = 16
K = 80
EDGES_PER_TILE = E // (NC * NS)
CHUNKS = EDGES_PER_TILE // K
GROUPS = 5
GCH = CHUNKS // GROUPS
ROWS_PER_TILE = 624
TAIL_ROWS = N - NS * ROWS_PER_TILE


def _make_seg_sum(compute_deg: bool):
    mesh = plsc.VectorSubcoreMesh(
        core_axis_name="c", subcore_axis_name="s", num_cores=NC, num_subcores=NS
    )
    out_type = [
        jax.ShapeDtypeStruct((N, D), jnp.float32),
        jax.ShapeDtypeStruct((N, D), jnp.float32),
    ]
    if compute_deg:
        out_type.append(jax.ShapeDtypeStruct((10240,), jnp.float32))
        out_type.append(jax.ShapeDtypeStruct((10240,), jnp.float32))

    def body(src_hbm, dst_hbm, g_hbm, zrows_hbm, zflat_hbm, ones_hbm, *refs):
        if compute_deg:
            (outa_hbm, outb_hbm, dega_hbm, degb_hbm,
             srcl_v, dstl_v, r0, r1, r2, r3, ones_v,
             acc_sh, deg_sh, g0, g1, g2, g3, s0, s1, s2, s3) = refs
        else:
            (outa_hbm, outb_hbm, srcl_v, dstl_v, r0, r1, r2, r3,
             acc_sh, g0, g1, g2, g3, s0, s1, s2, s3) = refs
        bufs = (r0, r1, r2, r3)
        gsems = (g0, g1, g2, g3)
        ssems = (s0, s1, s2, s3)
        c = lax.axis_index("c")
        s = lax.axis_index("s")
        wid = c * NS + s

        pltpu.sync_copy(zrows_hbm, acc_sh.at[pl.ds(s * ROWS_PER_TILE, ROWS_PER_TILE)])

        @pl.when(s == 0)
        def _():
            pltpu.sync_copy(
                zrows_hbm.at[pl.ds(0, TAIL_ROWS)],
                acc_sh.at[pl.ds(NS * ROWS_PER_TILE, TAIL_ROWS)],
            )

        if compute_deg:
            pltpu.sync_copy(ones_hbm, ones_v)

            @pl.when(s == 0)
            def _():
                pltpu.sync_copy(zflat_hbm, deg_sh)

        plsc.subcore_barrier()

        def gstart(chunk, buf, sem):
            pltpu.async_copy(g_hbm.at[srcl_v.at[pl.ds(chunk * K, K)]], buf, sem)

        def gwait(chunk, buf, sem):
            pltpu.make_async_copy(
                g_hbm.at[srcl_v.at[pl.ds(chunk * K, K)]], buf, sem).wait()

        def sstart(chunk, buf, sem):
            pltpu.async_copy(buf, acc_sh.at[dstl_v.at[chunk]], sem, add=True)
            if compute_deg:
                pltpu.sync_copy(ones_v, deg_sh.at[dstl_v.at[chunk]], add=True)

        def swait(chunk, buf, sem):
            pltpu.make_async_copy(buf, acc_sh.at[dstl_v.at[chunk]], sem).wait()

        def group(g, carry):
            pltpu.sync_copy(
                src_hbm.at[pl.ds(wid * EDGES_PER_TILE + g * (GCH * K), GCH * K)],
                srcl_v)
            pltpu.sync_copy(dst_hbm.at[wid, g], dstl_v)
            for i in range(3):
                gstart(i, bufs[i], gsems[i])
            for i in range(GCH):
                j = i % 4
                gwait(i, bufs[j], gsems[j])
                sstart(i, bufs[j], ssems[j])
                nxt = i + 3
                if nxt < GCH:
                    jn = nxt % 4
                    if nxt >= 4:
                        swait(nxt - 4, bufs[jn], ssems[jn])
                    gstart(nxt, bufs[jn], gsems[jn])
            for i in range(GCH - 4, GCH):
                swait(i, bufs[i % 4], ssems[i % 4])
            return carry

        lax.fori_loop(0, GROUPS, group, 0)
        plsc.subcore_barrier()

        @pl.when(c == 0)
        def _():
            pltpu.sync_copy(
                acc_sh.at[pl.ds(s * ROWS_PER_TILE, ROWS_PER_TILE)],
                outa_hbm.at[pl.ds(s * ROWS_PER_TILE, ROWS_PER_TILE)],
            )

        @pl.when(c == 1)
        def _():
            pltpu.sync_copy(
                acc_sh.at[pl.ds(s * ROWS_PER_TILE, ROWS_PER_TILE)],
                outb_hbm.at[pl.ds(s * ROWS_PER_TILE, ROWS_PER_TILE)],
            )

        @pl.when(jnp.logical_and(c == 0, s == 0))
        def _():
            pltpu.sync_copy(
                acc_sh.at[pl.ds(NS * ROWS_PER_TILE, TAIL_ROWS)],
                outa_hbm.at[pl.ds(NS * ROWS_PER_TILE, TAIL_ROWS)],
            )
            if compute_deg:
                pltpu.sync_copy(deg_sh, dega_hbm)

        @pl.when(jnp.logical_and(c == 1, s == 0))
        def _():
            pltpu.sync_copy(
                acc_sh.at[pl.ds(NS * ROWS_PER_TILE, TAIL_ROWS)],
                outb_hbm.at[pl.ds(NS * ROWS_PER_TILE, TAIL_ROWS)],
            )
            if compute_deg:
                pltpu.sync_copy(deg_sh, degb_hbm)

    scratch = [
        pltpu.VMEM((GCH * K,), jnp.int32),
        pltpu.VMEM((GCH, K), jnp.int32),
        pltpu.VMEM((K, D), jnp.float32),
        pltpu.VMEM((K, D), jnp.float32),
        pltpu.VMEM((K, D), jnp.float32),
        pltpu.VMEM((K, D), jnp.float32),
    ]
    if compute_deg:
        scratch.append(pltpu.VMEM((K,), jnp.float32))
    scratch.append(pltpu.VMEM_SHARED((N, D), jnp.float32))
    if compute_deg:
        scratch.append(pltpu.VMEM_SHARED((10240,), jnp.float32))
    scratch.extend([pltpu.SemaphoreType.DMA] * 8)

    return pl.kernel(
        body,
        out_type=out_type,
        mesh=mesh,
        scratch_types=scratch,
        name="seg_sum_deg" if compute_deg else "seg_sum",
    )


_seg_sum_deg = _make_seg_sum(True)
_seg_sum = _make_seg_sum(False)

BM = 2048
_GRID = (N + BM - 1) // BM
N_PAD = BM * _GRID


def _norm_mm_body(sa_ref, sb_ref, g_ref, da_ref, db_ref, b_ref, w1_ref,
                  w2_ref, h_ref, g2_ref):
    blk = pl.ds(pl.program_id(0) * BM, BM)
    r = (1.0 / (da_ref[blk] + db_ref[blk] + 1.0)).reshape(BM, 1)
    hn = (sa_ref[...] + sb_ref[...] + g_ref[...]) * r
    t = lax.dot_general(
        hn, w1_ref[...], (((1,), (1,)), ((), ())),
        preferred_element_type=jnp.float32,
    ) + b_ref[...]
    h = jnp.maximum(t, 0.0)
    h_ref[...] = h
    g2_ref[...] = lax.dot_general(
        h, w2_ref[...], (((1,), (1,)), ((), ())),
        preferred_element_type=jnp.float32,
    )


_norm_mm = pl.pallas_call(
    _norm_mm_body,
    grid=(_GRID,),
    in_specs=[
        pl.BlockSpec((BM, D), lambda i: (i, 0)),
        pl.BlockSpec((BM, D), lambda i: (i, 0)),
        pl.BlockSpec((BM, D), lambda i: (i, 0)),
        pl.BlockSpec((N_PAD,), lambda i: (0,)),
        pl.BlockSpec((N_PAD,), lambda i: (0,)),
        pl.BlockSpec((1, D), lambda i: (0, 0)),
        pl.BlockSpec((D, D), lambda i: (0, 0)),
        pl.BlockSpec((D, D), lambda i: (0, 0)),
    ],
    out_specs=[
        pl.BlockSpec((BM, D), lambda i: (i, 0)),
        pl.BlockSpec((BM, D), lambda i: (i, 0)),
    ],
    out_shape=[
        jax.ShapeDtypeStruct((N, D), jnp.float32),
        jax.ShapeDtypeStruct((N, D), jnp.float32),
    ],
)


def _norm_body(sa_ref, sb_ref, g_ref, da_ref, db_ref, b_ref, o_ref):
    blk = pl.ds(pl.program_id(0) * BM, BM)
    r = (1.0 / (da_ref[blk] + db_ref[blk] + 1.0)).reshape(BM, 1)
    o_ref[...] = (sa_ref[...] + sb_ref[...] + g_ref[...]) * r + b_ref[...]


_norm = pl.pallas_call(
    _norm_body,
    grid=(_GRID,),
    in_specs=[
        pl.BlockSpec((BM, D), lambda i: (i, 0)),
        pl.BlockSpec((BM, D), lambda i: (i, 0)),
        pl.BlockSpec((BM, D), lambda i: (i, 0)),
        pl.BlockSpec((N_PAD,), lambda i: (0,)),
        pl.BlockSpec((N_PAD,), lambda i: (0,)),
        pl.BlockSpec((1, D), lambda i: (0, 0)),
    ],
    out_specs=pl.BlockSpec((BM, D), lambda i: (i, 0)),
    out_shape=jax.ShapeDtypeStruct((N, D), jnp.float32),
)


@jax.jit
def kernel(edge_index, feats, W1, b1, W2, b2):
    src = edge_index[0]
    dst = edge_index[1].reshape(NC * NS, GROUPS, GCH, K)
    zrows = jnp.zeros((ROWS_PER_TILE, D), jnp.float32)
    zflat = jnp.zeros((N_PAD,), jnp.float32)
    ones = jnp.ones((K,), jnp.float32)

    s1a, s1b, dega, degb = _seg_sum_deg(src, dst, feats, zrows, zflat, ones)
    h1, g2 = _norm_mm(s1a, s1b, feats, dega, degb, b1.reshape(1, D),
                      W1, W2)
    s2a, s2b = _seg_sum(src, dst, g2, zrows, zflat, ones)
    h2 = _norm(s2a, s2b, g2, dega, degb, b2.reshape(1, D))
    return (h1, h2)

# --- scband reference (transcript-rebuilt; emitter-appended) ---
"""Pipeline reference for scband-graph-sage-2963527434976 (READ-ONLY COPY).

The authoritative reference and input builder live on the scoring server;
editing this copy changes nothing except your own understanding.
"""

import jax, jax.numpy as jnp
import numpy as np

N = 10000
E = 320000
D = 128
H = 128
O = 128


def setup_inputs(seed: int = 0) -> dict:
    key = jax.random.key(seed)
    k1, k2, k3, k4, k5, k6 = jax.random.split(key, 6)
    feats = jax.random.normal(k1, (N, D), dtype=jnp.float32)
    edge_index = jax.random.randint(k2, (2, E), 0, N, dtype=jnp.int32)
    # Learned parameters for 2 SAGEConv (gcn aggregator) layers: fc_neigh weight + bias
    W1 = jax.random.normal(k3, (H, D), dtype=jnp.float32) * 0.05
    b1 = jnp.zeros((H,), dtype=jnp.float32)
    W2 = jax.random.normal(k4, (O, H), dtype=jnp.float32) * 0.05
    b2 = jnp.zeros((O,), dtype=jnp.float32)
    return {"edge_index": edge_index, "feats": feats, "W1": W1, "b1": b1, "W2": W2, "b2": b2}


def _sage_gcn_layer(h, src, dst, W, b, n):
    # DGL SAGEConv aggregator_type='gcn':
    #   neigh = sum of src features scattered to dst
    #   h_neigh = (neigh + h_self) / (in_degree + 1)
    #   rst = fc_neigh(h_neigh)
    msgs = jnp.take(h, src, axis=0)                      # gather  [E, d]
    neigh = jax.ops.segment_sum(msgs, dst, num_segments=n)  # scatter-add [N, d]
    deg = jax.ops.segment_sum(jnp.ones((src.shape[0],), dtype=h.dtype), dst, num_segments=n)
    h_neigh = (neigh + h) / (deg[:, None] + 1.0)
    return h_neigh @ W.T + b


def reference(edge_index, feats, W1, b1, W2, b2):
    src = edge_index[0]
    dst = edge_index[1]
    n = feats.shape[0]
    # layer 1
    h = _sage_gcn_layer(feats, src, dst, W1, b1, n)
    h = jax.nn.relu(h)  # activation (dropout is identity in eval)
    h1 = h
    # layer 2 (last layer: no activation)
    h2 = _sage_gcn_layer(h, src, dst, W2, b2, n)
    # torch module returns (h_list, h); here return the list entries + final h
    return (h1, h2)

if __name__ == "__main__":
    import jax
    _d = setup_inputs()
    print(jax.jit(kernel)(*tuple(_d.values())))

</pallas_src>

<mosaic_0001>
#map = affine_map<(d0, d1) -> (0)>
#map1 = affine_map<(d0, d1) -> (0, 0, 0, 0)>
#map2 = affine_map<(d0, d1) -> (0, 0)>
module attributes {stable_mosaic.version = 14 : i64} {
  func.func @seg_sum(%arg0: i32, %arg1: i32, %arg2: memref<320000xi32, #tpu.memory_space<hbm>>, %arg3: memref<32x5x25x80xi32, #tpu.memory_space<hbm>>, %arg4: memref<10000x128xf32, #tpu.memory_space<hbm>>, %arg5: memref<624x128xf32, #tpu.memory_space<hbm>>, %arg6: memref<10240xf32, #tpu.memory_space<hbm>>, %arg7: memref<80xf32, #tpu.memory_space<hbm>>, %arg8: memref<10000x128xf32, #tpu.memory_space<hbm>>, %arg9: memref<10000x128xf32, #tpu.memory_space<hbm>>, %arg10: memref<2000xi32, #tpu.memory_space<vmem>>, %arg11: memref<25x80xi32, #tpu.memory_space<vmem>>, %arg12: memref<80x128xf32, #tpu.memory_space<vmem>>, %arg13: memref<80x128xf32, #tpu.memory_space<vmem>>, %arg14: memref<80x128xf32, #tpu.memory_space<vmem>>, %arg15: memref<80x128xf32, #tpu.memory_space<vmem>>, %arg16: memref<10000x128xf32, #tpu.memory_space<vmem_shared>>, %arg17: memref<!tpu.dma_semaphore, #tpu.memory_space<semaphore_mem>>, %arg18: memref<!tpu.dma_semaphore, #tpu.memory_space<semaphore_mem>>, %arg19: memref<!tpu.dma_semaphore, #tpu.memory_space<semaphore_mem>>, %arg20: memref<!tpu.dma_semaphore, #tpu.memory_space<semaphore_mem>>, %arg21: memref<!tpu.dma_semaphore, #tpu.memory_space<semaphore_mem>>, %arg22: memref<!tpu.dma_semaphore, #tpu.memory_space<semaphore_mem>>, %arg23: memref<!tpu.dma_semaphore, #tpu.memory_space<semaphore_mem>>, %arg24: memref<!tpu.dma_semaphore, #tpu.memory_space<semaphore_mem>>) attributes {dimension_semantics = [#tpu.dimension_semantics<core_parallel>, #tpu.dimension_semantics<subcore_parallel>], iteration_bounds = array<i64: 2, 16>, scalar_prefetch = 0 : i64, scratch_operands = 15 : i64, tpu.core_type = #tpu.core_type<sc_vector_subcore>, window_params = [{transform_indices = #map}, {transform_indices = #map1}, {transform_indices = #map2}, {transform_indices = #map2}, {transform_indices = #map}, {transform_indices = #map}, {transform_indices = #map2}, {transform_indices = #map2}]} {
    %mul3A = arith.constant 16 : i32
    %mul3A_0 = arith.muli %arg0, %mul3A : i32
    %add3A = arith.addi %mul3A_0, %arg1 : i32
    %mul3A_1 = arith.constant 624 : i32
    %mul3A_2 = arith.muli %arg1, %mul3A_1 : i32
    "tpu.region"() ({
      %run_scoped3A = tpu.sem_alloc : memref<!tpu.dma_semaphore, #tpu.memory_space<semaphore_mem>>
      %dma_start3A = arith.constant 0 : i32
      %dma_start3A_36 = tpu.memref_slice %arg16[%mul3A_2, %dma_start3A] : memref<10000x128xf32, #tpu.memory_space<vmem_shared>> -> memref<624x128xf32, #tpu.memory_space<vmem_shared>>
      tpu.enqueue_dma source(%arg5 : memref<624x128xf32, #tpu.memory_space<hbm>>) target(%dma_start3A_36 : memref<624x128xf32, #tpu.memory_space<vmem_shared>>) target_semaphore(%run_scoped3A : memref<!tpu.dma_semaphore, #tpu.memory_space<semaphore_mem>>)
      %dma_wait3A = arith.constant 0 : i32
      %dma_wait3A_37 = tpu.memref_slice %arg16[%mul3A_2, %dma_wait3A] : memref<10000x128xf32, #tpu.memory_space<vmem_shared>> -> memref<624x128xf32, #tpu.memory_space<vmem_shared>>
      tpu.wait_dma2 semaphore(%run_scoped3A : memref<!tpu.dma_semaphore, #tpu.memory_space<semaphore_mem>>) src(%arg5 : memref<624x128xf32, #tpu.memory_space<hbm>>) dst(%dma_wait3A_37 : memref<624x128xf32, #tpu.memory_space<vmem_shared>>)
      tpu.yield
    }) : () -> ()
    %eq3A = arith.constant 0 : i32
    %eq3A_3 = arith.cmpi eq, %arg1, %eq3A : i32
    %convert_element_type3A = arith.extui %eq3A_3 : i1 to i32
    %cond3A = arith.constant 0 : i32
    %cond3A_4 = arith.cmpi ne, %convert_element_type3A, %cond3A : i32
    scf.if %cond3A_4 {
      "tpu.region"() ({
        %run_scoped3A = tpu.sem_alloc : memref<!tpu.dma_semaphore, #tpu.memory_space<semaphore_mem>>
        %dma_start3A = arith.constant 9984 : i32
        %dma_start3A_36 = arith.constant 0 : i32
        %dma_start3A_37 = tpu.memref_slice %arg16[%dma_start3A, %dma_start3A_36] : memref<10000x128xf32, #tpu.memory_space<vmem_shared>> -> memref<16x128xf32, #tpu.memory_space<vmem_shared>>
        %dma_start3A_38 = arith.constant 0 : i32
        %dma_start3A_39 = arith.constant 0 : i32
        %dma_start3A_40 = tpu.memref_slice %arg5[%dma_start3A_38, %dma_start3A_39] : memref<624x128xf32, #tpu.memory_space<hbm>> -> memref<16x128xf32, #tpu.memory_space<hbm>>
        tpu.enqueue_dma source(%dma_start3A_40 : memref<16x128xf32, #tpu.memory_space<hbm>>) target(%dma_start3A_37 : memref<16x128xf32, #tpu.memory_space<vmem_shared>>) target_semaphore(%run_scoped3A : memref<!tpu.dma_semaphore, #tpu.memory_space<semaphore_mem>>)
        %dma_wait3A = arith.constant 9984 : i32
        %dma_wait3A_41 = arith.constant 0 : i32
        %dma_wait3A_42 = tpu.memref_slice %arg16[%dma_wait3A, %dma_wait3A_41] : memref<10000x128xf32, #tpu.memory_space<vmem_shared>> -> memref<16x128xf32, #tpu.memory_space<vmem_shared>>
        %dma_wait3A_43 = arith.constant 0 : i32
        %dma_wait3A_44 = arith.constant 0 : i32
        %dma_wait3A_45 = tpu.memref_slice %arg5[%dma_wait3A_43, %dma_wait3A_44] : memref<624x128xf32, #tpu.memory_space<hbm>> -> memref<16x128xf32, #tpu.memory_space<hbm>>
        tpu.wait_dma2 semaphore(%run_scoped3A : memref<!tpu.dma_semaphore, #tpu.memory_space<semaphore_mem>>) src(%dma_wait3A_45 : memref<16x128xf32, #tpu.memory_space<hbm>>) dst(%dma_wait3A_42 : memref<16x128xf32, #tpu.memory_space<vmem_shared>>)
        tpu.yield
      }) : () -> ()
    } else {
    }
    %barrier3A = arith.constant 0 : index
    tpu.barrier barrier_id(%barrier3A)
    %scan3A = arith.constant 0 : i32
    %scan3A_5 = arith.constant 0 : i32
    %scan3A_6 = arith.constant 5 : i32
    %scan3A_7 = arith.addi %scan3A_5, %scan3A_6 : i32
    %scan3A_8 = arith.constant 1 : i32
    scf.for %scan3A_36 = %scan3A_5 to %scan3A_7 step %scan3A_8  : i32 {
      %mul3A_37 = arith.constant 10000 : i32
      %mul3A_38 = arith.muli %add3A, %mul3A_37 : i32
      %mul3A_39 = arith.constant 2000 : i32
      %mul3A_40 = arith.muli %scan3A_36, %mul3A_39 : i32
      %add3A_41 = arith.addi %mul3A_38, %mul3A_40 : i32
      "tpu.region"() ({
        %run_scoped3A = tpu.sem_alloc : memref<!tpu.dma_semaphore, #tpu.memory_space<semaphore_mem>>
        %dma_start3A_640 = tpu.memref_slice %arg2[%add3A_41] : memref<320000xi32, #tpu.memory_space<hbm>> -> memref<2000xi32, #tpu.memory_space<hbm>>
        %dma_start3A_641 = tpu.memref_slice %arg2[%add3A_41] : memref<320000xi32, #tpu.memory_space<hbm>> -> memref<2000xi32, #tpu.memory_space<hbm>>
        tpu.enqueue_dma source(%dma_start3A_641 : memref<2000xi32, #tpu.memory_space<hbm>>) target(%arg10 : memref<2000xi32, #tpu.memory_space<vmem>>) target_semaphore(%run_scoped3A : memref<!tpu.dma_semaphore, #tpu.memory_space<semaphore_mem>>)
        %dma_wait3A_642 = tpu.memref_slice %arg2[%add3A_41] : memref<320000xi32, #tpu.memory_space<hbm>> -> memref<2000xi32, #tpu.memory_space<hbm>>
        %dma_wait3A_643 = tpu.memref_slice %arg2[%add3A_41] : memref<320000xi32, #tpu.memory_space<hbm>> -> memref<2000xi32, #tpu.memory_space<hbm>>
        tpu.wait_dma2 semaphore(%run_scoped3A : memref<!tpu.dma_semaphore, #tpu.memory_space<semaphore_mem>>) src(%dma_wait3A_643 : memref<2000xi32, #tpu.memory_space<hbm>>) dst(%arg10 : memref<2000xi32, #tpu.memory_space<vmem>>)
        tpu.yield
      }) : () -> ()
      "tpu.region"() ({
        %run_scoped3A = tpu.sem_alloc : memref<!tpu.dma_semaphore, #tpu.memory_space<semaphore_mem>>
        %dma_start3A_640 = arith.constant 0 : i32
        %dma_start3A_641 = arith.constant 0 : i32
        %dma_start3A_642 = tpu.memref_slice %arg3[%add3A, %scan3A_36, %dma_start3A_640, %dma_start3A_641] : memref<32x5x25x80xi32, #tpu.memory_space<hbm>> -> memref<1x1x25x80xi32, #tpu.memory_space<hbm>>
        %dma_start3A_643 = tpu.memref_squeeze %dma_start3A_642 : memref<1x1x25x80xi32, #tpu.memory_space<hbm>> -> memref<25x80xi32, #tpu.memory_space<hbm>>
        %dma_start3A_644 = arith.constant 0 : i32
        %dma_start3A_645 = arith.constant 0 : i32
        %dma_start3A_646 = tpu.memref_slice %arg3[%add3A, %scan3A_36, %dma_start3A_644, %dma_start3A_645] : memref<32x5x25x80xi32, #tpu.memory_space<hbm>> -> memref<1x1x25x80xi32, #tpu.memory_space<hbm>>
        %dma_start3A_647 = tpu.memref_squeeze %dma_start3A_646 : memref<1x1x25x80xi32, #tpu.memory_space<hbm>> -> memref<25x80xi32, #tpu.memory_space<hbm>>
        tpu.enqueue_dma source(%dma_start3A_647 : memref<25x80xi32, #tpu.memory_space<hbm>>) target(%arg11 : memref<25x80xi32, #tpu.memory_space<vmem>>) target_semaphore(%run_scoped3A : memref<!tpu.dma_semaphore, #tpu.memory_space<semaphore_mem>>)
        %dma_wait3A_648 = arith.constant 0 : i32
        %dma_wait3A_649 = arith.constant 0 : i32
        %dma_wait3A_650 = tpu.memref_slice %arg3[%add3A, %scan3A_36, %dma_wait3A_648, %dma_wait3A_649] : memref<32x5x25x80xi32, #tpu.memory_space<hbm>> -> memref<1x1x25x80xi32, #tpu.memory_space<hbm>>
        %dma_wait3A_651 = tpu.memref_squeeze %dma_wait3A_650 : memref<1x1x25x80xi32, #tpu.memory_space<hbm>> -> memref<25x80xi32, #tpu.memory_space<hbm>>
        %dma_wait3A_652 = arith.constant 0 : i32
        %dma_wait3A_653 = arith.constant 0 : i32
        %dma_wait3A_654 = tpu.memref_slice %arg3[%add3A, %scan3A_36, %dma_wait3A_652, %dma_wait3A_653] : memref<32x5x25x80xi32, #tpu.memory_space<hbm>> -> memref<1x1x25x80xi32, #tpu.memory_space<hbm>>
        %dma_wait3A_655 = tpu.memref_squeeze %dma_wait3A_654 : memref<1x1x25x80xi32, #tpu.memory_space<hbm>> -> memref<25x80xi32, #tpu.memory_space<hbm>>
        tpu.wait_dma2 semaphore(%run_scoped3A : memref<!tpu.dma_semaphore, #tpu.memory_space<semaphore_mem>>) src(%dma_wait3A_655 : memref<25x80xi32, #tpu.memory_space<hbm>>) dst(%arg11 : memref<25x80xi32, #tpu.memory_space<vmem>>)
        tpu.yield
      }) : () -> ()
      %dma_start3A = arith.constant 0 : i32
      %dma_start3A_42 = tpu.memref_slice %arg10[%dma_start3A] : memref<2000xi32, #tpu.memory_space<vmem>> -> memref<80xi32, #tpu.memory_space<vmem>>
      %dma_start3A_43 = arith.constant 0 : i32
      %dma_start3A_44 = arith.constant 0 : i32
      %dma_start3A_45 = tpu.memref_slice %arg4[%dma_start3A_43, %dma_start3A_44] : memref<10000x128xf32, #tpu.memory_space<hbm>> -> memref<10000x128xf32, #tpu.memory_space<hbm>>
      tpu.enqueue_indirect_dma source(%dma_start3A_45 : memref<10000x128xf32, #tpu.memory_space<hbm>>) target(%arg12 : memref<80x128xf32, #tpu.memory_space<vmem>>) offsets(%dma_start3A_42 : memref<80xi32, #tpu.memory_space<vmem>>) semaphore(%arg17 : memref<!tpu.dma_semaphore, #tpu.memory_space<semaphore_mem>>)
      %dma_start3A_46 = arith.constant 80 : i32
      %dma_start3A_47 = tpu.memref_slice %arg10[%dma_start3A_46] : memref<2000xi32, #tpu.memory_space<vmem>> -> memref<80xi32, #tpu.memory_space<vmem>>
      %dma_start3A_48 = arith.constant 0 : i32
      %dma_start3A_49 = arith.constant 0 : i32
      %dma_start3A_50 = tpu.memref_slice %arg4[%dma_start3A_48, %dma_start3A_49] : memref<10000x128xf32, #tpu.memory_space<hbm>> -> memref<10000x128xf32, #tpu.memory_space<hbm>>
      tpu.enqueue_indirect_dma source(%dma_start3A_50 : memref<10000x128xf32, #tpu.memory_space<hbm>>) target(%arg13 : memref<80x128xf32, #tpu.memory_space<vmem>>) offsets(%dma_start3A_47 : memref<80xi32, #tpu.memory_space<vmem>>) semaphore(%arg18 : memref<!tpu.dma_semaphore, #tpu.memory_space<semaphore_mem>>)
      %dma_start3A_51 = arith.constant 160 : i32
      %dma_start3A_52 = tpu.memref_slice %arg10[%dma_start3A_51] : memref<2000xi32, #tpu.memory_space<vmem>> -> memref<80xi32, #tpu.memory_space<vmem>>
      %dma_start3A_53 = arith.constant 0 : i32
      %dma_start3A_54 = arith.constant 0 : i32
      %dma_start3A_55 = tpu.memref_slice %arg4[%dma_start3A_53, %dma_start3A_54] : memref<10000x128xf32, #tpu.memory_space<hbm>> -> memref<10000x128xf32, #tpu.memory_space<hbm>>
      tpu.enqueue_indirect_dma source(%dma_start3A_55 : memref<10000x128xf32, #tpu.memory_space<hbm>>) target(%arg14 : memref<80x128xf32, #tpu.memory_space<vmem>>) offsets(%dma_start3A_52 : memref<80xi32, #tpu.memory_space<vmem>>) semaphore(%arg19 : memref<!tpu.dma_semaphore, #tpu.memory_space<semaphore_mem>>)
      %dma_wait3A = arith.constant 0 : i32
      %dma_wait3A_56 = tpu.memref_slice %arg10[%dma_wait3A] : memref<2000xi32, #tpu.memory_space<vmem>> -> memref<80xi32, #tpu.memory_space<vmem>>
      %dma_wait3A_57 = arith.constant 0 : i32
      %dma_wait3A_58 = arith.constant 0 : i32
      %dma_wait3A_59 = tpu.memref_slice %arg4[%dma_wait3A_57, %dma_wait3A_58] : memref<10000x128xf32, #tpu.memory_space<hbm>> -> memref<10000x128xf32, #tpu.memory_space<hbm>>
      tpu.wait_indirect_dma semaphore(%arg17 : memref<!tpu.dma_semaphore, #tpu.memory_space<semaphore_mem>>) src(%dma_wait3A_59 : memref<10000x128xf32, #tpu.memory_space<hbm>>) dst(%arg12 : memref<80x128xf32, #tpu.memory_space<vmem>>)
      %dma_start3A_60 = arith.constant 0 : i32
      %dma_start3A_61 = arith.constant 0 : i32
      %dma_start3A_62 = tpu.memref_slice %arg11[%dma_start3A_60, %dma_start3A_61] : memref<25x80xi32, #tpu.memory_space<vmem>> -> memref<1x80xi32, #tpu.memory_space<vmem>>
      %dma_start3A_63 = tpu.memref_squeeze %dma_start3A_62 : memref<1x80xi32, #tpu.memory_space<vmem>> -> memref<80xi32, #tpu.memory_space<vmem>>
      %dma_start3A_64 = arith.constant 0 : i32
      %dma_start3A_65 = arith.constant 0 : i32
      %dma_start3A_66 = tpu.memref_slice %arg16[%dma_start3A_64, %dma_start3A_65] : memref<10000x128xf32, #tpu.memory_space<vmem_shared>> -> memref<10000x128xf32, #tpu.memory_space<vmem_shared>>
      tpu.enqueue_indirect_dma source(%arg12 : memref<80x128xf32, #tpu.memory_space<vmem>>) target(%dma_start3A_66 : memref<10000x128xf32, #tpu.memory_space<vmem_shared>>) offsets(%dma_start3A_63 : memref<80xi32, #tpu.memory_space<vmem>>) semaphore(%arg21 : memref<!tpu.dma_semaphore, #tpu.memory_space<semaphore_mem>>) {add = true}
      %dma_start3A_67 = arith.constant 240 : i32
      %dma_start3A_68 = tpu.memref_slice %arg10[%dma_start3A_67] : memref<2000xi32, #tpu.memory_space<vmem>> -> memref<80xi32, #tpu.memory_space<vmem>>
      %dma_start3A_69 = arith.constant 0 : i32
      %dma_start3A_70 = arith.constant 0 : i32
      %dma_start3A_71 = tpu.memref_slice %arg4[%dma_start3A_69, %dma_start3A_70] : memref<10000x128xf32, #tpu.memory_space<hbm>> -> memref<10000x128xf32, #tpu.memory_space<hbm>>
      tpu.enqueue_indirect_dma source(%dma_start3A_71 : memref<10000x128xf32, #tpu.memory_space<hbm>>) target(%arg15 : memref<80x128xf32, #tpu.memory_space<vmem>>) offsets(%dma_start3A_68 : memref<80xi32, #tpu.memory_space<vmem>>) semaphore(%arg20 : memref<!tpu.dma_semaphore, #tpu.memory_space<semaphore_mem>>)
      %dma_wait3A_72 = arith.constant 80 : i32
      %dma_wait3A_73 = tpu.memref_slice %arg10[%dma_wait3A_72] : memref<2000xi32, #tpu.memory_space<vmem>> -> memref<80xi32, #tpu.memory_space<vmem>>
      %dma_wait3A_74 = arith.constant 0 : i32
      %dma_wait3A_75 = arith.constant 0 : i32
      %dma_wait3A_76 = tpu.memref_slice %arg4[%dma_wait3A_74, %dma_wait3A_75] : memref<10000x128xf32, #tpu.memory_space<hbm>> -> memref<10000x128xf32, #tpu.memory_space<hbm>>
      tpu.wait_indirect_dma semaphore(%arg18 : memref<!tpu.dma_semaphore, #tpu.memory_space<semaphore_mem>>) src(%dma_wait3A_76 : memref<10000x128xf32, #tpu.memory_space<hbm>>) dst(%arg13 : memref<80x128xf32, #tpu.memory_space<vmem>>)
      %dma_start3A_77 = arith.constant 1 : i32
      %dma_start3A_78 = arith.constant 0 : i32
      %dma_start3A_79 = tpu.memref_slice %arg11[%dma_start3A_77, %dma_start3A_78] : memref<25x80xi32, #tpu.memory_space<vmem>> -> memref<1x80xi32, #tpu.memory_space<vmem>>
      %dma_start3A_80 = tpu.memref_squeeze %dma_start3A_79 : memref<1x80xi32, #tpu.memory_space<vmem>> -> memref<80xi32, #tpu.memory_space<vmem>>
      %dma_start3A_81 = arith.constant 0 : i32
      %dma_start3A_82 = arith.constant 0 : i32
      %dma_start3A_83 = tpu.memref_slice %arg16[%dma_start3A_81, %dma_start3A_82] : memref<10000x128xf32, #tpu.memory_space<vmem_shared>> -> memref<10000x128xf32, #tpu.memory_space<vmem_shared>>
      tpu.enqueue_indirect_dma source(%arg13 : memref<80x128xf32, #tpu.memory_space<vmem>>) target(%dma_start3A_83 : memref<10000x128xf32, #tpu.memory_space<vmem_shared>>) offsets(%dma_start3A_80 : memref<80xi32, #tpu.memory_space<vmem>>) semaphore(%arg22 : memref<!tpu.dma_semaphore, #tpu.memory_space<semaphore_mem>>) {add = true}
      %dma_wait3A_84 = arith.constant 0 : i32
      %dma_wait3A_85 = arith.constant 0 : i32
      %dma_wait3A_86 = tpu.memref_slice %arg11[%dma_wait3A_84, %dma_wait3A_85] : memref<25x80xi32, #tpu.memory_space<vmem>> -> memref<1x80xi32, #tpu.memory_space<vmem>>
      %dma_wait3A_87 = tpu.memref_squeeze %dma_wait3A_86 : memref<1x80xi32, #tpu.memory_space<vmem>> -> memref<80xi32, #tpu.memory_space<vmem>>
      %dma_wait3A_88 = arith.constant 0 : i32
      %dma_wait3A_89 = arith.constant 0 : i32
      %dma_wait3A_90 = tpu.memref_slice %arg16[%dma_wait3A_88, %dma_wait3A_89] : memref<10000x128xf32, #tpu.memory_space<vmem_shared>> -> memref<10000x128xf32, #tpu.memory_space<vmem_shared>>
      tpu.wait_indirect_dma semaphore(%arg21 : memref<!tpu.dma_semaphore, #tpu.memory_space<semaphore_mem>>) src(%arg12 : memref<80x128xf32, #tpu.memory_space<vmem>>) dst(%dma_wait3A_90 : memref<10000x128xf32, #tpu.memory_space<vmem_shared>>)
      %dma_start3A_91 = arith.constant 320 : i32
      %dma_start3A_92 = tpu.memref_slice %arg10[%dma_start3A_91] : memref<2000xi32, #tpu.memory_space<vmem>> -> memref<80xi32, #tpu.memory_space<vmem>>
      %dma_start3A_93 = arith.constant 0 : i32
      %dma_start3A_94 = arith.constant 0 : i32
      %dma_start3A_95 = tpu.memref_slice %arg4[%dma_start3A_93, %dma_start3A_94] : memref<10000x128xf32, #tpu.memory_space<hbm>> -> memref<10000x128xf32, #tpu.memory_space<hbm>>
      tpu.enqueue_indirect_dma source(%dma_start3A_95 : memref<10000x128xf32, #tpu.memory_space<hbm>>) target(%arg12 : memref<80x128xf32, #tpu.memory_space<vmem>>) offsets(%dma_start3A_92 : memref<80xi32, #tpu.memory_space<vmem>>) semaphore(%arg17 : memref<!tpu.dma_semaphore, #tpu.memory_space<semaphore_mem>>)
      %dma_wait3A_96 = arith.constant 160 : i32
      %dma_wait3A_97 = tpu.memref_slice %arg10[%dma_wait3A_96] : memref<2000xi32, #tpu.memory_space<vmem>> -> memref<80xi32, #tpu.memory_space<vmem>>
      %dma_wait3A_98 = arith.constant 0 : i32
      %dma_wait3A_99 = arith.constant 0 : i32
      %dma_wait3A_100 = tpu.memref_slice %arg4[%dma_wait3A_98, %dma_wait3A_99] : memref<10000x128xf32, #tpu.memory_space<hbm>> -> memref<10000x128xf32, #tpu.memory_space<hbm>>
      tpu.wait_indirect_dma semaphore(%arg19 : memref<!tpu.dma_semaphore, #tpu.memory_space<semaphore_mem>>) src(%dma_wait3A_100 : memref<10000x128xf32, #tpu.memory_space<hbm>>) dst(%arg14 : memref<80x128xf32, #tpu.memory_space<vmem>>)
      %dma_start3A_101 = arith.constant 2 : i32
      %dma_start3A_102 = arith.constant 0 : i32
      %dma_start3A_103 = tpu.memref_slice %arg11[%dma_start3A_101, %dma_start3A_102] : memref<25x80xi32, #tpu.memory_space<vmem>> -> memref<1x80xi32, #tpu.memory_space<vmem>>
      %dma_start3A_104 = tpu.memref_squeeze %dma_start3A_103 : memref<1x80xi32, #tpu.memory_space<vmem>> -> memref<80xi32, #tpu.memory_space<vmem>>
      %dma_start3A_105 = arith.constant 0 : i32
      %dma_start3A_106 = arith.constant 0 : i32
      %dma_start3A_107 = tpu.memref_slice %arg16[%dma_start3A_105, %dma_start3A_106] : memref<10000x128xf32, #tpu.memory_space<vmem_shared>> -> memref<10000x128xf32, #tpu.memory_space<vmem_shared>>
      tpu.enqueue_indirect_dma source(%arg14 : memref<80x128xf32, #tpu.memory_space<vmem>>) target(%dma_start3A_107 : memref<10000x128xf32, #tpu.memory_space<vmem_shared>>) offsets(%dma_start3A_104 : memref<80xi32, #tpu.memory_space<vmem>>) semaphore(%arg23 : memref<!tpu.dma_semaphore, #tpu.memory_space<semaphore_mem>>) {add = true}
      %dma_wait3A_108 = arith.constant 1 : i32
      %dma_wait3A_109 = arith.constant 0 : i32
      %dma_wait3A_110 = tpu.memref_slice %arg11[%dma_wait3A_108, %dma_wait3A_109] : memref<25x80xi32, #tpu.memory_space<vmem>> -> memref<1x80xi32, #tpu.memory_space<vmem>>
      %dma_wait3A_111 = tpu.memref_squeeze %dma_wait3A_110 : memref<1x80xi32, #tpu.memory_space<vmem>> -> memref<80xi32, #tpu.memory_space<vmem>>
      %dma_wait3A_112 = arith.constant 0 : i32
      %dma_wait3A_113 = arith.constant 0 : i32
      %dma_wait3A_114 = tpu.memref_slice %arg16[%dma_wait3A_112, %dma_wait3A_113] : memref<10000x128xf32, #tpu.memory_space<vmem_shared>> -> memref<10000x128xf32, #tpu.memory_space<vmem_shared>>
      tpu.wait_indirect_dma semaphore(%arg22 : memref<!tpu.dma_semaphore, #tpu.memory_space<semaphore_mem>>) src(%arg13 : memref<80x128xf32, #tpu.memory_space<vmem>>) dst(%dma_wait3A_114 : memref<10000x128xf32, #tpu.memory_space<vmem_shared>>)
      %dma_start3A_115 = arith.constant 400 : i32
      %dma_start3A_116 = tpu.memref_slice %arg10[%dma_start3A_115] : memref<2000xi32, #tpu.memory_space<vmem>> -> memref<80xi32, #tpu.memory_space<vmem>>
      %dma_start3A_117 = arith.constant 0 : i32
      %dma_start3A_118 = arith.constant 0 : i32
      %dma_start3A_119 = tpu.memref_slice %arg4[%dma_start3A_117, %dma_start3A_118] : memref<10000x128xf32, #tpu.memory_space<hbm>> -> memref<10000x128xf32, #tpu.memory_space<hbm>>
      tpu.enqueue_indirect_dma source(%dma_start3A_119 : memref<10000x128xf32, #tpu.memory_space<hbm>>) target(%arg13 : memref<80x128xf32, #tpu.memory_space<vmem>>) offsets(%dma_start3A_116 : memref<80xi32, #tpu.memory_space<vmem>>) semaphore(%arg18 : memref<!tpu.dma_semaphore, #tpu.memory_space<semaphore_mem>>)
      %dma_wait3A_120 = arith.constant 240 : i32
      %dma_wait3A_121 = tpu.memref_slice %arg10[%dma_wait3A_120] : memref<2000xi32, #tpu.memory_space<vmem>> -> memref<80xi32, #tpu.memory_space<vmem>>
      %dma_wait3A_122 = arith.constant 0 : i32
      %dma_wait3A_123 = arith.constant 0 : i32
      %dma_wait3A_124 = tpu.memref_slice %arg4[%dma_wait3A_122, %dma_wait3A_123] : memref<10000x128xf32, #tpu.memory_space<hbm>> -> memref<10000x128xf32, #tpu.memory_space<hbm>>
      tpu.wait_indirect_dma semaphore(%arg20 : memref<!tpu.dma_semaphore, #tpu.memory_space<semaphore_mem>>) src(%dma_wait3A_124 : memref<10000x128xf32, #tpu.memory_space<hbm>>) dst(%arg15 : memref<80x128xf32, #tpu.memory_space<vmem>>)
      %dma_start3A_125 = arith.constant 3 : i32
      %dma_start3A_126 = arith.constant 0 : i32
      %dma_start3A_127 = tpu.memref_slice %arg11[%dma_start3A_125, %dma_start3A_126] : memref<25x80xi32, #tpu.memory_space<vmem>> -> memref<1x80xi32, #tpu.memory_space<vmem>>
      %dma_start3A_128 = tpu.memref_squeeze %dma_start3A_127 : memref<1x80xi32, #tpu.memory_space<vmem>> -> memref<80xi32, #tpu.memory_space<vmem>>
      %dma_start3A_129 = arith.constant 0 : i32
      %dma_start3A_130 = arith.constant 0 : i32
      %dma_start3A_131 = tpu.memref_slice %arg16[%dma_start3A_129, %dma_start3A_130] : memref<10000x128xf32, #tpu.memory_space<vmem_shared>> -> memref<10000x128xf32, #tpu.memory_space<vmem_shared>>
      tpu.enqueue_indirect_dma source(%arg15 : memref<80x128xf32, #tpu.memory_space<vmem>>) target(%dma_start3A_131 : memref<10000x128xf32, #tpu.memory_space<vmem_shared>>) offsets(%dma_start3A_128 : memref<80xi32, #tpu.memory_space<vmem>>) semaphore(%arg24 : memref<!tpu.dma_semaphore, #tpu.memory_space<semaphore_mem>>) {add = true}
      %dma_wait3A_132 = arith.constant 2 : i32
      %dma_wait3A_133 = arith.constant 0 : i32
      %dma_wait3A_134 = tpu.memref_slice %arg11[%dma_wait3A_132, %dma_wait3A_133] : memref<25x80xi32, #tpu.memory_space<vmem>> -> memref<1x80xi32, #tpu.memory_space<vmem>>
      %dma_wait3A_135 = tpu.memref_squeeze %dma_wait3A_134 : memref<1x80xi32, #tpu.memory_space<vmem>> -> memref<80xi32, #tpu.memory_space<vmem>>
      %dma_wait3A_136 = arith.constant 0 : i32
      %dma_wait3A_137 = arith.constant 0 : i32
      %dma_wait3A_138 = tpu.memref_slice %arg16[%dma_wait3A_136, %dma_wait3A_137] : memref<10000x128xf32, #tpu.memory_space<vmem_shared>> -> memref<10000x128xf32, #tpu.memory_space<vmem_shared>>
      tpu.wait_indirect_dma semaphore(%arg23 : memref<!tpu.dma_semaphore, #tpu.memory_space<semaphore_mem>>) src(%arg14 : memref<80x128xf32, #tpu.memory_space<vmem>>) dst(%dma_wait3A_138 : memref<10000x128xf32, #tpu.memory_space<vmem_shared>>)
      %dma_start3A_139 = arith.constant 480 : i32
      %dma_start3A_140 = tpu.memref_slice %arg10[%dma_start3A_139] : memref<2000xi32, #tpu.memory_space<vmem>> -> memref<80xi32, #tpu.memory_space<vmem>>
      %dma_start3A_141 = arith.constant 0 : i32
      %dma_start3A_142 = arith.constant 0 : i32
      %dma_start3A_143 = tpu.memref_slice %arg4[%dma_start3A_141, %dma_start3A_142] : memref<10000x128xf32, #tpu.memory_space<hbm>> -> memref<10000x128xf32, #tpu.memory_space<hbm>>
      tpu.enqueue_indirect_dma source(%dma_start3A_143 : memref<10000x128xf32, #tpu.memory_space<hbm>>) target(%arg14 : memref<80x128xf32, #tpu.memory_space<vmem>>) offsets(%dma_start3A_140 : memref<80xi32, #tpu.memory_space<vmem>>) semaphore(%arg19 : memref<!tpu.dma_semaphore, #tpu.memory_space<semaphore_mem>>)
      %dma_wait3A_144 = arith.constant 320 : i32
      %dma_wait3A_145 = tpu.memref_slice %arg10[%dma_wait3A_144] : memref<2000xi32, #tpu.memory_space<vmem>> -> memref<80xi32, #tpu.memory_space<vmem>>
      %dma_wait3A_146 = arith.constant 0 : i32
      %dma_wait3A_147 = arith.constant 0 : i32
      %dma_wait3A_148 = tpu.memref_slice %arg4[%dma_wait3A_146, %dma_wait3A_147] : memref<10000x128xf32, #tpu.memory_space<hbm>> -> memref<10000x128xf32, #tpu.memory_space<hbm>>
      tpu.wait_indirect_dma semaphore(%arg17 : memref<!tpu.dma_semaphore, #tpu.memory_space<semaphore_mem>>) src(%dma_wait3A_148 : memref<10000x128xf32, #tpu.memory_space<hbm>>) dst(%arg12 : memref<80x128xf32, #tpu.memory_space<vmem>>)
      %dma_start3A_149 = arith.constant 4 : i32
      %dma_start3A_150 = arith.constant 0 : i32
      %dma_start3A_151 = tpu.memref_slice %arg11[%dma_start3A_149, %dma_start3A_150] : memref<25x80xi32, #tpu.memory_space<vmem>> -> memref<1x80xi32, #tpu.memory_space<vmem>>
      %dma_start3A_152 = tpu.memref_squeeze %dma_start3A_151 : memref<1x80xi32, #tpu.memory_space<vmem>> -> memref<80xi32, #tpu.memory_space<vmem>>
      %dma_start3A_153 = arith.constant 0 : i32
      %dma_start3A_154 = arith.constant 0 : i32
      %dma_start3A_155 = tpu.memref_slice %arg16[%dma_start3A_153, %dma_start3A_154] : memref<10000x128xf32, #tpu.memory_space<vmem_shared>> -> memref<10000x128xf32, #tpu.memory_space<vmem_shared>>
      tpu.enqueue_indirect_dma source(%arg12 : memref<80x128xf32, #tpu.memory_space<vmem>>) target(%dma_start3A_155 : memref<10000x128xf32, #tpu.memory_space<vmem_shared>>) offsets(%dma_start3A_152 : memref<80xi32, #tpu.memory_space<vmem>>) semaphore(%arg21 : memref<!tpu.dma_semaphore, #tpu.memory_space<semaphore_mem>>) {add = true}
      %dma_wait3A_156 = arith.constant 3 : i32
      %dma_wait3A_157 = arith.constant 0 : i32
      %dma_wait3A_158 = tpu.memref_slice %arg11[%dma_wait3A_156, %dma_wait3A_157] : memref<25x80xi32, #tpu.memory_space<vmem>> -> memref<1x80xi32, #tpu.memory_space<vmem>>
      %dma_wait3A_159 = tpu.memref_squeeze %dma_wait3A_158 : memref<1x80xi32, #tpu.memory_space<vmem>> -> memref<80xi32, #tpu.memory_space<vmem>>
      %dma_wait3A_160 = arith.constant 0 : i32
      %dma_wait3A_161 = arith.constant 0 : i32
      %dma_wait3A_162 = tpu.memref_slice %arg16[%dma_wait3A_160, %dma_wait3A_161] : memref<10000x128xf32, #tpu.memory_space<vmem_shared>> -> memref<10000x128xf32, #tpu.memory_space<vmem_shared>>
      tpu.wait_indirect_dma semaphore(%arg24 : memref<!tpu.dma_semaphore, #tpu.memory_space<semaphore_mem>>) src(%arg15 : memref<80x128xf32, #tpu.memory_space<vmem>>) dst(%dma_wait3A_162 : memref<10000x128xf32, #tpu.memory_space<vmem_shared>>)
      %dma_start3A_163 = arith.constant 560 : i32
      %dma_start3A_164 = tpu.memref_slice %arg10[%dma_start3A_163] : memref<2000xi32, #tpu.memory_space<vmem>> -> memref<80xi32, #tpu.memory_space<vmem>>
      %dma_start3A_165 = arith.constant 0 : i32
      %dma_start3A_166 = arith.constant 0 : i32
      %dma_start3A_167 = tpu.memref_slice %arg4[%dma_start3A_165, %dma_start3A_166] : memref<10000x128xf32, #tpu.memory_space<hbm>> -> memref<10000x128xf32, #tpu.memory_space<hbm>>
      tpu.enqueue_indirect_dma source(%dma_start3A_167 : memref<10000x128xf32, #tpu.memory_space<hbm>>) target(%arg15 : memref<80x128xf32, #tpu.memory_space<vmem>>) offsets(%dma_start3A_164 : memref<80xi32, #tpu.memory_space<vmem>>) semaphore(%arg20 : memref<!tpu.dma_semaphore, #tpu.memory_space<semaphore_mem>>)
      %dma_wait3A_168 = arith.constant 400 : i32
      %dma_wait3A_169 = tpu.memref_slice %arg10[%dma_wait3A_168] : memref<2000xi32, #tpu.memory_space<vmem>> -> memref<80xi32, #tpu.memory_space<vmem>>
      %dma_wait3A_170 = arith.constant 0 : i32
      %dma_wait3A_171 = arith.constant 0 : i32
      %dma_wait3A_172 = tpu.memref_slice %arg4[%dma_wait3A_170, %dma_wait3A_171] : memref<10000x128xf32, #tpu.memory_space<hbm>> -> memref<10000x128xf32, #tpu.memory_space<hbm>>
      tpu.wait_indirect_dma semaphore(%arg18 : memref<!tpu.dma_semaphore, #tpu.memory_space<semaphore_mem>>) src(%dma_wait3A_172 : memref<10000x128xf32, #tpu.memory_space<hbm>>) dst(%arg13 : memref<80x128xf32, #tpu.memory_space<vmem>>)
      %dma_start3A_173 = arith.constant 5 : i32
      %dma_start3A_174 = arith.constant 0 : i32
      %dma_start3A_175 = tpu.memref_slice %arg11[%dma_start3A_173, %dma_start3A_174] : memref<25x80xi32, #tpu.memory_space<vmem>> -> memref<1x80xi32, #tpu.memory_space<vmem>>
      %dma_start3A_176 = tpu.memref_squeeze %dma_start3A_175 : memref<1x80xi32, #tpu.memory_space<vmem>> -> memref<80xi32, #tpu.memory_space<vmem>>
      %dma_start3A_177 = arith.constant 0 : i32
      %dma_start3A_178 = arith.constant 0 : i32
      %dma_start3A_179 = tpu.memref_slice %arg16[%dma_start3A_177, %dma_start3A_178] : memref<10000x128xf32, #tpu.memory_space<vmem_shared>> -> memref<10000x128xf32, #tpu.memory_space<vmem_shared>>
      tpu.enqueue_indirect_dma source(%arg13 : memref<80x128xf32, #tpu.memory_space<vmem>>) target(%dma_start3A_179 : memref<10000x128xf32, #tpu.memory_space<vmem_shared>>) offsets(%dma_start3A_176 : memref<80xi32, #tpu.memory_space<vmem>>) semaphore(%arg22 : memref<!tpu.dma_semaphore, #tpu.memory_space<semaphore_mem>>) {add = true}
      %dma_wait3A_180 = arith.constant 4 : i32
      %dma_wait3A_181 = arith.constant 0 : i32
      %dma_wait3A_182 = tpu.memref_slice %arg11[%dma_wait3A_180, %dma_wait3A_181] : memref<25x80xi32, #tpu.memory_space<vmem>> -> memref<1x80xi32, #tpu.memory_space<vmem>>
      %dma_wait3A_183 = tpu.memref_squeeze %dma_wait3A_182 : memref<1x80xi32, #tpu.memory_space<vmem>> -> memref<80xi32, #tpu.memory_space<vmem>>
      %dma_wait3A_184 = arith.constant 0 : i32
      %dma_wait3A_185 = arith.constant 0 : i32
      %dma_wait3A_186 = tpu.memref_slice %arg16[%dma_wait3A_184, %dma_wait3A_185] : memref<10000x128xf32, #tpu.memory_space<vmem_shared>> -> memref<10000x128xf32, #tpu.memory_space<vmem_shared>>
      tpu.wait_indirect_dma semaphore(%arg21 : memref<!tpu.dma_semaphore, #tpu.memory_space<semaphore_mem>>) src(%arg12 : memref<80x128xf32, #tpu.memory_space<vmem>>) dst(%dma_wait3A_186 : memref<10000x128xf32, #tpu.memory_space<vmem_shared>>)
      %dma_start3A_187 = arith.constant 640 : i32
      %dma_start3A_188 = tpu.memref_slice %arg10[%dma_start3A_187] : memref<2000xi32, #tpu.memory_space<vmem>> -> memref<80xi32, #tpu.memory_space<vmem>>
      %dma_start3A_189 = arith.constant 0 : i32
      %dma_start3A_190 = arith.constant 0 : i32
      %dma_start3A_191 = tpu.memref_slice %arg4[%dma_start3A_189, %dma_start3A_190] : memref<10000x128xf32, #tpu.memory_space<hbm>> -> memref<10000x128xf32, #tpu.memory_space<hbm>>
      tpu.enqueue_indirect_dma source(%dma_start3A_191 : memref<10000x128xf32, #tpu.memory_space<hbm>>) target(%arg12 : memref<80x128xf32, #tpu.memory_space<vmem>>) offsets(%dma_start3A_188 : memref<80xi32, #tpu.memory_space<vmem>>) semaphore(%arg17 : memref<!tpu.dma_semaphore, #tpu.memory_space<semaphore_mem>>)
      %dma_wait3A_192 = arith.constant 480 : i32
      %dma_wait3A_193 = tpu.memref_slice %arg10[%dma_wait3A_192] : memref<2000xi32, #tpu.memory_space<vmem>> -> memref<80xi32, #tpu.memory_space<vmem>>
      %dma_wait3A_194 = arith.constant 0 : i32
      %dma_wait3A_195 = arith.constant 0 : i32
      %dma_wait3A_196 = tpu.memref_slice %arg4[%dma_wait3A_194, %dma_wait3A_195] : memref<10000x128xf32, #tpu.memory_space<hbm>> -> memref<10000x128xf32, #tpu.memory_space<hbm>>
      tpu.wait_indirect_dma semaphore(%arg19 : memref<!tpu.dma_semaphore, #tpu.memory_space<semaphore_mem>>) src(%dma_wait3A_196 : memref<10000x128xf32, #tpu.memory_space<hbm>>) dst(%arg14 : memref<80x128xf32, #tpu.memory_space<vmem>>)
      %dma_start3A_197 = arith.constant 6 : i32
      %dma_start3A_198 = arith.constant 0 : i32
      %dma_start3A_199 = tpu.memref_slice %arg11[%dma_start3A_197, %dma_start3A_198] : memref<25x80xi32, #tpu.memory_space<vmem>> -> memref<1x80xi32, #tpu.memory_space<vmem>>
      %dma_start3A_200 = tpu.memref_squeeze %dma_start3A_199 : memref<1x80xi32, #tpu.memory_space<vmem>> -> memref<80xi32, #tpu.memory_space<vmem>>
      %dma_start3A_201 = arith.constant 0 : i32
      %dma_start3A_202 = arith.constant 0 : i32
      %dma_start3A_203 = tpu.memref_slice %arg16[%dma_start3A_201, %dma_start3A_202] : memref<10000x128xf32, #tpu.memory_space<vmem_shared>> -> memref<10000x128xf32, #tpu.memory_space<vmem_shared>>
      tpu.enqueue_indirect_dma source(%arg14 : memref<80x128xf32, #tpu.memory_space<vmem>>) target(%dma_start3A_203 : memref<10000x128xf32, #tpu.memory_space<vmem_shared>>) offsets(%dma_start3A_200 : memref<80xi32, #tpu.memory_space<vmem>>) semaphore(%arg23 : memref<!tpu.dma_semaphore, #tpu.memory_space<semaphore_mem>>) {add = true}
      %dma_wait3A_204 = arith.constant 5 : i32
      %dma_wait3A_205 = arith.constant 0 : i32
      %dma_wait3A_206 = tpu.memref_slice %arg11[%dma_wait3A_204, %dma_wait3A_205] : memref<25x80xi32, #tpu.memory_space<vmem>> -> memref<1x80xi32, #tpu.memory_space<vmem>>
      %dma_wait3A_207 = tpu.memref_squeeze %dma_wait3A_206 : memref<1x80xi32, #tpu.memory_space<vmem>> -> memref<80xi32, #tpu.memory_space<vmem>>
      %dma_wait3A_208 = arith.constant 0 : i32
      %dma_wait3A_209 = arith.constant 0 : i32
      %dma_wait3A_210 = tpu.memref_slice %arg16[%dma_wait3A_208, %dma_wait3A_209] : memref<10000x128xf32, #tpu.memory_space<vmem_shared>> -> memref<10000x128xf32, #tpu.memory_space<vmem_shared>>
      tpu.wait_indirect_dma semaphore(%arg22 : memref<!tpu.dma_semaphore, #tpu.memory_space<semaphore_mem>>) src(%arg13 : memref<80x128xf32, #tpu.memory_space<vmem>>) dst(%dma_wait3A_210 : memref<10000x128xf32, #tpu.memory_space<vmem_shared>>)
      %dma_start3A_211 = arith.constant 720 : i32
      %dma_start3A_212 = tpu.memref_slice %arg10[%dma_start3A_211] : memref<2000xi32, #tpu.memory_space<vmem>> -> memref<80xi32, #tpu.memory_space<vmem>>
      %dma_start3A_213 = arith.constant 0 : i32
      %dma_start3A_214 = arith.constant 0 : i32
      %dma_start3A_215 = tpu.memref_slice %arg4[%dma_start3A_213, %dma_start3A_214] : memref<10000x128xf32, #tpu.memory_space<hbm>> -> memref<10000x128xf32, #tpu.memory_space<hbm>>
      tpu.enqueue_indirect_dma source(%dma_start3A_215 : memref<10000x128xf32, #tpu.memory_space<hbm>>) target(%arg13 : memref<80x128xf32, #tpu.memory_space<vmem>>) offsets(%dma_start3A_212 : memref<80xi32, #tpu.memory_space<vmem>>) semaphore(%arg18 : memref<!tpu.dma_semaphore, #tpu.memory_space<semaphore_mem>>)
      %dma_wait3A_216 = arith.constant 560 : i32
      %dma_wait3A_217 = tpu.memref_slice %arg10[%dma_wait3A_216] : memref<2000xi32, #tpu.memory_space<vmem>> -> memref<80xi32, #tpu.memory_space<vmem>>
      %dma_wait3A_218 = arith.constant 0 : i32
      %dma_wait3A_219 = arith.constant 0 : i32
      %dma_wait3A_220 = tpu.memref_slice %arg4[%dma_wait3A_218, %dma_wait3A_219] : memref<10000x128xf32, #tpu.memory_space<hbm>> -> memref<10000x128xf32, #tpu.memory_space<hbm>>
      tpu.wait_indirect_dma semaphore(%arg20 : memref<!tpu.dma_semaphore, #tpu.memory_space<semaphore_mem>>) src(%dma_wait3A_220 : memref<10000x128xf32, #tpu.memory_space<hbm>>) dst(%arg15 : memref<80x128xf32, #tpu.memory_space<vmem>>)
      %dma_start3A_221 = arith.constant 7 : i32
      %dma_start3A_222 = arith.constant 0 : i32
      %dma_start3A_223 = tpu.memref_slice %arg11[%dma_start3A_221, %dma_start3A_222] : memref<25x80xi32, #tpu.memory_space<vmem>> -> memref<1x80xi32, #tpu.memory_space<vmem>>
      %dma_start3A_224 = tpu.memref_squeeze %dma_start3A_223 : memref<1x80xi32, #tpu.memory_space<vmem>> -> memref<80xi32, #tpu.memory_space<vmem>>
      %dma_start3A_225 = arith.constant 0 : i32
      %dma_start3A_226 = arith.constant 0 : i32
      %dma_start3A_227 = tpu.memref_slice %arg16[%dma_start3A_225, %dma_start3A_226] : memref<10000x128xf32, #tpu.memory_space<vmem_shared>> -> memref<10000x128xf32, #tpu.memory_space<vmem_shared>>
      tpu.enqueue_indirect_dma source(%arg15 : memref<80x128xf32, #tpu.memory_space<vmem>>) target(%dma_start3A_227 : memref<10000x128xf32, #tpu.memory_space<vmem_shared>>) offsets(%dma_start3A_224 : memref<80xi32, #tpu.memory_space<vmem>>) semaphore(%arg24 : memref<!tpu.dma_semaphore, #tpu.memory_space<semaphore_mem>>) {add = true}
      %dma_wait3A_228 = arith.constant 6 : i32
      %dma_wait3A_229 = arith.constant 0 : i32
      %dma_wait3A_230 = tpu.memref_slice %arg11[%dma_wait3A_228, %dma_wait3A_229] : memref<25x80xi32, #tpu.memory_space<vmem>> -> memref<1x80xi32, #tpu.memory_space<vmem>>
      %dma_wait3A_231 = tpu.memref_squeeze %dma_wait3A_230 : memref<1x80xi32, #tpu.memory_space<vmem>> -> memref<80xi32, #tpu.memory_space<vmem>>
      %dma_wait3A_232 = arith.constant 0 : i32
      %dma_wait3A_233 = arith.constant 0 : i32
      %dma_wait3A_234 = tpu.memref_slice %arg16[%dma_wait3A_232, %dma_wait3A_233] : memref<10000x128xf32, #tpu.memory_space<vmem_shared>> -> memref<10000x128xf32, #tpu.memory_space<vmem_shared>>
      tpu.wait_indirect_dma semaphore(%arg23 : memref<!tpu.dma_semaphore, #tpu.memory_space<semaphore_mem>>) src(%arg14 : memref<80x128xf32, #tpu.memory_space<vmem>>) dst(%dma_wait3A_234 : memref<10000x128xf32, #tpu.memory_space<vmem_shared>>)
      %dma_start3A_235 = arith.constant 800 : i32
      %dma_start3A_236 = tpu.memref_slice %arg10[%dma_start3A_235] : memref<2000xi32, #tpu.memory_space<vmem>> -> memref<80xi32, #tpu.memory_space<vmem>>
      %dma_start3A_237 = arith.constant 0 : i32
      %dma_start3A_238 = arith.constant 0 : i32
      %dma_start3A_239 = tpu.memref_slice %arg4[%dma_start3A_237, %dma_start3A_238] : memref<10000x128xf32, #tpu.memory_space<hbm>> -> memref<10000x128xf32, #tpu.memory_space<hbm>>
      tpu.enqueue_indirect_dma source(%dma_start3A_239 : memref<10000x128xf32, #tpu.memory_space<hbm>>) target(%arg14 : memref<80x128xf32, #tpu.memory_space<vmem>>) offsets(%dma_start3A_236 : memref<80xi32, #tpu.memory_space<vmem>>) semaphore(%arg19 : memref<!tpu.dma_semaphore, #tpu.memory_space<semaphore_mem>>)
      %dma_wait3A_240 = arith.constant 640 : i32
      %dma_wait3A_241 = tpu.memref_slice %arg10[%dma_wait3A_240] : memref<2000xi32, #tpu.memory_space<vmem>> -> memref<80xi32, #tpu.memory_space<vmem>>
      %dma_wait3A_242 = arith.constant 0 : i32
      %dma_wait3A_243 = arith.constant 0 : i32
      %dma_wait3A_244 = tpu.memref_slice %arg4[%dma_wait3A_242, %dma_wait3A_243] : memref<10000x128xf32, #tpu.memory_space<hbm>> -> memref<10000x128xf32, #tpu.memory_space<hbm>>
      tpu.wait_indirect_dma semaphore(%arg17 : memref<!tpu.dma_semaphore, #tpu.memory_space<semaphore_mem>>) src(%dma_wait3A_244 : memref<10000x128xf32, #tpu.memory_space<hbm>>) dst(%arg12 : memref<80x128xf32, #tpu.memory_space<vmem>>)
      %dma_start3A_245 = arith.constant 8 : i32
      %dma_start3A_246 = arith.constant 0 : i32
      %dma_start3A_247 = tpu.memref_slice %arg11[%dma_start3A_245, %dma_start3A_246] : memref<25x80xi32, #tpu.memory_space<vmem>> -> memref<1x80xi32, #tpu.memory_space<vmem>>
      %dma_start3A_248 = tpu.memref_squeeze %dma_start3A_247 : memref<1x80xi32, #tpu.memory_space<vmem>> -> memref<80xi32, #tpu.memory_space<vmem>>
      %dma_start3A_249 = arith.constant 0 : i32
      %dma_start3A_250 = arith.constant 0 : i32
      %dma_start3A_251 = tpu.memref_slice %arg16[%dma_start3A_249, %dma_start3A_250] : memref<10000x128xf32, #tpu.memory_space<vmem_shared>> -> memref<10000x128xf32, #tpu.memory_space<vmem_shared>>
      tpu.enqueue_indirect_dma source(%arg12 : memref<80x128xf32, #tpu.memory_space<vmem>>) target(%dma_start3A_251 : memref<10000x128xf32, #tpu.memory_space<vmem_shared>>) offsets(%dma_start3A_248 : memref<80xi32, #tpu.memory_space<vmem>>) semaphore(%arg21 : memref<!tpu.dma_semaphore, #tpu.memory_space<semaphore_mem>>) {add = true}
      %dma_wait3A_252 = arith.constant 7 : i32
      %dma_wait3A_253 = arith.constant 0 : i32
      %dma_wait3A_254 = tpu.memref_slice %arg11[%dma_wait3A_252, %dma_wait3A_253] : memref<25x80xi32, #tpu.memory_space<vmem>> -> memref<1x80xi32, #tpu.memory_space<vmem>>
      %dma_wait3A_255 = tpu.memref_squeeze %dma_wait3A_254 : memref<1x80xi32, #tpu.memory_space<vmem>> -> memref<80xi32, #tpu.memory_space<vmem>>
      %dma_wait3A_256 = arith.constant 0 : i32
      %dma_wait3A_257 = arith.constant 0 : i32
      %dma_wait3A_258 = tpu.memref_slice %arg16[%dma_wait3A_256, %dma_wait3A_257] : memref<10000x128xf32, #tpu.memory_space<vmem_shared>> -> memref<10000x128xf32, #tpu.memory_space<vmem_shared>>
      tpu.wait_indirect_dma semaphore(%arg24 : memref<!tpu.dma_semaphore, #tpu.memory_space<semaphore_mem>>) src(%arg15 : memref<80x128xf32, #tpu.memory_space<vmem>>) dst(%dma_wait3A_258 : memref<10000x128xf32, #tpu.memory_space<vmem_shared>>)
      %dma_start3A_259 = arith.constant 880 : i32
      %dma_start3A_260 = tpu.memref_slice %arg10[%dma_start3A_259] : memref<2000xi32, #tpu.memory_space<vmem>> -> memref<80xi32, #tpu.memory_space<vmem>>
      %dma_start3A_261 = arith.constant 0 : i32
      %dma_start3A_262 = arith.constant 0 : i32
      %dma_start3A_263 = tpu.memref_slice %arg4[%dma_start3A_261, %dma_start3A_262] : memref<10000x128xf32, #tpu.memory_space<hbm>> -> memref<10000x128xf32, #tpu.memory_space<hbm>>
      tpu.enqueue_indirect_dma source(%dma_start3A_263 : memref<10000x128xf32, #tpu.memory_space<hbm>>) target(%arg15 : memref<80x128xf32, #tpu.memory_space<vmem>>) offsets(%dma_start3A_260 : memref<80xi32, #tpu.memory_space<vmem>>) semaphore(%arg20 : memref<!tpu.dma_semaphore, #tpu.memory_space<semaphore_mem>>)
      %dma_wait3A_264 = arith.constant 720 : i32
      %dma_wait3A_265 = tpu.memref_slice %arg10[%dma_wait3A_264] : memref<2000xi32, #tpu.memory_space<vmem>> -> memref<80xi32, #tpu.memory_space<vmem>>
      %dma_wait3A_266 = arith.constant 0 : i32
      %dma_wait3A_267 = arith.constant 0 : i32
      %dma_wait3A_268 = tpu.memref_slice %arg4[%dma_wait3A_266, %dma_wait3A_267] : memref<10000x128xf32, #tpu.memory_space<hbm>> -> memref<10000x128xf32, #tpu.memory_space<hbm>>
      tpu.wait_indirect_dma semaphore(%arg18 : memref<!tpu.dma_semaphore, #tpu.memory_space<semaphore_mem>>) src(%dma_wait3A_268 : memref<10000x128xf32, #tpu.memory_space<hbm>>) dst(%arg13 : memref<80x128xf32, #tpu.memory_space<vmem>>)
      %dma_start3A_269 = arith.constant 9 : i32
      %dma_start3A_270 = arith.constant 0 : i32
      %dma_start3A_271 = tpu.memref_slice %arg11[%dma_start3A_269, %dma_start3A_270] : memref<25x80xi32, #tpu.memory_space<vmem>> -> memref<1x80xi32, #tpu.memory_space<vmem>>
      %dma_start3A_272 = tpu.memref_squeeze %dma_start3A_271 : memref<1x80xi32, #tpu.memory_space<vmem>> -> memref<80xi32, #tpu.memory_space<vmem>>
      %dma_start3A_273 = arith.constant 0 : i32
      %dma_start3A_274 = arith.constant 0 : i32
      %dma_start3A_275 = tpu.memref_slice %arg16[%dma_start3A_273, %dma_start3A_274] : memref<10000x128xf32, #tpu.memory_space<vmem_shared>> -> memref<10000x128xf32, #tpu.memory_space<vmem_shared>>
      tpu.enqueue_indirect_dma source(%arg13 : memref<80x128xf32, #tpu.memory_space<vmem>>) target(%dma_start3A_275 : memref<10000x128xf32, #tpu.memory_space<vmem_shared>>) offsets(%dma_start3A_272 : memref<80xi32, #tpu.memory_space<vmem>>) semaphore(%arg22 : memref<!tpu.dma_semaphore, #tpu.memory_space<semaphore_mem>>) {add = true}
      %dma_wait3A_276 = arith.constant 8 : i32
      %dma_wait3A_277 = arith.constant 0 : i32
      %dma_wait3A_278 = tpu.memref_slice %arg11[%dma_wait3A_276, %dma_wait3A_277] : memref<25x80xi32, #tpu.memory_space<vmem>> -> memref<1x80xi32, #tpu.memory_space<vmem>>
      %dma_wait3A_279 = tpu.memref_squeeze %dma_wait3A_278 : memref<1x80xi32, #tpu.memory_space<vmem>> -> memref<80xi32, #tpu.memory_space<vmem>>
      %dma_wait3A_280 = arith.constant 0 : i32
      %dma_wait3A_281 = arith.constant 0 : i32
      %dma_wait3A_282 = tpu.memref_slice %arg16[%dma_wait3A_280, %dma_wait3A_281] : memref<10000x128xf32, #tpu.memory_space<vmem_shared>> -> memref<10000x128xf32, #tpu.memory_space<vmem_shared>>
      tpu.wait_indirect_dma semaphore(%arg21 : memref<!tpu.dma_semaphore, #tpu.memory_space<semaphore_mem>>) src(%arg12 : memref<80x128xf32, #tpu.memory_space<vmem>>) dst(%dma_wait3A_282 : memref<10000x128xf32, #tpu.memory_space<vmem_shared>>)
      %dma_start3A_283 = arith.constant 960 : i32
      %dma_start3A_284 = tpu.memref_slice %arg10[%dma_start3A_283] : memref<2000xi32, #tpu.memory_space<vmem>> -> memref<80xi32, #tpu.memory_space<vmem>>
      %dma_start3A_285 = arith.constant 0 : i32
      %dma_start3A_286 = arith.constant 0 : i32
      %dma_start3A_287 = tpu.memref_slice %arg4[%dma_start3A_285, %dma_start3A_286] : memref<10000x128xf32, #tpu.memory_space<hbm>> -> memref<10000x128xf32, #tpu.memory_space<hbm>>
      tpu.enqueue_indirect_dma source(%dma_start3A_287 : memref<10000x128xf32, #tpu.memory_space<hbm>>) target(%arg12 : memref<80x128xf32, #tpu.memory_space<vmem>>) offsets(%dma_start3A_284 : memref<80xi32, #tpu.memory_space<vmem>>) semaphore(%arg17 : memref<!tpu.dma_semaphore, #tpu.memory_space<semaphore_mem>>)
      %dma_wait3A_288 = arith.constant 800 : i32
      %dma_wait3A_289 = tpu.memref_slice %arg10[%dma_wait3A_288] : memref<2000xi32, #tpu.memory_space<vmem>> -> memref<80xi32, #tpu.memory_space<vmem>>
      %dma_wait3A_290 = arith.constant 0 : i32
      %dma_wait3A_291 = arith.constant 0 : i32
      %dma_wait3A_292 = tpu.memref_slice %arg4[%dma_wait3A_290, %dma_wait3A_291] : memref<10000x128xf32, #tpu.memory_space<hbm>> -> memref<10000x128xf32, #tpu.memory_space<hbm>>
      tpu.wait_indirect_dma semaphore(%arg19 : memref<!tpu.dma_semaphore, #tpu.memory_space<semaphore_mem>>) src(%dma_wait3A_292 : memref<10000x128xf32, #tpu.memory_space<hbm>>) dst(%arg14 : memref<80x128xf32, #tpu.memory_space<vmem>>)
      %dma_start3A_293 = arith.constant 10 : i32
      %dma_start3A_294 = arith.constant 0 : i32
      %dma_start3A_295 = tpu.memref_slice %arg11[%dma_start3A_293, %dma_start3A_294] : memref<25x80xi32, #tpu.memory_space<vmem>> -> memref<1x80xi32, #tpu.memory_space<vmem>>
      %dma_start3A_296 = tpu.memref_squeeze %dma_start3A_295 : memref<1x80xi32, #tpu.memory_space<vmem>> -> memref<80xi32, #tpu.memory_space<vmem>>
      %dma_start3A_297 = arith.constant 0 : i32
      %dma_start3A_298 = arith.constant 0 : i32
      %dma_start3A_299 = tpu.memref_slice %arg16[%dma_start3A_297, %dma_start3A_298] : memref<10000x128xf32, #tpu.memory_space<vmem_shared>> -> memref<10000x128xf32, #tpu.memory_space<vmem_shared>>
      tpu.enqueue_indirect_dma source(%arg14 : memref<80x128xf32, #tpu.memory_space<vmem>>) target(%dma_start3A_299 : memref<10000x128xf32, #tpu.memory_space<vmem_shared>>) offsets(%dma_start3A_296 : memref<80xi32, #tpu.memory_space<vmem>>) semaphore(%arg23 : memref<!tpu.dma_semaphore, #tpu.memory_space<semaphore_mem>>) {add = true}
      %dma_wait3A_300 = arith.constant 9 : i32
      %dma_wait3A_301 = arith.constant 0 : i32
      %dma_wait3A_302 = tpu.memref_slice %arg11[%dma_wait3A_300, %dma_wait3A_301] : memref<25x80xi32, #tpu.memory_space<vmem>> -> memref<1x80xi32, #tpu.memory_space<vmem>>
      %dma_wait3A_303 = tpu.memref_squeeze %dma_wait3A_302 : memref<1x80xi32, #tpu.memory_space<vmem>> -> memref<80xi32, #tpu.memory_space<vmem>>
      %dma_wait3A_304 = arith.constant 0 : i32
      %dma_wait3A_305 = arith.constant 0 : i32
      %dma_wait3A_306 = tpu.memref_slice %arg16[%dma_wait3A_304, %dma_wait3A_305] : memref<10000x128xf32, #tpu.memory_space<vmem_shared>> -> memref<10000x128xf32, #tpu.memory_space<vmem_shared>>
      tpu.wait_indirect_dma semaphore(%arg22 : memref<!tpu.dma_semaphore, #tpu.memory_space<semaphore_mem>>) src(%arg13 : memref<80x128xf32, #tpu.memory_space<vmem>>) dst(%dma_wait3A_306 : memref<10000x128xf32, #tpu.memory_space<vmem_shared>>)
      %dma_start3A_307 = arith.constant 1040 : i32
      %dma_start3A_308 = tpu.memref_slice %arg10[%dma_start3A_307] : memref<2000xi32, #tpu.memory_space<vmem>> -> memref<80xi32, #tpu.memory_space<vmem>>
      %dma_start3A_309 = arith.constant 0 : i32
      %dma_start3A_310 = arith.constant 0 : i32
      %dma_start3A_311 = tpu.memref_slice %arg4[%dma_start3A_309, %dma_start3A_310] : memref<10000x128xf32, #tpu.memory_space<hbm>> -> memref<10000x128xf32, #tpu.memory_space<hbm>>
      tpu.enqueue_indirect_dma source(%dma_start3A_311 : memref<10000x128xf32, #tpu.memory_space<hbm>>) target(%arg13 : memref<80x128xf32, #tpu.memory_space<vmem>>) offsets(%dma_start3A_308 : memref<80xi32, #tpu.memory_space<vmem>>) semaphore(%arg18 : memref<!tpu.dma_semaphore, #tpu.memory_space<semaphore_mem>>)
      %dma_wait3A_312 = arith.constant 880 : i32
      %dma_wait3A_313 = tpu.memref_slice %arg10[%dma_wait3A_312] : memref<2000xi32, #tpu.memory_space<vmem>> -> memref<80xi32, #tpu.memory_space<vmem>>
      %dma_wait3A_314 = arith.constant 0 : i32
      %dma_wait3A_315 = arith.constant 0 : i32
      %dma_wait3A_316 = tpu.memref_slice %arg4[%dma_wait3A_314, %dma_wait3A_315] : memref<10000x128xf32, #tpu.memory_space<hbm>> -> memref<10000x128xf32, #tpu.memory_space<hbm>>
      tpu.wait_indirect_dma semaphore(%arg20 : memref<!tpu.dma_semaphore, #tpu.memory_space<semaphore_mem>>) src(%dma_wait3A_316 : memref<10000x128xf32, #tpu.memory_space<hbm>>) dst(%arg15 : memref<80x128xf32, #tpu.memory_space<vmem>>)
      %dma_start3A_317 = arith.constant 11 : i32
      %dma_start3A_318 = arith.constant 0 : i32
      %dma_start3A_319 = tpu.memref_slice %arg11[%dma_start3A_317, %dma_start3A_318] : memref<25x80xi32, #tpu.memory_space<vmem>> -> memref<1x80xi32, #tpu.memory_space<vmem>>
      %dma_start3A_320 = tpu.memref_squeeze %dma_start3A_319 : memref<1x80xi32, #tpu.memory_space<vmem>> -> memref<80xi32, #tpu.memory_space<vmem>>
      %dma_start3A_321 = arith.constant 0 : i32
      %dma_start3A_322 = arith.constant 0 : i32
      %dma_start3A_323 = tpu.memref_slice %arg16[%dma_start3A_321, %dma_start3A_322] : memref<10000x128xf32, #tpu.memory_space<vmem_shared>> -> memref<10000x128xf32, #tpu.memory_space<vmem_shared>>
      tpu.enqueue_indirect_dma source(%arg15 : memref<80x128xf32, #tpu.memory_space<vmem>>) target(%dma_start3A_323 : memref<10000x128xf32, #tpu.memory_space<vmem_shared>>) offsets(%dma_start3A_320 : memref<80xi32, #tpu.memory_space<vmem>>) semaphore(%arg24 : memref<!tpu.dma_semaphore, #tpu.memory_space<semaphore_mem>>) {add = true}
      %dma_wait3A_324 = arith.constant 10 : i32
      %dma_wait3A_325 = arith.constant 0 : i32
      %dma_wait3A_326 = tpu.memref_slice %arg11[%dma_wait3A_324, %dma_wait3A_325] : memref<25x80xi32, #tpu.memory_space<vmem>> -> memref<1x80xi32, #tpu.memory_space<vmem>>
      %dma_wait3A_327 = tpu.memref_squeeze %dma_wait3A_326 : memref<1x80xi32, #tpu.memory_space<vmem>> -> memref<80xi32, #tpu.memory_space<vmem>>
      %dma_wait3A_328 = arith.constant 0 : i32
      %dma_wait3A_329 = arith.constant 0 : i32
      %dma_wait3A_330 = tpu.memref_slice %arg16[%dma_wait3A_328, %dma_wait3A_329] : memref<10000x128xf32, #tpu.memory_space<vmem_shared>> -> memref<10000x128xf32, #tpu.memory_space<vmem_shared>>
      tpu.wait_indirect_dma semaphore(%arg23 : memref<!tpu.dma_semaphore, #tpu.memory_space<semaphore_mem>>) src(%arg14 : memref<80x128xf32, #tpu.memory_space<vmem>>) dst(%dma_wait3A_330 : memref<10000x128xf32, #tpu.memory_space<vmem_shared>>)
      %dma_start3A_331 = arith.constant 1120 : i32
      %dma_start3A_332 = tpu.memref_slice %arg10[%dma_start3A_331] : memref<2000xi32, #tpu.memory_space<vmem>> -> memref<80xi32, #tpu.memory_space<vmem>>
      %dma_start3A_333 = arith.constant 0 : i32
      %dma_start3A_334 = arith.constant 0 : i32
      %dma_start3A_335 = tpu.memref_slice %arg4[%dma_start3A_333, %dma_start3A_334] : memref<10000x128xf32, #tpu.memory_space<hbm>> -> memref<10000x128xf32, #tpu.memory_space<hbm>>
      tpu.enqueue_indirect_dma source(%dma_start3A_335 : memref<10000x128xf32, #tpu.memory_space<hbm>>) target(%arg14 : memref<80x128xf32, #tpu.memory_space<vmem>>) offsets(%dma_start3A_332 : memref<80xi32, #tpu.memory_space<vmem>>) semaphore(%arg19 : memref<!tpu.dma_semaphore, #tpu.memory_space<semaphore_mem>>)
      %dma_wait3A_336 = arith.constant 960 : i32
      %dma_wait3A_337 = tpu.memref_slice %arg10[%dma_wait3A_336] : memref<2000xi32, #tpu.memory_space<vmem>> -> memref<80xi32, #tpu.memory_space<vmem>>
      %dma_wait3A_338 = arith.constant 0 : i32
      %dma_wait3A_339 = arith.constant 0 : i32
      %dma_wait3A_340 = tpu.memref_slice %arg4[%dma_wait3A_338, %dma_wait3A_339] : memref<10000x128xf32, #tpu.memory_space<hbm>> -> memref<10000x128xf32, #tpu.memory_space<hbm>>
      tpu.wait_indirect_dma semaphore(%arg17 : memref<!tpu.dma_semaphore, #tpu.memory_space<semaphore_mem>>) src(%dma_wait3A_340 : memref<10000x128xf32, #tpu.memory_space<hbm>>) dst(%arg12 : memref<80x128xf32, #tpu.memory_space<vmem>>)
      %dma_start3A_341 = arith.constant 12 : i32
      %dma_start3A_342 = arith.constant 0 : i32
      %dma_start3A_343 = tpu.memref_slice %arg11[%dma_start3A_341, %dma_start3A_342] : memref<25x80xi32, #tpu.memory_space<vmem>> -> memref<1x80xi32, #tpu.memory_space<vmem>>
      %dma_start3A_344 = tpu.memref_squeeze %dma_start3A_343 : memref<1x80xi32, #tpu.memory_space<vmem>> -> memref<80xi32, #tpu.memory_space<vmem>>
      %dma_start3A_345 = arith.constant 0 : i32
      %dma_start3A_346 = arith.constant 0 : i32
      %dma_start3A_347 = tpu.memref_slice %arg16[%dma_start3A_345, %dma_start3A_346] : memref<10000x128xf32, #tpu.memory_space<vmem_shared>> -> memref<10000x128xf32, #tpu.memory_space<vmem_shared>>
      tpu.enqueue_indirect_dma source(%arg12 : memref<80x128xf32, #tpu.memory_space<vmem>>) target(%dma_start3A_347 : memref<10000x128xf32, #tpu.memory_space<vmem_shared>>) offsets(%dma_start3A_344 : memref<80xi32, #tpu.memory_space<vmem>>) semaphore(%arg21 : memref<!tpu.dma_semaphore, #tpu.memory_space<semaphore_mem>>) {add = true}
      %dma_wait3A_348 = arith.constant 11 : i32
      %dma_wait3A_349 = arith.constant 0 : i32
      %dma_wait3A_350 = tpu.memref_slice %arg11[%dma_wait3A_348, %dma_wait3A_349] : memref<25x80xi32, #tpu.memory_space<vmem>> -> memref<1x80xi32, #tpu.memory_space<vmem>>
      %dma_wait3A_351 = tpu.memref_squeeze %dma_wait3A_350 : memref<1x80xi32, #tpu.memory_space<vmem>> -> memref<80xi32, #tpu.memory_space<vmem>>
      %dma_wait3A_352 = arith.constant 0 : i32
      %dma_wait3A_353 = arith.constant 0 : i32
      %dma_wait3A_354 = tpu.memref_slice %arg16[%dma_wait3A_352, %dma_wait3A_353] : memref<10000x128xf32, #tpu.memory_space<vmem_shared>> -> memref<10000x128xf32, #tpu.memory_space<vmem_shared>>
      tpu.wait_indirect_dma semaphore(%arg24 : memref<!tpu.dma_semaphore, #tpu.memory_space<semaphore_mem>>) src(%arg15 : memref<80x128xf32, #tpu.memory_space<vmem>>) dst(%dma_wait3A_354 : memref<10000x128xf32, #tpu.memory_space<vmem_shared>>)
      %dma_start3A_355 = arith.constant 1200 : i32
      %dma_start3A_356 = tpu.memref_slice %arg10[%dma_start3A_355] : memref<2000xi32, #tpu.memory_space<vmem>> -> memref<80xi32, #tpu.memory_space<vmem>>
      %dma_start3A_357 = arith.constant 0 : i32
      %dma_start3A_358 = arith.constant 0 : i32
      %dma_start3A_359 = tpu.memref_slice %arg4[%dma_start3A_357, %dma_start3A_358] : memref<10000x128xf32, #tpu.memory_space<hbm>> -> memref<10000x128xf32, #tpu.memory_space<hbm>>
      tpu.enqueue_indirect_dma source(%dma_start3A_359 : memref<10000x128xf32, #tpu.memory_space<hbm>>) target(%arg15 : memref<80x128xf32, #tpu.memory_space<vmem>>) offsets(%dma_start3A_356 : memref<80xi32, #tpu.memory_space<vmem>>) semaphore(%arg20 : memref<!tpu.dma_semaphore, #tpu.memory_space<semaphore_mem>>)
      %dma_wait3A_360 = arith.constant 1040 : i32
      %dma_wait3A_361 = tpu.memref_slice %arg10[%dma_wait3A_360] : memref<2000xi32, #tpu.memory_space<vmem>> -> memref<80xi32, #tpu.memory_space<vmem>>
      %dma_wait3A_362 = arith.constant 0 : i32
      %dma_wait3A_363 = arith.constant 0 : i32
      %dma_wait3A_364 = tpu.memref_slice %arg4[%dma_wait3A_362, %dma_wait3A_363] : memref<10000x128xf32, #tpu.memory_space<hbm>> -> memref<10000x128xf32, #tpu.memory_space<hbm>>
      tpu.wait_indirect_dma semaphore(%arg18 : memref<!tpu.dma_semaphore, #tpu.memory_space<semaphore_mem>>) src(%dma_wait3A_364 : memref<10000x128xf32, #tpu.memory_space<hbm>>) dst(%arg13 : memref<80x128xf32, #tpu.memory_space<vmem>>)
      %dma_start3A_365 = arith.constant 13 : i32
      %dma_start3A_366 = arith.constant 0 : i32
      %dma_start3A_367 = tpu.memref_slice %arg11[%dma_start3A_365, %dma_start3A_366] : memref<25x80xi32, #tpu.memory_space<vmem>> -> memref<1x80xi32, #tpu.memory_space<vmem>>
      %dma_start3A_368 = tpu.memref_squeeze %dma_start3A_367 : memref<1x80xi32, #tpu.memory_space<vmem>> -> memref<80xi32, #tpu.memory_space<vmem>>
      %dma_start3A_369 = arith.constant 0 : i32
      %dma_start3A_370 = arith.constant 0 : i32
      %dma_start3A_371 = tpu.memref_slice %arg16[%dma_start3A_369, %dma_start3A_370] : memref<10000x128xf32, #tpu.memory_space<vmem_shared>> -> memref<10000x128xf32, #tpu.memory_space<vmem_shared>>
      tpu.enqueue_indirect_dma source(%arg13 : memref<80x128xf32, #tpu.memory_space<vmem>>) target(%dma_start3A_371 : memref<10000x128xf32, #tpu.memory_space<vmem_shared>>) offsets(%dma_start3A_368 : memref<80xi32, #tpu.memory_space<vmem>>) semaphore(%arg22 : memref<!tpu.dma_semaphore, #tpu.memory_space<semaphore_mem>>) {add = true}
      %dma_wait3A_372 = arith.constant 12 : i32
      %dma_wait3A_373 = arith.constant 0 : i32
      %dma_wait3A_374 = tpu.memref_slice %arg11[%dma_wait3A_372, %dma_wait3A_373] : memref<25x80xi32, #tpu.memory_space<vmem>> -> memref<1x80xi32, #tpu.memory_space<vmem>>
      %dma_wait3A_375 = tpu.memref_squeeze %dma_wait3A_374 : memref<1x80xi32, #tpu.memory_space<vmem>> -> memref<80xi32, #tpu.memory_space<vmem>>
      %dma_wait3A_376 = arith.constant 0 : i32
      %dma_wait3A_377 = arith.constant 0 : i32
      %dma_wait3A_378 = tpu.memref_slice %arg16[%dma_wait3A_376, %dma_wait3A_377] : memref<10000x128xf32, #tpu.memory_space<vmem_shared>> -> memref<10000x128xf32, #tpu.memory_space<vmem_shared>>
      tpu.wait_indirect_dma semaphore(%arg21 : memref<!tpu.dma_semaphore, #tpu.memory_space<semaphore_mem>>) src(%arg12 : memref<80x128xf32, #tpu.memory_space<vmem>>) dst(%dma_wait3A_378 : memref<10000x128xf32, #tpu.memory_space<vmem_shared>>)
      %dma_start3A_379 = arith.constant 1280 : i32
      %dma_start3A_380 = tpu.memref_slice %arg10[%dma_start3A_379] : memref<2000xi32, #tpu.memory_space<vmem>> -> memref<80xi32, #tpu.memory_space<vmem>>
      %dma_start3A_381 = arith.constant 0 : i32
      %dma_start3A_382 = arith.constant 0 : i32
      %dma_start3A_383 = tpu.memref_slice %arg4[%dma_start3A_381, %dma_start3A_382] : memref<10000x128xf32, #tpu.memory_space<hbm>> -> memref<10000x128xf32, #tpu.memory_space<hbm>>
      tpu.enqueue_indirect_dma source(%dma_start3A_383 : memref<10000x128xf32, #tpu.memory_space<hbm>>) target(%arg12 : memref<80x128xf32, #tpu.memory_space<vmem>>) offsets(%dma_start3A_380 : memref<80xi32, #tpu.memory_space<vmem>>) semaphore(%arg17 : memref<!tpu.dma_semaphore, #tpu.memory_space<semaphore_mem>>)
      %dma_wait3A_384 = arith.constant 1120 : i32
      %dma_wait3A_385 = tpu.memref_slice %arg10[%dma_wait3A_384] : memref<2000xi32, #tpu.memory_space<vmem>> -> memref<80xi32, #tpu.memory_space<vmem>>
      %dma_wait3A_386 = arith.constant 0 : i32
      %dma_wait3A_387 = arith.constant 0 : i32
      %dma_wait3A_388 = tpu.memref_slice %arg4[%dma_wait3A_386, %dma_wait3A_387] : memref<10000x128xf32, #tpu.memory_space<hbm>> -> memref<10000x128xf32, #tpu.memory_space<hbm>>
      tpu.wait_indirect_dma semaphore(%arg19 : memref<!tpu.dma_semaphore, #tpu.memory_space<semaphore_mem>>) src(%dma_wait3A_388 : memref<10000x128xf32, #tpu.memory_space<hbm>>) dst(%arg14 : memref<80x128xf32, #tpu.memory_space<vmem>>)
      %dma_start3A_389 = arith.constant 14 : i32
      %dma_start3A_390 = arith.constant 0 : i32
      %dma_start3A_391 = tpu.memref_slice %arg11[%dma_start3A_389, %dma_start3A_390] : memref<25x80xi32, #tpu.memory_space<vmem>> -> memref<1x80xi32, #tpu.memory_space<vmem>>
      %dma_start3A_392 = tpu.memref_squeeze %dma_start3A_391 : memref<1x80xi32, #tpu.memory_space<vmem>> -> memref<80xi32, #tpu.memory_space<vmem>>
      %dma_start3A_393 = arith.constant 0 : i32
      %dma_start3A_394 = arith.constant 0 : i32
      %dma_start3A_395 = tpu.memref_slice %arg16[%dma_start3A_393, %dma_start3A_394] : memref<10000x128xf32, #tpu.memory_space<vmem_shared>> -> memref<10000x128xf32, #tpu.memory_space<vmem_shared>>
      tpu.enqueue_indirect_dma source(%arg14 : memref<80x128xf32, #tpu.memory_space<vmem>>) target(%dma_start3A_395 : memref<10000x128xf32, #tpu.memory_space<vmem_shared>>) offsets(%dma_start3A_392 : memref<80xi32, #tpu.memory_space<vmem>>) semaphore(%arg23 : memref<!tpu.dma_semaphore, #tpu.memory_space<semaphore_mem>>) {add = true}
      %dma_wait3A_396 = arith.constant 13 : i32
      %dma_wait3A_397 = arith.constant 0 : i32
      %dma_wait3A_398 = tpu.memref_slice %arg11[%dma_wait3A_396, %dma_wait3A_397] : memref<25x80xi32, #tpu.memory_space<vmem>> -> memref<1x80xi32, #tpu.memory_space<vmem>>
      %dma_wait3A_399 = tpu.memref_squeeze %dma_wait3A_398 : memref<1x80xi32, #tpu.memory_space<vmem>> -> memref<80xi32, #tpu.memory_space<vmem>>
      %dma_wait3A_400 = arith.constant 0 : i32
      %dma_wait3A_401 = arith.constant 0 : i32
      %dma_wait3A_402 = tpu.memref_slice %arg16[%dma_wait3A_400, %dma_wait3A_401] : memref<10000x128xf32, #tpu.memory_space<vmem_shared>> -> memref<10000x128xf32, #tpu.memory_space<vmem_shared>>
      tpu.wait_indirect_dma semaphore(%arg22 : memref<!tpu.dma_semaphore, #tpu.memory_space<semaphore_mem>>) src(%arg13 : memref<80x128xf32, #tpu.memory_space<vmem>>) dst(%dma_wait3A_402 : memref<10000x128xf32, #tpu.memory_space<vmem_shared>>)
      %dma_start3A_403 = arith.constant 1360 : i32
      %dma_start3A_404 = tpu.memref_slice %arg10[%dma_start3A_403] : memref<2000xi32, #tpu.memory_space<vmem>> -> memref<80xi32, #tpu.memory_space<vmem>>
      %dma_start3A_405 = arith.constant 0 : i32
      %dma_start3A_406 = arith.constant 0 : i32
      %dma_start3A_407 = tpu.memref_slice %arg4[%dma_start3A_405, %dma_start3A_406] : memref<10000x128xf32, #tpu.memory_space<hbm>> -> memref<10000x128xf32, #tpu.memory_space<hbm>>
      tpu.enqueue_indirect_dma source(%dma_start3A_407 : memref<10000x128xf32, #tpu.memory_space<hbm>>) target(%arg13 : memref<80x128xf32, #tpu.memory_space<vmem>>) offsets(%dma_start3A_404 : memref<80xi32, #tpu.memory_space<vmem>>) semaphore(%arg18 : memref<!tpu.dma_semaphore, #tpu.memory_space<semaphore_mem>>)
      %dma_wait3A_408 = arith.constant 1200 : i32
      %dma_wait3A_409 = tpu.memref_slice %arg10[%dma_wait3A_408] : memref<2000xi32, #tpu.memory_space<vmem>> -> memref<80xi32, #tpu.memory_space<vmem>>
      %dma_wait3A_410 = arith.constant 0 : i32
      %dma_wait3A_411 = arith.constant 0 : i32
      %dma_wait3A_412 = tpu.memref_slice %arg4[%dma_wait3A_410, %dma_wait3A_411] : memref<10000x128xf32, #tpu.memory_space<hbm>> -> memref<10000x128xf32, #tpu.memory_space<hbm>>
      tpu.wait_indirect_dma semaphore(%arg20 : memref<!tpu.dma_semaphore, #tpu.memory_space<semaphore_mem>>) src(%dma_wait3A_412 : memref<10000x128xf32, #tpu.memory_space<hbm>>) dst(%arg15 : memref<80x128xf32, #tpu.memory_space<vmem>>)
      %dma_start3A_413 = arith.constant 15 : i32
      %dma_start3A_414 = arith.constant 0 : i32
      %dma_start3A_415 = tpu.memref_slice %arg11[%dma_start3A_413, %dma_start3A_414] : memref<25x80xi32, #tpu.memory_space<vmem>> -> memref<1x80xi32, #tpu.memory_space<vmem>>
      %dma_start3A_416 = tpu.memref_squeeze %dma_start3A_415 : memref<1x80xi32, #tpu.memory_space<vmem>> -> memref<80xi32, #tpu.memory_space<vmem>>
      %dma_start3A_417 = arith.constant 0 : i32
      %dma_start3A_418 = arith.constant 0 : i32
      %dma_start3A_419 = tpu.memref_slice %arg16[%dma_start3A_417, %dma_start3A_418] : memref<10000x128xf32, #tpu.memory_space<vmem_shared>> -> memref<10000x128xf32, #tpu.memory_space<vmem_shared>>
      tpu.enqueue_indirect_dma source(%arg15 : memref<80x128xf32, #tpu.memory_space<vmem>>) target(%dma_start3A_419 : memref<10000x128xf32, #tpu.memory_space<vmem_shared>>) offsets(%dma_start3A_416 : memref<80xi32, #tpu.memory_space<vmem>>) semaphore(%arg24 : memref<!tpu.dma_semaphore, #tpu.memory_space<semaphore_mem>>) {add = true}
      %dma_wait3A_420 = arith.constant 14 : i32
      %dma_wait3A_421 = arith.constant 0 : i32
      %dma_wait3A_422 = tpu.memref_slice %arg11[%dma_wait3A_420, %dma_wait3A_421] : memref<25x80xi32, #tpu.memory_space<vmem>> -> memref<1x80xi32, #tpu.memory_space<vmem>>
      %dma_wait3A_423 = tpu.memref_squeeze %dma_wait3A_422 : memref<1x80xi32, #tpu.memory_space<vmem>> -> memref<80xi32, #tpu.memory_space<vmem>>
      %dma_wait3A_424 = arith.constant 0 : i32
      %dma_wait3A_425 = arith.constant 0 : i32
      %dma_wait3A_426 = tpu.memref_slice %arg16[%dma_wait3A_424, %dma_wait3A_425] : memref<10000x128xf32, #tpu.memory_space<vmem_shared>> -> memref<10000x128xf32, #tpu.memory_space<vmem_shared>>
      tpu.wait_indirect_dma semaphore(%arg23 : memref<!tpu.dma_semaphore, #tpu.memory_space<semaphore_mem>>) src(%arg14 : memref<80x128xf32, #tpu.memory_space<vmem>>) dst(%dma_wait3A_426 : memref<10000x128xf32, #tpu.memory_space<vmem_shared>>)
      %dma_start3A_427 = arith.constant 1440 : i32
      %dma_start3A_428 = tpu.memref_slice %arg10[%dma_start3A_427] : memref<2000xi32, #tpu.memory_space<vmem>> -> memref<80xi32, #tpu.memory_space<vmem>>
      %dma_start3A_429 = arith.constant 0 : i32
      %dma_start3A_430 = arith.constant 0 : i32
      %dma_start3A_431 = tpu.memref_slice %arg4[%dma_start3A_429, %dma_start3A_430] : memref<10000x128xf32, #tpu.memory_space<hbm>> -> memref<10000x128xf32, #tpu.memory_space<hbm>>
      tpu.enqueue_indirect_dma source(%dma_start3A_431 : memref<10000x128xf32, #tpu.memory_space<hbm>>) target(%arg14 : memref<80x128xf32, #tpu.memory_space<vmem>>) offsets(%dma_start3A_428 : memref<80xi32, #tpu.memory_space<vmem>>) semaphore(%arg19 : memref<!tpu.dma_semaphore, #tpu.memory_space<semaphore_mem>>)
      %dma_wait3A_432 = arith.constant 1280 : i32
      %dma_wait3A_433 = tpu.memref_slice %arg10[%dma_wait3A_432] : memref<2000xi32, #tpu.memory_space<vmem>> -> memref<80xi32, #tpu.memory_space<vmem>>
      %dma_wait3A_434 = arith.constant 0 : i32
      %dma_wait3A_435 = arith.constant 0 : i32
      %dma_wait3A_436 = tpu.memref_slice %arg4[%dma_wait3A_434, %dma_wait3A_435] : memref<10000x128xf32, #tpu.memory_space<hbm>> -> memref<10000x128xf32, #tpu.memory_space<hbm>>
      tpu.wait_indirect_dma semaphore(%arg17 : memref<!tpu.dma_semaphore, #tpu.memory_space<semaphore_mem>>) src(%dma_wait3A_436 : memref<10000x128xf32, #tpu.memory_space<hbm>>) dst(%arg12 : memref<80x128xf32, #tpu.memory_space<vmem>>)
      %dma_start3A_437 = arith.constant 16 : i32
      %dma_start3A_438 = arith.constant 0 : i32
      %dma_start3A_439 = tpu.memref_slice %arg11[%dma_start3A_437, %dma_start3A_438] : memref<25x80xi32, #tpu.memory_space<vmem>> -> memref<1x80xi32, #tpu.memory_space<vmem>>
      %dma_start3A_440 = tpu.memref_squeeze %dma_start3A_439 : memref<1x80xi32, #tpu.memory_space<vmem>> -> memref<80xi32, #tpu.memory_space<vmem>>
      %dma_start3A_441 = arith.constant 0 : i32
      %dma_start3A_442 = arith.constant 0 : i32
      %dma_start3A_443 = tpu.memref_slice %arg16[%dma_start3A_441, %dma_start3A_442] : memref<10000x128xf32, #tpu.memory_space<vmem_shared>> -> memref<10000x128xf32, #tpu.memory_space<vmem_shared>>
      tpu.enqueue_indirect_dma source(%arg12 : memref<80x128xf32, #tpu.memory_space<vmem>>) target(%dma_start3A_443 : memref<10000x128xf32, #tpu.memory_space<vmem_shared>>) offsets(%dma_start3A_440 : memref<80xi32, #tpu.memory_space<vmem>>) semaphore(%arg21 : memref<!tpu.dma_semaphore, #tpu.memory_space<semaphore_mem>>) {add = true}
      %dma_wait3A_444 = arith.constant 15 : i32
      %dma_wait3A_445 = arith.constant 0 : i32
      %dma_wait3A_446 = tpu.memref_slice %arg11[%dma_wait3A_444, %dma_wait3A_445] : memref<25x80xi32, #tpu.memory_space<vmem>> -> memref<1x80xi32, #tpu.memory_space<vmem>>
      %dma_wait3A_447 = tpu.memref_squeeze %dma_wait3A_446 : memref<1x80xi32, #tpu.memory_space<vmem>> -> memref<80xi32, #tpu.memory_space<vmem>>
      %dma_wait3A_448 = arith.constant 0 : i32
      %dma_wait3A_449 = arith.constant 0 : i32
      %dma_wait3A_450 = tpu.memref_slice %arg16[%dma_wait3A_448, %dma_wait3A_449] : memref<10000x128xf32, #tpu.memory_space<vmem_shared>> -> memref<10000x128xf32, #tpu.memory_space<vmem_shared>>
      tpu.wait_indirect_dma semaphore(%arg24 : memref<!tpu.dma_semaphore, #tpu.memory_space<semaphore_mem>>) src(%arg15 : memref<80x128xf32, #tpu.memory_space<vmem>>) dst(%dma_wait3A_450 : memref<10000x128xf32, #tpu.memory_space<vmem_shared>>)
      %dma_start3A_451 = arith.constant 1520 : i32
      %dma_start3A_452 = tpu.memref_slice %arg10[%dma_start3A_451] : memref<2000xi32, #tpu.memory_space<vmem>> -> memref<80xi32, #tpu.memory_space<vmem>>
      %dma_start3A_453 = arith.constant 0 : i32
      %dma_start3A_454 = arith.constant 0 : i32
      %dma_start3A_455 = tpu.memref_slice %arg4[%dma_start3A_453, %dma_start3A_454] : memref<10000x128xf32, #tpu.memory_space<hbm>> -> memref<10000x128xf32, #tpu.memory_space<hbm>>
      tpu.enqueue_indirect_dma source(%dma_start3A_455 : memref<10000x128xf32, #tpu.memory_space<hbm>>) target(%arg15 : memref<80x128xf32, #tpu.memory_space<vmem>>) offsets(%dma_start3A_452 : memref<80xi32, #tpu.memory_space<vmem>>) semaphore(%arg20 : memref<!tpu.dma_semaphore, #tpu.memory_space<semaphore_mem>>)
      %dma_wait3A_456 = arith.constant 1360 : i32
      %dma_wait3A_457 = tpu.memref_slice %arg10[%dma_wait3A_456] : memref<2000xi32, #tpu.memory_space<vmem>> -> memref<80xi32, #tpu.memory_space<vmem>>
      %dma_wait3A_458 = arith.constant 0 : i32
      %dma_wait3A_459 = arith.constant 0 : i32
      %dma_wait3A_460 = tpu.memref_slice %arg4[%dma_wait3A_458, %dma_wait3A_459] : memref<10000x128xf32, #tpu.memory_space<hbm>> -> memref<10000x128xf32, #tpu.memory_space<hbm>>
      tpu.wait_indirect_dma semaphore(%arg18 : memref<!tpu.dma_semaphore, #tpu.memory_space<semaphore_mem>>) src(%dma_wait3A_460 : memref<10000x128xf32, #tpu.memory_space<hbm>>) dst(%arg13 : memref<80x128xf32, #tpu.memory_space<vmem>>)
      %dma_start3A_461 = arith.constant 17 : i32
      %dma_start3A_462 = arith.constant 0 : i32
      %dma_start3A_463 = tpu.memref_slice %arg11[%dma_start3A_461, %dma_start3A_462] : memref<25x80xi32, #tpu.memory_space<vmem>> -> memref<1x80xi32, #tpu.memory_space<vmem>>
      %dma_start3A_464 = tpu.memref_squeeze %dma_start3A_463 : memref<1x80xi32, #tpu.memory_space<vmem>> -> memref<80xi32, #tpu.memory_space<vmem>>
      %dma_start3A_465 = arith.constant 0 : i32
      %dma_start3A_466 = arith.constant 0 : i32
      %dma_start3A_467 = tpu.memref_slice %arg16[%dma_start3A_465, %dma_start3A_466] : memref<10000x128xf32, #tpu.memory_space<vmem_shared>> -> memref<10000x128xf32, #tpu.memory_space<vmem_shared>>
      tpu.enqueue_indirect_dma source(%arg13 : memref<80x128xf32, #tpu.memory_space<vmem>>) target(%dma_start3A_467 : memref<10000x128xf32, #tpu.memory_space<vmem_shared>>) offsets(%dma_start3A_464 : memref<80xi32, #tpu.memory_space<vmem>>) semaphore(%arg22 : memref<!tpu.dma_semaphore, #tpu.memory_space<semaphore_mem>>) {add = true}
      %dma_wait3A_468 = arith.constant 16 : i32
      %dma_wait3A_469 = arith.constant 0 : i32
      %dma_wait3A_470 = tpu.memref_slice %arg11[%dma_wait3A_468, %dma_wait3A_469] : memref<25x80xi32, #tpu.memory_space<vmem>> -> memref<1x80xi32, #tpu.memory_space<vmem>>
      %dma_wait3A_471 = tpu.memref_squeeze %dma_wait3A_470 : memref<1x80xi32, #tpu.memory_space<vmem>> -> memref<80xi32, #tpu.memory_space<vmem>>
      %dma_wait3A_472 = arith.constant 0 : i32
      %dma_wait3A_473 = arith.constant 0 : i32
      %dma_wait3A_474 = tpu.memref_slice %arg16[%dma_wait3A_472, %dma_wait3A_473] : memref<10000x128xf32, #tpu.memory_space<vmem_shared>> -> memref<10000x128xf32, #tpu.memory_space<vmem_shared>>
      tpu.wait_indirect_dma semaphore(%arg21 : memref<!tpu.dma_semaphore, #tpu.memory_space<semaphore_mem>>) src(%arg12 : memref<80x128xf32, #tpu.memory_space<vmem>>) dst(%dma_wait3A_474 : memref<10000x128xf32, #tpu.memory_space<vmem_shared>>)
      %dma_start3A_475 = arith.constant 1600 : i32
      %dma_start3A_476 = tpu.memref_slice %arg10[%dma_start3A_475] : memref<2000xi32, #tpu.memory_space<vmem>> -> memref<80xi32, #tpu.memory_space<vmem>>
      %dma_start3A_477 = arith.constant 0 : i32
      %dma_start3A_478 = arith.constant 0 : i32
      %dma_start3A_479 = tpu.memref_slice %arg4[%dma_start3A_477, %dma_start3A_478] : memref<10000x128xf32, #tpu.memory_space<hbm>> -> memref<10000x128xf32, #tpu.memory_space<hbm>>
      tpu.enqueue_indirect_dma source(%dma_start3A_479 : memref<10000x128xf32, #tpu.memory_space<hbm>>) target(%arg12 : memref<80x128xf32, #tpu.memory_space<vmem>>) offsets(%dma_start3A_476 : memref<80xi32, #tpu.memory_space<vmem>>) semaphore(%arg17 : memref<!tpu.dma_semaphore, #tpu.memory_space<semaphore_mem>>)
      %dma_wait3A_480 = arith.constant 1440 : i32
      %dma_wait3A_481 = tpu.memref_slice %arg10[%dma_wait3A_480] : memref<2000xi32, #tpu.memory_space<vmem>> -> memref<80xi32, #tpu.memory_space<vmem>>
      %dma_wait3A_482 = arith.constant 0 : i32
      %dma_wait3A_483 = arith.constant 0 : i32
      %dma_wait3A_484 = tpu.memref_slice %arg4[%dma_wait3A_482, %dma_wait3A_483] : memref<10000x128xf32, #tpu.memory_space<hbm>> -> memref<10000x128xf32, #tpu.memory_space<hbm>>
      tpu.wait_indirect_dma semaphore(%arg19 : memref<!tpu.dma_semaphore, #tpu.memory_space<semaphore_mem>>) src(%dma_wait3A_484 : memref<10000x128xf32, #tpu.memory_space<hbm>>) dst(%arg14 : memref<80x128xf32, #tpu.memory_space<vmem>>)
      %dma_start3A_485 = arith.constant 18 : i32
      %dma_start3A_486 = arith.constant 0 : i32
      %dma_start3A_487 = tpu.memref_slice %arg11[%dma_start3A_485, %dma_start3A_486] : memref<25x80xi32, #tpu.memory_space<vmem>> -> memref<1x80xi32, #tpu.memory_space<vmem>>
      %dma_start3A_488 = tpu.memref_squeeze %dma_start3A_487 : memref<1x80xi32, #tpu.memory_space<vmem>> -> memref<80xi32, #tpu.memory_space<vmem>>
      %dma_start3A_489 = arith.constant 0 : i32
      %dma_start3A_490 = arith.constant 0 : i32
      %dma_start3A_491 = tpu.memref_slice %arg16[%dma_start3A_489, %dma_start3A_490] : memref<10000x128xf32, #tpu.memory_space<vmem_shared>> -> memref<10000x128xf32, #tpu.memory_space<vmem_shared>>
      tpu.enqueue_indirect_dma source(%arg14 : memref<80x128xf32, #tpu.memory_space<vmem>>) target(%dma_start3A_491 : memref<10000x128xf32, #tpu.memory_space<vmem_shared>>) offsets(%dma_start3A_488 : memref<80xi32, #tpu.memory_space<vmem>>) semaphore(%arg23 : memref<!tpu.dma_semaphore, #tpu.memory_space<semaphore_mem>>) {add = true}
      %dma_wait3A_492 = arith.constant 17 : i32
      %dma_wait3A_493 = arith.constant 0 : i32
      %dma_wait3A_494 = tpu.memref_slice %arg11[%dma_wait3A_492, %dma_wait3A_493] : memref<25x80xi32, #tpu.memory_space<vmem>> -> memref<1x80xi32, #tpu.memory_space<vmem>>
      %dma_wait3A_495 = tpu.memref_squeeze %dma_wait3A_494 : memref<1x80xi32, #tpu.memory_space<vmem>> -> memref<80xi32, #tpu.memory_space<vmem>>
      %dma_wait3A_496 = arith.constant 0 : i32
      %dma_wait3A_497 = arith.constant 0 : i32
      %dma_wait3A_498 = tpu.memref_slice %arg16[%dma_wait3A_496, %dma_wait3A_497] : memref<10000x128xf32, #tpu.memory_space<vmem_shared>> -> memref<10000x128xf32, #tpu.memory_space<vmem_shared>>
      tpu.wait_indirect_dma semaphore(%arg22 : memref<!tpu.dma_semaphore, #tpu.memory_space<semaphore_mem>>) src(%arg13 : memref<80x128xf32, #tpu.memory_space<vmem>>) dst(%dma_wait3A_498 : memref<10000x128xf32, #tpu.memory_space<vmem_shared>>)
      %dma_start3A_499 = arith.constant 1680 : i32
      %dma_start3A_500 = tpu.memref_slice %arg10[%dma_start3A_499] : memref<2000xi32, #tpu.memory_space<vmem>> -> memref<80xi32, #tpu.memory_space<vmem>>
      %dma_start3A_501 = arith.constant 0 : i32
      %dma_start3A_502 = arith.constant 0 : i32
      %dma_start3A_503 = tpu.memref_slice %arg4[%dma_start3A_501, %dma_start3A_502] : memref<10000x128xf32, #tpu.memory_space<hbm>> -> memref<10000x128xf32, #tpu.memory_space<hbm>>
      tpu.enqueue_indirect_dma source(%dma_start3A_503 : memref<10000x128xf32, #tpu.memory_space<hbm>>) target(%arg13 : memref<80x128xf32, #tpu.memory_space<vmem>>) offsets(%dma_start3A_500 : memref<80xi32, #tpu.memory_space<vmem>>) semaphore(%arg18 : memref<!tpu.dma_semaphore, #tpu.memory_space<semaphore_mem>>)
      %dma_wait3A_504 = arith.constant 1520 : i32
      %dma_wait3A_505 = tpu.memref_slice %arg10[%dma_wait3A_504] : memref<2000xi32, #tpu.memory_space<vmem>> -> memref<80xi32, #tpu.memory_space<vmem>>
      %dma_wait3A_506 = arith.constant 0 : i32
      %dma_wait3A_507 = arith.constant 0 : i32
      %dma_wait3A_508 = tpu.memref_slice %arg4[%dma_wait3A_506, %dma_wait3A_507] : memref<10000x128xf32, #tpu.memory_space<hbm>> -> memref<10000x128xf32, #tpu.memory_space<hbm>>
      tpu.wait_indirect_dma semaphore(%arg20 : memref<!tpu.dma_semaphore, #tpu.memory_space<semaphore_mem>>) src(%dma_wait3A_508 : memref<10000x128xf32, #tpu.memory_space<hbm>>) dst(%arg15 : memref<80x128xf32, #tpu.memory_space<vmem>>)
      %dma_start3A_509 = arith.constant 19 : i32
      %dma_start3A_510 = arith.constant 0 : i32
      %dma_start3A_511 = tpu.memref_slice %arg11[%dma_start3A_509, %dma_start3A_510] : memref<25x80xi32, #tpu.memory_space<vmem>> -> memref<1x80xi32, #tpu.memory_space<vmem>>
      %dma_start3A_512 = tpu.memref_squeeze %dma_start3A_511 : memref<1x80xi32, #tpu.memory_space<vmem>> -> memref<80xi32, #tpu.memory_space<vmem>>
      %dma_start3A_513 = arith.constant 0 : i32
      %dma_start3A_514 = arith.constant 0 : i32
      %dma_start3A_515 = tpu.memref_slice %arg16[%dma_start3A_513, %dma_start3A_514] : memref<10000x128xf32, #tpu.memory_space<vmem_shared>> -> memref<10000x128xf32, #tpu.memory_space<vmem_shared>>
      tpu.enqueue_indirect_dma source(%arg15 : memref<80x128xf32, #tpu.memory_space<vmem>>) target(%dma_start3A_515 : memref<10000x128xf32, #tpu.memory_space<vmem_shared>>) offsets(%dma_start3A_512 : memref<80xi32, #tpu.memory_space<vmem>>) semaphore(%arg24 : memref<!tpu.dma_semaphore, #tpu.memory_space<semaphore_mem>>) {add = true}
      %dma_wait3A_516 = arith.constant 18 : i32
      %dma_wait3A_517 = arith.constant 0 : i32
      %dma_wait3A_518 = tpu.memref_slice %arg11[%dma_wait3A_516, %dma_wait3A_517] : memref<25x80xi32, #tpu.memory_space<vmem>> -> memref<1x80xi32, #tpu.memory_space<vmem>>
      %dma_wait3A_519 = tpu.memref_squeeze %dma_wait3A_518 : memref<1x80xi32, #tpu.memory_space<vmem>> -> memref<80xi32, #tpu.memory_space<vmem>>
      %dma_wait3A_520 = arith.constant 0 : i32
      %dma_wait3A_521 = arith.constant 0 : i32
      %dma_wait3A_522 = tpu.memref_slice %arg16[%dma_wait3A_520, %dma_wait3A_521] : memref<10000x128xf32, #tpu.memory_space<vmem_shared>> -> memref<10000x128xf32, #tpu.memory_space<vmem_shared>>
      tpu.wait_indirect_dma semaphore(%arg23 : memref<!tpu.dma_semaphore, #tpu.memory_space<semaphore_mem>>) src(%arg14 : memref<80x128xf32, #tpu.memory_space<vmem>>) dst(%dma_wait3A_522 : memref<10000x128xf32, #tpu.memory_space<vmem_shared>>)
      %dma_start3A_523 = arith.constant 1760 : i32
      %dma_start3A_524 = tpu.memref_slice %arg10[%dma_start3A_523] : memref<2000xi32, #tpu.memory_space<vmem>> -> memref<80xi32, #tpu.memory_space<vmem>>
      %dma_start3A_525 = arith.constant 0 : i32
      %dma_start3A_526 = arith.constant 0 : i32
      %dma_start3A_527 = tpu.memref_slice %arg4[%dma_start3A_525, %dma_start3A_526] : memref<10000x128xf32, #tpu.memory_space<hbm>> -> memref<10000x128xf32, #tpu.memory_space<hbm>>
      tpu.enqueue_indirect_dma source(%dma_start3A_527 : memref<10000x128xf32, #tpu.memory_space<hbm>>) target(%arg14 : memref<80x128xf32, #tpu.memory_space<vmem>>) offsets(%dma_start3A_524 : memref<80xi32, #tpu.memory_space<vmem>>) semaphore(%arg19 : memref<!tpu.dma_semaphore, #tpu.memory_space<semaphore_mem>>)
      %dma_wait3A_528 = arith.constant 1600 : i32
      %dma_wait3A_529 = tpu.memref_slice %arg10[%dma_wait3A_528] : memref<2000xi32, #tpu.memory_space<vmem>> -> memref<80xi32, #tpu.memory_space<vmem>>
      %dma_wait3A_530 = arith.constant 0 : i32
      %dma_wait3A_531 = arith.constant 0 : i32
      %dma_wait3A_532 = tpu.memref_slice %arg4[%dma_wait3A_530, %dma_wait3A_531] : memref<10000x128xf32, #tpu.memory_space<hbm>> -> memref<10000x128xf32, #tpu.memory_space<hbm>>
      tpu.wait_indirect_dma semaphore(%arg17 : memref<!tpu.dma_semaphore, #tpu.memory_space<semaphore_mem>>) src(%dma_wait3A_532 : memref<10000x128xf32, #tpu.memory_space<hbm>>) dst(%arg12 : memref<80x128xf32, #tpu.memory_space<vmem>>)
      %dma_start3A_533 = arith.constant 20 : i32
      %dma_start3A_534 = arith.constant 0 : i32
      %dma_start3A_535 = tpu.memref_slice %arg11[%dma_start3A_533, %dma_start3A_534] : memref<25x80xi32, #tpu.memory_space<vmem>> -> memref<1x80xi32, #tpu.memory_space<vmem>>
      %dma_start3A_536 = tpu.memref_squeeze %dma_start3A_535 : memref<1x80xi32, #tpu.memory_space<vmem>> -> memref<80xi32, #tpu.memory_space<vmem>>
      %dma_start3A_537 = arith.constant 0 : i32
      %dma_start3A_538 = arith.constant 0 : i32
      %dma_start3A_539 = tpu.memref_slice %arg16[%dma_start3A_537, %dma_start3A_538] : memref<10000x128xf32, #tpu.memory_space<vmem_shared>> -> memref<10000x128xf32, #tpu.memory_space<vmem_shared>>
      tpu.enqueue_indirect_dma source(%arg12 : memref<80x128xf32, #tpu.memory_space<vmem>>) target(%dma_start3A_539 : memref<10000x128xf32, #tpu.memory_space<vmem_shared>>) offsets(%dma_start3A_536 : memref<80xi32, #tpu.memory_space<vmem>>) semaphore(%arg21 : memref<!tpu.dma_semaphore, #tpu.memory_space<semaphore_mem>>) {add = true}
      %dma_wait3A_540 = arith.constant 19 : i32
      %dma_wait3A_541 = arith.constant 0 : i32
      %dma_wait3A_542 = tpu.memref_slice %arg11[%dma_wait3A_540, %dma_wait3A_541] : memref<25x80xi32, #tpu.memory_space<vmem>> -> memref<1x80xi32, #tpu.memory_space<vmem>>
      %dma_wait3A_543 = tpu.memref_squeeze %dma_wait3A_542 : memref<1x80xi32, #tpu.memory_space<vmem>> -> memref<80xi32, #tpu.memory_space<vmem>>
      %dma_wait3A_544 = arith.constant 0 : i32
      %dma_wait3A_545 = arith.constant 0 : i32
      %dma_wait3A_546 = tpu.memref_slice %arg16[%dma_wait3A_544, %dma_wait3A_545] : memref<10000x128xf32, #tpu.memory_space<vmem_shared>> -> memref<10000x128xf32, #tpu.memory_space<vmem_shared>>
      tpu.wait_indirect_dma semaphore(%arg24 : memref<!tpu.dma_semaphore, #tpu.memory_space<semaphore_mem>>) src(%arg15 : memref<80x128xf32, #tpu.memory_space<vmem>>) dst(%dma_wait3A_546 : memref<10000x128xf32, #tpu.memory_space<vmem_shared>>)
      %dma_start3A_547 = arith.constant 1840 : i32
      %dma_start3A_548 = tpu.memref_slice %arg10[%dma_start3A_547] : memref<2000xi32, #tpu.memory_space<vmem>> -> memref<80xi32, #tpu.memory_space<vmem>>
      %dma_start3A_549 = arith.constant 0 : i32
      %dma_start3A_550 = arith.constant 0 : i32
      %dma_start3A_551 = tpu.memref_slice %arg4[%dma_start3A_549, %dma_start3A_550] : memref<10000x128xf32, #tpu.memory_space<hbm>> -> memref<10000x128xf32, #tpu.memory_space<hbm>>
      tpu.enqueue_indirect_dma source(%dma_start3A_551 : memref<10000x128xf32, #tpu.memory_space<hbm>>) target(%arg15 : memref<80x128xf32, #tpu.memory_space<vmem>>) offsets(%dma_start3A_548 : memref<80xi32, #tpu.memory_space<vmem>>) semaphore(%arg20 : memref<!tpu.dma_semaphore, #tpu.memory_space<semaphore_mem>>)
      %dma_wait3A_552 = arith.constant 1680 : i32
      %dma_wait3A_553 = tpu.memref_slice %arg10[%dma_wait3A_552] : memref<2000xi32, #tpu.memory_space<vmem>> -> memref<80xi32, #tpu.memory_space<vmem>>
      %dma_wait3A_554 = arith.constant 0 : i32
      %dma_wait3A_555 = arith.constant 0 : i32
      %dma_wait3A_556 = tpu.memref_slice %arg4[%dma_wait3A_554, %dma_wait3A_555] : memref<10000x128xf32, #tpu.memory_space<hbm>> -> memref<10000x128xf32, #tpu.memory_space<hbm>>
      tpu.wait_indirect_dma semaphore(%arg18 : memref<!tpu.dma_semaphore, #tpu.memory_space<semaphore_mem>>) src(%dma_wait3A_556 : memref<10000x128xf32, #tpu.memory_space<hbm>>) dst(%arg13 : memref<80x128xf32, #tpu.memory_space<vmem>>)
      %dma_start3A_557 = arith.constant 21 : i32
      %dma_start3A_558 = arith.constant 0 : i32
      %dma_start3A_559 = tpu.memref_slice %arg11[%dma_start3A_557, %dma_start3A_558] : memref<25x80xi32, #tpu.memory_space<vmem>> -> memref<1x80xi32, #tpu.memory_space<vmem>>
      %dma_start3A_560 = tpu.memref_squeeze %dma_start3A_559 : memref<1x80xi32, #tpu.memory_space<vmem>> -> memref<80xi32, #tpu.memory_space<vmem>>
      %dma_start3A_561 = arith.constant 0 : i32
      %dma_start3A_562 = arith.constant 0 : i32
      %dma_start3A_563 = tpu.memref_slice %arg16[%dma_start3A_561, %dma_start3A_562] : memref<10000x128xf32, #tpu.memory_space<vmem_shared>> -> memref<10000x128xf32, #tpu.memory_space<vmem_shared>>
      tpu.enqueue_indirect_dma source(%arg13 : memref<80x128xf32, #tpu.memory_space<vmem>>) target(%dma_start3A_563 : memref<10000x128xf32, #tpu.memory_space<vmem_shared>>) offsets(%dma_start3A_560 : memref<80xi32, #tpu.memory_space<vmem>>) semaphore(%arg22 : memref<!tpu.dma_semaphore, #tpu.memory_space<semaphore_mem>>) {add = true}
      %dma_wait3A_564 = arith.constant 20 : i32
      %dma_wait3A_565 = arith.constant 0 : i32
      %dma_wait3A_566 = tpu.memref_slice %arg11[%dma_wait3A_564, %dma_wait3A_565] : memref<25x80xi32, #tpu.memory_space<vmem>> -> memref<1x80xi32, #tpu.memory_space<vmem>>
      %dma_wait3A_567 = tpu.memref_squeeze %dma_wait3A_566 : memref<1x80xi32, #tpu.memory_space<vmem>> -> memref<80xi32, #tpu.memory_space<vmem>>
      %dma_wait3A_568 = arith.constant 0 : i32
      %dma_wait3A_569 = arith.constant 0 : i32
      %dma_wait3A_570 = tpu.memref_slice %arg16[%dma_wait3A_568, %dma_wait3A_569] : memref<10000x128xf32, #tpu.memory_space<vmem_shared>> -> memref<10000x128xf32, #tpu.memory_space<vmem_shared>>
      tpu.wait_indirect_dma semaphore(%arg21 : memref<!tpu.dma_semaphore, #tpu.memory_space<semaphore_mem>>) src(%arg12 : memref<80x128xf32, #tpu.memory_space<vmem>>) dst(%dma_wait3A_570 : memref<10000x128xf32, #tpu.memory_space<vmem_shared>>)
      %dma_start3A_571 = arith.constant 1920 : i32
      %dma_start3A_572 = tpu.memref_slice %arg10[%dma_start3A_571] : memref<2000xi32, #tpu.memory_space<vmem>> -> memref<80xi32, #tpu.memory_space<vmem>>
      %dma_start3A_573 = arith.constant 0 : i32
      %dma_start3A_574 = arith.constant 0 : i32
      %dma_start3A_575 = tpu.memref_slice %arg4[%dma_start3A_573, %dma_start3A_574] : memref<10000x128xf32, #tpu.memory_space<hbm>> -> memref<10000x128xf32, #tpu.memory_space<hbm>>
      tpu.enqueue_indirect_dma source(%dma_start3A_575 : memref<10000x128xf32, #tpu.memory_space<hbm>>) target(%arg12 : memref<80x128xf32, #tpu.memory_space<vmem>>) offsets(%dma_start3A_572 : memref<80xi32, #tpu.memory_space<vmem>>) semaphore(%arg17 : memref<!tpu.dma_semaphore, #tpu.memory_space<semaphore_mem>>)
      %dma_wait3A_576 = arith.constant 1760 : i32
      %dma_wait3A_577 = tpu.memref_slice %arg10[%dma_wait3A_576] : memref<2000xi32, #tpu.memory_space<vmem>> -> memref<80xi32, #tpu.memory_space<vmem>>
      %dma_wait3A_578 = arith.constant 0 : i32
      %dma_wait3A_579 = arith.constant 0 : i32
      %dma_wait3A_580 = tpu.memref_slice %arg4[%dma_wait3A_578, %dma_wait3A_579] : memref<10000x128xf32, #tpu.memory_space<hbm>> -> memref<10000x128xf32, #tpu.memory_space<hbm>>
      tpu.wait_indirect_dma semaphore(%arg19 : memref<!tpu.dma_semaphore, #tpu.memory_space<semaphore_mem>>) src(%dma_wait3A_580 : memref<10000x128xf32, #tpu.memory_space<hbm>>) dst(%arg14 : memref<80x128xf32, #tpu.memory_space<vmem>>)
      %dma_start3A_581 = arith.constant 22 : i32
      %dma_start3A_582 = arith.constant 0 : i32
      %dma_start3A_583 = tpu.memref_slice %arg11[%dma_start3A_581, %dma_start3A_582] : memref<25x80xi32, #tpu.memory_space<vmem>> -> memref<1x80xi32, #tpu.memory_space<vmem>>
      %dma_start3A_584 = tpu.memref_squeeze %dma_start3A_583 : memref<1x80xi32, #tpu.memory_space<vmem>> -> memref<80xi32, #tpu.memory_space<vmem>>
      %dma_start3A_585 = arith.constant 0 : i32
      %dma_start3A_586 = arith.constant 0 : i32
      %dma_start3A_587 = tpu.memref_slice %arg16[%dma_start3A_585, %dma_start3A_586] : memref<10000x128xf32, #tpu.memory_space<vmem_shared>> -> memref<10000x128xf32, #tpu.memory_space<vmem_shared>>
      tpu.enqueue_indirect_dma source(%arg14 : memref<80x128xf32, #tpu.memory_space<vmem>>) target(%dma_start3A_587 : memref<10000x128xf32, #tpu.memory_space<vmem_shared>>) offsets(%dma_start3A_584 : memref<80xi32, #tpu.memory_space<vmem>>) semaphore(%arg23 : memref<!tpu.dma_semaphore, #tpu.memory_space<semaphore_mem>>) {add = true}
      %dma_wait3A_588 = arith.constant 1840 : i32
      %dma_wait3A_589 = tpu.memref_slice %arg10[%dma_wait3A_588] : memref<2000xi32, #tpu.memory_space<vmem>> -> memref<80xi32, #tpu.memory_space<vmem>>
      %dma_wait3A_590 = arith.constant 0 : i32
      %dma_wait3A_591 = arith.constant 0 : i32
      %dma_wait3A_592 = tpu.memref_slice %arg4[%dma_wait3A_590, %dma_wait3A_591] : memref<10000x128xf32, #tpu.memory_space<hbm>> -> memref<10000x128xf32, #tpu.memory_space<hbm>>
      tpu.wait_indirect_dma semaphore(%arg20 : memref<!tpu.dma_semaphore, #tpu.memory_space<semaphore_mem>>) src(%dma_wait3A_592 : memref<10000x128xf32, #tpu.memory_space<hbm>>) dst(%arg15 : memref<80x128xf32, #tpu.memory_space<vmem>>)
      %dma_start3A_593 = arith.constant 23 : i32
      %dma_start3A_594 = arith.constant 0 : i32
      %dma_start3A_595 = tpu.memref_slice %arg11[%dma_start3A_593, %dma_start3A_594] : memref<25x80xi32, #tpu.memory_space<vmem>> -> memref<1x80xi32, #tpu.memory_space<vmem>>
      %dma_start3A_596 = tpu.memref_squeeze %dma_start3A_595 : memref<1x80xi32, #tpu.memory_space<vmem>> -> memref<80xi32, #tpu.memory_space<vmem>>
      %dma_start3A_597 = arith.constant 0 : i32
      %dma_start3A_598 = arith.constant 0 : i32
      %dma_start3A_599 = tpu.memref_slice %arg16[%dma_start3A_597, %dma_start3A_598] : memref<10000x128xf32, #tpu.memory_space<vmem_shared>> -> memref<10000x128xf32, #tpu.memory_space<vmem_shared>>
      tpu.enqueue_indirect_dma source(%arg15 : memref<80x128xf32, #tpu.memory_space<vmem>>) target(%dma_start3A_599 : memref<10000x128xf32, #tpu.memory_space<vmem_shared>>) offsets(%dma_start3A_596 : memref<80xi32, #tpu.memory_space<vmem>>) semaphore(%arg24 : memref<!tpu.dma_semaphore, #tpu.memory_space<semaphore_mem>>) {add = true}
      %dma_wait3A_600 = arith.constant 1920 : i32
      %dma_wait3A_601 = tpu.memref_slice %arg10[%dma_wait3A_600] : memref<2000xi32, #tpu.memory_space<vmem>> -> memref<80xi32, #tpu.memory_space<vmem>>
      %dma_wait3A_602 = arith.constant 0 : i32
      %dma_wait3A_603 = arith.constant 0 : i32
      %dma_wait3A_604 = tpu.memref_slice %arg4[%dma_wait3A_602, %dma_wait3A_603] : memref<10000x128xf32, #tpu.memory_space<hbm>> -> memref<10000x128xf32, #tpu.memory_space<hbm>>
      tpu.wait_indirect_dma semaphore(%arg17 : memref<!tpu.dma_semaphore, #tpu.memory_space<semaphore_mem>>) src(%dma_wait3A_604 : memref<10000x128xf32, #tpu.memory_space<hbm>>) dst(%arg12 : memref<80x128xf32, #tpu.memory_space<vmem>>)
      %dma_start3A_605 = arith.constant 24 : i32
      %dma_start3A_606 = arith.constant 0 : i32
      %dma_start3A_607 = tpu.memref_slice %arg11[%dma_start3A_605, %dma_start3A_606] : memref<25x80xi32, #tpu.memory_space<vmem>> -> memref<1x80xi32, #tpu.memory_space<vmem>>
      %dma_start3A_608 = tpu.memref_squeeze %dma_start3A_607 : memref<1x80xi32, #tpu.memory_space<vmem>> -> memref<80xi32, #tpu.memory_space<vmem>>
      %dma_start3A_609 = arith.constant 0 : i32
      %dma_start3A_610 = arith.constant 0 : i32
      %dma_start3A_611 = tpu.memref_slice %arg16[%dma_start3A_609, %dma_start3A_610] : memref<10000x128xf32, #tpu.memory_space<vmem_shared>> -> memref<10000x128xf32, #tpu.memory_space<vmem_shared>>
      tpu.enqueue_indirect_dma source(%arg12 : memref<80x128xf32, #tpu.memory_space<vmem>>) target(%dma_start3A_611 : memref<10000x128xf32, #tpu.memory_space<vmem_shared>>) offsets(%dma_start3A_608 : memref<80xi32, #tpu.memory_space<vmem>>) semaphore(%arg21 : memref<!tpu.dma_semaphore, #tpu.memory_space<semaphore_mem>>) {add = true}
      %dma_wait3A_612 = arith.constant 21 : i32
      %dma_wait3A_613 = arith.constant 0 : i32
      %dma_wait3A_614 = tpu.memref_slice %arg11[%dma_wait3A_612, %dma_wait3A_613] : memref<25x80xi32, #tpu.memory_space<vmem>> -> memref<1x80xi32, #tpu.memory_space<vmem>>
      %dma_wait3A_615 = tpu.memref_squeeze %dma_wait3A_614 : memref<1x80xi32, #tpu.memory_space<vmem>> -> memref<80xi32, #tpu.memory_space<vmem>>
      %dma_wait3A_616 = arith.constant 0 : i32
      %dma_wait3A_617 = arith.constant 0 : i32
      %dma_wait3A_618 = tpu.memref_slice %arg16[%dma_wait3A_616, %dma_wait3A_617] : memref<10000x128xf32, #tpu.memory_space<vmem_shared>> -> memref<10000x128xf32, #tpu.memory_space<vmem_shared>>
      tpu.wait_indirect_dma semaphore(%arg22 : memref<!tpu.dma_semaphore, #tpu.memory_space<semaphore_mem>>) src(%arg13 : memref<80x128xf32, #tpu.memory_space<vmem>>) dst(%dma_wait3A_618 : memref<10000x128xf32, #tpu.memory_space<vmem_shared>>)
      %dma_wait3A_619 = arith.constant 22 : i32
      %dma_wait3A_620 = arith.constant 0 : i32
      %dma_wait3A_621 = tpu.memref_slice %arg11[%dma_wait3A_619, %dma_wait3A_620] : memref<25x80xi32, #tpu.memory_space<vmem>> -> memref<1x80xi32, #tpu.memory_space<vmem>>
      %dma_wait3A_622 = tpu.memref_squeeze %dma_wait3A_621 : memref<1x80xi32, #tpu.memory_space<vmem>> -> memref<80xi32, #tpu.memory_space<vmem>>
      %dma_wait3A_623 = arith.constant 0 : i32
      %dma_wait3A_624 = arith.constant 0 : i32
      %dma_wait3A_625 = tpu.memref_slice %arg16[%dma_wait3A_623, %dma_wait3A_624] : memref<10000x128xf32, #tpu.memory_space<vmem_shared>> -> memref<10000x128xf32, #tpu.memory_space<vmem_shared>>
      tpu.wait_indirect_dma semaphore(%arg23 : memref<!tpu.dma_semaphore, #tpu.memory_space<semaphore_mem>>) src(%arg14 : memref<80x128xf32, #tpu.memory_space<vmem>>) dst(%dma_wait3A_625 : memref<10000x128xf32, #tpu.memory_space<vmem_shared>>)
      %dma_wait3A_626 = arith.constant 23 : i32
      %dma_wait3A_627 = arith.constant 0 : i32
      %dma_wait3A_628 = tpu.memref_slice %arg11[%dma_wait3A_626, %dma_wait3A_627] : memref<25x80xi32, #tpu.memory_space<vmem>> -> memref<1x80xi32, #tpu.memory_space<vmem>>
      %dma_wait3A_629 = tpu.memref_squeeze %dma_wait3A_628 : memref<1x80xi32, #tpu.memory_space<vmem>> -> memref<80xi32, #tpu.memory_space<vmem>>
      %dma_wait3A_630 = arith.constant 0 : i32
      %dma_wait3A_631 = arith.constant 0 : i32
      %dma_wait3A_632 = tpu.memref_slice %arg16[%dma_wait3A_630, %dma_wait3A_631] : memref<10000x128xf32, #tpu.memory_space<vmem_shared>> -> memref<10000x128xf32, #tpu.memory_space<vmem_shared>>
      tpu.wait_indirect_dma semaphore(%arg24 : memref<!tpu.dma_semaphore, #tpu.memory_space<semaphore_mem>>) src(%arg15 : memref<80x128xf32, #tpu.memory_space<vmem>>) dst(%dma_wait3A_632 : memref<10000x128xf32, #tpu.memory_space<vmem_shared>>)
      %dma_wait3A_633 = arith.constant 24 : i32
      %dma_wait3A_634 = arith.constant 0 : i32
      %dma_wait3A_635 = tpu.memref_slice %arg11[%dma_wait3A_633, %dma_wait3A_634] : memref<25x80xi32, #tpu.memory_space<vmem>> -> memref<1x80xi32, #tpu.memory_space<vmem>>
      %dma_wait3A_636 = tpu.memref_squeeze %dma_wait3A_635 : memref<1x80xi32, #tpu.memory_space<vmem>> -> memref<80xi32, #tpu.memory_space<vmem>>
      %dma_wait3A_637 = arith.constant 0 : i32
      %dma_wait3A_638 = arith.constant 0 : i32
      %dma_wait3A_639 = tpu.memref_slice %arg16[%dma_wait3A_637, %dma_wait3A_638] : memref<10000x128xf32, #tpu.memory_space<vmem_shared>> -> memref<10000x128xf32, #tpu.memory_space<vmem_shared>>
      tpu.wait_indirect_dma semaphore(%arg21 : memref<!tpu.dma_semaphore, #tpu.memory_space<semaphore_mem>>) src(%arg12 : memref<80x128xf32, #tpu.memory_space<vmem>>) dst(%dma_wait3A_639 : memref<10000x128xf32, #tpu.memory_space<vmem_shared>>)
    }
    %scan3A_9 = arith.constant 5 : i32
    %barrier3A_10 = arith.constant 0 : index
    tpu.barrier barrier_id(%barrier3A_10)
    %eq3A_11 = arith.constant 0 : i32
    %eq3A_12 = arith.cmpi eq, %arg0, %eq3A_11 : i32
    %convert_element_type3A_13 = arith.extui %eq3A_12 : i1 to i32
    %cond3A_14 = arith.constant 0 : i32
    %cond3A_15 = arith.cmpi ne, %convert_element_type3A_13, %cond3A_14 : i32
    scf.if %cond3A_15 {
      %mul3A_36 = arith.constant 624 : i32
      %mul3A_37 = arith.muli %arg1, %mul3A_36 : i32
      %mul3A_38 = arith.constant 624 : i32
      %mul3A_39 = arith.muli %arg1, %mul3A_38 : i32
      "tpu.region"() ({
        %run_scoped3A = tpu.sem_alloc : memref<!tpu.dma_semaphore, #tpu.memory_space<semaphore_mem>>
        %dma_start3A = arith.constant 0 : i32
        %dma_start3A_40 = tpu.memref_slice %arg8[%mul3A_39, %dma_start3A] : memref<10000x128xf32, #tpu.memory_space<hbm>> -> memref<624x128xf32, #tpu.memory_space<hbm>>
        %dma_start3A_41 = arith.constant 0 : i32
        %dma_start3A_42 = tpu.memref_slice %arg16[%mul3A_37, %dma_start3A_41] : memref<10000x128xf32, #tpu.memory_space<vmem_shared>> -> memref<624x128xf32, #tpu.memory_space<vmem_shared>>
        tpu.enqueue_dma source(%dma_start3A_42 : memref<624x128xf32, #tpu.memory_space<vmem_shared>>) target(%dma_start3A_40 : memref<624x128xf32, #tpu.memory_space<hbm>>) target_semaphore(%run_scoped3A : memref<!tpu.dma_semaphore, #tpu.memory_space<semaphore_mem>>)
        %dma_wait3A = arith.constant 0 : i32
        %dma_wait3A_43 = tpu.memref_slice %arg8[%mul3A_39, %dma_wait3A] : memref<10000x128xf32, #tpu.memory_space<hbm>> -> memref<624x128xf32, #tpu.memory_space<hbm>>
        %dma_wait3A_44 = arith.constant 0 : i32
        %dma_wait3A_45 = tpu.memref_slice %arg16[%mul3A_37, %dma_wait3A_44] : memref<10000x128xf32, #tpu.memory_space<vmem_shared>> -> memref<624x128xf32, #tpu.memory_space<vmem_shared>>
        tpu.wait_dma2 semaphore(%run_scoped3A : memref<!tpu.dma_semaphore, #tpu.memory_space<semaphore_mem>>) src(%dma_wait3A_45 : memref<624x128xf32, #tpu.memory_space<vmem_shared>>) dst(%dma_wait3A_43 : memref<624x128xf32, #tpu.memory_space<hbm>>)
        tpu.yield
      }) : () -> ()
    } else {
    }
    %eq3A_16 = arith.constant 1 : i32
    %eq3A_17 = arith.cmpi eq, %arg0, %eq3A_16 : i32
    %convert_element_type3A_18 = arith.extui %eq3A_17 : i1 to i32
    %cond3A_19 = arith.constant 0 : i32
    %cond3A_20 = arith.cmpi ne, %convert_element_type3A_18, %cond3A_19 : i32
    scf.if %cond3A_20 {
      %mul3A_36 = arith.constant 624 : i32
      %mul3A_37 = arith.muli %arg1, %mul3A_36 : i32
      %mul3A_38 = arith.constant 624 : i32
      %mul3A_39 = arith.muli %arg1, %mul3A_38 : i32
      "tpu.region"() ({
        %run_scoped3A = tpu.sem_alloc : memref<!tpu.dma_semaphore, #tpu.memory_space<semaphore_mem>>
        %dma_start3A = arith.constant 0 : i32
        %dma_start3A_40 = tpu.memref_slice %arg9[%mul3A_39, %dma_start3A] : memref<10000x128xf32, #tpu.memory_space<hbm>> -> memref<624x128xf32, #tpu.memory_space<hbm>>
        %dma_start3A_41 = arith.constant 0 : i32
        %dma_start3A_42 = tpu.memref_slice %arg16[%mul3A_37, %dma_start3A_41] : memref<10000x128xf32, #tpu.memory_space<vmem_shared>> -> memref<624x128xf32, #tpu.memory_space<vmem_shared>>
        tpu.enqueue_dma source(%dma_start3A_42 : memref<624x128xf32, #tpu.memory_space<vmem_shared>>) target(%dma_start3A_40 : memref<624x128xf32, #tpu.memory_space<hbm>>) target_semaphore(%run_scoped3A : memref<!tpu.dma_semaphore, #tpu.memory_space<semaphore_mem>>)
        %dma_wait3A = arith.constant 0 : i32
        %dma_wait3A_43 = tpu.memref_slice %arg9[%mul3A_39, %dma_wait3A] : memref<10000x128xf32, #tpu.memory_space<hbm>> -> memref<624x128xf32, #tpu.memory_space<hbm>>
        %dma_wait3A_44 = arith.constant 0 : i32
        %dma_wait3A_45 = tpu.memref_slice %arg16[%mul3A_37, %dma_wait3A_44] : memref<10000x128xf32, #tpu.memory_space<vmem_shared>> -> memref<624x128xf32, #tpu.memory_space<vmem_shared>>
        tpu.wait_dma2 semaphore(%run_scoped3A : memref<!tpu.dma_semaphore, #tpu.memory_space<semaphore_mem>>) src(%dma_wait3A_45 : memref<624x128xf32, #tpu.memory_space<vmem_shared>>) dst(%dma_wait3A_43 : memref<624x128xf32, #tpu.memory_space<hbm>>)
        tpu.yield
      }) : () -> ()
    } else {
    }
    %eq3A_21 = arith.constant 0 : i32
    %eq3A_22 = arith.cmpi eq, %arg0, %eq3A_21 : i32
    %eq3A_23 = arith.constant 0 : i32
    %eq3A_24 = arith.cmpi eq, %arg1, %eq3A_23 : i32
    %and3A = arith.andi %eq3A_22, %eq3A_24 : i1
    %convert_element_type3A_25 = arith.extui %and3A : i1 to i32
    %cond3A_26 = arith.constant 0 : i32
    %cond3A_27 = arith.cmpi ne, %convert_element_type3A_25, %cond3A_26 : i32
    scf.if %cond3A_27 {
      "tpu.region"() ({
        %run_scoped3A = tpu.sem_alloc : memref<!tpu.dma_semaphore, #tpu.memory_space<semaphore_mem>>
        %dma_start3A = arith.constant 9984 : i32
        %dma_start3A_36 = arith.constant 0 : i32
        %dma_start3A_37 = tpu.memref_slice %arg8[%dma_start3A, %dma_start3A_36] : memref<10000x128xf32, #tpu.memory_space<hbm>> -> memref<16x128xf32, #tpu.memory_space<hbm>>
        %dma_start3A_38 = arith.constant 9984 : i32
        %dma_start3A_39 = arith.constant 0 : i32
        %dma_start3A_40 = tpu.memref_slice %arg16[%dma_start3A_38, %dma_start3A_39] : memref<10000x128xf32, #tpu.memory_space<vmem_shared>> -> memref<16x128xf32, #tpu.memory_space<vmem_shared>>
        tpu.enqueue_dma source(%dma_start3A_40 : memref<16x128xf32, #tpu.memory_space<vmem_shared>>) target(%dma_start3A_37 : memref<16x128xf32, #tpu.memory_space<hbm>>) target_semaphore(%run_scoped3A : memref<!tpu.dma_semaphore, #tpu.memory_space<semaphore_mem>>)
        %dma_wait3A = arith.constant 9984 : i32
        %dma_wait3A_41 = arith.constant 0 : i32
        %dma_wait3A_42 = tpu.memref_slice %arg8[%dma_wait3A, %dma_wait3A_41] : memref<10000x128xf32, #tpu.memory_space<hbm>> -> memref<16x128xf32, #tpu.memory_space<hbm>>
        %dma_wait3A_43 = arith.constant 9984 : i32
        %dma_wait3A_44 = arith.constant 0 : i32
        %dma_wait3A_45 = tpu.memref_slice %arg16[%dma_wait3A_43, %dma_wait3A_44] : memref<10000x128xf32, #tpu.memory_space<vmem_shared>> -> memref<16x128xf32, #tpu.memory_space<vmem_shared>>
        tpu.wait_dma2 semaphore(%run_scoped3A : memref<!tpu.dma_semaphore, #tpu.memory_space<semaphore_mem>>) src(%dma_wait3A_45 : memref<16x128xf32, #tpu.memory_space<vmem_shared>>) dst(%dma_wait3A_42 : memref<16x128xf32, #tpu.memory_space<hbm>>)
        tpu.yield
      }) : () -> ()
    } else {
    }
    %eq3A_28 = arith.constant 1 : i32
    %eq3A_29 = arith.cmpi eq, %arg0, %eq3A_28 : i32
    %eq3A_30 = arith.constant 0 : i32
    %eq3A_31 = arith.cmpi eq, %arg1, %eq3A_30 : i32
    %and3A_32 = arith.andi %eq3A_29, %eq3A_31 : i1
    %convert_element_type3A_33 = arith.extui %and3A_32 : i1 to i32
    %cond3A_34 = arith.constant 0 : i32
    %cond3A_35 = arith.cmpi ne, %convert_element_type3A_33, %cond3A_34 : i32
    scf.if %cond3A_35 {
      "tpu.region"() ({
        %run_scoped3A = tpu.sem_alloc : memref<!tpu.dma_semaphore, #tpu.memory_space<semaphore_mem>>
        %dma_start3A = arith.constant 9984 : i32
        %dma_start3A_36 = arith.constant 0 : i32
        %dma_start3A_37 = tpu.memref_slice %arg9[%dma_start3A, %dma_start3A_36] : memref<10000x128xf32, #tpu.memory_space<hbm>> -> memref<16x128xf32, #tpu.memory_space<hbm>>
        %dma_start3A_38 = arith.constant 9984 : i32
        %dma_start3A_39 = arith.constant 0 : i32
        %dma_start3A_40 = tpu.memref_slice %arg16[%dma_start3A_38, %dma_start3A_39] : memref<10000x128xf32, #tpu.memory_space<vmem_shared>> -> memref<16x128xf32, #tpu.memory_space<vmem_shared>>
        tpu.enqueue_dma source(%dma_start3A_40 : memref<16x128xf32, #tpu.memory_space<vmem_shared>>) target(%dma_start3A_37 : memref<16x128xf32, #tpu.memory_space<hbm>>) target_semaphore(%run_scoped3A : memref<!tpu.dma_semaphore, #tpu.memory_space<semaphore_mem>>)
        %dma_wait3A = arith.constant 9984 : i32
        %dma_wait3A_41 = arith.constant 0 : i32
        %dma_wait3A_42 = tpu.memref_slice %arg9[%dma_wait3A, %dma_wait3A_41] : memref<10000x128xf32, #tpu.memory_space<hbm>> -> memref<16x128xf32, #tpu.memory_space<hbm>>
        %dma_wait3A_43 = arith.constant 9984 : i32
        %dma_wait3A_44 = arith.constant 0 : i32
        %dma_wait3A_45 = tpu.memref_slice %arg16[%dma_wait3A_43, %dma_wait3A_44] : memref<10000x128xf32, #tpu.memory_space<vmem_shared>> -> memref<16x128xf32, #tpu.memory_space<vmem_shared>>
        tpu.wait_dma2 semaphore(%run_scoped3A : memref<!tpu.dma_semaphore, #tpu.memory_space<semaphore_mem>>) src(%dma_wait3A_45 : memref<16x128xf32, #tpu.memory_space<vmem_shared>>) dst(%dma_wait3A_42 : memref<16x128xf32, #tpu.memory_space<hbm>>)
        tpu.yield
      }) : () -> ()
    } else {
    }
    return
  }
}

#map = affine_map<(d0, d1) -> (0)>
#map1 = affine_map<(d0, d1) -> (0, 0, 0, 0)>
#map2 = affine_map<(d0, d1) -> (0, 0)>
module attributes {stable_mosaic.version = 14 : i64} {
  func.func @seg_sum_deg(%arg0: i32, %arg1: i32, %arg2: memref<320000xi32, #tpu.memory_space<hbm>>, %arg3: memref<32x5x25x80xi32, #tpu.memory_space<hbm>>, %arg4: memref<10000x128xf32, #tpu.memory_space<hbm>>, %arg5: memref<624x128xf32, #tpu.memory_space<hbm>>, %arg6: memref<10240xf32, #tpu.memory_space<hbm>>, %arg7: memref<80xf32, #tpu.memory_space<hbm>>, %arg8: memref<10000x128xf32, #tpu.memory_space<hbm>>, %arg9: memref<10000x128xf32, #tpu.memory_space<hbm>>, %arg10: memref<10240xf32, #tpu.memory_space<hbm>>, %arg11: memref<10240xf32, #tpu.memory_space<hbm>>, %arg12: memref<2000xi32, #tpu.memory_space<vmem>>, %arg13: memref<25x80xi32, #tpu.memory_space<vmem>>, %arg14: memref<80x128xf32, #tpu.memory_space<vmem>>, %arg15: memref<80x128xf32, #tpu.memory_space<vmem>>, %arg16: memref<80x128xf32, #tpu.memory_space<vmem>>, %arg17: memref<80x128xf32, #tpu.memory_space<vmem>>, %arg18: memref<80xf32, #tpu.memory_space<vmem>>, %arg19: memref<10000x128xf32, #tpu.memory_space<vmem_shared>>, %arg20: memref<10240xf32, #tpu.memory_space<vmem_shared>>, %arg21: memref<!tpu.dma_semaphore, #tpu.memory_space<semaphore_mem>>, %arg22: memref<!tpu.dma_semaphore, #tpu.memory_space<semaphore_mem>>, %arg23: memref<!tpu.dma_semaphore, #tpu.memory_space<semaphore_mem>>, %arg24: memref<!tpu.dma_semaphore, #tpu.memory_space<semaphore_mem>>, %arg25: memref<!tpu.dma_semaphore, #tpu.memory_space<semaphore_mem>>, %arg26: memref<!tpu.dma_semaphore, #tpu.memory_space<semaphore_mem>>, %arg27: memref<!tpu.dma_semaphore, #tpu.memory_space<semaphore_mem>>, %arg28: memref<!tpu.dma_semaphore, #tpu.memory_space<semaphore_mem>>) attributes {dimension_semantics = [#tpu.dimension_semantics<core_parallel>, #tpu.dimension_semantics<subcore_parallel>], iteration_bounds = array<i64: 2, 16>, scalar_prefetch = 0 : i64, scratch_operands = 17 : i64, tpu.core_type = #tpu.core_type<sc_vector_subcore>, window_params = [{transform_indices = #map}, {transform_indices = #map1}, {transform_indices = #map2}, {transform_indices = #map2}, {transform_indices = #map}, {transform_indices = #map}, {transform_indices = #map2}, {transform_indices = #map2}, {transform_indices = #map}, {transform_indices = #map}]} {
    %mul3A = arith.constant 16 : i32
    %mul3A_0 = arith.muli %arg0, %mul3A : i32
    %add3A = arith.addi %mul3A_0, %arg1 : i32
    %mul3A_1 = arith.constant 624 : i32
    %mul3A_2 = arith.muli %arg1, %mul3A_1 : i32
    "tpu.region"() ({
      %run_scoped3A = tpu.sem_alloc : memref<!tpu.dma_semaphore, #tpu.memory_space<semaphore_mem>>
      %dma_start3A = arith.constant 0 : i32
      %dma_start3A_41 = tpu.memref_slice %arg19[%mul3A_2, %dma_start3A] : memref<10000x128xf32, #tpu.memory_space<vmem_shared>> -> memref<624x128xf32, #tpu.memory_space<vmem_shared>>
      tpu.enqueue_dma source(%arg5 : memref<624x128xf32, #tpu.memory_space<hbm>>) target(%dma_start3A_41 : memref<624x128xf32, #tpu.memory_space<vmem_shared>>) target_semaphore(%run_scoped3A : memref<!tpu.dma_semaphore, #tpu.memory_space<semaphore_mem>>)
      %dma_wait3A = arith.constant 0 : i32
      %dma_wait3A_42 = tpu.memref_slice %arg19[%mul3A_2, %dma_wait3A] : memref<10000x128xf32, #tpu.memory_space<vmem_shared>> -> memref<624x128xf32, #tpu.memory_space<vmem_shared>>
      tpu.wait_dma2 semaphore(%run_scoped3A : memref<!tpu.dma_semaphore, #tpu.memory_space<semaphore_mem>>) src(%arg5 : memref<624x128xf32, #tpu.memory_space<hbm>>) dst(%dma_wait3A_42 : memref<624x128xf32, #tpu.memory_space<vmem_shared>>)
      tpu.yield
    }) : () -> ()
    %eq3A = arith.constant 0 : i32
    %eq3A_3 = arith.cmpi eq, %arg1, %eq3A : i32
    %convert_element_type3A = arith.extui %eq3A_3 : i1 to i32
    %cond3A = arith.constant 0 : i32
    %cond3A_4 = arith.cmpi ne, %convert_element_type3A, %cond3A : i32
    scf.if %cond3A_4 {
      "tpu.region"() ({
        %run_scoped3A = tpu.sem_alloc : memref<!tpu.dma_semaphore, #tpu.memory_space<semaphore_mem>>
        %dma_start3A = arith.constant 9984 : i32
        %dma_start3A_41 = arith.constant 0 : i32
        %dma_start3A_42 = tpu.memref_slice %arg19[%dma_start3A, %dma_start3A_41] : memref<10000x128xf32, #tpu.memory_space<vmem_shared>> -> memref<16x128xf32, #tpu.memory_space<vmem_shared>>
        %dma_start3A_43 = arith.constant 0 : i32
        %dma_start3A_44 = arith.constant 0 : i32
        %dma_start3A_45 = tpu.memref_slice %arg5[%dma_start3A_43, %dma_start3A_44] : memref<624x128xf32, #tpu.memory_space<hbm>> -> memref<16x128xf32, #tpu.memory_space<hbm>>
        tpu.enqueue_dma source(%dma_start3A_45 : memref<16x128xf32, #tpu.memory_space<hbm>>) target(%dma_start3A_42 : memref<16x128xf32, #tpu.memory_space<vmem_shared>>) target_semaphore(%run_scoped3A : memref<!tpu.dma_semaphore, #tpu.memory_space<semaphore_mem>>)
        %dma_wait3A = arith.constant 9984 : i32
        %dma_wait3A_46 = arith.constant 0 : i32
        %dma_wait3A_47 = tpu.memref_slice %arg19[%dma_wait3A, %dma_wait3A_46] : memref<10000x128xf32, #tpu.memory_space<vmem_shared>> -> memref<16x128xf32, #tpu.memory_space<vmem_shared>>
        %dma_wait3A_48 = arith.constant 0 : i32
        %dma_wait3A_49 = arith.constant 0 : i32
        %dma_wait3A_50 = tpu.memref_slice %arg5[%dma_wait3A_48, %dma_wait3A_49] : memref<624x128xf32, #tpu.memory_space<hbm>> -> memref<16x128xf32, #tpu.memory_space<hbm>>
        tpu.wait_dma2 semaphore(%run_scoped3A : memref<!tpu.dma_semaphore, #tpu.memory_space<semaphore_mem>>) src(%dma_wait3A_50 : memref<16x128xf32, #tpu.memory_space<hbm>>) dst(%dma_wait3A_47 : memref<16x128xf32, #tpu.memory_space<vmem_shared>>)
        tpu.yield
      }) : () -> ()
    } else {
    }
    "tpu.region"() ({
      %run_scoped3A = tpu.sem_alloc : memref<!tpu.dma_semaphore, #tpu.memory_space<semaphore_mem>>
      tpu.enqueue_dma source(%arg7 : memref<80xf32, #tpu.memory_space<hbm>>) target(%arg18 : memref<80xf32, #tpu.memory_space<vmem>>) target_semaphore(%run_scoped3A : memref<!tpu.dma_semaphore, #tpu.memory_space<semaphore_mem>>)
      tpu.wait_dma2 semaphore(%run_scoped3A : memref<!tpu.dma_semaphore, #tpu.memory_space<semaphore_mem>>) src(%arg7 : memref<80xf32, #tpu.memory_space<hbm>>) dst(%arg18 : memref<80xf32, #tpu.memory_space<vmem>>)
      tpu.yield
    }) : () -> ()
    %eq3A_5 = arith.constant 0 : i32
    %eq3A_6 = arith.cmpi eq, %arg1, %eq3A_5 : i32
    %convert_element_type3A_7 = arith.extui %eq3A_6 : i1 to i32
    %cond3A_8 = arith.constant 0 : i32
    %cond3A_9 = arith.cmpi ne, %convert_element_type3A_7, %cond3A_8 : i32
    scf.if %cond3A_9 {
      "tpu.region"() ({
        %run_scoped3A = tpu.sem_alloc : memref<!tpu.dma_semaphore, #tpu.memory_space<semaphore_mem>>
        tpu.enqueue_dma source(%arg6 : memref<10240xf32, #tpu.memory_space<hbm>>) target(%arg20 : memref<10240xf32, #tpu.memory_space<vmem_shared>>) target_semaphore(%run_scoped3A : memref<!tpu.dma_semaphore, #tpu.memory_space<semaphore_mem>>)
        tpu.wait_dma2 semaphore(%run_scoped3A : memref<!tpu.dma_semaphore, #tpu.memory_space<semaphore_mem>>) src(%arg6 : memref<10240xf32, #tpu.memory_space<hbm>>) dst(%arg20 : memref<10240xf32, #tpu.memory_space<vmem_shared>>)
        tpu.yield
      }) : () -> ()
    } else {
    }
    %barrier3A = arith.constant 0 : index
    tpu.barrier barrier_id(%barrier3A)
    %scan3A = arith.constant 0 : i32
    %scan3A_10 = arith.constant 0 : i32
    %scan3A_11 = arith.constant 5 : i32
    %scan3A_12 = arith.addi %scan3A_10, %scan3A_11 : i32
    %scan3A_13 = arith.constant 1 : i32
    scf.for %scan3A_41 = %scan3A_10 to %scan3A_12 step %scan3A_13  : i32 {
      %mul3A_42 = arith.constant 10000 : i32
      %mul3A_43 = arith.muli %add3A, %mul3A_42 : i32
      %mul3A_44 = arith.constant 2000 : i32
      %mul3A_45 = arith.muli %scan3A_41, %mul3A_44 : i32
      %add3A_46 = arith.addi %mul3A_43, %mul3A_45 : i32
      "tpu.region"() ({
        %run_scoped3A_669 = tpu.sem_alloc : memref<!tpu.dma_semaphore, #tpu.memory_space<semaphore_mem>>
        %dma_start3A_670 = tpu.memref_slice %arg2[%add3A_46] : memref<320000xi32, #tpu.memory_space<hbm>> -> memref<2000xi32, #tpu.memory_space<hbm>>
        %dma_start3A_671 = tpu.memref_slice %arg2[%add3A_46] : memref<320000xi32, #tpu.memory_space<hbm>> -> memref<2000xi32, #tpu.memory_space<hbm>>
        tpu.enqueue_dma source(%dma_start3A_671 : memref<2000xi32, #tpu.memory_space<hbm>>) target(%arg12 : memref<2000xi32, #tpu.memory_space<vmem>>) target_semaphore(%run_scoped3A_669 : memref<!tpu.dma_semaphore, #tpu.memory_space<semaphore_mem>>)
        %dma_wait3A_672 = tpu.memref_slice %arg2[%add3A_46] : memref<320000xi32, #tpu.memory_space<hbm>> -> memref<2000xi32, #tpu.memory_space<hbm>>
        %dma_wait3A_673 = tpu.memref_slice %arg2[%add3A_46] : memref<320000xi32, #tpu.memory_space<hbm>> -> memref<2000xi32, #tpu.memory_space<hbm>>
        tpu.wait_dma2 semaphore(%run_scoped3A_669 : memref<!tpu.dma_semaphore, #tpu.memory_space<semaphore_mem>>) src(%dma_wait3A_673 : memref<2000xi32, #tpu.memory_space<hbm>>) dst(%arg12 : memref<2000xi32, #tpu.memory_space<vmem>>)
        tpu.yield
      }) : () -> ()
      "tpu.region"() ({
        %run_scoped3A_669 = tpu.sem_alloc : memref<!tpu.dma_semaphore, #tpu.memory_space<semaphore_mem>>
        %dma_start3A_670 = arith.constant 0 : i32
        %dma_start3A_671 = arith.constant 0 : i32
        %dma_start3A_672 = tpu.memref_slice %arg3[%add3A, %scan3A_41, %dma_start3A_670, %dma_start3A_671] : memref<32x5x25x80xi32, #tpu.memory_space<hbm>> -> memref<1x1x25x80xi32, #tpu.memory_space<hbm>>
        %dma_start3A_673 = tpu.memref_squeeze %dma_start3A_672 : memref<1x1x25x80xi32, #tpu.memory_space<hbm>> -> memref<25x80xi32, #tpu.memory_space<hbm>>
        %dma_start3A_674 = arith.constant 0 : i32
        %dma_start3A_675 = arith.constant 0 : i32
        %dma_start3A_676 = tpu.memref_slice %arg3[%add3A, %scan3A_41, %dma_start3A_674, %dma_start3A_675] : memref<32x5x25x80xi32, #tpu.memory_space<hbm>> -> memref<1x1x25x80xi32, #tpu.memory_space<hbm>>
        %dma_start3A_677 = tpu.memref_squeeze %dma_start3A_676 : memref<1x1x25x80xi32, #tpu.memory_space<hbm>> -> memref<25x80xi32, #tpu.memory_space<hbm>>
        tpu.enqueue_dma source(%dma_start3A_677 : memref<25x80xi32, #tpu.memory_space<hbm>>) target(%arg13 : memref<25x80xi32, #tpu.memory_space<vmem>>) target_semaphore(%run_scoped3A_669 : memref<!tpu.dma_semaphore, #tpu.memory_space<semaphore_mem>>)
        %dma_wait3A_678 = arith.constant 0 : i32
        %dma_wait3A_679 = arith.constant 0 : i32
        %dma_wait3A_680 = tpu.memref_slice %arg3[%add3A, %scan3A_41, %dma_wait3A_678, %dma_wait3A_679] : memref<32x5x25x80xi32, #tpu.memory_space<hbm>> -> memref<1x1x25x80xi32, #tpu.memory_space<hbm>>
        %dma_wait3A_681 = tpu.memref_squeeze %dma_wait3A_680 : memref<1x1x25x80xi32, #tpu.memory_space<hbm>> -> memref<25x80xi32, #tpu.memory_space<hbm>>
        %dma_wait3A_682 = arith.constant 0 : i32
        %dma_wait3A_683 = arith.constant 0 : i32
        %dma_wait3A_684 = tpu.memref_slice %arg3[%add3A, %scan3A_41, %dma_wait3A_682, %dma_wait3A_683] : memref<32x5x25x80xi32, #tpu.memory_space<hbm>> -> memref<1x1x25x80xi32, #tpu.memory_space<hbm>>
        %dma_wait3A_685 = tpu.memref_squeeze %dma_wait3A_684 : memref<1x1x25x80xi32, #tpu.memory_space<hbm>> -> memref<25x80xi32, #tpu.memory_space<hbm>>
        tpu.wait_dma2 semaphore(%run_scoped3A_669 : memref<!tpu.dma_semaphore, #tpu.memory_space<semaphore_mem>>) src(%dma_wait3A_685 : memref<25x80xi32, #tpu.memory_space<hbm>>) dst(%arg13 : memref<25x80xi32, #tpu.memory_space<vmem>>)
        tpu.yield
      }) : () -> ()
      %dma_start3A = arith.constant 0 : i32
      %dma_start3A_47 = tpu.memref_slice %arg12[%dma_start3A] : memref<2000xi32, #tpu.memory_space<vmem>> -> memref<80xi32, #tpu.memory_space<vmem>>
      %dma_start3A_48 = arith.constant 0 : i32
      %dma_start3A_49 = arith.constant 0 : i32
      %dma_start3A_50 = tpu.memref_slice %arg4[%dma_start3A_48, %dma_start3A_49] : memref<10000x128xf32, #tpu.memory_space<hbm>> -> memref<10000x128xf32, #tpu.memory_space<hbm>>
      tpu.enqueue_indirect_dma source(%dma_start3A_50 : memref<10000x128xf32, #tpu.memory_space<hbm>>) target(%arg14 : memref<80x128xf32, #tpu.memory_space<vmem>>) offsets(%dma_start3A_47 : memref<80xi32, #tpu.memory_space<vmem>>) semaphore(%arg21 : memref<!tpu.dma_semaphore, #tpu.memory_space<semaphore_mem>>)
      %dma_start3A_51 = arith.constant 80 : i32
      %dma_start3A_52 = tpu.memref_slice %arg12[%dma_start3A_51] : memref<2000xi32, #tpu.memory_space<vmem>> -> memref<80xi32, #tpu.memory_space<vmem>>
      %dma_start3A_53 = arith.constant 0 : i32
      %dma_start3A_54 = arith.constant 0 : i32
      %dma_start3A_55 = tpu.memref_slice %arg4[%dma_start3A_53, %dma_start3A_54] : memref<10000x128xf32, #tpu.memory_space<hbm>> -> memref<10000x128xf32, #tpu.memory_space<hbm>>
      tpu.enqueue_indirect_dma source(%dma_start3A_55 : memref<10000x128xf32, #tpu.memory_space<hbm>>) target(%arg15 : memref<80x128xf32, #tpu.memory_space<vmem>>) offsets(%dma_start3A_52 : memref<80xi32, #tpu.memory_space<vmem>>) semaphore(%arg22 : memref<!tpu.dma_semaphore, #tpu.memory_space<semaphore_mem>>)
      %dma_start3A_56 = arith.constant 160 : i32
      %dma_start3A_57 = tpu.memref_slice %arg12[%dma_start3A_56] : memref<2000xi32, #tpu.memory_space<vmem>> -> memref<80xi32, #tpu.memory_space<vmem>>
      %dma_start3A_58 = arith.constant 0 : i32
      %dma_start3A_59 = arith.constant 0 : i32
      %dma_start3A_60 = tpu.memref_slice %arg4[%dma_start3A_58, %dma_start3A_59] : memref<10000x128xf32, #tpu.memory_space<hbm>> -> memref<10000x128xf32, #tpu.memory_space<hbm>>
      tpu.enqueue_indirect_dma source(%dma_start3A_60 : memref<10000x128xf32, #tpu.memory_space<hbm>>) target(%arg16 : memref<80x128xf32, #tpu.memory_space<vmem>>) offsets(%dma_start3A_57 : memref<80xi32, #tpu.memory_space<vmem>>) semaphore(%arg23 : memref<!tpu.dma_semaphore, #tpu.memory_space<semaphore_mem>>)
      %dma_wait3A = arith.constant 0 : i32
      %dma_wait3A_61 = tpu.memref_slice %arg12[%dma_wait3A] : memref<2000xi32, #tpu.memory_space<vmem>> -> memref<80xi32, #tpu.memory_space<vmem>>
      %dma_wait3A_62 = arith.constant 0 : i32
      %dma_wait3A_63 = arith.constant 0 : i32
      %dma_wait3A_64 = tpu.memref_slice %arg4[%dma_wait3A_62, %dma_wait3A_63] : memref<10000x128xf32, #tpu.memory_space<hbm>> -> memref<10000x128xf32, #tpu.memory_space<hbm>>
      tpu.wait_indirect_dma semaphore(%arg21 : memref<!tpu.dma_semaphore, #tpu.memory_space<semaphore_mem>>) src(%dma_wait3A_64 : memref<10000x128xf32, #tpu.memory_space<hbm>>) dst(%arg14 : memref<80x128xf32, #tpu.memory_space<vmem>>)
      %dma_start3A_65 = arith.constant 0 : i32
      %dma_start3A_66 = arith.constant 0 : i32
      %dma_start3A_67 = tpu.memref_slice %arg13[%dma_start3A_65, %dma_start3A_66] : memref<25x80xi32, #tpu.memory_space<vmem>> -> memref<1x80xi32, #tpu.memory_space<vmem>>
      %dma_start3A_68 = tpu.memref_squeeze %dma_start3A_67 : memref<1x80xi32, #tpu.memory_space<vmem>> -> memref<80xi32, #tpu.memory_space<vmem>>
      %dma_start3A_69 = arith.constant 0 : i32
      %dma_start3A_70 = arith.constant 0 : i32
      %dma_start3A_71 = tpu.memref_slice %arg19[%dma_start3A_69, %dma_start3A_70] : memref<10000x128xf32, #tpu.memory_space<vmem_shared>> -> memref<10000x128xf32, #tpu.memory_space<vmem_shared>>
      tpu.enqueue_indirect_dma source(%arg14 : memref<80x128xf32, #tpu.memory_space<vmem>>) target(%dma_start3A_71 : memref<10000x128xf32, #tpu.memory_space<vmem_shared>>) offsets(%dma_start3A_68 : memref<80xi32, #tpu.memory_space<vmem>>) semaphore(%arg25 : memref<!tpu.dma_semaphore, #tpu.memory_space<semaphore_mem>>) {add = true}
      %run_scoped3A = arith.constant 0 : i32
      "tpu.region"() ({
        %run_scoped3A_669 = tpu.sem_alloc : memref<!tpu.dma_semaphore, #tpu.memory_space<semaphore_mem>>
        %dma_start3A_670 = arith.constant 0 : i32
        %dma_start3A_671 = tpu.memref_slice %arg13[%run_scoped3A, %dma_start3A_670] : memref<25x80xi32, #tpu.memory_space<vmem>> -> memref<1x80xi32, #tpu.memory_space<vmem>>
        %dma_start3A_672 = tpu.memref_squeeze %dma_start3A_671 : memref<1x80xi32, #tpu.memory_space<vmem>> -> memref<80xi32, #tpu.memory_space<vmem>>
        %dma_start3A_673 = arith.constant 0 : i32
        %dma_start3A_674 = tpu.memref_slice %arg20[%dma_start3A_673] : memref<10240xf32, #tpu.memory_space<vmem_shared>> -> memref<10240xf32, #tpu.memory_space<vmem_shared>>
        tpu.enqueue_indirect_dma source(%arg18 : memref<80xf32, #tpu.memory_space<vmem>>) target(%dma_start3A_674 : memref<10240xf32, #tpu.memory_space<vmem_shared>>) offsets(%dma_start3A_672 : memref<80xi32, #tpu.memory_space<vmem>>) semaphore(%run_scoped3A_669 : memref<!tpu.dma_semaphore, #tpu.memory_space<semaphore_mem>>) {add = true}
        %dma_wait3A_675 = arith.constant 0 : i32
        %dma_wait3A_676 = tpu.memref_slice %arg13[%run_scoped3A, %dma_wait3A_675] : memref<25x80xi32, #tpu.memory_space<vmem>> -> memref<1x80xi32, #tpu.memory_space<vmem>>
        %dma_wait3A_677 = tpu.memref_squeeze %dma_wait3A_676 : memref<1x80xi32, #tpu.memory_space<vmem>> -> memref<80xi32, #tpu.memory_space<vmem>>
        %dma_wait3A_678 = arith.constant 0 : i32
        %dma_wait3A_679 = tpu.memref_slice %arg20[%dma_wait3A_678] : memref<10240xf32, #tpu.memory_space<vmem_shared>> -> memref<10240xf32, #tpu.memory_space<vmem_shared>>
        tpu.wait_indirect_dma semaphore(%run_scoped3A_669 : memref<!tpu.dma_semaphore, #tpu.memory_space<semaphore_mem>>) src(%arg18 : memref<80xf32, #tpu.memory_space<vmem>>) dst(%dma_wait3A_679 : memref<10240xf32, #tpu.memory_space<vmem_shared>>)
        tpu.yield
      }) : () -> ()
      %dma_start3A_72 = arith.constant 240 : i32
      %dma_start3A_73 = tpu.memref_slice %arg12[%dma_start3A_72] : memref<2000xi32, #tpu.memory_space<vmem>> -> memref<80xi32, #tpu.memory_space<vmem>>
      %dma_start3A_74 = arith.constant 0 : i32
      %dma_start3A_75 = arith.constant 0 : i32
      %dma_start3A_76 = tpu.memref_slice %arg4[%dma_start3A_74, %dma_start3A_75] : memref<10000x128xf32, #tpu.memory_space<hbm>> -> memref<10000x128xf32, #tpu.memory_space<hbm>>
      tpu.enqueue_indirect_dma source(%dma_start3A_76 : memref<10000x128xf32, #tpu.memory_space<hbm>>) target(%arg17 : memref<80x128xf32, #tpu.memory_space<vmem>>) offsets(%dma_start3A_73 : memref<80xi32, #tpu.memory_space<vmem>>) semaphore(%arg24 : memref<!tpu.dma_semaphore, #tpu.memory_space<semaphore_mem>>)
      %dma_wait3A_77 = arith.constant 80 : i32
      %dma_wait3A_78 = tpu.memref_slice %arg12[%dma_wait3A_77] : memref<2000xi32, #tpu.memory_space<vmem>> -> memref<80xi32, #tpu.memory_space<vmem>>
      %dma_wait3A_79 = arith.constant 0 : i32
      %dma_wait3A_80 = arith.constant 0 : i32
      %dma_wait3A_81 = tpu.memref_slice %arg4[%dma_wait3A_79, %dma_wait3A_80] : memref<10000x128xf32, #tpu.memory_space<hbm>> -> memref<10000x128xf32, #tpu.memory_space<hbm>>
      tpu.wait_indirect_dma semaphore(%arg22 : memref<!tpu.dma_semaphore, #tpu.memory_space<semaphore_mem>>) src(%dma_wait3A_81 : memref<10000x128xf32, #tpu.memory_space<hbm>>) dst(%arg15 : memref<80x128xf32, #tpu.memory_space<vmem>>)
      %dma_start3A_82 = arith.constant 1 : i32
      %dma_start3A_83 = arith.constant 0 : i32
      %dma_start3A_84 = tpu.memref_slice %arg13[%dma_start3A_82, %dma_start3A_83] : memref<25x80xi32, #tpu.memory_space<vmem>> -> memref<1x80xi32, #tpu.memory_space<vmem>>
      %dma_start3A_85 = tpu.memref_squeeze %dma_start3A_84 : memref<1x80xi32, #tpu.memory_space<vmem>> -> memref<80xi32, #tpu.memory_space<vmem>>
      %dma_start3A_86 = arith.constant 0 : i32
      %dma_start3A_87 = arith.constant 0 : i32
      %dma_start3A_88 = tpu.memref_slice %arg19[%dma_start3A_86, %dma_start3A_87] : memref<10000x128xf32, #tpu.memory_space<vmem_shared>> -> memref<10000x128xf32, #tpu.memory_space<vmem_shared>>
      tpu.enqueue_indirect_dma source(%arg15 : memref<80x128xf32, #tpu.memory_space<vmem>>) target(%dma_start3A_88 : memref<10000x128xf32, #tpu.memory_space<vmem_shared>>) offsets(%dma_start3A_85 : memref<80xi32, #tpu.memory_space<vmem>>) semaphore(%arg26 : memref<!tpu.dma_semaphore, #tpu.memory_space<semaphore_mem>>) {add = true}
      %run_scoped3A_89 = arith.constant 1 : i32
      "tpu.region"() ({
        %run_scoped3A_669 = tpu.sem_alloc : memref<!tpu.dma_semaphore, #tpu.memory_space<semaphore_mem>>
        %dma_start3A_670 = arith.constant 0 : i32
        %dma_start3A_671 = tpu.memref_slice %arg13[%run_scoped3A_89, %dma_start3A_670] : memref<25x80xi32, #tpu.memory_space<vmem>> -> memref<1x80xi32, #tpu.memory_space<vmem>>
        %dma_start3A_672 = tpu.memref_squeeze %dma_start3A_671 : memref<1x80xi32, #tpu.memory_space<vmem>> -> memref<80xi32, #tpu.memory_space<vmem>>
        %dma_start3A_673 = arith.constant 0 : i32
        %dma_start3A_674 = tpu.memref_slice %arg20[%dma_start3A_673] : memref<10240xf32, #tpu.memory_space<vmem_shared>> -> memref<10240xf32, #tpu.memory_space<vmem_shared>>
        tpu.enqueue_indirect_dma source(%arg18 : memref<80xf32, #tpu.memory_space<vmem>>) target(%dma_start3A_674 : memref<10240xf32, #tpu.memory_space<vmem_shared>>) offsets(%dma_start3A_672 : memref<80xi32, #tpu.memory_space<vmem>>) semaphore(%run_scoped3A_669 : memref<!tpu.dma_semaphore, #tpu.memory_space<semaphore_mem>>) {add = true}
        %dma_wait3A_675 = arith.constant 0 : i32
        %dma_wait3A_676 = tpu.memref_slice %arg13[%run_scoped3A_89, %dma_wait3A_675] : memref<25x80xi32, #tpu.memory_space<vmem>> -> memref<1x80xi32, #tpu.memory_space<vmem>>
        %dma_wait3A_677 = tpu.memref_squeeze %dma_wait3A_676 : memref<1x80xi32, #tpu.memory_space<vmem>> -> memref<80xi32, #tpu.memory_space<vmem>>
        %dma_wait3A_678 = arith.constant 0 : i32
        %dma_wait3A_679 = tpu.memref_slice %arg20[%dma_wait3A_678] : memref<10240xf32, #tpu.memory_space<vmem_shared>> -> memref<10240xf32, #tpu.memory_space<vmem_shared>>
        tpu.wait_indirect_dma semaphore(%run_scoped3A_669 : memref<!tpu.dma_semaphore, #tpu.memory_space<semaphore_mem>>) src(%arg18 : memref<80xf32, #tpu.memory_space<vmem>>) dst(%dma_wait3A_679 : memref<10240xf32, #tpu.memory_space<vmem_shared>>)
        tpu.yield
      }) : () -> ()
      %dma_wait3A_90 = arith.constant 0 : i32
      %dma_wait3A_91 = arith.constant 0 : i32
      %dma_wait3A_92 = tpu.memref_slice %arg13[%dma_wait3A_90, %dma_wait3A_91] : memref<25x80xi32, #tpu.memory_space<vmem>> -> memref<1x80xi32, #tpu.memory_space<vmem>>
      %dma_wait3A_93 = tpu.memref_squeeze %dma_wait3A_92 : memref<1x80xi32, #tpu.memory_space<vmem>> -> memref<80xi32, #tpu.memory_space<vmem>>
      %dma_wait3A_94 = arith.constant 0 : i32
      %dma_wait3A_95 = arith.constant 0 : i32
      %dma_wait3A_96 = tpu.memref_slice %arg19[%dma_wait3A_94, %dma_wait3A_95] : memref<10000x128xf32, #tpu.memory_space<vmem_shared>> -> memref<10000x128xf32, #tpu.memory_space<vmem_shared>>
      tpu.wait_indirect_dma semaphore(%arg25 : memref<!tpu.dma_semaphore, #tpu.memory_space<semaphore_mem>>) src(%arg14 : memref<80x128xf32, #tpu.memory_space<vmem>>) dst(%dma_wait3A_96 : memref<10000x128xf32, #tpu.memory_space<vmem_shared>>)
      %dma_start3A_97 = arith.constant 320 : i32
      %dma_start3A_98 = tpu.memref_slice %arg12[%dma_start3A_97] : memref<2000xi32, #tpu.memory_space<vmem>> -> memref<80xi32, #tpu.memory_space<vmem>>
      %dma_start3A_99 = arith.constant 0 : i32
      %dma_start3A_100 = arith.constant 0 : i32
      %dma_start3A_101 = tpu.memref_slice %arg4[%dma_start3A_99, %dma_start3A_100] : memref<10000x128xf32, #tpu.memory_space<hbm>> -> memref<10000x128xf32, #tpu.memory_space<hbm>>
      tpu.enqueue_indirect_dma source(%dma_start3A_101 : memref<10000x128xf32, #tpu.memory_space<hbm>>) target(%arg14 : memref<80x128xf32, #tpu.memory_space<vmem>>) offsets(%dma_start3A_98 : memref<80xi32, #tpu.memory_space<vmem>>) semaphore(%arg21 : memref<!tpu.dma_semaphore, #tpu.memory_space<semaphore_mem>>)
      %dma_wait3A_102 = arith.constant 160 : i32
      %dma_wait3A_103 = tpu.memref_slice %arg12[%dma_wait3A_102] : memref<2000xi32, #tpu.memory_space<vmem>> -> memref<80xi32, #tpu.memory_space<vmem>>
      %dma_wait3A_104 = arith.constant 0 : i32
      %dma_wait3A_105 = arith.constant 0 : i32
      %dma_wait3A_106 = tpu.memref_slice %arg4[%dma_wait3A_104, %dma_wait3A_105] : memref<10000x128xf32, #tpu.memory_space<hbm>> -> memref<10000x128xf32, #tpu.memory_space<hbm>>
      tpu.wait_indirect_dma semaphore(%arg23 : memref<!tpu.dma_semaphore, #tpu.memory_space<semaphore_mem>>) src(%dma_wait3A_106 : memref<10000x128xf32, #tpu.memory_space<hbm>>) dst(%arg16 : memref<80x128xf32, #tpu.memory_space<vmem>>)
      %dma_start3A_107 = arith.constant 2 : i32
      %dma_start3A_108 = arith.constant 0 : i32
      %dma_start3A_109 = tpu.memref_slice %arg13[%dma_start3A_107, %dma_start3A_108] : memref<25x80xi32, #tpu.memory_space<vmem>> -> memref<1x80xi32, #tpu.memory_space<vmem>>
      %dma_start3A_110 = tpu.memref_squeeze %dma_start3A_109 : memref<1x80xi32, #tpu.memory_space<vmem>> -> memref<80xi32, #tpu.memory_space<vmem>>
      %dma_start3A_111 = arith.constant 0 : i32
      %dma_start3A_112 = arith.constant 0 : i32
      %dma_start3A_113 = tpu.memref_slice %arg19[%dma_start3A_111, %dma_start3A_112] : memref<10000x128xf32, #tpu.memory_space<vmem_shared>> -> memref<10000x128xf32, #tpu.memory_space<vmem_shared>>
      tpu.enqueue_indirect_dma source(%arg16 : memref<80x128xf32, #tpu.memory_space<vmem>>) target(%dma_start3A_113 : memref<10000x128xf32, #tpu.memory_space<vmem_shared>>) offsets(%dma_start3A_110 : memref<80xi32, #tpu.memory_space<vmem>>) semaphore(%arg27 : memref<!tpu.dma_semaphore, #tpu.memory_space<semaphore_mem>>) {add = true}
      %run_scoped3A_114 = arith.constant 2 : i32
      "tpu.region"() ({
        %run_scoped3A_669 = tpu.sem_alloc : memref<!tpu.dma_semaphore, #tpu.memory_space<semaphore_mem>>
        %dma_start3A_670 = arith.constant 0 : i32
        %dma_start3A_671 = tpu.memref_slice %arg13[%run_scoped3A_114, %dma_start3A_670] : memref<25x80xi32, #tpu.memory_space<vmem>> -> memref<1x80xi32, #tpu.memory_space<vmem>>
        %dma_start3A_672 = tpu.memref_squeeze %dma_start3A_671 : memref<1x80xi32, #tpu.memory_space<vmem>> -> memref<80xi32, #tpu.memory_space<vmem>>
        %dma_start3A_673 = arith.constant 0 : i32
        %dma_start3A_674 = tpu.memref_slice %arg20[%dma_start3A_673] : memref<10240xf32, #tpu.memory_space<vmem_shared>> -> memref<10240xf32, #tpu.memory_space<vmem_shared>>
        tpu.enqueue_indirect_dma source(%arg18 : memref<80xf32, #tpu.memory_space<vmem>>) target(%dma_start3A_674 : memref<10240xf32, #tpu.memory_space<vmem_shared>>) offsets(%dma_start3A_672 : memref<80xi32, #tpu.memory_space<vmem>>) semaphore(%run_scoped3A_669 : memref<!tpu.dma_semaphore, #tpu.memory_space<semaphore_mem>>) {add = true}
        %dma_wait3A_675 = arith.constant 0 : i32
        %dma_wait3A_676 = tpu.memref_slice %arg13[%run_scoped3A_114, %dma_wait3A_675] : memref<25x80xi32, #tpu.memory_space<vmem>> -> memref<1x80xi32, #tpu.memory_space<vmem>>
        %dma_wait3A_677 = tpu.memref_squeeze %dma_wait3A_676 : memref<1x80xi32, #tpu.memory_space<vmem>> -> memref<80xi32, #tpu.memory_space<vmem>>
        %dma_wait3A_678 = arith.constant 0 : i32
        %dma_wait3A_679 = tpu.memref_slice %arg20[%dma_wait3A_678] : memref<10240xf32, #tpu.memory_space<vmem_shared>> -> memref<10240xf32, #tpu.memory_space<vmem_shared>>
        tpu.wait_indirect_dma semaphore(%run_scoped3A_669 : memref<!tpu.dma_semaphore, #tpu.memory_space<semaphore_mem>>) src(%arg18 : memref<80xf32, #tpu.memory_space<vmem>>) dst(%dma_wait3A_679 : memref<10240xf32, #tpu.memory_space<vmem_shared>>)
        tpu.yield
      }) : () -> ()
      %dma_wait3A_115 = arith.constant 1 : i32
      %dma_wait3A_116 = arith.constant 0 : i32
      %dma_wait3A_117 = tpu.memref_slice %arg13[%dma_wait3A_115, %dma_wait3A_116] : memref<25x80xi32, #tpu.memory_space<vmem>> -> memref<1x80xi32, #tpu.memory_space<vmem>>
      %dma_wait3A_118 = tpu.memref_squeeze %dma_wait3A_117 : memref<1x80xi32, #tpu.memory_space<vmem>> -> memref<80xi32, #tpu.memory_space<vmem>>
      %dma_wait3A_119 = arith.constant 0 : i32
      %dma_wait3A_120 = arith.constant 0 : i32
      %dma_wait3A_121 = tpu.memref_slice %arg19[%dma_wait3A_119, %dma_wait3A_120] : memref<10000x128xf32, #tpu.memory_space<vmem_shared>> -> memref<10000x128xf32, #tpu.memory_space<vmem_shared>>
      tpu.wait_indirect_dma semaphore(%arg26 : memref<!tpu.dma_semaphore, #tpu.memory_space<semaphore_mem>>) src(%arg15 : memref<80x128xf32, #tpu.memory_space<vmem>>) dst(%dma_wait3A_121 : memref<10000x128xf32, #tpu.memory_space<vmem_shared>>)
      %dma_start3A_122 = arith.constant 400 : i32
      %dma_start3A_123 = tpu.memref_slice %arg12[%dma_start3A_122] : memref<2000xi32, #tpu.memory_space<vmem>> -> memref<80xi32, #tpu.memory_space<vmem>>
      %dma_start3A_124 = arith.constant 0 : i32
      %dma_start3A_125 = arith.constant 0 : i32
      %dma_start3A_126 = tpu.memref_slice %arg4[%dma_start3A_124, %dma_start3A_125] : memref<10000x128xf32, #tpu.memory_space<hbm>> -> memref<10000x128xf32, #tpu.memory_space<hbm>>
      tpu.enqueue_indirect_dma source(%dma_start3A_126 : memref<10000x128xf32, #tpu.memory_space<hbm>>) target(%arg15 : memref<80x128xf32, #tpu.memory_space<vmem>>) offsets(%dma_start3A_123 : memref<80xi32, #tpu.memory_space<vmem>>) semaphore(%arg22 : memref<!tpu.dma_semaphore, #tpu.memory_space<semaphore_mem>>)
      %dma_wait3A_127 = arith.constant 240 : i32
      %dma_wait3A_128 = tpu.memref_slice %arg12[%dma_wait3A_127] : memref<2000xi32, #tpu.memory_space<vmem>> -> memref<80xi32, #tpu.memory_space<vmem>>
      %dma_wait3A_129 = arith.constant 0 : i32
      %dma_wait3A_130 = arith.constant 0 : i32
      %dma_wait3A_131 = tpu.memref_slice %arg4[%dma_wait3A_129, %dma_wait3A_130] : memref<10000x128xf32, #tpu.memory_space<hbm>> -> memref<10000x128xf32, #tpu.memory_space<hbm>>
      tpu.wait_indirect_dma semaphore(%arg24 : memref<!tpu.dma_semaphore, #tpu.memory_space<semaphore_mem>>) src(%dma_wait3A_131 : memref<10000x128xf32, #tpu.memory_space<hbm>>) dst(%arg17 : memref<80x128xf32, #tpu.memory_space<vmem>>)
      %dma_start3A_132 = arith.constant 3 : i32
      %dma_start3A_133 = arith.constant 0 : i32
      %dma_start3A_134 = tpu.memref_slice %arg13[%dma_start3A_132, %dma_start3A_133] : memref<25x80xi32, #tpu.memory_space<vmem>> -> memref<1x80xi32, #tpu.memory_space<vmem>>
      %dma_start3A_135 = tpu.memref_squeeze %dma_start3A_134 : memref<1x80xi32, #tpu.memory_space<vmem>> -> memref<80xi32, #tpu.memory_space<vmem>>
      %dma_start3A_136 = arith.constant 0 : i32
      %dma_start3A_137 = arith.constant 0 : i32
      %dma_start3A_138 = tpu.memref_slice %arg19[%dma_start3A_136, %dma_start3A_137] : memref<10000x128xf32, #tpu.memory_space<vmem_shared>> -> memref<10000x128xf32, #tpu.memory_space<vmem_shared>>
      tpu.enqueue_indirect_dma source(%arg17 : memref<80x128xf32, #tpu.memory_space<vmem>>) target(%dma_start3A_138 : memref<10000x128xf32, #tpu.memory_space<vmem_shared>>) offsets(%dma_start3A_135 : memref<80xi32, #tpu.memory_space<vmem>>) semaphore(%arg28 : memref<!tpu.dma_semaphore, #tpu.memory_space<semaphore_mem>>) {add = true}
      %run_scoped3A_139 = arith.constant 3 : i32
      "tpu.region"() ({
        %run_scoped3A_669 = tpu.sem_alloc : memref<!tpu.dma_semaphore, #tpu.memory_space<semaphore_mem>>
        %dma_start3A_670 = arith.constant 0 : i32
        %dma_start3A_671 = tpu.memref_slice %arg13[%run_scoped3A_139, %dma_start3A_670] : memref<25x80xi32, #tpu.memory_space<vmem>> -> memref<1x80xi32, #tpu.memory_space<vmem>>
        %dma_start3A_672 = tpu.memref_squeeze %dma_start3A_671 : memref<1x80xi32, #tpu.memory_space<vmem>> -> memref<80xi32, #tpu.memory_space<vmem>>
        %dma_start3A_673 = arith.constant 0 : i32
        %dma_start3A_674 = tpu.memref_slice %arg20[%dma_start3A_673] : memref<10240xf32, #tpu.memory_space<vmem_shared>> -> memref<10240xf32, #tpu.memory_space<vmem_shared>>
        tpu.enqueue_indirect_dma source(%arg18 : memref<80xf32, #tpu.memory_space<vmem>>) target(%dma_start3A_674 : memref<10240xf32, #tpu.memory_space<vmem_shared>>) offsets(%dma_start3A_672 : memref<80xi32, #tpu.memory_space<vmem>>) semaphore(%run_scoped3A_669 : memref<!tpu.dma_semaphore, #tpu.memory_space<semaphore_mem>>) {add = true}
        %dma_wait3A_675 = arith.constant 0 : i32
        %dma_wait3A_676 = tpu.memref_slice %arg13[%run_scoped3A_139, %dma_wait3A_675] : memref<25x80xi32, #tpu.memory_space<vmem>> -> memref<1x80xi32, #tpu.memory_space<vmem>>
        %dma_wait3A_677 = tpu.memref_squeeze %dma_wait3A_676 : memref<1x80xi32, #tpu.memory_space<vmem>> -> memref<80xi32, #tpu.memory_space<vmem>>
        %dma_wait3A_678 = arith.constant 0 : i32
        %dma_wait3A_679 = tpu.memref_slice %arg20[%dma_wait3A_678] : memref<10240xf32, #tpu.memory_space<vmem_shared>> -> memref<10240xf32, #tpu.memory_space<vmem_shared>>
        tpu.wait_indirect_dma semaphore(%run_scoped3A_669 : memref<!tpu.dma_semaphore, #tpu.memory_space<semaphore_mem>>) src(%arg18 : memref<80xf32, #tpu.memory_space<vmem>>) dst(%dma_wait3A_679 : memref<10240xf32, #tpu.memory_space<vmem_shared>>)
        tpu.yield
      }) : () -> ()
      %dma_wait3A_140 = arith.constant 2 : i32
      %dma_wait3A_141 = arith.constant 0 : i32
      %dma_wait3A_142 = tpu.memref_slice %arg13[%dma_wait3A_140, %dma_wait3A_141] : memref<25x80xi32, #tpu.memory_space<vmem>> -> memref<1x80xi32, #tpu.memory_space<vmem>>
      %dma_wait3A_143 = tpu.memref_squeeze %dma_wait3A_142 : memref<1x80xi32, #tpu.memory_space<vmem>> -> memref<80xi32, #tpu.memory_space<vmem>>
      %dma_wait3A_144 = arith.constant 0 : i32
      %dma_wait3A_145 = arith.constant 0 : i32
      %dma_wait3A_146 = tpu.memref_slice %arg19[%dma_wait3A_144, %dma_wait3A_145] : memref<10000x128xf32, #tpu.memory_space<vmem_shared>> -> memref<10000x128xf32, #tpu.memory_space<vmem_shared>>
      tpu.wait_indirect_dma semaphore(%arg27 : memref<!tpu.dma_semaphore, #tpu.memory_space<semaphore_mem>>) src(%arg16 : memref<80x128xf32, #tpu.memory_space<vmem>>) dst(%dma_wait3A_146 : memref<10000x128xf32, #tpu.memory_space<vmem_shared>>)
      %dma_start3A_147 = arith.constant 480 : i32
      %dma_start3A_148 = tpu.memref_slice %arg12[%dma_start3A_147] : memref<2000xi32, #tpu.memory_space<vmem>> -> memref<80xi32, #tpu.memory_space<vmem>>
      %dma_start3A_149 = arith.constant 0 : i32
      %dma_start3A_150 = arith.constant 0 : i32
      %dma_start3A_151 = tpu.memref_slice %arg4[%dma_start3A_149, %dma_start3A_150] : memref<10000x128xf32, #tpu.memory_space<hbm>> -> memref<10000x128xf32, #tpu.memory_space<hbm>>
      tpu.enqueue_indirect_dma source(%dma_start3A_151 : memref<10000x128xf32, #tpu.memory_space<hbm>>) target(%arg16 : memref<80x128xf32, #tpu.memory_space<vmem>>) offsets(%dma_start3A_148 : memref<80xi32, #tpu.memory_space<vmem>>) semaphore(%arg23 : memref<!tpu.dma_semaphore, #tpu.memory_space<semaphore_mem>>)
      %dma_wait3A_152 = arith.constant 320 : i32
      %dma_wait3A_153 = tpu.memref_slice %arg12[%dma_wait3A_152] : memref<2000xi32, #tpu.memory_space<vmem>> -> memref<80xi32, #tpu.memory_space<vmem>>
      %dma_wait3A_154 = arith.constant 0 : i32
      %dma_wait3A_155 = arith.constant 0 : i32
      %dma_wait3A_156 = tpu.memref_slice %arg4[%dma_wait3A_154, %dma_wait3A_155] : memref<10000x128xf32, #tpu.memory_space<hbm>> -> memref<10000x128xf32, #tpu.memory_space<hbm>>
      tpu.wait_indirect_dma semaphore(%arg21 : memref<!tpu.dma_semaphore, #tpu.memory_space<semaphore_mem>>) src(%dma_wait3A_156 : memref<10000x128xf32, #tpu.memory_space<hbm>>) dst(%arg14 : memref<80x128xf32, #tpu.memory_space<vmem>>)
      %dma_start3A_157 = arith.constant 4 : i32
      %dma_start3A_158 = arith.constant 0 : i32
      %dma_start3A_159 = tpu.memref_slice %arg13[%dma_start3A_157, %dma_start3A_158] : memref<25x80xi32, #tpu.memory_space<vmem>> -> memref<1x80xi32, #tpu.memory_space<vmem>>
      %dma_start3A_160 = tpu.memref_squeeze %dma_start3A_159 : memref<1x80xi32, #tpu.memory_space<vmem>> -> memref<80xi32, #tpu.memory_space<vmem>>
      %dma_start3A_161 = arith.constant 0 : i32
      %dma_start3A_162 = arith.constant 0 : i32
      %dma_start3A_163 = tpu.memref_slice %arg19[%dma_start3A_161, %dma_start3A_162] : memref<10000x128xf32, #tpu.memory_space<vmem_shared>> -> memref<10000x128xf32, #tpu.memory_space<vmem_shared>>
      tpu.enqueue_indirect_dma source(%arg14 : memref<80x128xf32, #tpu.memory_space<vmem>>) target(%dma_start3A_163 : memref<10000x128xf32, #tpu.memory_space<vmem_shared>>) offsets(%dma_start3A_160 : memref<80xi32, #tpu.memory_space<vmem>>) semaphore(%arg25 : memref<!tpu.dma_semaphore, #tpu.memory_space<semaphore_mem>>) {add = true}
      %run_scoped3A_164 = arith.constant 4 : i32
      "tpu.region"() ({
        %run_scoped3A_669 = tpu.sem_alloc : memref<!tpu.dma_semaphore, #tpu.memory_space<semaphore_mem>>
        %dma_start3A_670 = arith.constant 0 : i32
        %dma_start3A_671 = tpu.memref_slice %arg13[%run_scoped3A_164, %dma_start3A_670] : memref<25x80xi32, #tpu.memory_space<vmem>> -> memref<1x80xi32, #tpu.memory_space<vmem>>
        %dma_start3A_672 = tpu.memref_squeeze %dma_start3A_671 : memref<1x80xi32, #tpu.memory_space<vmem>> -> memref<80xi32, #tpu.memory_space<vmem>>
        %dma_start3A_673 = arith.constant 0 : i32
        %dma_start3A_674 = tpu.memref_slice %arg20[%dma_start3A_673] : memref<10240xf32, #tpu.memory_space<vmem_shared>> -> memref<10240xf32, #tpu.memory_space<vmem_shared>>
        tpu.enqueue_indirect_dma source(%arg18 : memref<80xf32, #tpu.memory_space<vmem>>) target(%dma_start3A_674 : memref<10240xf32, #tpu.memory_space<vmem_shared>>) offsets(%dma_start3A_672 : memref<80xi32, #tpu.memory_space<vmem>>) semaphore(%run_scoped3A_669 : memref<!tpu.dma_semaphore, #tpu.memory_space<semaphore_mem>>) {add = true}
        %dma_wait3A_675 = arith.constant 0 : i32
        %dma_wait3A_676 = tpu.memref_slice %arg13[%run_scoped3A_164, %dma_wait3A_675] : memref<25x80xi32, #tpu.memory_space<vmem>> -> memref<1x80xi32, #tpu.memory_space<vmem>>
        %dma_wait3A_677 = tpu.memref_squeeze %dma_wait3A_676 : memref<1x80xi32, #tpu.memory_space<vmem>> -> memref<80xi32, #tpu.memory_space<vmem>>
        %dma_wait3A_678 = arith.constant 0 : i32
        %dma_wait3A_679 = tpu.memref_slice %arg20[%dma_wait3A_678] : memref<10240xf32, #tpu.memory_space<vmem_shared>> -> memref<10240xf32, #tpu.memory_space<vmem_shared>>
        tpu.wait_indirect_dma semaphore(%run_scoped3A_669 : memref<!tpu.dma_semaphore, #tpu.memory_space<semaphore_mem>>) src(%arg18 : memref<80xf32, #tpu.memory_space<vmem>>) dst(%dma_wait3A_679 : memref<10240xf32, #tpu.memory_space<vmem_shared>>)
        tpu.yield
      }) : () -> ()
      %dma_wait3A_165 = arith.constant 3 : i32
      %dma_wait3A_166 = arith.constant 0 : i32
      %dma_wait3A_167 = tpu.memref_slice %arg13[%dma_wait3A_165, %dma_wait3A_166] : memref<25x80xi32, #tpu.memory_space<vmem>> -> memref<1x80xi32, #tpu.memory_space<vmem>>
      %dma_wait3A_168 = tpu.memref_squeeze %dma_wait3A_167 : memref<1x80xi32, #tpu.memory_space<vmem>> -> memref<80xi32, #tpu.memory_space<vmem>>
      %dma_wait3A_169 = arith.constant 0 : i32
      %dma_wait3A_170 = arith.constant 0 : i32
      %dma_wait3A_171 = tpu.memref_slice %arg19[%dma_wait3A_169, %dma_wait3A_170] : memref<10000x128xf32, #tpu.memory_space<vmem_shared>> -> memref<10000x128xf32, #tpu.memory_space<vmem_shared>>
      tpu.wait_indirect_dma semaphore(%arg28 : memref<!tpu.dma_semaphore, #tpu.memory_space<semaphore_mem>>) src(%arg17 : memref<80x128xf32, #tpu.memory_space<vmem>>) dst(%dma_wait3A_171 : memref<10000x128xf32, #tpu.memory_space<vmem_shared>>)
      %dma_start3A_172 = arith.constant 560 : i32
      %dma_start3A_173 = tpu.memref_slice %arg12[%dma_start3A_172] : memref<2000xi32, #tpu.memory_space<vmem>> -> memref<80xi32, #tpu.memory_space<vmem>>
      %dma_start3A_174 = arith.constant 0 : i32
      %dma_start3A_175 = arith.constant 0 : i32
      %dma_start3A_176 = tpu.memref_slice %arg4[%dma_start3A_174, %dma_start3A_175] : memref<10000x128xf32, #tpu.memory_space<hbm>> -> memref<10000x128xf32, #tpu.memory_space<hbm>>
      tpu.enqueue_indirect_dma source(%dma_start3A_176 : memref<10000x128xf32, #tpu.memory_space<hbm>>) target(%arg17 : memref<80x128xf32, #tpu.memory_space<vmem>>) offsets(%dma_start3A_173 : memref<80xi32, #tpu.memory_space<vmem>>) semaphore(%arg24 : memref<!tpu.dma_semaphore, #tpu.memory_space<semaphore_mem>>)
      %dma_wait3A_177 = arith.constant 400 : i32
      %dma_wait3A_178 = tpu.memref_slice %arg12[%dma_wait3A_177] : memref<2000xi32, #tpu.memory_space<vmem>> -> memref<80xi32, #tpu.memory_space<vmem>>
      %dma_wait3A_179 = arith.constant 0 : i32
      %dma_wait3A_180 = arith.constant 0 : i32
      %dma_wait3A_181 = tpu.memref_slice %arg4[%dma_wait3A_179, %dma_wait3A_180] : memref<10000x128xf32, #tpu.memory_space<hbm>> -> memref<10000x128xf32, #tpu.memory_space<hbm>>
      tpu.wait_indirect_dma semaphore(%arg22 : memref<!tpu.dma_semaphore, #tpu.memory_space<semaphore_mem>>) src(%dma_wait3A_181 : memref<10000x128xf32, #tpu.memory_space<hbm>>) dst(%arg15 : memref<80x128xf32, #tpu.memory_space<vmem>>)
      %dma_start3A_182 = arith.constant 5 : i32
      %dma_start3A_183 = arith.constant 0 : i32
      %dma_start3A_184 = tpu.memref_slice %arg13[%dma_start3A_182, %dma_start3A_183] : memref<25x80xi32, #tpu.memory_space<vmem>> -> memref<1x80xi32, #tpu.memory_space<vmem>>
      %dma_start3A_185 = tpu.memref_squeeze %dma_start3A_184 : memref<1x80xi32, #tpu.memory_space<vmem>> -> memref<80xi32, #tpu.memory_space<vmem>>
      %dma_start3A_186 = arith.constant 0 : i32
      %dma_start3A_187 = arith.constant 0 : i32
      %dma_start3A_188 = tpu.memref_slice %arg19[%dma_start3A_186, %dma_start3A_187] : memref<10000x128xf32, #tpu.memory_space<vmem_shared>> -> memref<10000x128xf32, #tpu.memory_space<vmem_shared>>
      tpu.enqueue_indirect_dma source(%arg15 : memref<80x128xf32, #tpu.memory_space<vmem>>) target(%dma_start3A_188 : memref<10000x128xf32, #tpu.memory_space<vmem_shared>>) offsets(%dma_start3A_185 : memref<80xi32, #tpu.memory_space<vmem>>) semaphore(%arg26 : memref<!tpu.dma_semaphore, #tpu.memory_space<semaphore_mem>>) {add = true}
      %run_scoped3A_189 = arith.constant 5 : i32
      "tpu.region"() ({
        %run_scoped3A_669 = tpu.sem_alloc : memref<!tpu.dma_semaphore, #tpu.memory_space<semaphore_mem>>
        %dma_start3A_670 = arith.constant 0 : i32
        %dma_start3A_671 = tpu.memref_slice %arg13[%run_scoped3A_189, %dma_start3A_670] : memref<25x80xi32, #tpu.memory_space<vmem>> -> memref<1x80xi32, #tpu.memory_space<vmem>>
        %dma_start3A_672 = tpu.memref_squeeze %dma_start3A_671 : memref<1x80xi32, #tpu.memory_space<vmem>> -> memref<80xi32, #tpu.memory_space<vmem>>
        %dma_start3A_673 = arith.constant 0 : i32
        %dma_start3A_674 = tpu.memref_slice %arg20[%dma_start3A_673] : memref<10240xf32, #tpu.memory_space<vmem_shared>> -> memref<10240xf32, #tpu.memory_space<vmem_shared>>
        tpu.enqueue_indirect_dma source(%arg18 : memref<80xf32, #tpu.memory_space<vmem>>) target(%dma_start3A_674 : memref<10240xf32, #tpu.memory_space<vmem_shared>>) offsets(%dma_start3A_672 : memref<80xi32, #tpu.memory_space<vmem>>) semaphore(%run_scoped3A_669 : memref<!tpu.dma_semaphore, #tpu.memory_space<semaphore_mem>>) {add = true}
        %dma_wait3A_675 = arith.constant 0 : i32
        %dma_wait3A_676 = tpu.memref_slice %arg13[%run_scoped3A_189, %dma_wait3A_675] : memref<25x80xi32, #tpu.memory_space<vmem>> -> memref<1x80xi32, #tpu.memory_space<vmem>>
        %dma_wait3A_677 = tpu.memref_squeeze %dma_wait3A_676 : memref<1x80xi32, #tpu.memory_space<vmem>> -> memref<80xi32, #tpu.memory_space<vmem>>
        %dma_wait3A_678 = arith.constant 0 : i32
        %dma_wait3A_679 = tpu.memref_slice %arg20[%dma_wait3A_678] : memref<10240xf32, #tpu.memory_space<vmem_shared>> -> memref<10240xf32, #tpu.memory_space<vmem_shared>>
        tpu.wait_indirect_dma semaphore(%run_scoped3A_669 : memref<!tpu.dma_semaphore, #tpu.memory_space<semaphore_mem>>) src(%arg18 : memref<80xf32, #tpu.memory_space<vmem>>) dst(%dma_wait3A_679 : memref<10240xf32, #tpu.memory_space<vmem_shared>>)
        tpu.yield
      }) : () -> ()
      %dma_wait3A_190 = arith.constant 4 : i32
      %dma_wait3A_191 = arith.constant 0 : i32
      %dma_wait3A_192 = tpu.memref_slice %arg13[%dma_wait3A_190, %dma_wait3A_191] : memref<25x80xi32, #tpu.memory_space<vmem>> -> memref<1x80xi32, #tpu.memory_space<vmem>>
      %dma_wait3A_193 = tpu.memref_squeeze %dma_wait3A_192 : memref<1x80xi32, #tpu.memory_space<vmem>> -> memref<80xi32, #tpu.memory_space<vmem>>
      %dma_wait3A_194 = arith.constant 0 : i32
      %dma_wait3A_195 = arith.constant 0 : i32
      %dma_wait3A_196 = tpu.memref_slice %arg19[%dma_wait3A_194, %dma_wait3A_195] : memref<10000x128xf32, #tpu.memory_space<vmem_shared>> -> memref<10000x128xf32, #tpu.memory_space<vmem_shared>>
      tpu.wait_indirect_dma semaphore(%arg25 : memref<!tpu.dma_semaphore, #tpu.memory_space<semaphore_mem>>) src(%arg14 : memref<80x128xf32, #tpu.memory_space<vmem>>) dst(%dma_wait3A_196 : memref<10000x128xf32, #tpu.memory_space<vmem_shared>>)
      %dma_start3A_197 = arith.constant 640 : i32
      %dma_start3A_198 = tpu.memref_slice %arg12[%dma_start3A_197] : memref<2000xi32, #tpu.memory_space<vmem>> -> memref<80xi32, #tpu.memory_space<vmem>>
      %dma_start3A_199 = arith.constant 0 : i32
      %dma_start3A_200 = arith.constant 0 : i32
      %dma_start3A_201 = tpu.memref_slice %arg4[%dma_start3A_199, %dma_start3A_200] : memref<10000x128xf32, #tpu.memory_space<hbm>> -> memref<10000x128xf32, #tpu.memory_space<hbm>>
      tpu.enqueue_indirect_dma source(%dma_start3A_201 : memref<10000x128xf32, #tpu.memory_space<hbm>>) target(%arg14 : memref<80x128xf32, #tpu.memory_space<vmem>>) offsets(%dma_start3A_198 : memref<80xi32, #tpu.memory_space<vmem>>) semaphore(%arg21 : memref<!tpu.dma_semaphore, #tpu.memory_space<semaphore_mem>>)
      %dma_wait3A_202 = arith.constant 480 : i32
      %dma_wait3A_203 = tpu.memref_slice %arg12[%dma_wait3A_202] : memref<2000xi32, #tpu.memory_space<vmem>> -> memref<80xi32, #tpu.memory_space<vmem>>
      %dma_wait3A_204 = arith.constant 0 : i32
      %dma_wait3A_205 = arith.constant 0 : i32
      %dma_wait3A_206 = tpu.memref_slice %arg4[%dma_wait3A_204, %dma_wait3A_205] : memref<10000x128xf32, #tpu.memory_space<hbm>> -> memref<10000x128xf32, #tpu.memory_space<hbm>>
      tpu.wait_indirect_dma semaphore(%arg23 : memref<!tpu.dma_semaphore, #tpu.memory_space<semaphore_mem>>) src(%dma_wait3A_206 : memref<10000x128xf32, #tpu.memory_space<hbm>>) dst(%arg16 : memref<80x128xf32, #tpu.memory_space<vmem>>)
      %dma_start3A_207 = arith.constant 6 : i32
      %dma_start3A_208 = arith.constant 0 : i32
      %dma_start3A_209 = tpu.memref_slice %arg13[%dma_start3A_207, %dma_start3A_208] : memref<25x80xi32, #tpu.memory_space<vmem>> -> memref<1x80xi32, #tpu.memory_space<vmem>>
      %dma_start3A_210 = tpu.memref_squeeze %dma_start3A_209 : memref<1x80xi32, #tpu.memory_space<vmem>> -> memref<80xi32, #tpu.memory_space<vmem>>
      %dma_start3A_211 = arith.constant 0 : i32
      %dma_start3A_212 = arith.constant 0 : i32
      %dma_start3A_213 = tpu.memref_slice %arg19[%dma_start3A_211, %dma_start3A_212] : memref<10000x128xf32, #tpu.memory_space<vmem_shared>> -> memref<10000x128xf32, #tpu.memory_space<vmem_shared>>
      tpu.enqueue_indirect_dma source(%arg16 : memref<80x128xf32, #tpu.memory_space<vmem>>) target(%dma_start3A_213 : memref<10000x128xf32, #tpu.memory_space<vmem_shared>>) offsets(%dma_start3A_210 : memref<80xi32, #tpu.memory_space<vmem>>) semaphore(%arg27 : memref<!tpu.dma_semaphore, #tpu.memory_space<semaphore_mem>>) {add = true}
      %run_scoped3A_214 = arith.constant 6 : i32
      "tpu.region"() ({
        %run_scoped3A_669 = tpu.sem_alloc : memref<!tpu.dma_semaphore, #tpu.memory_space<semaphore_mem>>
        %dma_start3A_670 = arith.constant 0 : i32
        %dma_start3A_671 = tpu.memref_slice %arg13[%run_scoped3A_214, %dma_start3A_670] : memref<25x80xi32, #tpu.memory_space<vmem>> -> memref<1x80xi32, #tpu.memory_space<vmem>>
        %dma_start3A_672 = tpu.memref_squeeze %dma_start3A_671 : memref<1x80xi32, #tpu.memory_space<vmem>> -> memref<80xi32, #tpu.memory_space<vmem>>
        %dma_start3A_673 = arith.constant 0 : i32
        %dma_start3A_674 = tpu.memref_slice %arg20[%dma_start3A_673] : memref<10240xf32, #tpu.memory_space<vmem_shared>> -> memref<10240xf32, #tpu.memory_space<vmem_shared>>
        tpu.enqueue_indirect_dma source(%arg18 : memref<80xf32, #tpu.memory_space<vmem>>) target(%dma_start3A_674 : memref<10240xf32, #tpu.memory_space<vmem_shared>>) offsets(%dma_start3A_672 : memref<80xi32, #tpu.memory_space<vmem>>) semaphore(%run_scoped3A_669 : memref<!tpu.dma_semaphore, #tpu.memory_space<semaphore_mem>>) {add = true}
        %dma_wait3A_675 = arith.constant 0 : i32
        %dma_wait3A_676 = tpu.memref_slice %arg13[%run_scoped3A_214, %dma_wait3A_675] : memref<25x80xi32, #tpu.memory_space<vmem>> -> memref<1x80xi32, #tpu.memory_space<vmem>>
        %dma_wait3A_677 = tpu.memref_squeeze %dma_wait3A_676 : memref<1x80xi32, #tpu.memory_space<vmem>> -> memref<80xi32, #tpu.memory_space<vmem>>
        %dma_wait3A_678 = arith.constant 0 : i32
        %dma_wait3A_679 = tpu.memref_slice %arg20[%dma_wait3A_678] : memref<10240xf32, #tpu.memory_space<vmem_shared>> -> memref<10240xf32, #tpu.memory_space<vmem_shared>>
        tpu.wait_indirect_dma semaphore(%run_scoped3A_669 : memref<!tpu.dma_semaphore, #tpu.memory_space<semaphore_mem>>) src(%arg18 : memref<80xf32, #tpu.memory_space<vmem>>) dst(%dma_wait3A_679 : memref<10240xf32, #tpu.memory_space<vmem_shared>>)
        tpu.yield
      }) : () -> ()
      %dma_wait3A_215 = arith.constant 5 : i32
      %dma_wait3A_216 = arith.constant 0 : i32
      %dma_wait3A_217 = tpu.memref_slice %arg13[%dma_wait3A_215, %dma_wait3A_216] : memref<25x80xi32, #tpu.memory_space<vmem>> -> memref<1x80xi32, #tpu.memory_space<vmem>>
      %dma_wait3A_218 = tpu.memref_squeeze %dma_wait3A_217 : memref<1x80xi32, #tpu.memory_space<vmem>> -> memref<80xi32, #tpu.memory_space<vmem>>
      %dma_wait3A_219 = arith.constant 0 : i32
      %dma_wait3A_220 = arith.constant 0 : i32
      %dma_wait3A_221 = tpu.memref_slice %arg19[%dma_wait3A_219, %dma_wait3A_220] : memref<10000x128xf32, #tpu.memory_space<vmem_shared>> -> memref<10000x128xf32, #tpu.memory_space<vmem_shared>>
      tpu.wait_indirect_dma semaphore(%arg26 : memref<!tpu.dma_semaphore, #tpu.memory_space<semaphore_mem>>) src(%arg15 : memref<80x128xf32, #tpu.memory_space<vmem>>) dst(%dma_wait3A_221 : memref<10000x128xf32, #tpu.memory_space<vmem_shared>>)
      %dma_start3A_222 = arith.constant 720 : i32
      %dma_start3A_223 = tpu.memref_slice %arg12[%dma_start3A_222] : memref<2000xi32, #tpu.memory_space<vmem>> -> memref<80xi32, #tpu.memory_space<vmem>>
      %dma_start3A_224 = arith.constant 0 : i32
      %dma_start3A_225 = arith.constant 0 : i32
      %dma_start3A_226 = tpu.memref_slice %arg4[%dma_start3A_224, %dma_start3A_225] : memref<10000x128xf32, #tpu.memory_space<hbm>> -> memref<10000x128xf32, #tpu.memory_space<hbm>>
      tpu.enqueue_indirect_dma source(%dma_start3A_226 : memref<10000x128xf32, #tpu.memory_space<hbm>>) target(%arg15 : memref<80x128xf32, #tpu.memory_space<vmem>>) offsets(%dma_start3A_223 : memref<80xi32, #tpu.memory_space<vmem>>) semaphore(%arg22 : memref<!tpu.dma_semaphore, #tpu.memory_space<semaphore_mem>>)
      %dma_wait3A_227 = arith.constant 560 : i32
      %dma_wait3A_228 = tpu.memref_slice %arg12[%dma_wait3A_227] : memref<2000xi32, #tpu.memory_space<vmem>> -> memref<80xi32, #tpu.memory_space<vmem>>
      %dma_wait3A_229 = arith.constant 0 : i32
      %dma_wait3A_230 = arith.constant 0 : i32
      %dma_wait3A_231 = tpu.memref_slice %arg4[%dma_wait3A_229, %dma_wait3A_230] : memref<10000x128xf32, #tpu.memory_space<hbm>> -> memref<10000x128xf32, #tpu.memory_space<hbm>>
      tpu.wait_indirect_dma semaphore(%arg24 : memref<!tpu.dma_semaphore, #tpu.memory_space<semaphore_mem>>) src(%dma_wait3A_231 : memref<10000x128xf32, #tpu.memory_space<hbm>>) dst(%arg17 : memref<80x128xf32, #tpu.memory_space<vmem>>)
      %dma_start3A_232 = arith.constant 7 : i32
      %dma_start3A_233 = arith.constant 0 : i32
      %dma_start3A_234 = tpu.memref_slice %arg13[%dma_start3A_232, %dma_start3A_233] : memref<25x80xi32, #tpu.memory_space<vmem>> -> memref<1x80xi32, #tpu.memory_space<vmem>>
      %dma_start3A_235 = tpu.memref_squeeze %dma_start3A_234 : memref<1x80xi32, #tpu.memory_space<vmem>> -> memref<80xi32, #tpu.memory_space<vmem>>
      %dma_start3A_236 = arith.constant 0 : i32
      %dma_start3A_237 = arith.constant 0 : i32
      %dma_start3A_238 = tpu.memref_slice %arg19[%dma_start3A_236, %dma_start3A_237] : memref<10000x128xf32, #tpu.memory_space<vmem_shared>> -> memref<10000x128xf32, #tpu.memory_space<vmem_shared>>
      tpu.enqueue_indirect_dma source(%arg17 : memref<80x128xf32, #tpu.memory_space<vmem>>) target(%dma_start3A_238 : memref<10000x128xf32, #tpu.memory_space<vmem_shared>>) offsets(%dma_start3A_235 : memref<80xi32, #tpu.memory_space<vmem>>) semaphore(%arg28 : memref<!tpu.dma_semaphore, #tpu.memory_space<semaphore_mem>>) {add = true}
      %run_scoped3A_239 = arith.constant 7 : i32
      "tpu.region"() ({
        %run_scoped3A_669 = tpu.sem_alloc : memref<!tpu.dma_semaphore, #tpu.memory_space<semaphore_mem>>
        %dma_start3A_670 = arith.constant 0 : i32
        %dma_start3A_671 = tpu.memref_slice %arg13[%run_scoped3A_239, %dma_start3A_670] : memref<25x80xi32, #tpu.memory_space<vmem>> -> memref<1x80xi32, #tpu.memory_space<vmem>>
        %dma_start3A_672 = tpu.memref_squeeze %dma_start3A_671 : memref<1x80xi32, #tpu.memory_space<vmem>> -> memref<80xi32, #tpu.memory_space<vmem>>
        %dma_start3A_673 = arith.constant 0 : i32
        %dma_start3A_674 = tpu.memref_slice %arg20[%dma_start3A_673] : memref<10240xf32, #tpu.memory_space<vmem_shared>> -> memref<10240xf32, #tpu.memory_space<vmem_shared>>
        tpu.enqueue_indirect_dma source(%arg18 : memref<80xf32, #tpu.memory_space<vmem>>) target(%dma_start3A_674 : memref<10240xf32, #tpu.memory_space<vmem_shared>>) offsets(%dma_start3A_672 : memref<80xi32, #tpu.memory_space<vmem>>) semaphore(%run_scoped3A_669 : memref<!tpu.dma_semaphore, #tpu.memory_space<semaphore_mem>>) {add = true}
        %dma_wait3A_675 = arith.constant 0 : i32
        %dma_wait3A_676 = tpu.memref_slice %arg13[%run_scoped3A_239, %dma_wait3A_675] : memref<25x80xi32, #tpu.memory_space<vmem>> -> memref<1x80xi32, #tpu.memory_space<vmem>>
        %dma_wait3A_677 = tpu.memref_squeeze %dma_wait3A_676 : memref<1x80xi32, #tpu.memory_space<vmem>> -> memref<80xi32, #tpu.memory_space<vmem>>
        %dma_wait3A_678 = arith.constant 0 : i32
        %dma_wait3A_679 = tpu.memref_slice %arg20[%dma_wait3A_678] : memref<10240xf32, #tpu.memory_space<vmem_shared>> -> memref<10240xf32, #tpu.memory_space<vmem_shared>>
        tpu.wait_indirect_dma semaphore(%run_scoped3A_669 : memref<!tpu.dma_semaphore, #tpu.memory_space<semaphore_mem>>) src(%arg18 : memref<80xf32, #tpu.memory_space<vmem>>) dst(%dma_wait3A_679 : memref<10240xf32, #tpu.memory_space<vmem_shared>>)
        tpu.yield
      }) : () -> ()
      %dma_wait3A_240 = arith.constant 6 : i32
      %dma_wait3A_241 = arith.constant 0 : i32
      %dma_wait3A_242 = tpu.memref_slice %arg13[%dma_wait3A_240, %dma_wait3A_241] : memref<25x80xi32, #tpu.memory_space<vmem>> -> memref<1x80xi32, #tpu.memory_space<vmem>>
      %dma_wait3A_243 = tpu.memref_squeeze %dma_wait3A_242 : memref<1x80xi32, #tpu.memory_space<vmem>> -> memref<80xi32, #tpu.memory_space<vmem>>
      %dma_wait3A_244 = arith.constant 0 : i32
      %dma_wait3A_245 = arith.constant 0 : i32
      %dma_wait3A_246 = tpu.memref_slice %arg19[%dma_wait3A_244, %dma_wait3A_245] : memref<10000x128xf32, #tpu.memory_space<vmem_shared>> -> memref<10000x128xf32, #tpu.memory_space<vmem_shared>>
      tpu.wait_indirect_dma semaphore(%arg27 : memref<!tpu.dma_semaphore, #tpu.memory_space<semaphore_mem>>) src(%arg16 : memref<80x128xf32, #tpu.memory_space<vmem>>) dst(%dma_wait3A_246 : memref<10000x128xf32, #tpu.memory_space<vmem_shared>>)
      %dma_start3A_247 = arith.constant 800 : i32
      %dma_start3A_248 = tpu.memref_slice %arg12[%dma_start3A_247] : memref<2000xi32, #tpu.memory_space<vmem>> -> memref<80xi32, #tpu.memory_space<vmem>>
      %dma_start3A_249 = arith.constant 0 : i32
      %dma_start3A_250 = arith.constant 0 : i32
      %dma_start3A_251 = tpu.memref_slice %arg4[%dma_start3A_249, %dma_start3A_250] : memref<10000x128xf32, #tpu.memory_space<hbm>> -> memref<10000x128xf32, #tpu.memory_space<hbm>>
      tpu.enqueue_indirect_dma source(%dma_start3A_251 : memref<10000x128xf32, #tpu.memory_space<hbm>>) target(%arg16 : memref<80x128xf32, #tpu.memory_space<vmem>>) offsets(%dma_start3A_248 : memref<80xi32, #tpu.memory_space<vmem>>) semaphore(%arg23 : memref<!tpu.dma_semaphore, #tpu.memory_space<semaphore_mem>>)
      %dma_wait3A_252 = arith.constant 640 : i32
      %dma_wait3A_253 = tpu.memref_slice %arg12[%dma_wait3A_252] : memref<2000xi32, #tpu.memory_space<vmem>> -> memref<80xi32, #tpu.memory_space<vmem>>
      %dma_wait3A_254 = arith.constant 0 : i32
      %dma_wait3A_255 = arith.constant 0 : i32
      %dma_wait3A_256 = tpu.memref_slice %arg4[%dma_wait3A_254, %dma_wait3A_255] : memref<10000x128xf32, #tpu.memory_space<hbm>> -> memref<10000x128xf32, #tpu.memory_space<hbm>>
      tpu.wait_indirect_dma semaphore(%arg21 : memref<!tpu.dma_semaphore, #tpu.memory_space<semaphore_mem>>) src(%dma_wait3A_256 : memref<10000x128xf32, #tpu.memory_space<hbm>>) dst(%arg14 : memref<80x128xf32, #tpu.memory_space<vmem>>)
      %dma_start3A_257 = arith.constant 8 : i32
      %dma_start3A_258 = arith.constant 0 : i32
      %dma_start3A_259 = tpu.memref_slice %arg13[%dma_start3A_257, %dma_start3A_258] : memref<25x80xi32, #tpu.memory_space<vmem>> -> memref<1x80xi32, #tpu.memory_space<vmem>>
      %dma_start3A_260 = tpu.memref_squeeze %dma_start3A_259 : memref<1x80xi32, #tpu.memory_space<vmem>> -> memref<80xi32, #tpu.memory_space<vmem>>
      %dma_start3A_261 = arith.constant 0 : i32
      %dma_start3A_262 = arith.constant 0 : i32
      %dma_start3A_263 = tpu.memref_slice %arg19[%dma_start3A_261, %dma_start3A_262] : memref<10000x128xf32, #tpu.memory_space<vmem_shared>> -> memref<10000x128xf32, #tpu.memory_space<vmem_shared>>
      tpu.enqueue_indirect_dma source(%arg14 : memref<80x128xf32, #tpu.memory_space<vmem>>) target(%dma_start3A_263 : memref<10000x128xf32, #tpu.memory_space<vmem_shared>>) offsets(%dma_start3A_260 : memref<80xi32, #tpu.memory_space<vmem>>) semaphore(%arg25 : memref<!tpu.dma_semaphore, #tpu.memory_space<semaphore_mem>>) {add = true}
      %run_scoped3A_264 = arith.constant 8 : i32
      "tpu.region"() ({
        %run_scoped3A_669 = tpu.sem_alloc : memref<!tpu.dma_semaphore, #tpu.memory_space<semaphore_mem>>
        %dma_start3A_670 = arith.constant 0 : i32
        %dma_start3A_671 = tpu.memref_slice %arg13[%run_scoped3A_264, %dma_start3A_670] : memref<25x80xi32, #tpu.memory_space<vmem>> -> memref<1x80xi32, #tpu.memory_space<vmem>>
        %dma_start3A_672 = tpu.memref_squeeze %dma_start3A_671 : memref<1x80xi32, #tpu.memory_space<vmem>> -> memref<80xi32, #tpu.memory_space<vmem>>
        %dma_start3A_673 = arith.constant 0 : i32
        %dma_start3A_674 = tpu.memref_slice %arg20[%dma_start3A_673] : memref<10240xf32, #tpu.memory_space<vmem_shared>> -> memref<10240xf32, #tpu.memory_space<vmem_shared>>
        tpu.enqueue_indirect_dma source(%arg18 : memref<80xf32, #tpu.memory_space<vmem>>) target(%dma_start3A_674 : memref<10240xf32, #tpu.memory_space<vmem_shared>>) offsets(%dma_start3A_672 : memref<80xi32, #tpu.memory_space<vmem>>) semaphore(%run_scoped3A_669 : memref<!tpu.dma_semaphore, #tpu.memory_space<semaphore_mem>>) {add = true}
        %dma_wait3A_675 = arith.constant 0 : i32
        %dma_wait3A_676 = tpu.memref_slice %arg13[%run_scoped3A_264, %dma_wait3A_675] : memref<25x80xi32, #tpu.memory_space<vmem>> -> memref<1x80xi32, #tpu.memory_space<vmem>>
        %dma_wait3A_677 = tpu.memref_squeeze %dma_wait3A_676 : memref<1x80xi32, #tpu.memory_space<vmem>> -> memref<80xi32, #tpu.memory_space<vmem>>
        %dma_wait3A_678 = arith.constant 0 : i32
        %dma_wait3A_679 = tpu.memref_slice %arg20[%dma_wait3A_678] : memref<10240xf32, #tpu.memory_space<vmem_shared>> -> memref<10240xf32, #tpu.memory_space<vmem_shared>>
        tpu.wait_indirect_dma semaphore(%run_scoped3A_669 : memref<!tpu.dma_semaphore, #tpu.memory_space<semaphore_mem>>) src(%arg18 : memref<80xf32, #tpu.memory_space<vmem>>) dst(%dma_wait3A_679 : memref<10240xf32, #tpu.memory_space<vmem_shared>>)
        tpu.yield
      }) : () -> ()
      %dma_wait3A_265 = arith.constant 7 : i32
      %dma_wait3A_266 = arith.constant 0 : i32
      %dma_wait3A_267 = tpu.memref_slice %arg13[%dma_wait3A_265, %dma_wait3A_266] : memref<25x80xi32, #tpu.memory_space<vmem>> -> memref<1x80xi32, #tpu.memory_space<vmem>>
      %dma_wait3A_268 = tpu.memref_squeeze %dma_wait3A_267 : memref<1x80xi32, #tpu.memory_space<vmem>> -> memref<80xi32, #tpu.memory_space<vmem>>
      %dma_wait3A_269 = arith.constant 0 : i32
      %dma_wait3A_270 = arith.constant 0 : i32
      %dma_wait3A_271 = tpu.memref_slice %arg19[%dma_wait3A_269, %dma_wait3A_270] : memref<10000x128xf32, #tpu.memory_space<vmem_shared>> -> memref<10000x128xf32, #tpu.memory_space<vmem_shared>>
      tpu.wait_indirect_dma semaphore(%arg28 : memref<!tpu.dma_semaphore, #tpu.memory_space<semaphore_mem>>) src(%arg17 : memref<80x128xf32, #tpu.memory_space<vmem>>) dst(%dma_wait3A_271 : memref<10000x128xf32, #tpu.memory_space<vmem_shared>>)
      %dma_start3A_272 = arith.constant 880 : i32
      %dma_start3A_273 = tpu.memref_slice %arg12[%dma_start3A_272] : memref<2000xi32, #tpu.memory_space<vmem>> -> memref<80xi32, #tpu.memory_space<vmem>>
      %dma_start3A_274 = arith.constant 0 : i32
      %dma_start3A_275 = arith.constant 0 : i32
      %dma_start3A_276 = tpu.memref_slice %arg4[%dma_start3A_274, %dma_start3A_275] : memref<10000x128xf32, #tpu.memory_space<hbm>> -> memref<10000x128xf32, #tpu.memory_space<hbm>>
      tpu.enqueue_indirect_dma source(%dma_start3A_276 : memref<10000x128xf32, #tpu.memory_space<hbm>>) target(%arg17 : memref<80x128xf32, #tpu.memory_space<vmem>>) offsets(%dma_start3A_273 : memref<80xi32, #tpu.memory_space<vmem>>) semaphore(%arg24 : memref<!tpu.dma_semaphore, #tpu.memory_space<semaphore_mem>>)
      %dma_wait3A_277 = arith.constant 720 : i32
      %dma_wait3A_278 = tpu.memref_slice %arg12[%dma_wait3A_277] : memref<2000xi32, #tpu.memory_space<vmem>> -> memref<80xi32, #tpu.memory_space<vmem>>
      %dma_wait3A_279 = arith.constant 0 : i32
      %dma_wait3A_280 = arith.constant 0 : i32
      %dma_wait3A_281 = tpu.memref_slice %arg4[%dma_wait3A_279, %dma_wait3A_280] : memref<10000x128xf32, #tpu.memory_space<hbm>> -> memref<10000x128xf32, #tpu.memory_space<hbm>>
      tpu.wait_indirect_dma semaphore(%arg22 : memref<!tpu.dma_semaphore, #tpu.memory_space<semaphore_mem>>) src(%dma_wait3A_281 : memref<10000x128xf32, #tpu.memory_space<hbm>>) dst(%arg15 : memref<80x128xf32, #tpu.memory_space<vmem>>)
      %dma_start3A_282 = arith.constant 9 : i32
      %dma_start3A_283 = arith.constant 0 : i32
      %dma_start3A_284 = tpu.memref_slice %arg13[%dma_start3A_282, %dma_start3A_283] : memref<25x80xi32, #tpu.memory_space<vmem>> -> memref<1x80xi32, #tpu.memory_space<vmem>>
      %dma_start3A_285 = tpu.memref_squeeze %dma_start3A_284 : memref<1x80xi32, #tpu.memory_space<vmem>> -> memref<80xi32, #tpu.memory_space<vmem>>
      %dma_start3A_286 = arith.constant 0 : i32
      %dma_start3A_287 = arith.constant 0 : i32
      %dma_start3A_288 = tpu.memref_slice %arg19[%dma_start3A_286, %dma_start3A_287] : memref<10000x128xf32, #tpu.memory_space<vmem_shared>> -> memref<10000x128xf32, #tpu.memory_space<vmem_shared>>
      tpu.enqueue_indirect_dma source(%arg15 : memref<80x128xf32, #tpu.memory_space<vmem>>) target(%dma_start3A_288 : memref<10000x128xf32, #tpu.memory_space<vmem_shared>>) offsets(%dma_start3A_285 : memref<80xi32, #tpu.memory_space<vmem>>) semaphore(%arg26 : memref<!tpu.dma_semaphore, #tpu.memory_space<semaphore_mem>>) {add = true}
      %run_scoped3A_289 = arith.constant 9 : i32
      "tpu.region"() ({
        %run_scoped3A_669 = tpu.sem_alloc : memref<!tpu.dma_semaphore, #tpu.memory_space<semaphore_mem>>
        %dma_start3A_670 = arith.constant 0 : i32
        %dma_start3A_671 = tpu.memref_slice %arg13[%run_scoped3A_289, %dma_start3A_670] : memref<25x80xi32, #tpu.memory_space<vmem>> -> memref<1x80xi32, #tpu.memory_space<vmem>>
        %dma_start3A_672 = tpu.memref_squeeze %dma_start3A_671 : memref<1x80xi32, #tpu.memory_space<vmem>> -> memref<80xi32, #tpu.memory_space<vmem>>
        %dma_start3A_673 = arith.constant 0 : i32
        %dma_start3A_674 = tpu.memref_slice %arg20[%dma_start3A_673] : memref<10240xf32, #tpu.memory_space<vmem_shared>> -> memref<10240xf32, #tpu.memory_space<vmem_shared>>
        tpu.enqueue_indirect_dma source(%arg18 : memref<80xf32, #tpu.memory_space<vmem>>) target(%dma_start3A_674 : memref<10240xf32, #tpu.memory_space<vmem_shared>>) offsets(%dma_start3A_672 : memref<80xi32, #tpu.memory_space<vmem>>) semaphore(%run_scoped3A_669 : memref<!tpu.dma_semaphore, #tpu.memory_space<semaphore_mem>>) {add = true}
        %dma_wait3A_675 = arith.constant 0 : i32
        %dma_wait3A_676 = tpu.memref_slice %arg13[%run_scoped3A_289, %dma_wait3A_675] : memref<25x80xi32, #tpu.memory_space<vmem>> -> memref<1x80xi32, #tpu.memory_space<vmem>>
        %dma_wait3A_677 = tpu.memref_squeeze %dma_wait3A_676 : memref<1x80xi32, #tpu.memory_space<vmem>> -> memref<80xi32, #tpu.memory_space<vmem>>
        %dma_wait3A_678 = arith.constant 0 : i32
        %dma_wait3A_679 = tpu.memref_slice %arg20[%dma_wait3A_678] : memref<10240xf32, #tpu.memory_space<vmem_shared>> -> memref<10240xf32, #tpu.memory_space<vmem_shared>>
        tpu.wait_indirect_dma semaphore(%run_scoped3A_669 : memref<!tpu.dma_semaphore, #tpu.memory_space<semaphore_mem>>) src(%arg18 : memref<80xf32, #tpu.memory_space<vmem>>) dst(%dma_wait3A_679 : memref<10240xf32, #tpu.memory_space<vmem_shared>>)
        tpu.yield
      }) : () -> ()
      %dma_wait3A_290 = arith.constant 8 : i32
      %dma_wait3A_291 = arith.constant 0 : i32
      %dma_wait3A_292 = tpu.memref_slice %arg13[%dma_wait3A_290, %dma_wait3A_291] : memref<25x80xi32, #tpu.memory_space<vmem>> -> memref<1x80xi32, #tpu.memory_space<vmem>>
      %dma_wait3A_293 = tpu.memref_squeeze %dma_wait3A_292 : memref<1x80xi32, #tpu.memory_space<vmem>> -> memref<80xi32, #tpu.memory_space<vmem>>
      %dma_wait3A_294 = arith.constant 0 : i32
      %dma_wait3A_295 = arith.constant 0 : i32
      %dma_wait3A_296 = tpu.memref_slice %arg19[%dma_wait3A_294, %dma_wait3A_295] : memref<10000x128xf32, #tpu.memory_space<vmem_shared>> -> memref<10000x128xf32, #tpu.memory_space<vmem_shared>>
      tpu.wait_indirect_dma semaphore(%arg25 : memref<!tpu.dma_semaphore, #tpu.memory_space<semaphore_mem>>) src(%arg14 : memref<80x128xf32, #tpu.memory_space<vmem>>) dst(%dma_wait3A_296 : memref<10000x128xf32, #tpu.memory_space<vmem_shared>>)
      %dma_start3A_297 = arith.constant 960 : i32
      %dma_start3A_298 = tpu.memref_slice %arg12[%dma_start3A_297] : memref<2000xi32, #tpu.memory_space<vmem>> -> memref<80xi32, #tpu.memory_space<vmem>>
      %dma_start3A_299 = arith.constant 0 : i32
      %dma_start3A_300 = arith.constant 0 : i32
      %dma_start3A_301 = tpu.memref_slice %arg4[%dma_start3A_299, %dma_start3A_300] : memref<10000x128xf32, #tpu.memory_space<hbm>> -> memref<10000x128xf32, #tpu.memory_space<hbm>>
      tpu.enqueue_indirect_dma source(%dma_start3A_301 : memref<10000x128xf32, #tpu.memory_space<hbm>>) target(%arg14 : memref<80x128xf32, #tpu.memory_space<vmem>>) offsets(%dma_start3A_298 : memref<80xi32, #tpu.memory_space<vmem>>) semaphore(%arg21 : memref<!tpu.dma_semaphore, #tpu.memory_space<semaphore_mem>>)
      %dma_wait3A_302 = arith.constant 800 : i32
      %dma_wait3A_303 = tpu.memref_slice %arg12[%dma_wait3A_302] : memref<2000xi32, #tpu.memory_space<vmem>> -> memref<80xi32, #tpu.memory_space<vmem>>
      %dma_wait3A_304 = arith.constant 0 : i32
      %dma_wait3A_305 = arith.constant 0 : i32
      %dma_wait3A_306 = tpu.memref_slice %arg4[%dma_wait3A_304, %dma_wait3A_305] : memref<10000x128xf32, #tpu.memory_space<hbm>> -> memref<10000x128xf32, #tpu.memory_space<hbm>>
      tpu.wait_indirect_dma semaphore(%arg23 : memref<!tpu.dma_semaphore, #tpu.memory_space<semaphore_mem>>) src(%dma_wait3A_306 : memref<10000x128xf32, #tpu.memory_space<hbm>>) dst(%arg16 : memref<80x128xf32, #tpu.memory_space<vmem>>)
      %dma_start3A_307 = arith.constant 10 : i32
      %dma_start3A_308 = arith.constant 0 : i32
      %dma_start3A_309 = tpu.memref_slice %arg13[%dma_start3A_307, %dma_start3A_308] : memref<25x80xi32, #tpu.memory_space<vmem>> -> memref<1x80xi32, #tpu.memory_space<vmem>>
      %dma_start3A_310 = tpu.memref_squeeze %dma_start3A_309 : memref<1x80xi32, #tpu.memory_space<vmem>> -> memref<80xi32, #tpu.memory_space<vmem>>
      %dma_start3A_311 = arith.constant 0 : i32
      %dma_start3A_312 = arith.constant 0 : i32
      %dma_start3A_313 = tpu.memref_slice %arg19[%dma_start3A_311, %dma_start3A_312] : memref<10000x128xf32, #tpu.memory_space<vmem_shared>> -> memref<10000x128xf32, #tpu.memory_space<vmem_shared>>
      tpu.enqueue_indirect_dma source(%arg16 : memref<80x128xf32, #tpu.memory_space<vmem>>) target(%dma_start3A_313 : memref<10000x128xf32, #tpu.memory_space<vmem_shared>>) offsets(%dma_start3A_310 : memref<80xi32, #tpu.memory_space<vmem>>) semaphore(%arg27 : memref<!tpu.dma_semaphore, #tpu.memory_space<semaphore_mem>>) {add = true}
      %run_scoped3A_314 = arith.constant 10 : i32
      "tpu.region"() ({
        %run_scoped3A_669 = tpu.sem_alloc : memref<!tpu.dma_semaphore, #tpu.memory_space<semaphore_mem>>
        %dma_start3A_670 = arith.constant 0 : i32
        %dma_start3A_671 = tpu.memref_slice %arg13[%run_scoped3A_314, %dma_start3A_670] : memref<25x80xi32, #tpu.memory_space<vmem>> -> memref<1x80xi32, #tpu.memory_space<vmem>>
        %dma_start3A_672 = tpu.memref_squeeze %dma_start3A_671 : memref<1x80xi32, #tpu.memory_space<vmem>> -> memref<80xi32, #tpu.memory_space<vmem>>
        %dma_start3A_673 = arith.constant 0 : i32
        %dma_start3A_674 = tpu.memref_slice %arg20[%dma_start3A_673] : memref<10240xf32, #tpu.memory_space<vmem_shared>> -> memref<10240xf32, #tpu.memory_space<vmem_shared>>
        tpu.enqueue_indirect_dma source(%arg18 : memref<80xf32, #tpu.memory_space<vmem>>) target(%dma_start3A_674 : memref<10240xf32, #tpu.memory_space<vmem_shared>>) offsets(%dma_start3A_672 : memref<80xi32, #tpu.memory_space<vmem>>) semaphore(%run_scoped3A_669 : memref<!tpu.dma_semaphore, #tpu.memory_space<semaphore_mem>>) {add = true}
        %dma_wait3A_675 = arith.constant 0 : i32
        %dma_wait3A_676 = tpu.memref_slice %arg13[%run_scoped3A_314, %dma_wait3A_675] : memref<25x80xi32, #tpu.memory_space<vmem>> -> memref<1x80xi32, #tpu.memory_space<vmem>>
        %dma_wait3A_677 = tpu.memref_squeeze %dma_wait3A_676 : memref<1x80xi32, #tpu.memory_space<vmem>> -> memref<80xi32, #tpu.memory_space<vmem>>
        %dma_wait3A_678 = arith.constant 0 : i32
        %dma_wait3A_679 = tpu.memref_slice %arg20[%dma_wait3A_678] : memref<10240xf32, #tpu.memory_space<vmem_shared>> -> memref<10240xf32, #tpu.memory_space<vmem_shared>>
        tpu.wait_indirect_dma semaphore(%run_scoped3A_669 : memref<!tpu.dma_semaphore, #tpu.memory_space<semaphore_mem>>) src(%arg18 : memref<80xf32, #tpu.memory_space<vmem>>) dst(%dma_wait3A_679 : memref<10240xf32, #tpu.memory_space<vmem_shared>>)
        tpu.yield
      }) : () -> ()
      %dma_wait3A_315 = arith.constant 9 : i32
      %dma_wait3A_316 = arith.constant 0 : i32
      %dma_wait3A_317 = tpu.memref_slice %arg13[%dma_wait3A_315, %dma_wait3A_316] : memref<25x80xi32, #tpu.memory_space<vmem>> -> memref<1x80xi32, #tpu.memory_space<vmem>>
      %dma_wait3A_318 = tpu.memref_squeeze %dma_wait3A_317 : memref<1x80xi32, #tpu.memory_space<vmem>> -> memref<80xi32, #tpu.memory_space<vmem>>
      %dma_wait3A_319 = arith.constant 0 : i32
      %dma_wait3A_320 = arith.constant 0 : i32
      %dma_wait3A_321 = tpu.memref_slice %arg19[%dma_wait3A_319, %dma_wait3A_320] : memref<10000x128xf32, #tpu.memory_space<vmem_shared>> -> memref<10000x128xf32, #tpu.memory_space<vmem_shared>>
      tpu.wait_indirect_dma semaphore(%arg26 : memref<!tpu.dma_semaphore, #tpu.memory_space<semaphore_mem>>) src(%arg15 : memref<80x128xf32, #tpu.memory_space<vmem>>) dst(%dma_wait3A_321 : memref<10000x128xf32, #tpu.memory_space<vmem_shared>>)
      %dma_start3A_322 = arith.constant 1040 : i32
      %dma_start3A_323 = tpu.memref_slice %arg12[%dma_start3A_322] : memref<2000xi32, #tpu.memory_space<vmem>> -> memref<80xi32, #tpu.memory_space<vmem>>
      %dma_start3A_324 = arith.constant 0 : i32
      %dma_start3A_325 = arith.constant 0 : i32
      %dma_start3A_326 = tpu.memref_slice %arg4[%dma_start3A_324, %dma_start3A_325] : memref<10000x128xf32, #tpu.memory_space<hbm>> -> memref<10000x128xf32, #tpu.memory_space<hbm>>
      tpu.enqueue_indirect_dma source(%dma_start3A_326 : memref<10000x128xf32, #tpu.memory_space<hbm>>) target(%arg15 : memref<80x128xf32, #tpu.memory_space<vmem>>) offsets(%dma_start3A_323 : memref<80xi32, #tpu.memory_space<vmem>>) semaphore(%arg22 : memref<!tpu.dma_semaphore, #tpu.memory_space<semaphore_mem>>)
      %dma_wait3A_327 = arith.constant 880 : i32
      %dma_wait3A_328 = tpu.memref_slice %arg12[%dma_wait3A_327] : memref<2000xi32, #tpu.memory_space<vmem>> -> memref<80xi32, #tpu.memory_space<vmem>>
      %dma_wait3A_329 = arith.constant 0 : i32
      %dma_wait3A_330 = arith.constant 0 : i32
      %dma_wait3A_331 = tpu.memref_slice %arg4[%dma_wait3A_329, %dma_wait3A_330] : memref<10000x128xf32, #tpu.memory_space<hbm>> -> memref<10000x128xf32, #tpu.memory_space<hbm>>
      tpu.wait_indirect_dma semaphore(%arg24 : memref<!tpu.dma_semaphore, #tpu.memory_space<semaphore_mem>>) src(%dma_wait3A_331 : memref<10000x128xf32, #tpu.memory_space<hbm>>) dst(%arg17 : memref<80x128xf32, #tpu.memory_space<vmem>>)
      %dma_start3A_332 = arith.constant 11 : i32
      %dma_start3A_333 = arith.constant 0 : i32
      %dma_start3A_334 = tpu.memref_slice %arg13[%dma_start3A_332, %dma_start3A_333] : memref<25x80xi32, #tpu.memory_space<vmem>> -> memref<1x80xi32, #tpu.memory_space<vmem>>
      %dma_start3A_335 = tpu.memref_squeeze %dma_start3A_334 : memref<1x80xi32, #tpu.memory_space<vmem>> -> memref<80xi32, #tpu.memory_space<vmem>>
      %dma_start3A_336 = arith.constant 0 : i32
      %dma_start3A_337 = arith.constant 0 : i32
      %dma_start3A_338 = tpu.memref_slice %arg19[%dma_start3A_336, %dma_start3A_337] : memref<10000x128xf32, #tpu.memory_space<vmem_shared>> -> memref<10000x128xf32, #tpu.memory_space<vmem_shared>>
      tpu.enqueue_indirect_dma source(%arg17 : memref<80x128xf32, #tpu.memory_space<vmem>>) target(%dma_start3A_338 : memref<10000x128xf32, #tpu.memory_space<vmem_shared>>) offsets(%dma_start3A_335 : memref<80xi32, #tpu.memory_space<vmem>>) semaphore(%arg28 : memref<!tpu.dma_semaphore, #tpu.memory_space<semaphore_mem>>) {add = true}
      %run_scoped3A_339 = arith.constant 11 : i32
      "tpu.region"() ({
        %run_scoped3A_669 = tpu.sem_alloc : memref<!tpu.dma_semaphore, #tpu.memory_space<semaphore_mem>>
        %dma_start3A_670 = arith.constant 0 : i32
        %dma_start3A_671 = tpu.memref_slice %arg13[%run_scoped3A_339, %dma_start3A_670] : memref<25x80xi32, #tpu.memory_space<vmem>> -> memref<1x80xi32, #tpu.memory_space<vmem>>
        %dma_start3A_672 = tpu.memref_squeeze %dma_start3A_671 : memref<1x80xi32, #tpu.memory_space<vmem>> -> memref<80xi32, #tpu.memory_space<vmem>>
        %dma_start3A_673 = arith.constant 0 : i32
        %dma_start3A_674 = tpu.memref_slice %arg20[%dma_start3A_673] : memref<10240xf32, #tpu.memory_space<vmem_shared>> -> memref<10240xf32, #tpu.memory_space<vmem_shared>>
        tpu.enqueue_indirect_dma source(%arg18 : memref<80xf32, #tpu.memory_space<vmem>>) target(%dma_start3A_674 : memref<10240xf32, #tpu.memory_space<vmem_shared>>) offsets(%dma_start3A_672 : memref<80xi32, #tpu.memory_space<vmem>>) semaphore(%run_scoped3A_669 : memref<!tpu.dma_semaphore, #tpu.memory_space<semaphore_mem>>) {add = true}
        %dma_wait3A_675 = arith.constant 0 : i32
        %dma_wait3A_676 = tpu.memref_slice %arg13[%run_scoped3A_339, %dma_wait3A_675] : memref<25x80xi32, #tpu.memory_space<vmem>> -> memref<1x80xi32, #tpu.memory_space<vmem>>
        %dma_wait3A_677 = tpu.memref_squeeze %dma_wait3A_676 : memref<1x80xi32, #tpu.memory_space<vmem>> -> memref<80xi32, #tpu.memory_space<vmem>>
        %dma_wait3A_678 = arith.constant 0 : i32
        %dma_wait3A_679 = tpu.memref_slice %arg20[%dma_wait3A_678] : memref<10240xf32, #tpu.memory_space<vmem_shared>> -> memref<10240xf32, #tpu.memory_space<vmem_shared>>
        tpu.wait_indirect_dma semaphore(%run_scoped3A_669 : memref<!tpu.dma_semaphore, #tpu.memory_space<semaphore_mem>>) src(%arg18 : memref<80xf32, #tpu.memory_space<vmem>>) dst(%dma_wait3A_679 : memref<10240xf32, #tpu.memory_space<vmem_shared>>)
        tpu.yield
      }) : () -> ()
      %dma_wait3A_340 = arith.constant 10 : i32
      %dma_wait3A_341 = arith.constant 0 : i32
      %dma_wait3A_342 = tpu.memref_slice %arg13[%dma_wait3A_340, %dma_wait3A_341] : memref<25x80xi32, #tpu.memory_space<vmem>> -> memref<1x80xi32, #tpu.memory_space<vmem>>
      %dma_wait3A_343 = tpu.memref_squeeze %dma_wait3A_342 : memref<1x80xi32, #tpu.memory_space<vmem>> -> memref<80xi32, #tpu.memory_space<vmem>>
      %dma_wait3A_344 = arith.constant 0 : i32
      %dma_wait3A_345 = arith.constant 0 : i32
      %dma_wait3A_346 = tpu.memref_slice %arg19[%dma_wait3A_344, %dma_wait3A_345] : memref<10000x128xf32, #tpu.memory_space<vmem_shared>> -> memref<10000x128xf32, #tpu.memory_space<vmem_shared>>
      tpu.wait_indirect_dma semaphore(%arg27 : memref<!tpu.dma_semaphore, #tpu.memory_space<semaphore_mem>>) src(%arg16 : memref<80x128xf32, #tpu.memory_space<vmem>>) dst(%dma_wait3A_346 : memref<10000x128xf32, #tpu.memory_space<vmem_shared>>)
      %dma_start3A_347 = arith.constant 1120 : i32
      %dma_start3A_348 = tpu.memref_slice %arg12[%dma_start3A_347] : memref<2000xi32, #tpu.memory_space<vmem>> -> memref<80xi32, #tpu.memory_space<vmem>>
      %dma_start3A_349 = arith.constant 0 : i32
      %dma_start3A_350 = arith.constant 0 : i32
      %dma_start3A_351 = tpu.memref_slice %arg4[%dma_start3A_349, %dma_start3A_350] : memref<10000x128xf32, #tpu.memory_space<hbm>> -> memref<10000x128xf32, #tpu.memory_space<hbm>>
      tpu.enqueue_indirect_dma source(%dma_start3A_351 : memref<10000x128xf32, #tpu.memory_space<hbm>>) target(%arg16 : memref<80x128xf32, #tpu.memory_space<vmem>>) offsets(%dma_start3A_348 : memref<80xi32, #tpu.memory_space<vmem>>) semaphore(%arg23 : memref<!tpu.dma_semaphore, #tpu.memory_space<semaphore_mem>>)
      %dma_wait3A_352 = arith.constant 960 : i32
      %dma_wait3A_353 = tpu.memref_slice %arg12[%dma_wait3A_352] : memref<2000xi32, #tpu.memory_space<vmem>> -> memref<80xi32, #tpu.memory_space<vmem>>
      %dma_wait3A_354 = arith.constant 0 : i32
      %dma_wait3A_355 = arith.constant 0 : i32
      %dma_wait3A_356 = tpu.memref_slice %arg4[%dma_wait3A_354, %dma_wait3A_355] : memref<10000x128xf32, #tpu.memory_space<hbm>> -> memref<10000x128xf32, #tpu.memory_space<hbm>>
      tpu.wait_indirect_dma semaphore(%arg21 : memref<!tpu.dma_semaphore, #tpu.memory_space<semaphore_mem>>) src(%dma_wait3A_356 : memref<10000x128xf32, #tpu.memory_space<hbm>>) dst(%arg14 : memref<80x128xf32, #tpu.memory_space<vmem>>)
      %dma_start3A_357 = arith.constant 12 : i32
      %dma_start3A_358 = arith.constant 0 : i32
      %dma_start3A_359 = tpu.memref_slice %arg13[%dma_start3A_357, %dma_start3A_358] : memref<25x80xi32, #tpu.memory_space<vmem>> -> memref<1x80xi32, #tpu.memory_space<vmem>>
      %dma_start3A_360 = tpu.memref_squeeze %dma_start3A_359 : memref<1x80xi32, #tpu.memory_space<vmem>> -> memref<80xi32, #tpu.memory_space<vmem>>
      %dma_start3A_361 = arith.constant 0 : i32
      %dma_start3A_362 = arith.constant 0 : i32
      %dma_start3A_363 = tpu.memref_slice %arg19[%dma_start3A_361, %dma_start3A_362] : memref<10000x128xf32, #tpu.memory_space<vmem_shared>> -> memref<10000x128xf32, #tpu.memory_space<vmem_shared>>
      tpu.enqueue_indirect_dma source(%arg14 : memref<80x128xf32, #tpu.memory_space<vmem>>) target(%dma_start3A_363 : memref<10000x128xf32, #tpu.memory_space<vmem_shared>>) offsets(%dma_start3A_360 : memref<80xi32, #tpu.memory_space<vmem>>) semaphore(%arg25 : memref<!tpu.dma_semaphore, #tpu.memory_space<semaphore_mem>>) {add = true}
      %run_scoped3A_364 = arith.constant 12 : i32
      "tpu.region"() ({
        %run_scoped3A_669 = tpu.sem_alloc : memref<!tpu.dma_semaphore, #tpu.memory_space<semaphore_mem>>
        %dma_start3A_670 = arith.constant 0 : i32
        %dma_start3A_671 = tpu.memref_slice %arg13[%run_scoped3A_364, %dma_start3A_670] : memref<25x80xi32, #tpu.memory_space<vmem>> -> memref<1x80xi32, #tpu.memory_space<vmem>>
        %dma_start3A_672 = tpu.memref_squeeze %dma_start3A_671 : memref<1x80xi32, #tpu.memory_space<vmem>> -> memref<80xi32, #tpu.memory_space<vmem>>
        %dma_start3A_673 = arith.constant 0 : i32
        %dma_start3A_674 = tpu.memref_slice %arg20[%dma_start3A_673] : memref<10240xf32, #tpu.memory_space<vmem_shared>> -> memref<10240xf32, #tpu.memory_space<vmem_shared>>
        tpu.enqueue_indirect_dma source(%arg18 : memref<80xf32, #tpu.memory_space<vmem>>) target(%dma_start3A_674 : memref<10240xf32, #tpu.memory_space<vmem_shared>>) offsets(%dma_start3A_672 : memref<80xi32, #tpu.memory_space<vmem>>) semaphore(%run_scoped3A_669 : memref<!tpu.dma_semaphore, #tpu.memory_space<semaphore_mem>>) {add = true}
        %dma_wait3A_675 = arith.constant 0 : i32
        %dma_wait3A_676 = tpu.memref_slice %arg13[%run_scoped3A_364, %dma_wait3A_675] : memref<25x80xi32, #tpu.memory_space<vmem>> -> memref<1x80xi32, #tpu.memory_space<vmem>>
        %dma_wait3A_677 = tpu.memref_squeeze %dma_wait3A_676 : memref<1x80xi32, #tpu.memory_space<vmem>> -> memref<80xi32, #tpu.memory_space<vmem>>
        %dma_wait3A_678 = arith.constant 0 : i32
        %dma_wait3A_679 = tpu.memref_slice %arg20[%dma_wait3A_678] : memref<10240xf32, #tpu.memory_space<vmem_shared>> -> memref<10240xf32, #tpu.memory_space<vmem_shared>>
        tpu.wait_indirect_dma semaphore(%run_scoped3A_669 : memref<!tpu.dma_semaphore, #tpu.memory_space<semaphore_mem>>) src(%arg18 : memref<80xf32, #tpu.memory_space<vmem>>) dst(%dma_wait3A_679 : memref<10240xf32, #tpu.memory_space<vmem_shared>>)
        tpu.yield
      }) : () -> ()
      %dma_wait3A_365 = arith.constant 11 : i32
      %dma_wait3A_366 = arith.constant 0 : i32
      %dma_wait3A_367 = tpu.memref_slice %arg13[%dma_wait3A_365, %dma_wait3A_366] : memref<25x80xi32, #tpu.memory_space<vmem>> -> memref<1x80xi32, #tpu.memory_space<vmem>>
      %dma_wait3A_368 = tpu.memref_squeeze %dma_wait3A_367 : memref<1x80xi32, #tpu.memory_space<vmem>> -> memref<80xi32, #tpu.memory_space<vmem>>
      %dma_wait3A_369 = arith.constant 0 : i32
      %dma_wait3A_370 = arith.constant 0 : i32
      %dma_wait3A_371 = tpu.memref_slice %arg19[%dma_wait3A_369, %dma_wait3A_370] : memref<10000x128xf32, #tpu.memory_space<vmem_shared>> -> memref<10000x128xf32, #tpu.memory_space<vmem_shared>>
      tpu.wait_indirect_dma semaphore(%arg28 : memref<!tpu.dma_semaphore, #tpu.memory_space<semaphore_mem>>) src(%arg17 : memref<80x128xf32, #tpu.memory_space<vmem>>) dst(%dma_wait3A_371 : memref<10000x128xf32, #tpu.memory_space<vmem_shared>>)
      %dma_start3A_372 = arith.constant 1200 : i32
      %dma_start3A_373 = tpu.memref_slice %arg12[%dma_start3A_372] : memref<2000xi32, #tpu.memory_space<vmem>> -> memref<80xi32, #tpu.memory_space<vmem>>
      %dma_start3A_374 = arith.constant 0 : i32
      %dma_start3A_375 = arith.constant 0 : i32
      %dma_start3A_376 = tpu.memref_slice %arg4[%dma_start3A_374, %dma_start3A_375] : memref<10000x128xf32, #tpu.memory_space<hbm>> -> memref<10000x128xf32, #tpu.memory_space<hbm>>
      tpu.enqueue_indirect_dma source(%dma_start3A_376 : memref<10000x128xf32, #tpu.memory_space<hbm>>) target(%arg17 : memref<80x128xf32, #tpu.memory_space<vmem>>) offsets(%dma_start3A_373 : memref<80xi32, #tpu.memory_space<vmem>>) semaphore(%arg24 : memref<!tpu.dma_semaphore, #tpu.memory_space<semaphore_mem>>)
      %dma_wait3A_377 = arith.constant 1040 : i32
      %dma_wait3A_378 = tpu.memref_slice %arg12[%dma_wait3A_377] : memref<2000xi32, #tpu.memory_space<vmem>> -> memref<80xi32, #tpu.memory_space<vmem>>
      %dma_wait3A_379 = arith.constant 0 : i32
      %dma_wait3A_380 = arith.constant 0 : i32
      %dma_wait3A_381 = tpu.memref_slice %arg4[%dma_wait3A_379, %dma_wait3A_380] : memref<10000x128xf32, #tpu.memory_space<hbm>> -> memref<10000x128xf32, #tpu.memory_space<hbm>>
      tpu.wait_indirect_dma semaphore(%arg22 : memref<!tpu.dma_semaphore, #tpu.memory_space<semaphore_mem>>) src(%dma_wait3A_381 : memref<10000x128xf32, #tpu.memory_space<hbm>>) dst(%arg15 : memref<80x128xf32, #tpu.memory_space<vmem>>)
      %dma_start3A_382 = arith.constant 13 : i32
      %dma_start3A_383 = arith.constant 0 : i32
      %dma_start3A_384 = tpu.memref_slice %arg13[%dma_start3A_382, %dma_start3A_383] : memref<25x80xi32, #tpu.memory_space<vmem>> -> memref<1x80xi32, #tpu.memory_space<vmem>>
      %dma_start3A_385 = tpu.memref_squeeze %dma_start3A_384 : memref<1x80xi32, #tpu.memory_space<vmem>> -> memref<80xi32, #tpu.memory_space<vmem>>
      %dma_start3A_386 = arith.constant 0 : i32
      %dma_start3A_387 = arith.constant 0 : i32
      %dma_start3A_388 = tpu.memref_slice %arg19[%dma_start3A_386, %dma_start3A_387] : memref<10000x128xf32, #tpu.memory_space<vmem_shared>> -> memref<10000x128xf32, #tpu.memory_space<vmem_shared>>
      tpu.enqueue_indirect_dma source(%arg15 : memref<80x128xf32, #tpu.memory_space<vmem>>) target(%dma_start3A_388 : memref<10000x128xf32, #tpu.memory_space<vmem_shared>>) offsets(%dma_start3A_385 : memref<80xi32, #tpu.memory_space<vmem>>) semaphore(%arg26 : memref<!tpu.dma_semaphore, #tpu.memory_space<semaphore_mem>>) {add = true}
      %run_scoped3A_389 = arith.constant 13 : i32
      "tpu.region"() ({
        %run_scoped3A_669 = tpu.sem_alloc : memref<!tpu.dma_semaphore, #tpu.memory_space<semaphore_mem>>
        %dma_start3A_670 = arith.constant 0 : i32
        %dma_start3A_671 = tpu.memref_slice %arg13[%run_scoped3A_389, %dma_start3A_670] : memref<25x80xi32, #tpu.memory_space<vmem>> -> memref<1x80xi32, #tpu.memory_space<vmem>>
        %dma_start3A_672 = tpu.memref_squeeze %dma_start3A_671 : memref<1x80xi32, #tpu.memory_space<vmem>> -> memref<80xi32, #tpu.memory_space<vmem>>
        %dma_start3A_673 = arith.constant 0 : i32
        %dma_start3A_674 = tpu.memref_slice %arg20[%dma_start3A_673] : memref<10240xf32, #tpu.memory_space<vmem_shared>> -> memref<10240xf32, #tpu.memory_space<vmem_shared>>
        tpu.enqueue_indirect_dma source(%arg18 : memref<80xf32, #tpu.memory_space<vmem>>) target(%dma_start3A_674 : memref<10240xf32, #tpu.memory_space<vmem_shared>>) offsets(%dma_start3A_672 : memref<80xi32, #tpu.memory_space<vmem>>) semaphore(%run_scoped3A_669 : memref<!tpu.dma_semaphore, #tpu.memory_space<semaphore_mem>>) {add = true}
        %dma_wait3A_675 = arith.constant 0 : i32
        %dma_wait3A_676 = tpu.memref_slice %arg13[%run_scoped3A_389, %dma_wait3A_675] : memref<25x80xi32, #tpu.memory_space<vmem>> -> memref<1x80xi32, #tpu.memory_space<vmem>>
        %dma_wait3A_677 = tpu.memref_squeeze %dma_wait3A_676 : memref<1x80xi32, #tpu.memory_space<vmem>> -> memref<80xi32, #tpu.memory_space<vmem>>
        %dma_wait3A_678 = arith.constant 0 : i32
        %dma_wait3A_679 = tpu.memref_slice %arg20[%dma_wait3A_678] : memref<10240xf32, #tpu.memory_space<vmem_shared>> -> memref<10240xf32, #tpu.memory_space<vmem_shared>>
        tpu.wait_indirect_dma semaphore(%run_scoped3A_669 : memref<!tpu.dma_semaphore, #tpu.memory_space<semaphore_mem>>) src(%arg18 : memref<80xf32, #tpu.memory_space<vmem>>) dst(%dma_wait3A_679 : memref<10240xf32, #tpu.memory_space<vmem_shared>>)
        tpu.yield
      }) : () -> ()
      %dma_wait3A_390 = arith.constant 12 : i32
      %dma_wait3A_391 = arith.constant 0 : i32
      %dma_wait3A_392 = tpu.memref_slice %arg13[%dma_wait3A_390, %dma_wait3A_391] : memref<25x80xi32, #tpu.memory_space<vmem>> -> memref<1x80xi32, #tpu.memory_space<vmem>>
      %dma_wait3A_393 = tpu.memref_squeeze %dma_wait3A_392 : memref<1x80xi32, #tpu.memory_space<vmem>> -> memref<80xi32, #tpu.memory_space<vmem>>
      %dma_wait3A_394 = arith.constant 0 : i32
      %dma_wait3A_395 = arith.constant 0 : i32
      %dma_wait3A_396 = tpu.memref_slice %arg19[%dma_wait3A_394, %dma_wait3A_395] : memref<10000x128xf32, #tpu.memory_space<vmem_shared>> -> memref<10000x128xf32, #tpu.memory_space<vmem_shared>>
      tpu.wait_indirect_dma semaphore(%arg25 : memref<!tpu.dma_semaphore, #tpu.memory_space<semaphore_mem>>) src(%arg14 : memref<80x128xf32, #tpu.memory_space<vmem>>) dst(%dma_wait3A_396 : memref<10000x128xf32, #tpu.memory_space<vmem_shared>>)
      %dma_start3A_397 = arith.constant 1280 : i32
      %dma_start3A_398 = tpu.memref_slice %arg12[%dma_start3A_397] : memref<2000xi32, #tpu.memory_space<vmem>> -> memref<80xi32, #tpu.memory_space<vmem>>
      %dma_start3A_399 = arith.constant 0 : i32
      %dma_start3A_400 = arith.constant 0 : i32
      %dma_start3A_401 = tpu.memref_slice %arg4[%dma_start3A_399, %dma_start3A_400] : memref<10000x128xf32, #tpu.memory_space<hbm>> -> memref<10000x128xf32, #tpu.memory_space<hbm>>
      tpu.enqueue_indirect_dma source(%dma_start3A_401 : memref<10000x128xf32, #tpu.memory_space<hbm>>) target(%arg14 : memref<80x128xf32, #tpu.memory_space<vmem>>) offsets(%dma_start3A_398 : memref<80xi32, #tpu.memory_space<vmem>>) semaphore(%arg21 : memref<!tpu.dma_semaphore, #tpu.memory_space<semaphore_mem>>)
      %dma_wait3A_402 = arith.constant 1120 : i32
      %dma_wait3A_403 = tpu.memref_slice %arg12[%dma_wait3A_402] : memref<2000xi32, #tpu.memory_space<vmem>> -> memref<80xi32, #tpu.memory_space<vmem>>
      %dma_wait3A_404 = arith.constant 0 : i32
      %dma_wait3A_405 = arith.constant 0 : i32
      %dma_wait3A_406 = tpu.memref_slice %arg4[%dma_wait3A_404, %dma_wait3A_405] : memref<10000x128xf32, #tpu.memory_space<hbm>> -> memref<10000x128xf32, #tpu.memory_space<hbm>>
      tpu.wait_indirect_dma semaphore(%arg23 : memref<!tpu.dma_semaphore, #tpu.memory_space<semaphore_mem>>) src(%dma_wait3A_406 : memref<10000x128xf32, #tpu.memory_space<hbm>>) dst(%arg16 : memref<80x128xf32, #tpu.memory_space<vmem>>)
      %dma_start3A_407 = arith.constant 14 : i32
      %dma_start3A_408 = arith.constant 0 : i32
      %dma_start3A_409 = tpu.memref_slice %arg13[%dma_start3A_407, %dma_start3A_408] : memref<25x80xi32, #tpu.memory_space<vmem>> -> memref<1x80xi32, #tpu.memory_space<vmem>>
      %dma_start3A_410 = tpu.memref_squeeze %dma_start3A_409 : memref<1x80xi32, #tpu.memory_space<vmem>> -> memref<80xi32, #tpu.memory_space<vmem>>
      %dma_start3A_411 = arith.constant 0 : i32
      %dma_start3A_412 = arith.constant 0 : i32
      %dma_start3A_413 = tpu.memref_slice %arg19[%dma_start3A_411, %dma_start3A_412] : memref<10000x128xf32, #tpu.memory_space<vmem_shared>> -> memref<10000x128xf32, #tpu.memory_space<vmem_shared>>
      tpu.enqueue_indirect_dma source(%arg16 : memref<80x128xf32, #tpu.memory_space<vmem>>) target(%dma_start3A_413 : memref<10000x128xf32, #tpu.memory_space<vmem_shared>>) offsets(%dma_start3A_410 : memref<80xi32, #tpu.memory_space<vmem>>) semaphore(%arg27 : memref<!tpu.dma_semaphore, #tpu.memory_space<semaphore_mem>>) {add = true}
      %run_scoped3A_414 = arith.constant 14 : i32
      "tpu.region"() ({
        %run_scoped3A_669 = tpu.sem_alloc : memref<!tpu.dma_semaphore, #tpu.memory_space<semaphore_mem>>
        %dma_start3A_670 = arith.constant 0 : i32
        %dma_start3A_671 = tpu.memref_slice %arg13[%run_scoped3A_414, %dma_start3A_670] : memref<25x80xi32, #tpu.memory_space<vmem>> -> memref<1x80xi32, #tpu.memory_space<vmem>>
        %dma_start3A_672 = tpu.memref_squeeze %dma_start3A_671 : memref<1x80xi32, #tpu.memory_space<vmem>> -> memref<80xi32, #tpu.memory_space<vmem>>
        %dma_start3A_673 = arith.constant 0 : i32
        %dma_start3A_674 = tpu.memref_slice %arg20[%dma_start3A_673] : memref<10240xf32, #tpu.memory_space<vmem_shared>> -> memref<10240xf32, #tpu.memory_space<vmem_shared>>
        tpu.enqueue_indirect_dma source(%arg18 : memref<80xf32, #tpu.memory_space<vmem>>) target(%dma_start3A_674 : memref<10240xf32, #tpu.memory_space<vmem_shared>>) offsets(%dma_start3A_672 : memref<80xi32, #tpu.memory_space<vmem>>) semaphore(%run_scoped3A_669 : memref<!tpu.dma_semaphore, #tpu.memory_space<semaphore_mem>>) {add = true}
        %dma_wait3A_675 = arith.constant 0 : i32
        %dma_wait3A_676 = tpu.memref_slice %arg13[%run_scoped3A_414, %dma_wait3A_675] : memref<25x80xi32, #tpu.memory_space<vmem>> -> memref<1x80xi32, #tpu.memory_space<vmem>>
        %dma_wait3A_677 = tpu.memref_squeeze %dma_wait3A_676 : memref<1x80xi32, #tpu.memory_space<vmem>> -> memref<80xi32, #tpu.memory_space<vmem>>
        %dma_wait3A_678 = arith.constant 0 : i32
        %dma_wait3A_679 = tpu.memref_slice %arg20[%dma_wait3A_678] : memref<10240xf32, #tpu.memory_space<vmem_shared>> -> memref<10240xf32, #tpu.memory_space<vmem_shared>>
        tpu.wait_indirect_dma semaphore(%run_scoped3A_669 : memref<!tpu.dma_semaphore, #tpu.memory_space<semaphore_mem>>) src(%arg18 : memref<80xf32, #tpu.memory_space<vmem>>) dst(%dma_wait3A_679 : memref<10240xf32, #tpu.memory_space<vmem_shared>>)
        tpu.yield
      }) : () -> ()
      %dma_wait3A_415 = arith.constant 13 : i32
      %dma_wait3A_416 = arith.constant 0 : i32
      %dma_wait3A_417 = tpu.memref_slice %arg13[%dma_wait3A_415, %dma_wait3A_416] : memref<25x80xi32, #tpu.memory_space<vmem>> -> memref<1x80xi32, #tpu.memory_space<vmem>>
      %dma_wait3A_418 = tpu.memref_squeeze %dma_wait3A_417 : memref<1x80xi32, #tpu.memory_space<vmem>> -> memref<80xi32, #tpu.memory_space<vmem>>
      %dma_wait3A_419 = arith.constant 0 : i32
      %dma_wait3A_420 = arith.constant 0 : i32
      %dma_wait3A_421 = tpu.memref_slice %arg19[%dma_wait3A_419, %dma_wait3A_420] : memref<10000x128xf32, #tpu.memory_space<vmem_shared>> -> memref<10000x128xf32, #tpu.memory_space<vmem_shared>>
      tpu.wait_indirect_dma semaphore(%arg26 : memref<!tpu.dma_semaphore, #tpu.memory_space<semaphore_mem>>) src(%arg15 : memref<80x128xf32, #tpu.memory_space<vmem>>) dst(%dma_wait3A_421 : memref<10000x128xf32, #tpu.memory_space<vmem_shared>>)
      %dma_start3A_422 = arith.constant 1360 : i32
      %dma_start3A_423 = tpu.memref_slice %arg12[%dma_start3A_422] : memref<2000xi32, #tpu.memory_space<vmem>> -> memref<80xi32, #tpu.memory_space<vmem>>
      %dma_start3A_424 = arith.constant 0 : i32
      %dma_start3A_425 = arith.constant 0 : i32
      %dma_start3A_426 = tpu.memref_slice %arg4[%dma_start3A_424, %dma_start3A_425] : memref<10000x128xf32, #tpu.memory_space<hbm>> -> memref<10000x128xf32, #tpu.memory_space<hbm>>
      tpu.enqueue_indirect_dma source(%dma_start3A_426 : memref<10000x128xf32, #tpu.memory_space<hbm>>) target(%arg15 : memref<80x128xf32, #tpu.memory_space<vmem>>) offsets(%dma_start3A_423 : memref<80xi32, #tpu.memory_space<vmem>>) semaphore(%arg22 : memref<!tpu.dma_semaphore, #tpu.memory_space<semaphore_mem>>)
      %dma_wait3A_427 = arith.constant 1200 : i32
      %dma_wait3A_428 = tpu.memref_slice %arg12[%dma_wait3A_427] : memref<2000xi32, #tpu.memory_space<vmem>> -> memref<80xi32, #tpu.memory_space<vmem>>
      %dma_wait3A_429 = arith.constant 0 : i32
      %dma_wait3A_430 = arith.constant 0 : i32
      %dma_wait3A_431 = tpu.memref_slice %arg4[%dma_wait3A_429, %dma_wait3A_430] : memref<10000x128xf32, #tpu.memory_space<hbm>> -> memref<10000x128xf32, #tpu.memory_space<hbm>>
      tpu.wait_indirect_dma semaphore(%arg24 : memref<!tpu.dma_semaphore, #tpu.memory_space<semaphore_mem>>) src(%dma_wait3A_431 : memref<10000x128xf32, #tpu.memory_space<hbm>>) dst(%arg17 : memref<80x128xf32, #tpu.memory_space<vmem>>)
      %dma_start3A_432 = arith.constant 15 : i32
      %dma_start3A_433 = arith.constant 0 : i32
      %dma_start3A_434 = tpu.memref_slice %arg13[%dma_start3A_432, %dma_start3A_433] : memref<25x80xi32, #tpu.memory_space<vmem>> -> memref<1x80xi32, #tpu.memory_space<vmem>>
      %dma_start3A_435 = tpu.memref_squeeze %dma_start3A_434 : memref<1x80xi32, #tpu.memory_space<vmem>> -> memref<80xi32, #tpu.memory_space<vmem>>
      %dma_start3A_436 = arith.constant 0 : i32
      %dma_start3A_437 = arith.constant 0 : i32
      %dma_start3A_438 = tpu.memref_slice %arg19[%dma_start3A_436, %dma_start3A_437] : memref<10000x128xf32, #tpu.memory_space<vmem_shared>> -> memref<10000x128xf32, #tpu.memory_space<vmem_shared>>
      tpu.enqueue_indirect_dma source(%arg17 : memref<80x128xf32, #tpu.memory_space<vmem>>) target(%dma_start3A_438 : memref<10000x128xf32, #tpu.memory_space<vmem_shared>>) offsets(%dma_start3A_435 : memref<80xi32, #tpu.memory_space<vmem>>) semaphore(%arg28 : memref<!tpu.dma_semaphore, #tpu.memory_space<semaphore_mem>>) {add = true}
      %run_scoped3A_439 = arith.constant 15 : i32
      "tpu.region"() ({
        %run_scoped3A_669 = tpu.sem_alloc : memref<!tpu.dma_semaphore, #tpu.memory_space<semaphore_mem>>
        %dma_start3A_670 = arith.constant 0 : i32
        %dma_start3A_671 = tpu.memref_slice %arg13[%run_scoped3A_439, %dma_start3A_670] : memref<25x80xi32, #tpu.memory_space<vmem>> -> memref<1x80xi32, #tpu.memory_space<vmem>>
        %dma_start3A_672 = tpu.memref_squeeze %dma_start3A_671 : memref<1x80xi32, #tpu.memory_space<vmem>> -> memref<80xi32, #tpu.memory_space<vmem>>
        %dma_start3A_673 = arith.constant 0 : i32
        %dma_start3A_674 = tpu.memref_slice %arg20[%dma_start3A_673] : memref<10240xf32, #tpu.memory_space<vmem_shared>> -> memref<10240xf32, #tpu.memory_space<vmem_shared>>
        tpu.enqueue_indirect_dma source(%arg18 : memref<80xf32, #tpu.memory_space<vmem>>) target(%dma_start3A_674 : memref<10240xf32, #tpu.memory_space<vmem_shared>>) offsets(%dma_start3A_672 : memref<80xi32, #tpu.memory_space<vmem>>) semaphore(%run_scoped3A_669 : memref<!tpu.dma_semaphore, #tpu.memory_space<semaphore_mem>>) {add = true}
        %dma_wait3A_675 = arith.constant 0 : i32
        %dma_wait3A_676 = tpu.memref_slice %arg13[%run_scoped3A_439, %dma_wait3A_675] : memref<25x80xi32, #tpu.memory_space<vmem>> -> memref<1x80xi32, #tpu.memory_space<vmem>>
        %dma_wait3A_677 = tpu.memref_squeeze %dma_wait3A_676 : memref<1x80xi32, #tpu.memory_space<vmem>> -> memref<80xi32, #tpu.memory_space<vmem>>
        %dma_wait3A_678 = arith.constant 0 : i32
        %dma_wait3A_679 = tpu.memref_slice %arg20[%dma_wait3A_678] : memref<10240xf32, #tpu.memory_space<vmem_shared>> -> memref<10240xf32, #tpu.memory_space<vmem_shared>>
        tpu.wait_indirect_dma semaphore(%run_scoped3A_669 : memref<!tpu.dma_semaphore, #tpu.memory_space<semaphore_mem>>) src(%arg18 : memref<80xf32, #tpu.memory_space<vmem>>) dst(%dma_wait3A_679 : memref<10240xf32, #tpu.memory_space<vmem_shared>>)
        tpu.yield
      }) : () -> ()
      %dma_wait3A_440 = arith.constant 14 : i32
      %dma_wait3A_441 = arith.constant 0 : i32
      %dma_wait3A_442 = tpu.memref_slice %arg13[%dma_wait3A_440, %dma_wait3A_441] : memref<25x80xi32, #tpu.memory_space<vmem>> -> memref<1x80xi32, #tpu.memory_space<vmem>>
      %dma_wait3A_443 = tpu.memref_squeeze %dma_wait3A_442 : memref<1x80xi32, #tpu.memory_space<vmem>> -> memref<80xi32, #tpu.memory_space<vmem>>
      %dma_wait3A_444 = arith.constant 0 : i32
      %dma_wait3A_445 = arith.constant 0 : i32
      %dma_wait3A_446 = tpu.memref_slice %arg19[%dma_wait3A_444, %dma_wait3A_445] : memref<10000x128xf32, #tpu.memory_space<vmem_shared>> -> memref<10000x128xf32, #tpu.memory_space<vmem_shared>>
      tpu.wait_indirect_dma semaphore(%arg27 : memref<!tpu.dma_semaphore, #tpu.memory_space<semaphore_mem>>) src(%arg16 : memref<80x128xf32, #tpu.memory_space<vmem>>) dst(%dma_wait3A_446 : memref<10000x128xf32, #tpu.memory_space<vmem_shared>>)
      %dma_start3A_447 = arith.constant 1440 : i32
      %dma_start3A_448 = tpu.memref_slice %arg12[%dma_start3A_447] : memref<2000xi32, #tpu.memory_space<vmem>> -> memref<80xi32, #tpu.memory_space<vmem>>
      %dma_start3A_449 = arith.constant 0 : i32
      %dma_start3A_450 = arith.constant 0 : i32
      %dma_start3A_451 = tpu.memref_slice %arg4[%dma_start3A_449, %dma_start3A_450] : memref<10000x128xf32, #tpu.memory_space<hbm>> -> memref<10000x128xf32, #tpu.memory_space<hbm>>
      tpu.enqueue_indirect_dma source(%dma_start3A_451 : memref<10000x128xf32, #tpu.memory_space<hbm>>) target(%arg16 : memref<80x128xf32, #tpu.memory_space<vmem>>) offsets(%dma_start3A_448 : memref<80xi32, #tpu.memory_space<vmem>>) semaphore(%arg23 : memref<!tpu.dma_semaphore, #tpu.memory_space<semaphore_mem>>)
      %dma_wait3A_452 = arith.constant 1280 : i32
      %dma_wait3A_453 = tpu.memref_slice %arg12[%dma_wait3A_452] : memref<2000xi32, #tpu.memory_space<vmem>> -> memref<80xi32, #tpu.memory_space<vmem>>
      %dma_wait3A_454 = arith.constant 0 : i32
      %dma_wait3A_455 = arith.constant 0 : i32
      %dma_wait3A_456 = tpu.memref_slice %arg4[%dma_wait3A_454, %dma_wait3A_455] : memref<10000x128xf32, #tpu.memory_space<hbm>> -> memref<10000x128xf32, #tpu.memory_space<hbm>>
      tpu.wait_indirect_dma semaphore(%arg21 : memref<!tpu.dma_semaphore, #tpu.memory_space<semaphore_mem>>) src(%dma_wait3A_456 : memref<10000x128xf32, #tpu.memory_space<hbm>>) dst(%arg14 : memref<80x128xf32, #tpu.memory_space<vmem>>)
      %dma_start3A_457 = arith.constant 16 : i32
      %dma_start3A_458 = arith.constant 0 : i32
      %dma_start3A_459 = tpu.memref_slice %arg13[%dma_start3A_457, %dma_start3A_458] : memref<25x80xi32, #tpu.memory_space<vmem>> -> memref<1x80xi32, #tpu.memory_space<vmem>>
      %dma_start3A_460 = tpu.memref_squeeze %dma_start3A_459 : memref<1x80xi32, #tpu.memory_space<vmem>> -> memref<80xi32, #tpu.memory_space<vmem>>
      %dma_start3A_461 = arith.constant 0 : i32
      %dma_start3A_462 = arith.constant 0 : i32
      %dma_start3A_463 = tpu.memref_slice %arg19[%dma_start3A_461, %dma_start3A_462] : memref<10000x128xf32, #tpu.memory_space<vmem_shared>> -> memref<10000x128xf32, #tpu.memory_space<vmem_shared>>
      tpu.enqueue_indirect_dma source(%arg14 : memref<80x128xf32, #tpu.memory_space<vmem>>) target(%dma_start3A_463 : memref<10000x128xf32, #tpu.memory_space<vmem_shared>>) offsets(%dma_start3A_460 : memref<80xi32, #tpu.memory_space<vmem>>) semaphore(%arg25 : memref<!tpu.dma_semaphore, #tpu.memory_space<semaphore_mem>>) {add = true}
      %run_scoped3A_464 = arith.constant 16 : i32
      "tpu.region"() ({
        %run_scoped3A_669 = tpu.sem_alloc : memref<!tpu.dma_semaphore, #tpu.memory_space<semaphore_mem>>
        %dma_start3A_670 = arith.constant 0 : i32
        %dma_start3A_671 = tpu.memref_slice %arg13[%run_scoped3A_464, %dma_start3A_670] : memref<25x80xi32, #tpu.memory_space<vmem>> -> memref<1x80xi32, #tpu.memory_space<vmem>>
        %dma_start3A_672 = tpu.memref_squeeze %dma_start3A_671 : memref<1x80xi32, #tpu.memory_space<vmem>> -> memref<80xi32, #tpu.memory_space<vmem>>
        %dma_start3A_673 = arith.constant 0 : i32
        %dma_start3A_674 = tpu.memref_slice %arg20[%dma_start3A_673] : memref<10240xf32, #tpu.memory_space<vmem_shared>> -> memref<10240xf32, #tpu.memory_space<vmem_shared>>
        tpu.enqueue_indirect_dma source(%arg18 : memref<80xf32, #tpu.memory_space<vmem>>) target(%dma_start3A_674 : memref<10240xf32, #tpu.memory_space<vmem_shared>>) offsets(%dma_start3A_672 : memref<80xi32, #tpu.memory_space<vmem>>) semaphore(%run_scoped3A_669 : memref<!tpu.dma_semaphore, #tpu.memory_space<semaphore_mem>>) {add = true}
        %dma_wait3A_675 = arith.constant 0 : i32
        %dma_wait3A_676 = tpu.memref_slice %arg13[%run_scoped3A_464, %dma_wait3A_675] : memref<25x80xi32, #tpu.memory_space<vmem>> -> memref<1x80xi32, #tpu.memory_space<vmem>>
        %dma_wait3A_677 = tpu.memref_squeeze %dma_wait3A_676 : memref<1x80xi32, #tpu.memory_space<vmem>> -> memref<80xi32, #tpu.memory_space<vmem>>
        %dma_wait3A_678 = arith.constant 0 : i32
        %dma_wait3A_679 = tpu.memref_slice %arg20[%dma_wait3A_678] : memref<10240xf32, #tpu.memory_space<vmem_shared>> -> memref<10240xf32, #tpu.memory_space<vmem_shared>>
        tpu.wait_indirect_dma semaphore(%run_scoped3A_669 : memref<!tpu.dma_semaphore, #tpu.memory_space<semaphore_mem>>) src(%arg18 : memref<80xf32, #tpu.memory_space<vmem>>) dst(%dma_wait3A_679 : memref<10240xf32, #tpu.memory_space<vmem_shared>>)
        tpu.yield
      }) : () -> ()
      %dma_wait3A_465 = arith.constant 15 : i32
      %dma_wait3A_466 = arith.constant 0 : i32
      %dma_wait3A_467 = tpu.memref_slice %arg13[%dma_wait3A_465, %dma_wait3A_466] : memref<25x80xi32, #tpu.memory_space<vmem>> -> memref<1x80xi32, #tpu.memory_space<vmem>>
      %dma_wait3A_468 = tpu.memref_squeeze %dma_wait3A_467 : memref<1x80xi32, #tpu.memory_space<vmem>> -> memref<80xi32, #tpu.memory_space<vmem>>
      %dma_wait3A_469 = arith.constant 0 : i32
      %dma_wait3A_470 = arith.constant 0 : i32
      %dma_wait3A_471 = tpu.memref_slice %arg19[%dma_wait3A_469, %dma_wait3A_470] : memref<10000x128xf32, #tpu.memory_space<vmem_shared>> -> memref<10000x128xf32, #tpu.memory_space<vmem_shared>>
      tpu.wait_indirect_dma semaphore(%arg28 : memref<!tpu.dma_semaphore, #tpu.memory_space<semaphore_mem>>) src(%arg17 : memref<80x128xf32, #tpu.memory_space<vmem>>) dst(%dma_wait3A_471 : memref<10000x128xf32, #tpu.memory_space<vmem_shared>>)
      %dma_start3A_472 = arith.constant 1520 : i32
      %dma_start3A_473 = tpu.memref_slice %arg12[%dma_start3A_472] : memref<2000xi32, #tpu.memory_space<vmem>> -> memref<80xi32, #tpu.memory_space<vmem>>
      %dma_start3A_474 = arith.constant 0 : i32
      %dma_start3A_475 = arith.constant 0 : i32
      %dma_start3A_476 = tpu.memref_slice %arg4[%dma_start3A_474, %dma_start3A_475] : memref<10000x128xf32, #tpu.memory_space<hbm>> -> memref<10000x128xf32, #tpu.memory_space<hbm>>
      tpu.enqueue_indirect_dma source(%dma_start3A_476 : memref<10000x128xf32, #tpu.memory_space<hbm>>) target(%arg17 : memref<80x128xf32, #tpu.memory_space<vmem>>) offsets(%dma_start3A_473 : memref<80xi32, #tpu.memory_space<vmem>>) semaphore(%arg24 : memref<!tpu.dma_semaphore, #tpu.memory_space<semaphore_mem>>)
      %dma_wait3A_477 = arith.constant 1360 : i32
      %dma_wait3A_478 = tpu.memref_slice %arg12[%dma_wait3A_477] : memref<2000xi32, #tpu.memory_space<vmem>> -> memref<80xi32, #tpu.memory_space<vmem>>
      %dma_wait3A_479 = arith.constant 0 : i32
      %dma_wait3A_480 = arith.constant 0 : i32
      %dma_wait3A_481 = tpu.memref_slice %arg4[%dma_wait3A_479, %dma_wait3A_480] : memref<10000x128xf32, #tpu.memory_space<hbm>> -> memref<10000x128xf32, #tpu.memory_space<hbm>>
      tpu.wait_indirect_dma semaphore(%arg22 : memref<!tpu.dma_semaphore, #tpu.memory_space<semaphore_mem>>) src(%dma_wait3A_481 : memref<10000x128xf32, #tpu.memory_space<hbm>>) dst(%arg15 : memref<80x128xf32, #tpu.memory_space<vmem>>)
      %dma_start3A_482 = arith.constant 17 : i32
      %dma_start3A_483 = arith.constant 0 : i32
      %dma_start3A_484 = tpu.memref_slice %arg13[%dma_start3A_482, %dma_start3A_483] : memref<25x80xi32, #tpu.memory_space<vmem>> -> memref<1x80xi32, #tpu.memory_space<vmem>>
      %dma_start3A_485 = tpu.memref_squeeze %dma_start3A_484 : memref<1x80xi32, #tpu.memory_space<vmem>> -> memref<80xi32, #tpu.memory_space<vmem>>
      %dma_start3A_486 = arith.constant 0 : i32
      %dma_start3A_487 = arith.constant 0 : i32
      %dma_start3A_488 = tpu.memref_slice %arg19[%dma_start3A_486, %dma_start3A_487] : memref<10000x128xf32, #tpu.memory_space<vmem_shared>> -> memref<10000x128xf32, #tpu.memory_space<vmem_shared>>
      tpu.enqueue_indirect_dma source(%arg15 : memref<80x128xf32, #tpu.memory_space<vmem>>) target(%dma_start3A_488 : memref<10000x128xf32, #tpu.memory_space<vmem_shared>>) offsets(%dma_start3A_485 : memref<80xi32, #tpu.memory_space<vmem>>) semaphore(%arg26 : memref<!tpu.dma_semaphore, #tpu.memory_space<semaphore_mem>>) {add = true}
      %run_scoped3A_489 = arith.constant 17 : i32
      "tpu.region"() ({
        %run_scoped3A_669 = tpu.sem_alloc : memref<!tpu.dma_semaphore, #tpu.memory_space<semaphore_mem>>
        %dma_start3A_670 = arith.constant 0 : i32
        %dma_start3A_671 = tpu.memref_slice %arg13[%run_scoped3A_489, %dma_start3A_670] : memref<25x80xi32, #tpu.memory_space<vmem>> -> memref<1x80xi32, #tpu.memory_space<vmem>>
        %dma_start3A_672 = tpu.memref_squeeze %dma_start3A_671 : memref<1x80xi32, #tpu.memory_space<vmem>> -> memref<80xi32, #tpu.memory_space<vmem>>
        %dma_start3A_673 = arith.constant 0 : i32
        %dma_start3A_674 = tpu.memref_slice %arg20[%dma_start3A_673] : memref<10240xf32, #tpu.memory_space<vmem_shared>> -> memref<10240xf32, #tpu.memory_space<vmem_shared>>
        tpu.enqueue_indirect_dma source(%arg18 : memref<80xf32, #tpu.memory_space<vmem>>) target(%dma_start3A_674 : memref<10240xf32, #tpu.memory_space<vmem_shared>>) offsets(%dma_start3A_672 : memref<80xi32, #tpu.memory_space<vmem>>) semaphore(%run_scoped3A_669 : memref<!tpu.dma_semaphore, #tpu.memory_space<semaphore_mem>>) {add = true}
        %dma_wait3A_675 = arith.constant 0 : i32
        %dma_wait3A_676 = tpu.memref_slice %arg13[%run_scoped3A_489, %dma_wait3A_675] : memref<25x80xi32, #tpu.memory_space<vmem>> -> memref<1x80xi32, #tpu.memory_space<vmem>>
        %dma_wait3A_677 = tpu.memref_squeeze %dma_wait3A_676 : memref<1x80xi32, #tpu.memory_space<vmem>> -> memref<80xi32, #tpu.memory_space<vmem>>
        %dma_wait3A_678 = arith.constant 0 : i32
        %dma_wait3A_679 = tpu.memref_slice %arg20[%dma_wait3A_678] : memref<10240xf32, #tpu.memory_space<vmem_shared>> -> memref<10240xf32, #tpu.memory_space<vmem_shared>>
        tpu.wait_indirect_dma semaphore(%run_scoped3A_669 : memref<!tpu.dma_semaphore, #tpu.memory_space<semaphore_mem>>) src(%arg18 : memref<80xf32, #tpu.memory_space<vmem>>) dst(%dma_wait3A_679 : memref<10240xf32, #tpu.memory_space<vmem_shared>>)
        tpu.yield
      }) : () -> ()
      %dma_wait3A_490 = arith.constant 16 : i32
      %dma_wait3A_491 = arith.constant 0 : i32
      %dma_wait3A_492 = tpu.memref_slice %arg13[%dma_wait3A_490, %dma_wait3A_491] : memref<25x80xi32, #tpu.memory_space<vmem>> -> memref<1x80xi32, #tpu.memory_space<vmem>>
      %dma_wait3A_493 = tpu.memref_squeeze %dma_wait3A_492 : memref<1x80xi32, #tpu.memory_space<vmem>> -> memref<80xi32, #tpu.memory_space<vmem>>
      %dma_wait3A_494 = arith.constant 0 : i32
      %dma_wait3A_495 = arith.constant 0 : i32
      %dma_wait3A_496 = tpu.memref_slice %arg19[%dma_wait3A_494, %dma_wait3A_495] : memref<10000x128xf32, #tpu.memory_space<vmem_shared>> -> memref<10000x128xf32, #tpu.memory_space<vmem_shared>>
      tpu.wait_indirect_dma semaphore(%arg25 : memref<!tpu.dma_semaphore, #tpu.memory_space<semaphore_mem>>) src(%arg14 : memref<80x128xf32, #tpu.memory_space<vmem>>) dst(%dma_wait3A_496 : memref<10000x128xf32, #tpu.memory_space<vmem_shared>>)
      %dma_start3A_497 = arith.constant 1600 : i32
      %dma_start3A_498 = tpu.memref_slice %arg12[%dma_start3A_497] : memref<2000xi32, #tpu.memory_space<vmem>> -> memref<80xi32, #tpu.memory_space<vmem>>
      %dma_start3A_499 = arith.constant 0 : i32
      %dma_start3A_500 = arith.constant 0 : i32
      %dma_start3A_501 = tpu.memref_slice %arg4[%dma_start3A_499, %dma_start3A_500] : memref<10000x128xf32, #tpu.memory_space<hbm>> -> memref<10000x128xf32, #tpu.memory_space<hbm>>
      tpu.enqueue_indirect_dma source(%dma_start3A_501 : memref<10000x128xf32, #tpu.memory_space<hbm>>) target(%arg14 : memref<80x128xf32, #tpu.memory_space<vmem>>) offsets(%dma_start3A_498 : memref<80xi32, #tpu.memory_space<vmem>>) semaphore(%arg21 : memref<!tpu.dma_semaphore, #tpu.memory_space<semaphore_mem>>)
      %dma_wait3A_502 = arith.constant 1440 : i32
      %dma_wait3A_503 = tpu.memref_slice %arg12[%dma_wait3A_502] : memref<2000xi32, #tpu.memory_space<vmem>> -> memref<80xi32, #tpu.memory_space<vmem>>
      %dma_wait3A_504 = arith.constant 0 : i32
      %dma_wait3A_505 = arith.constant 0 : i32
      %dma_wait3A_506 = tpu.memref_slice %arg4[%dma_wait3A_504, %dma_wait3A_505] : memref<10000x128xf32, #tpu.memory_space<hbm>> -> memref<10000x128xf32, #tpu.memory_space<hbm>>
      tpu.wait_indirect_dma semaphore(%arg23 : memref<!tpu.dma_semaphore, #tpu.memory_space<semaphore_mem>>) src(%dma_wait3A_506 : memref<10000x128xf32, #tpu.memory_space<hbm>>) dst(%arg16 : memref<80x128xf32, #tpu.memory_space<vmem>>)
      %dma_start3A_507 = arith.constant 18 : i32
      %dma_start3A_508 = arith.constant 0 : i32
      %dma_start3A_509 = tpu.memref_slice %arg13[%dma_start3A_507, %dma_start3A_508] : memref<25x80xi32, #tpu.memory_space<vmem>> -> memref<1x80xi32, #tpu.memory_space<vmem>>
      %dma_start3A_510 = tpu.memref_squeeze %dma_start3A_509 : memref<1x80xi32, #tpu.memory_space<vmem>> -> memref<80xi32, #tpu.memory_space<vmem>>
      %dma_start3A_511 = arith.constant 0 : i32
      %dma_start3A_512 = arith.constant 0 : i32
      %dma_start3A_513 = tpu.memref_slice %arg19[%dma_start3A_511, %dma_start3A_512] : memref<10000x128xf32, #tpu.memory_space<vmem_shared>> -> memref<10000x128xf32, #tpu.memory_space<vmem_shared>>
      tpu.enqueue_indirect_dma source(%arg16 : memref<80x128xf32, #tpu.memory_space<vmem>>) target(%dma_start3A_513 : memref<10000x128xf32, #tpu.memory_space<vmem_shared>>) offsets(%dma_start3A_510 : memref<80xi32, #tpu.memory_space<vmem>>) semaphore(%arg27 : memref<!tpu.dma_semaphore, #tpu.memory_space<semaphore_mem>>) {add = true}
      %run_scoped3A_514 = arith.constant 18 : i32
      "tpu.region"() ({
        %run_scoped3A_669 = tpu.sem_alloc : memref<!tpu.dma_semaphore, #tpu.memory_space<semaphore_mem>>
        %dma_start3A_670 = arith.constant 0 : i32
        %dma_start3A_671 = tpu.memref_slice %arg13[%run_scoped3A_514, %dma_start3A_670] : memref<25x80xi32, #tpu.memory_space<vmem>> -> memref<1x80xi32, #tpu.memory_space<vmem>>
        %dma_start3A_672 = tpu.memref_squeeze %dma_start3A_671 : memref<1x80xi32, #tpu.memory_space<vmem>> -> memref<80xi32, #tpu.memory_space<vmem>>
        %dma_start3A_673 = arith.constant 0 : i32
        %dma_start3A_674 = tpu.memref_slice %arg20[%dma_start3A_673] : memref<10240xf32, #tpu.memory_space<vmem_shared>> -> memref<10240xf32, #tpu.memory_space<vmem_shared>>
        tpu.enqueue_indirect_dma source(%arg18 : memref<80xf32, #tpu.memory_space<vmem>>) target(%dma_start3A_674 : memref<10240xf32, #tpu.memory_space<vmem_shared>>) offsets(%dma_start3A_672 : memref<80xi32, #tpu.memory_space<vmem>>) semaphore(%run_scoped3A_669 : memref<!tpu.dma_semaphore, #tpu.memory_space<semaphore_mem>>) {add = true}
        %dma_wait3A_675 = arith.constant 0 : i32
        %dma_wait3A_676 = tpu.memref_slice %arg13[%run_scoped3A_514, %dma_wait3A_675] : memref<25x80xi32, #tpu.memory_space<vmem>> -> memref<1x80xi32, #tpu.memory_space<vmem>>
        %dma_wait3A_677 = tpu.memref_squeeze %dma_wait3A_676 : memref<1x80xi32, #tpu.memory_space<vmem>> -> memref<80xi32, #tpu.memory_space<vmem>>
        %dma_wait3A_678 = arith.constant 0 : i32
        %dma_wait3A_679 = tpu.memref_slice %arg20[%dma_wait3A_678] : memref<10240xf32, #tpu.memory_space<vmem_shared>> -> memref<10240xf32, #tpu.memory_space<vmem_shared>>
        tpu.wait_indirect_dma semaphore(%run_scoped3A_669 : memref<!tpu.dma_semaphore, #tpu.memory_space<semaphore_mem>>) src(%arg18 : memref<80xf32, #tpu.memory_space<vmem>>) dst(%dma_wait3A_679 : memref<10240xf32, #tpu.memory_space<vmem_shared>>)
        tpu.yield
      }) : () -> ()
      %dma_wait3A_515 = arith.constant 17 : i32
      %dma_wait3A_516 = arith.constant 0 : i32
      %dma_wait3A_517 = tpu.memref_slice %arg13[%dma_wait3A_515, %dma_wait3A_516] : memref<25x80xi32, #tpu.memory_space<vmem>> -> memref<1x80xi32, #tpu.memory_space<vmem>>
      %dma_wait3A_518 = tpu.memref_squeeze %dma_wait3A_517 : memref<1x80xi32, #tpu.memory_space<vmem>> -> memref<80xi32, #tpu.memory_space<vmem>>
      %dma_wait3A_519 = arith.constant 0 : i32
      %dma_wait3A_520 = arith.constant 0 : i32
      %dma_wait3A_521 = tpu.memref_slice %arg19[%dma_wait3A_519, %dma_wait3A_520] : memref<10000x128xf32, #tpu.memory_space<vmem_shared>> -> memref<10000x128xf32, #tpu.memory_space<vmem_shared>>
      tpu.wait_indirect_dma semaphore(%arg26 : memref<!tpu.dma_semaphore, #tpu.memory_space<semaphore_mem>>) src(%arg15 : memref<80x128xf32, #tpu.memory_space<vmem>>) dst(%dma_wait3A_521 : memref<10000x128xf32, #tpu.memory_space<vmem_shared>>)
      %dma_start3A_522 = arith.constant 1680 : i32
      %dma_start3A_523 = tpu.memref_slice %arg12[%dma_start3A_522] : memref<2000xi32, #tpu.memory_space<vmem>> -> memref<80xi32, #tpu.memory_space<vmem>>
      %dma_start3A_524 = arith.constant 0 : i32
      %dma_start3A_525 = arith.constant 0 : i32
      %dma_start3A_526 = tpu.memref_slice %arg4[%dma_start3A_524, %dma_start3A_525] : memref<10000x128xf32, #tpu.memory_space<hbm>> -> memref<10000x128xf32, #tpu.memory_space<hbm>>
      tpu.enqueue_indirect_dma source(%dma_start3A_526 : memref<10000x128xf32, #tpu.memory_space<hbm>>) target(%arg15 : memref<80x128xf32, #tpu.memory_space<vmem>>) offsets(%dma_start3A_523 : memref<80xi32, #tpu.memory_space<vmem>>) semaphore(%arg22 : memref<!tpu.dma_semaphore, #tpu.memory_space<semaphore_mem>>)
      %dma_wait3A_527 = arith.constant 1520 : i32
      %dma_wait3A_528 = tpu.memref_slice %arg12[%dma_wait3A_527] : memref<2000xi32, #tpu.memory_space<vmem>> -> memref<80xi32, #tpu.memory_space<vmem>>
      %dma_wait3A_529 = arith.constant 0 : i32
      %dma_wait3A_530 = arith.constant 0 : i32
      %dma_wait3A_531 = tpu.memref_slice %arg4[%dma_wait3A_529, %dma_wait3A_530] : memref<10000x128xf32, #tpu.memory_space<hbm>> -> memref<10000x128xf32, #tpu.memory_space<hbm>>
      tpu.wait_indirect_dma semaphore(%arg24 : memref<!tpu.dma_semaphore, #tpu.memory_space<semaphore_mem>>) src(%dma_wait3A_531 : memref<10000x128xf32, #tpu.memory_space<hbm>>) dst(%arg17 : memref<80x128xf32, #tpu.memory_space<vmem>>)
      %dma_start3A_532 = arith.constant 19 : i32
      %dma_start3A_533 = arith.constant 0 : i32
      %dma_start3A_534 = tpu.memref_slice %arg13[%dma_start3A_532, %dma_start3A_533] : memref<25x80xi32, #tpu.memory_space<vmem>> -> memref<1x80xi32, #tpu.memory_space<vmem>>
      %dma_start3A_535 = tpu.memref_squeeze %dma_start3A_534 : memref<1x80xi32, #tpu.memory_space<vmem>> -> memref<80xi32, #tpu.memory_space<vmem>>
      %dma_start3A_536 = arith.constant 0 : i32
      %dma_start3A_537 = arith.constant 0 : i32
      %dma_start3A_538 = tpu.memref_slice %arg19[%dma_start3A_536, %dma_start3A_537] : memref<10000x128xf32, #tpu.memory_space<vmem_shared>> -> memref<10000x128xf32, #tpu.memory_space<vmem_shared>>
      tpu.enqueue_indirect_dma source(%arg17 : memref<80x128xf32, #tpu.memory_space<vmem>>) target(%dma_start3A_538 : memref<10000x128xf32, #tpu.memory_space<vmem_shared>>) offsets(%dma_start3A_535 : memref<80xi32, #tpu.memory_space<vmem>>) semaphore(%arg28 : memref<!tpu.dma_semaphore, #tpu.memory_space<semaphore_mem>>) {add = true}
      %run_scoped3A_539 = arith.constant 19 : i32
      "tpu.region"() ({
        %run_scoped3A_669 = tpu.sem_alloc : memref<!tpu.dma_semaphore, #tpu.memory_space<semaphore_mem>>
        %dma_start3A_670 = arith.constant 0 : i32
        %dma_start3A_671 = tpu.memref_slice %arg13[%run_scoped3A_539, %dma_start3A_670] : memref<25x80xi32, #tpu.memory_space<vmem>> -> memref<1x80xi32, #tpu.memory_space<vmem>>
        %dma_start3A_672 = tpu.memref_squeeze %dma_start3A_671 : memref<1x80xi32, #tpu.memory_space<vmem>> -> memref<80xi32, #tpu.memory_space<vmem>>
        %dma_start3A_673 = arith.constant 0 : i32
        %dma_start3A_674 = tpu.memref_slice %arg20[%dma_start3A_673] : memref<10240xf32, #tpu.memory_space<vmem_shared>> -> memref<10240xf32, #tpu.memory_space<vmem_shared>>
        tpu.enqueue_indirect_dma source(%arg18 : memref<80xf32, #tpu.memory_space<vmem>>) target(%dma_start3A_674 : memref<10240xf32, #tpu.memory_space<vmem_shared>>) offsets(%dma_start3A_672 : memref<80xi32, #tpu.memory_space<vmem>>) semaphore(%run_scoped3A_669 : memref<!tpu.dma_semaphore, #tpu.memory_space<semaphore_mem>>) {add = true}
        %dma_wait3A_675 = arith.constant 0 : i32
        %dma_wait3A_676 = tpu.memref_slice %arg13[%run_scoped3A_539, %dma_wait3A_675] : memref<25x80xi32, #tpu.memory_space<vmem>> -> memref<1x80xi32, #tpu.memory_space<vmem>>
        %dma_wait3A_677 = tpu.memref_squeeze %dma_wait3A_676 : memref<1x80xi32, #tpu.memory_space<vmem>> -> memref<80xi32, #tpu.memory_space<vmem>>
        %dma_wait3A_678 = arith.constant 0 : i32
        %dma_wait3A_679 = tpu.memref_slice %arg20[%dma_wait3A_678] : memref<10240xf32, #tpu.memory_space<vmem_shared>> -> memref<10240xf32, #tpu.memory_space<vmem_shared>>
        tpu.wait_indirect_dma semaphore(%run_scoped3A_669 : memref<!tpu.dma_semaphore, #tpu.memory_space<semaphore_mem>>) src(%arg18 : memref<80xf32, #tpu.memory_space<vmem>>) dst(%dma_wait3A_679 : memref<10240xf32, #tpu.memory_space<vmem_shared>>)
        tpu.yield
      }) : () -> ()
      %dma_wait3A_540 = arith.constant 18 : i32
      %dma_wait3A_541 = arith.constant 0 : i32
      %dma_wait3A_542 = tpu.memref_slice %arg13[%dma_wait3A_540, %dma_wait3A_541] : memref<25x80xi32, #tpu.memory_space<vmem>> -> memref<1x80xi32, #tpu.memory_space<vmem>>
      %dma_wait3A_543 = tpu.memref_squeeze %dma_wait3A_542 : memref<1x80xi32, #tpu.memory_space<vmem>> -> memref<80xi32, #tpu.memory_space<vmem>>
      %dma_wait3A_544 = arith.constant 0 : i32
      %dma_wait3A_545 = arith.constant 0 : i32
      %dma_wait3A_546 = tpu.memref_slice %arg19[%dma_wait3A_544, %dma_wait3A_545] : memref<10000x128xf32, #tpu.memory_space<vmem_shared>> -> memref<10000x128xf32, #tpu.memory_space<vmem_shared>>
      tpu.wait_indirect_dma semaphore(%arg27 : memref<!tpu.dma_semaphore, #tpu.memory_space<semaphore_mem>>) src(%arg16 : memref<80x128xf32, #tpu.memory_space<vmem>>) dst(%dma_wait3A_546 : memref<10000x128xf32, #tpu.memory_space<vmem_shared>>)
      %dma_start3A_547 = arith.constant 1760 : i32
      %dma_start3A_548 = tpu.memref_slice %arg12[%dma_start3A_547] : memref<2000xi32, #tpu.memory_space<vmem>> -> memref<80xi32, #tpu.memory_space<vmem>>
      %dma_start3A_549 = arith.constant 0 : i32
      %dma_start3A_550 = arith.constant 0 : i32
      %dma_start3A_551 = tpu.memref_slice %arg4[%dma_start3A_549, %dma_start3A_550] : memref<10000x128xf32, #tpu.memory_space<hbm>> -> memref<10000x128xf32, #tpu.memory_space<hbm>>
      tpu.enqueue_indirect_dma source(%dma_start3A_551 : memref<10000x128xf32, #tpu.memory_space<hbm>>) target(%arg16 : memref<80x128xf32, #tpu.memory_space<vmem>>) offsets(%dma_start3A_548 : memref<80xi32, #tpu.memory_space<vmem>>) semaphore(%arg23 : memref<!tpu.dma_semaphore, #tpu.memory_space<semaphore_mem>>)
      %dma_wait3A_552 = arith.constant 1600 : i32
      %dma_wait3A_553 = tpu.memref_slice %arg12[%dma_wait3A_552] : memref<2000xi32, #tpu.memory_space<vmem>> -> memref<80xi32, #tpu.memory_space<vmem>>
      %dma_wait3A_554 = arith.constant 0 : i32
      %dma_wait3A_555 = arith.constant 0 : i32
      %dma_wait3A_556 = tpu.memref_slice %arg4[%dma_wait3A_554, %dma_wait3A_555] : memref<10000x128xf32, #tpu.memory_space<hbm>> -> memref<10000x128xf32, #tpu.memory_space<hbm>>
      tpu.wait_indirect_dma semaphore(%arg21 : memref<!tpu.dma_semaphore, #tpu.memory_space<semaphore_mem>>) src(%dma_wait3A_556 : memref<10000x128xf32, #tpu.memory_space<hbm>>) dst(%arg14 : memref<80x128xf32, #tpu.memory_space<vmem>>)
      %dma_start3A_557 = arith.constant 20 : i32
      %dma_start3A_558 = arith.constant 0 : i32
      %dma_start3A_559 = tpu.memref_slice %arg13[%dma_start3A_557, %dma_start3A_558] : memref<25x80xi32, #tpu.memory_space<vmem>> -> memref<1x80xi32, #tpu.memory_space<vmem>>
      %dma_start3A_560 = tpu.memref_squeeze %dma_start3A_559 : memref<1x80xi32, #tpu.memory_space<vmem>> -> memref<80xi32, #tpu.memory_space<vmem>>
      %dma_start3A_561 = arith.constant 0 : i32
      %dma_start3A_562 = arith.constant 0 : i32
      %dma_start3A_563 = tpu.memref_slice %arg19[%dma_start3A_561, %dma_start3A_562] : memref<10000x128xf32, #tpu.memory_space<vmem_shared>> -> memref<10000x128xf32, #tpu.memory_space<vmem_shared>>
      tpu.enqueue_indirect_dma source(%arg14 : memref<80x128xf32, #tpu.memory_space<vmem>>) target(%dma_start3A_563 : memref<10000x128xf32, #tpu.memory_space<vmem_shared>>) offsets(%dma_start3A_560 : memref<80xi32, #tpu.memory_space<vmem>>) semaphore(%arg25 : memref<!tpu.dma_semaphore, #tpu.memory_space<semaphore_mem>>) {add = true}
      %run_scoped3A_564 = arith.constant 20 : i32
      "tpu.region"() ({
        %run_scoped3A_669 = tpu.sem_alloc : memref<!tpu.dma_semaphore, #tpu.memory_space<semaphore_mem>>
        %dma_start3A_670 = arith.constant 0 : i32
        %dma_start3A_671 = tpu.memref_slice %arg13[%run_scoped3A_564, %dma_start3A_670] : memref<25x80xi32, #tpu.memory_space<vmem>> -> memref<1x80xi32, #tpu.memory_space<vmem>>
        %dma_start3A_672 = tpu.memref_squeeze %dma_start3A_671 : memref<1x80xi32, #tpu.memory_space<vmem>> -> memref<80xi32, #tpu.memory_space<vmem>>
        %dma_start3A_673 = arith.constant 0 : i32
        %dma_start3A_674 = tpu.memref_slice %arg20[%dma_start3A_673] : memref<10240xf32, #tpu.memory_space<vmem_shared>> -> memref<10240xf32, #tpu.memory_space<vmem_shared>>
        tpu.enqueue_indirect_dma source(%arg18 : memref<80xf32, #tpu.memory_space<vmem>>) target(%dma_start3A_674 : memref<10240xf32, #tpu.memory_space<vmem_shared>>) offsets(%dma_start3A_672 : memref<80xi32, #tpu.memory_space<vmem>>) semaphore(%run_scoped3A_669 : memref<!tpu.dma_semaphore, #tpu.memory_space<semaphore_mem>>) {add = true}
        %dma_wait3A_675 = arith.constant 0 : i32
        %dma_wait3A_676 = tpu.memref_slice %arg13[%run_scoped3A_564, %dma_wait3A_675] : memref<25x80xi32, #tpu.memory_space<vmem>> -> memref<1x80xi32, #tpu.memory_space<vmem>>
        %dma_wait3A_677 = tpu.memref_squeeze %dma_wait3A_676 : memref<1x80xi32, #tpu.memory_space<vmem>> -> memref<80xi32, #tpu.memory_space<vmem>>
        %dma_wait3A_678 = arith.constant 0 : i32
        %dma_wait3A_679 = tpu.memref_slice %arg20[%dma_wait3A_678] : memref<10240xf32, #tpu.memory_space<vmem_shared>> -> memref<10240xf32, #tpu.memory_space<vmem_shared>>
        tpu.wait_indirect_dma semaphore(%run_scoped3A_669 : memref<!tpu.dma_semaphore, #tpu.memory_space<semaphore_mem>>) src(%arg18 : memref<80xf32, #tpu.memory_space<vmem>>) dst(%dma_wait3A_679 : memref<10240xf32, #tpu.memory_space<vmem_shared>>)
        tpu.yield
      }) : () -> ()
      %dma_wait3A_565 = arith.constant 19 : i32
      %dma_wait3A_566 = arith.constant 0 : i32
      %dma_wait3A_567 = tpu.memref_slice %arg13[%dma_wait3A_565, %dma_wait3A_566] : memref<25x80xi32, #tpu.memory_space<vmem>> -> memref<1x80xi32, #tpu.memory_space<vmem>>
      %dma_wait3A_568 = tpu.memref_squeeze %dma_wait3A_567 : memref<1x80xi32, #tpu.memory_space<vmem>> -> memref<80xi32, #tpu.memory_space<vmem>>
      %dma_wait3A_569 = arith.constant 0 : i32
      %dma_wait3A_570 = arith.constant 0 : i32
      %dma_wait3A_571 = tpu.memref_slice %arg19[%dma_wait3A_569, %dma_wait3A_570] : memref<10000x128xf32, #tpu.memory_space<vmem_shared>> -> memref<10000x128xf32, #tpu.memory_space<vmem_shared>>
      tpu.wait_indirect_dma semaphore(%arg28 : memref<!tpu.dma_semaphore, #tpu.memory_space<semaphore_mem>>) src(%arg17 : memref<80x128xf32, #tpu.memory_space<vmem>>) dst(%dma_wait3A_571 : memref<10000x128xf32, #tpu.memory_space<vmem_shared>>)
      %dma_start3A_572 = arith.constant 1840 : i32
      %dma_start3A_573 = tpu.memref_slice %arg12[%dma_start3A_572] : memref<2000xi32, #tpu.memory_space<vmem>> -> memref<80xi32, #tpu.memory_space<vmem>>
      %dma_start3A_574 = arith.constant 0 : i32
      %dma_start3A_575 = arith.constant 0 : i32
      %dma_start3A_576 = tpu.memref_slice %arg4[%dma_start3A_574, %dma_start3A_575] : memref<10000x128xf32, #tpu.memory_space<hbm>> -> memref<10000x128xf32, #tpu.memory_space<hbm>>
      tpu.enqueue_indirect_dma source(%dma_start3A_576 : memref<10000x128xf32, #tpu.memory_space<hbm>>) target(%arg17 : memref<80x128xf32, #tpu.memory_space<vmem>>) offsets(%dma_start3A_573 : memref<80xi32, #tpu.memory_space<vmem>>) semaphore(%arg24 : memref<!tpu.dma_semaphore, #tpu.memory_space<semaphore_mem>>)
      %dma_wait3A_577 = arith.constant 1680 : i32
      %dma_wait3A_578 = tpu.memref_slice %arg12[%dma_wait3A_577] : memref<2000xi32, #tpu.memory_space<vmem>> -> memref<80xi32, #tpu.memory_space<vmem>>
      %dma_wait3A_579 = arith.constant 0 : i32
      %dma_wait3A_580 = arith.constant 0 : i32
      %dma_wait3A_581 = tpu.memref_slice %arg4[%dma_wait3A_579, %dma_wait3A_580] : memref<10000x128xf32, #tpu.memory_space<hbm>> -> memref<10000x128xf32, #tpu.memory_space<hbm>>
      tpu.wait_indirect_dma semaphore(%arg22 : memref<!tpu.dma_semaphore, #tpu.memory_space<semaphore_mem>>) src(%dma_wait3A_581 : memref<10000x128xf32, #tpu.memory_space<hbm>>) dst(%arg15 : memref<80x128xf32, #tpu.memory_space<vmem>>)
      %dma_start3A_582 = arith.constant 21 : i32
      %dma_start3A_583 = arith.constant 0 : i32
      %dma_start3A_584 = tpu.memref_slice %arg13[%dma_start3A_582, %dma_start3A_583] : memref<25x80xi32, #tpu.memory_space<vmem>> -> memref<1x80xi32, #tpu.memory_space<vmem>>
      %dma_start3A_585 = tpu.memref_squeeze %dma_start3A_584 : memref<1x80xi32, #tpu.memory_space<vmem>> -> memref<80xi32, #tpu.memory_space<vmem>>
      %dma_start3A_586 = arith.constant 0 : i32
      %dma_start3A_587 = arith.constant 0 : i32
      %dma_start3A_588 = tpu.memref_slice %arg19[%dma_start3A_586, %dma_start3A_587] : memref<10000x128xf32, #tpu.memory_space<vmem_shared>> -> memref<10000x128xf32, #tpu.memory_space<vmem_shared>>
      tpu.enqueue_indirect_dma source(%arg15 : memref<80x128xf32, #tpu.memory_space<vmem>>) target(%dma_start3A_588 : memref<10000x128xf32, #tpu.memory_space<vmem_shared>>) offsets(%dma_start3A_585 : memref<80xi32, #tpu.memory_space<vmem>>) semaphore(%arg26 : memref<!tpu.dma_semaphore, #tpu.memory_space<semaphore_mem>>) {add = true}
      %run_scoped3A_589 = arith.constant 21 : i32
      "tpu.region"() ({
        %run_scoped3A_669 = tpu.sem_alloc : memref<!tpu.dma_semaphore, #tpu.memory_space<semaphore_mem>>
        %dma_start3A_670 = arith.constant 0 : i32
        %dma_start3A_671 = tpu.memref_slice %arg13[%run_scoped3A_589, %dma_start3A_670] : memref<25x80xi32, #tpu.memory_space<vmem>> -> memref<1x80xi32, #tpu.memory_space<vmem>>
        %dma_start3A_672 = tpu.memref_squeeze %dma_start3A_671 : memref<1x80xi32, #tpu.memory_space<vmem>> -> memref<80xi32, #tpu.memory_space<vmem>>
        %dma_start3A_673 = arith.constant 0 : i32
        %dma_start3A_674 = tpu.memref_slice %arg20[%dma_start3A_673] : memref<10240xf32, #tpu.memory_space<vmem_shared>> -> memref<10240xf32, #tpu.memory_space<vmem_shared>>
        tpu.enqueue_indirect_dma source(%arg18 : memref<80xf32, #tpu.memory_space<vmem>>) target(%dma_start3A_674 : memref<10240xf32, #tpu.memory_space<vmem_shared>>) offsets(%dma_start3A_672 : memref<80xi32, #tpu.memory_space<vmem>>) semaphore(%run_scoped3A_669 : memref<!tpu.dma_semaphore, #tpu.memory_space<semaphore_mem>>) {add = true}
        %dma_wait3A_675 = arith.constant 0 : i32
        %dma_wait3A_676 = tpu.memref_slice %arg13[%run_scoped3A_589, %dma_wait3A_675] : memref<25x80xi32, #tpu.memory_space<vmem>> -> memref<1x80xi32, #tpu.memory_space<vmem>>
        %dma_wait3A_677 = tpu.memref_squeeze %dma_wait3A_676 : memref<1x80xi32, #tpu.memory_space<vmem>> -> memref<80xi32, #tpu.memory_space<vmem>>
        %dma_wait3A_678 = arith.constant 0 : i32
        %dma_wait3A_679 = tpu.memref_slice %arg20[%dma_wait3A_678] : memref<10240xf32, #tpu.memory_space<vmem_shared>> -> memref<10240xf32, #tpu.memory_space<vmem_shared>>
        tpu.wait_indirect_dma semaphore(%run_scoped3A_669 : memref<!tpu.dma_semaphore, #tpu.memory_space<semaphore_mem>>) src(%arg18 : memref<80xf32, #tpu.memory_space<vmem>>) dst(%dma_wait3A_679 : memref<10240xf32, #tpu.memory_space<vmem_shared>>)
        tpu.yield
      }) : () -> ()
      %dma_wait3A_590 = arith.constant 20 : i32
      %dma_wait3A_591 = arith.constant 0 : i32
      %dma_wait3A_592 = tpu.memref_slice %arg13[%dma_wait3A_590, %dma_wait3A_591] : memref<25x80xi32, #tpu.memory_space<vmem>> -> memref<1x80xi32, #tpu.memory_space<vmem>>
      %dma_wait3A_593 = tpu.memref_squeeze %dma_wait3A_592 : memref<1x80xi32, #tpu.memory_space<vmem>> -> memref<80xi32, #tpu.memory_space<vmem>>
      %dma_wait3A_594 = arith.constant 0 : i32
      %dma_wait3A_595 = arith.constant 0 : i32
      %dma_wait3A_596 = tpu.memref_slice %arg19[%dma_wait3A_594, %dma_wait3A_595] : memref<10000x128xf32, #tpu.memory_space<vmem_shared>> -> memref<10000x128xf32, #tpu.memory_space<vmem_shared>>
      tpu.wait_indirect_dma semaphore(%arg25 : memref<!tpu.dma_semaphore, #tpu.memory_space<semaphore_mem>>) src(%arg14 : memref<80x128xf32, #tpu.memory_space<vmem>>) dst(%dma_wait3A_596 : memref<10000x128xf32, #tpu.memory_space<vmem_shared>>)
      %dma_start3A_597 = arith.constant 1920 : i32
      %dma_start3A_598 = tpu.memref_slice %arg12[%dma_start3A_597] : memref<2000xi32, #tpu.memory_space<vmem>> -> memref<80xi32, #tpu.memory_space<vmem>>
      %dma_start3A_599 = arith.constant 0 : i32
      %dma_start3A_600 = arith.constant 0 : i32
      %dma_start3A_601 = tpu.memref_slice %arg4[%dma_start3A_599, %dma_start3A_600] : memref<10000x128xf32, #tpu.memory_space<hbm>> -> memref<10000x128xf32, #tpu.memory_space<hbm>>
      tpu.enqueue_indirect_dma source(%dma_start3A_601 : memref<10000x128xf32, #tpu.memory_space<hbm>>) target(%arg14 : memref<80x128xf32, #tpu.memory_space<vmem>>) offsets(%dma_start3A_598 : memref<80xi32, #tpu.memory_space<vmem>>) semaphore(%arg21 : memref<!tpu.dma_semaphore, #tpu.memory_space<semaphore_mem>>)
      %dma_wait3A_602 = arith.constant 1760 : i32
      %dma_wait3A_603 = tpu.memref_slice %arg12[%dma_wait3A_602] : memref<2000xi32, #tpu.memory_space<vmem>> -> memref<80xi32, #tpu.memory_space<vmem>>
      %dma_wait3A_604 = arith.constant 0 : i32
      %dma_wait3A_605 = arith.constant 0 : i32
      %dma_wait3A_606 = tpu.memref_slice %arg4[%dma_wait3A_604, %dma_wait3A_605] : memref<10000x128xf32, #tpu.memory_space<hbm>> -> memref<10000x128xf32, #tpu.memory_space<hbm>>
      tpu.wait_indirect_dma semaphore(%arg23 : memref<!tpu.dma_semaphore, #tpu.memory_space<semaphore_mem>>) src(%dma_wait3A_606 : memref<10000x128xf32, #tpu.memory_space<hbm>>) dst(%arg16 : memref<80x128xf32, #tpu.memory_space<vmem>>)
      %dma_start3A_607 = arith.constant 22 : i32
      %dma_start3A_608 = arith.constant 0 : i32
      %dma_start3A_609 = tpu.memref_slice %arg13[%dma_start3A_607, %dma_start3A_608] : memref<25x80xi32, #tpu.memory_space<vmem>> -> memref<1x80xi32, #tpu.memory_space<vmem>>
      %dma_start3A_610 = tpu.memref_squeeze %dma_start3A_609 : memref<1x80xi32, #tpu.memory_space<vmem>> -> memref<80xi32, #tpu.memory_space<vmem>>
      %dma_start3A_611 = arith.constant 0 : i32
      %dma_start3A_612 = arith.constant 0 : i32
      %dma_start3A_613 = tpu.memref_slice %arg19[%dma_start3A_611, %dma_start3A_612] : memref<10000x128xf32, #tpu.memory_space<vmem_shared>> -> memref<10000x128xf32, #tpu.memory_space<vmem_shared>>
      tpu.enqueue_indirect_dma source(%arg16 : memref<80x128xf32, #tpu.memory_space<vmem>>) target(%dma_start3A_613 : memref<10000x128xf32, #tpu.memory_space<vmem_shared>>) offsets(%dma_start3A_610 : memref<80xi32, #tpu.memory_space<vmem>>) semaphore(%arg27 : memref<!tpu.dma_semaphore, #tpu.memory_space<semaphore_mem>>) {add = true}
      %run_scoped3A_614 = arith.constant 22 : i32
      "tpu.region"() ({
        %run_scoped3A_669 = tpu.sem_alloc : memref<!tpu.dma_semaphore, #tpu.memory_space<semaphore_mem>>
        %dma_start3A_670 = arith.constant 0 : i32
        %dma_start3A_671 = tpu.memref_slice %arg13[%run_scoped3A_614, %dma_start3A_670] : memref<25x80xi32, #tpu.memory_space<vmem>> -> memref<1x80xi32, #tpu.memory_space<vmem>>
        %dma_start3A_672 = tpu.memref_squeeze %dma_start3A_671 : memref<1x80xi32, #tpu.memory_space<vmem>> -> memref<80xi32, #tpu.memory_space<vmem>>
        %dma_start3A_673 = arith.constant 0 : i32
        %dma_start3A_674 = tpu.memref_slice %arg20[%dma_start3A_673] : memref<10240xf32, #tpu.memory_space<vmem_shared>> -> memref<10240xf32, #tpu.memory_space<vmem_shared>>
        tpu.enqueue_indirect_dma source(%arg18 : memref<80xf32, #tpu.memory_space<vmem>>) target(%dma_start3A_674 : memref<10240xf32, #tpu.memory_space<vmem_shared>>) offsets(%dma_start3A_672 : memref<80xi32, #tpu.memory_space<vmem>>) semaphore(%run_scoped3A_669 : memref<!tpu.dma_semaphore, #tpu.memory_space<semaphore_mem>>) {add = true}
        %dma_wait3A_675 = arith.constant 0 : i32
        %dma_wait3A_676 = tpu.memref_slice %arg13[%run_scoped3A_614, %dma_wait3A_675] : memref<25x80xi32, #tpu.memory_space<vmem>> -> memref<1x80xi32, #tpu.memory_space<vmem>>
        %dma_wait3A_677 = tpu.memref_squeeze %dma_wait3A_676 : memref<1x80xi32, #tpu.memory_space<vmem>> -> memref<80xi32, #tpu.memory_space<vmem>>
        %dma_wait3A_678 = arith.constant 0 : i32
        %dma_wait3A_679 = tpu.memref_slice %arg20[%dma_wait3A_678] : memref<10240xf32, #tpu.memory_space<vmem_shared>> -> memref<10240xf32, #tpu.memory_space<vmem_shared>>
        tpu.wait_indirect_dma semaphore(%run_scoped3A_669 : memref<!tpu.dma_semaphore, #tpu.memory_space<semaphore_mem>>) src(%arg18 : memref<80xf32, #tpu.memory_space<vmem>>) dst(%dma_wait3A_679 : memref<10240xf32, #tpu.memory_space<vmem_shared>>)
        tpu.yield
      }) : () -> ()
      %dma_wait3A_615 = arith.constant 1840 : i32
      %dma_wait3A_616 = tpu.memref_slice %arg12[%dma_wait3A_615] : memref<2000xi32, #tpu.memory_space<vmem>> -> memref<80xi32, #tpu.memory_space<vmem>>
      %dma_wait3A_617 = arith.constant 0 : i32
      %dma_wait3A_618 = arith.constant 0 : i32
      %dma_wait3A_619 = tpu.memref_slice %arg4[%dma_wait3A_617, %dma_wait3A_618] : memref<10000x128xf32, #tpu.memory_space<hbm>> -> memref<10000x128xf32, #tpu.memory_space<hbm>>
      tpu.wait_indirect_dma semaphore(%arg24 : memref<!tpu.dma_semaphore, #tpu.memory_space<semaphore_mem>>) src(%dma_wait3A_619 : memref<10000x128xf32, #tpu.memory_space<hbm>>) dst(%arg17 : memref<80x128xf32, #tpu.memory_space<vmem>>)
      %dma_start3A_620 = arith.constant 23 : i32
      %dma_start3A_621 = arith.constant 0 : i32
      %dma_start3A_622 = tpu.memref_slice %arg13[%dma_start3A_620, %dma_start3A_621] : memref<25x80xi32, #tpu.memory_space<vmem>> -> memref<1x80xi32, #tpu.memory_space<vmem>>
      %dma_start3A_623 = tpu.memref_squeeze %dma_start3A_622 : memref<1x80xi32, #tpu.memory_space<vmem>> -> memref<80xi32, #tpu.memory_space<vmem>>
      %dma_start3A_624 = arith.constant 0 : i32
      %dma_start3A_625 = arith.constant 0 : i32
      %dma_start3A_626 = tpu.memref_slice %arg19[%dma_start3A_624, %dma_start3A_625] : memref<10000x128xf32, #tpu.memory_space<vmem_shared>> -> memref<10000x128xf32, #tpu.memory_space<vmem_shared>>
      tpu.enqueue_indirect_dma source(%arg17 : memref<80x128xf32, #tpu.memory_space<vmem>>) target(%dma_start3A_626 : memref<10000x128xf32, #tpu.memory_space<vmem_shared>>) offsets(%dma_start3A_623 : memref<80xi32, #tpu.memory_space<vmem>>) semaphore(%arg28 : memref<!tpu.dma_semaphore, #tpu.memory_space<semaphore_mem>>) {add = true}
      %run_scoped3A_627 = arith.constant 23 : i32
      "tpu.region"() ({
        %run_scoped3A_669 = tpu.sem_alloc : memref<!tpu.dma_semaphore, #tpu.memory_space<semaphore_mem>>
        %dma_start3A_670 = arith.constant 0 : i32
        %dma_start3A_671 = tpu.memref_slice %arg13[%run_scoped3A_627, %dma_start3A_670] : memref<25x80xi32, #tpu.memory_space<vmem>> -> memref<1x80xi32, #tpu.memory_space<vmem>>
        %dma_start3A_672 = tpu.memref_squeeze %dma_start3A_671 : memref<1x80xi32, #tpu.memory_space<vmem>> -> memref<80xi32, #tpu.memory_space<vmem>>
        %dma_start3A_673 = arith.constant 0 : i32
        %dma_start3A_674 = tpu.memref_slice %arg20[%dma_start3A_673] : memref<10240xf32, #tpu.memory_space<vmem_shared>> -> memref<10240xf32, #tpu.memory_space<vmem_shared>>
        tpu.enqueue_indirect_dma source(%arg18 : memref<80xf32, #tpu.memory_space<vmem>>) target(%dma_start3A_674 : memref<10240xf32, #tpu.memory_space<vmem_shared>>) offsets(%dma_start3A_672 : memref<80xi32, #tpu.memory_space<vmem>>) semaphore(%run_scoped3A_669 : memref<!tpu.dma_semaphore, #tpu.memory_space<semaphore_mem>>) {add = true}
        %dma_wait3A_675 = arith.constant 0 : i32
        %dma_wait3A_676 = tpu.memref_slice %arg13[%run_scoped3A_627, %dma_wait3A_675] : memref<25x80xi32, #tpu.memory_space<vmem>> -> memref<1x80xi32, #tpu.memory_space<vmem>>
        %dma_wait3A_677 = tpu.memref_squeeze %dma_wait3A_676 : memref<1x80xi32, #tpu.memory_space<vmem>> -> memref<80xi32, #tpu.memory_space<vmem>>
        %dma_wait3A_678 = arith.constant 0 : i32
        %dma_wait3A_679 = tpu.memref_slice %arg20[%dma_wait3A_678] : memref<10240xf32, #tpu.memory_space<vmem_shared>> -> memref<10240xf32, #tpu.memory_space<vmem_shared>>
        tpu.wait_indirect_dma semaphore(%run_scoped3A_669 : memref<!tpu.dma_semaphore, #tpu.memory_space<semaphore_mem>>) src(%arg18 : memref<80xf32, #tpu.memory_space<vmem>>) dst(%dma_wait3A_679 : memref<10240xf32, #tpu.memory_space<vmem_shared>>)
        tpu.yield
      }) : () -> ()
      %dma_wait3A_628 = arith.constant 1920 : i32
      %dma_wait3A_629 = tpu.memref_slice %arg12[%dma_wait3A_628] : memref<2000xi32, #tpu.memory_space<vmem>> -> memref<80xi32, #tpu.memory_space<vmem>>
      %dma_wait3A_630 = arith.constant 0 : i32
      %dma_wait3A_631 = arith.constant 0 : i32
      %dma_wait3A_632 = tpu.memref_slice %arg4[%dma_wait3A_630, %dma_wait3A_631] : memref<10000x128xf32, #tpu.memory_space<hbm>> -> memref<10000x128xf32, #tpu.memory_space<hbm>>
      tpu.wait_indirect_dma semaphore(%arg21 : memref<!tpu.dma_semaphore, #tpu.memory_space<semaphore_mem>>) src(%dma_wait3A_632 : memref<10000x128xf32, #tpu.memory_space<hbm>>) dst(%arg14 : memref<80x128xf32, #tpu.memory_space<vmem>>)
      %dma_start3A_633 = arith.constant 24 : i32
      %dma_start3A_634 = arith.constant 0 : i32
      %dma_start3A_635 = tpu.memref_slice %arg13[%dma_start3A_633, %dma_start3A_634] : memref<25x80xi32, #tpu.memory_space<vmem>> -> memref<1x80xi32, #tpu.memory_space<vmem>>
      %dma_start3A_636 = tpu.memref_squeeze %dma_start3A_635 : memref<1x80xi32, #tpu.memory_space<vmem>> -> memref<80xi32, #tpu.memory_space<vmem>>
      %dma_start3A_637 = arith.constant 0 : i32
      %dma_start3A_638 = arith.constant 0 : i32
      %dma_start3A_639 = tpu.memref_slice %arg19[%dma_start3A_637, %dma_start3A_638] : memref<10000x128xf32, #tpu.memory_space<vmem_shared>> -> memref<10000x128xf32, #tpu.memory_space<vmem_shared>>
      tpu.enqueue_indirect_dma source(%arg14 : memref<80x128xf32, #tpu.memory_space<vmem>>) target(%dma_start3A_639 : memref<10000x128xf32, #tpu.memory_space<vmem_shared>>) offsets(%dma_start3A_636 : memref<80xi32, #tpu.memory_space<vmem>>) semaphore(%arg25 : memref<!tpu.dma_semaphore, #tpu.memory_space<semaphore_mem>>) {add = true}
      %run_scoped3A_640 = arith.constant 24 : i32
      "tpu.region"() ({
        %run_scoped3A_669 = tpu.sem_alloc : memref<!tpu.dma_semaphore, #tpu.memory_space<semaphore_mem>>
        %dma_start3A_670 = arith.constant 0 : i32
        %dma_start3A_671 = tpu.memref_slice %arg13[%run_scoped3A_640, %dma_start3A_670] : memref<25x80xi32, #tpu.memory_space<vmem>> -> memref<1x80xi32, #tpu.memory_space<vmem>>
        %dma_start3A_672 = tpu.memref_squeeze %dma_start3A_671 : memref<1x80xi32, #tpu.memory_space<vmem>> -> memref<80xi32, #tpu.memory_space<vmem>>
        %dma_start3A_673 = arith.constant 0 : i32
        %dma_start3A_674 = tpu.memref_slice %arg20[%dma_start3A_673] : memref<10240xf32, #tpu.memory_space<vmem_shared>> -> memref<10240xf32, #tpu.memory_space<vmem_shared>>
        tpu.enqueue_indirect_dma source(%arg18 : memref<80xf32, #tpu.memory_space<vmem>>) target(%dma_start3A_674 : memref<10240xf32, #tpu.memory_space<vmem_shared>>) offsets(%dma_start3A_672 : memref<80xi32, #tpu.memory_space<vmem>>) semaphore(%run_scoped3A_669 : memref<!tpu.dma_semaphore, #tpu.memory_space<semaphore_mem>>) {add = true}
        %dma_wait3A_675 = arith.constant 0 : i32
        %dma_wait3A_676 = tpu.memref_slice %arg13[%run_scoped3A_640, %dma_wait3A_675] : memref<25x80xi32, #tpu.memory_space<vmem>> -> memref<1x80xi32, #tpu.memory_space<vmem>>
        %dma_wait3A_677 = tpu.memref_squeeze %dma_wait3A_676 : memref<1x80xi32, #tpu.memory_space<vmem>> -> memref<80xi32, #tpu.memory_space<vmem>>
        %dma_wait3A_678 = arith.constant 0 : i32
        %dma_wait3A_679 = tpu.memref_slice %arg20[%dma_wait3A_678] : memref<10240xf32, #tpu.memory_space<vmem_shared>> -> memref<10240xf32, #tpu.memory_space<vmem_shared>>
        tpu.wait_indirect_dma semaphore(%run_scoped3A_669 : memref<!tpu.dma_semaphore, #tpu.memory_space<semaphore_mem>>) src(%arg18 : memref<80xf32, #tpu.memory_space<vmem>>) dst(%dma_wait3A_679 : memref<10240xf32, #tpu.memory_space<vmem_shared>>)
        tpu.yield
      }) : () -> ()
      %dma_wait3A_641 = arith.constant 21 : i32
      %dma_wait3A_642 = arith.constant 0 : i32
      %dma_wait3A_643 = tpu.memref_slice %arg13[%dma_wait3A_641, %dma_wait3A_642] : memref<25x80xi32, #tpu.memory_space<vmem>> -> memref<1x80xi32, #tpu.memory_space<vmem>>
      %dma_wait3A_644 = tpu.memref_squeeze %dma_wait3A_643 : memref<1x80xi32, #tpu.memory_space<vmem>> -> memref<80xi32, #tpu.memory_space<vmem>>
      %dma_wait3A_645 = arith.constant 0 : i32
      %dma_wait3A_646 = arith.constant 0 : i32
      %dma_wait3A_647 = tpu.memref_slice %arg19[%dma_wait3A_645, %dma_wait3A_646] : memref<10000x128xf32, #tpu.memory_space<vmem_shared>> -> memref<10000x128xf32, #tpu.memory_space<vmem_shared>>
      tpu.wait_indirect_dma semaphore(%arg26 : memref<!tpu.dma_semaphore, #tpu.memory_space<semaphore_mem>>) src(%arg15 : memref<80x128xf32, #tpu.memory_space<vmem>>) dst(%dma_wait3A_647 : memref<10000x128xf32, #tpu.memory_space<vmem_shared>>)
      %dma_wait3A_648 = arith.constant 22 : i32
      %dma_wait3A_649 = arith.constant 0 : i32
      %dma_wait3A_650 = tpu.memref_slice %arg13[%dma_wait3A_648, %dma_wait3A_649] : memref<25x80xi32, #tpu.memory_space<vmem>> -> memref<1x80xi32, #tpu.memory_space<vmem>>
      %dma_wait3A_651 = tpu.memref_squeeze %dma_wait3A_650 : memref<1x80xi32, #tpu.memory_space<vmem>> -> memref<80xi32, #tpu.memory_space<vmem>>
      %dma_wait3A_652 = arith.constant 0 : i32
      %dma_wait3A_653 = arith.constant 0 : i32
      %dma_wait3A_654 = tpu.memref_slice %arg19[%dma_wait3A_652, %dma_wait3A_653] : memref<10000x128xf32, #tpu.memory_space<vmem_shared>> -> memref<10000x128xf32, #tpu.memory_space<vmem_shared>>
      tpu.wait_indirect_dma semaphore(%arg27 : memref<!tpu.dma_semaphore, #tpu.memory_space<semaphore_mem>>) src(%arg16 : memref<80x128xf32, #tpu.memory_space<vmem>>) dst(%dma_wait3A_654 : memref<10000x128xf32, #tpu.memory_space<vmem_shared>>)
      %dma_wait3A_655 = arith.constant 23 : i32
      %dma_wait3A_656 = arith.constant 0 : i32
      %dma_wait3A_657 = tpu.memref_slice %arg13[%dma_wait3A_655, %dma_wait3A_656] : memref<25x80xi32, #tpu.memory_space<vmem>> -> memref<1x80xi32, #tpu.memory_space<vmem>>
      %dma_wait3A_658 = tpu.memref_squeeze %dma_wait3A_657 : memref<1x80xi32, #tpu.memory_space<vmem>> -> memref<80xi32, #tpu.memory_space<vmem>>
      %dma_wait3A_659 = arith.constant 0 : i32
      %dma_wait3A_660 = arith.constant 0 : i32
      %dma_wait3A_661 = tpu.memref_slice %arg19[%dma_wait3A_659, %dma_wait3A_660] : memref<10000x128xf32, #tpu.memory_space<vmem_shared>> -> memref<10000x128xf32, #tpu.memory_space<vmem_shared>>
      tpu.wait_indirect_dma semaphore(%arg28 : memref<!tpu.dma_semaphore, #tpu.memory_space<semaphore_mem>>) src(%arg17 : memref<80x128xf32, #tpu.memory_space<vmem>>) dst(%dma_wait3A_661 : memref<10000x128xf32, #tpu.memory_space<vmem_shared>>)
      %dma_wait3A_662 = arith.constant 24 : i32
      %dma_wait3A_663 = arith.constant 0 : i32
      %dma_wait3A_664 = tpu.memref_slice %arg13[%dma_wait3A_662, %dma_wait3A_663] : memref<25x80xi32, #tpu.memory_space<vmem>> -> memref<1x80xi32, #tpu.memory_space<vmem>>
      %dma_wait3A_665 = tpu.memref_squeeze %dma_wait3A_664 : memref<1x80xi32, #tpu.memory_space<vmem>> -> memref<80xi32, #tpu.memory_space<vmem>>
      %dma_wait3A_666 = arith.constant 0 : i32
      %dma_wait3A_667 = arith.constant 0 : i32
      %dma_wait3A_668 = tpu.memref_slice %arg19[%dma_wait3A_666, %dma_wait3A_667] : memref<10000x128xf32, #tpu.memory_space<vmem_shared>> -> memref<10000x128xf32, #tpu.memory_space<vmem_shared>>
      tpu.wait_indirect_dma semaphore(%arg25 : memref<!tpu.dma_semaphore, #tpu.memory_space<semaphore_mem>>) src(%arg14 : memref<80x128xf32, #tpu.memory_space<vmem>>) dst(%dma_wait3A_668 : memref<10000x128xf32, #tpu.memory_space<vmem_shared>>)
    }
    %scan3A_14 = arith.constant 5 : i32
    %barrier3A_15 = arith.constant 0 : index
    tpu.barrier barrier_id(%barrier3A_15)
    %eq3A_16 = arith.constant 0 : i32
    %eq3A_17 = arith.cmpi eq, %arg0, %eq3A_16 : i32
    %convert_element_type3A_18 = arith.extui %eq3A_17 : i1 to i32
    %cond3A_19 = arith.constant 0 : i32
    %cond3A_20 = arith.cmpi ne, %convert_element_type3A_18, %cond3A_19 : i32
    scf.if %cond3A_20 {
      %mul3A_41 = arith.constant 624 : i32
      %mul3A_42 = arith.muli %arg1, %mul3A_41 : i32
      %mul3A_43 = arith.constant 624 : i32
      %mul3A_44 = arith.muli %arg1, %mul3A_43 : i32
      "tpu.region"() ({
        %run_scoped3A = tpu.sem_alloc : memref<!tpu.dma_semaphore, #tpu.memory_space<semaphore_mem>>
        %dma_start3A = arith.constant 0 : i32
        %dma_start3A_45 = tpu.memref_slice %arg8[%mul3A_44, %dma_start3A] : memref<10000x128xf32, #tpu.memory_space<hbm>> -> memref<624x128xf32, #tpu.memory_space<hbm>>
        %dma_start3A_46 = arith.constant 0 : i32
        %dma_start3A_47 = tpu.memref_slice %arg19[%mul3A_42, %dma_start3A_46] : memref<10000x128xf32, #tpu.memory_space<vmem_shared>> -> memref<624x128xf32, #tpu.memory_space<vmem_shared>>
        tpu.enqueue_dma source(%dma_start3A_47 : memref<624x128xf32, #tpu.memory_space<vmem_shared>>) target(%dma_start3A_45 : memref<624x128xf32, #tpu.memory_space<hbm>>) target_semaphore(%run_scoped3A : memref<!tpu.dma_semaphore, #tpu.memory_space<semaphore_mem>>)
        %dma_wait3A = arith.constant 0 : i32
        %dma_wait3A_48 = tpu.memref_slice %arg8[%mul3A_44, %dma_wait3A] : memref<10000x128xf32, #tpu.memory_space<hbm>> -> memref<624x128xf32, #tpu.memory_space<hbm>>
        %dma_wait3A_49 = arith.constant 0 : i32
        %dma_wait3A_50 = tpu.memref_slice %arg19[%mul3A_42, %dma_wait3A_49] : memref<10000x128xf32, #tpu.memory_space<vmem_shared>> -> memref<624x128xf32, #tpu.memory_space<vmem_shared>>
        tpu.wait_dma2 semaphore(%run_scoped3A : memref<!tpu.dma_semaphore, #tpu.memory_space<semaphore_mem>>) src(%dma_wait3A_50 : memref<624x128xf32, #tpu.memory_space<vmem_shared>>) dst(%dma_wait3A_48 : memref<624x128xf32, #tpu.memory_space<hbm>>)
        tpu.yield
      }) : () -> ()
    } else {
    }
    %eq3A_21 = arith.constant 1 : i32
    %eq3A_22 = arith.cmpi eq, %arg0, %eq3A_21 : i32
    %convert_element_type3A_23 = arith.extui %eq3A_22 : i1 to i32
    %cond3A_24 = arith.constant 0 : i32
    %cond3A_25 = arith.cmpi ne, %convert_element_type3A_23, %cond3A_24 : i32
    scf.if %cond3A_25 {
      %mul3A_41 = arith.constant 624 : i32
      %mul3A_42 = arith.muli %arg1, %mul3A_41 : i32
      %mul3A_43 = arith.constant 624 : i32
      %mul3A_44 = arith.muli %arg1, %mul3A_43 : i32
      "tpu.region"() ({
        %run_scoped3A = tpu.sem_alloc : memref<!tpu.dma_semaphore, #tpu.memory_space<semaphore_mem>>
        %dma_start3A = arith.constant 0 : i32
        %dma_start3A_45 = tpu.memref_slice %arg9[%mul3A_44, %dma_start3A] : memref<10000x128xf32, #tpu.memory_space<hbm>> -> memref<624x128xf32, #tpu.memory_space<hbm>>
        %dma_start3A_46 = arith.constant 0 : i32
        %dma_start3A_47 = tpu.memref_slice %arg19[%mul3A_42, %dma_start3A_46] : memref<10000x128xf32, #tpu.memory_space<vmem_shared>> -> memref<624x128xf32, #tpu.memory_space<vmem_shared>>
        tpu.enqueue_dma source(%dma_start3A_47 : memref<624x128xf32, #tpu.memory_space<vmem_shared>>) target(%dma_start3A_45 : memref<624x128xf32, #tpu.memory_space<hbm>>) target_semaphore(%run_scoped3A : memref<!tpu.dma_semaphore, #tpu.memory_space<semaphore_mem>>)
        %dma_wait3A = arith.constant 0 : i32
        %dma_wait3A_48 = tpu.memref_slice %arg9[%mul3A_44, %dma_wait3A] : memref<10000x128xf32, #tpu.memory_space<hbm>> -> memref<624x128xf32, #tpu.memory_space<hbm>>
        %dma_wait3A_49 = arith.constant 0 : i32
        %dma_wait3A_50 = tpu.memref_slice %arg19[%mul3A_42, %dma_wait3A_49] : memref<10000x128xf32, #tpu.memory_space<vmem_shared>> -> memref<624x128xf32, #tpu.memory_space<vmem_shared>>
        tpu.wait_dma2 semaphore(%run_scoped3A : memref<!tpu.dma_semaphore, #tpu.memory_space<semaphore_mem>>) src(%dma_wait3A_50 : memref<624x128xf32, #tpu.memory_space<vmem_shared>>) dst(%dma_wait3A_48 : memref<624x128xf32, #tpu.memory_space<hbm>>)
        tpu.yield
      }) : () -> ()
    } else {
    }
    %eq3A_26 = arith.constant 0 : i32
    %eq3A_27 = arith.cmpi eq, %arg0, %eq3A_26 : i32
    %eq3A_28 = arith.constant 0 : i32
    %eq3A_29 = arith.cmpi eq, %arg1, %eq3A_28 : i32
    %and3A = arith.andi %eq3A_27, %eq3A_29 : i1
    %convert_element_type3A_30 = arith.extui %and3A : i1 to i32
    %cond3A_31 = arith.constant 0 : i32
    %cond3A_32 = arith.cmpi ne, %convert_element_type3A_30, %cond3A_31 : i32
    scf.if %cond3A_32 {
      "tpu.region"() ({
        %run_scoped3A = tpu.sem_alloc : memref<!tpu.dma_semaphore, #tpu.memory_space<semaphore_mem>>
        %dma_start3A = arith.constant 9984 : i32
        %dma_start3A_41 = arith.constant 0 : i32
        %dma_start3A_42 = tpu.memref_slice %arg8[%dma_start3A, %dma_start3A_41] : memref<10000x128xf32, #tpu.memory_space<hbm>> -> memref<16x128xf32, #tpu.memory_space<hbm>>
        %dma_start3A_43 = arith.constant 9984 : i32
        %dma_start3A_44 = arith.constant 0 : i32
        %dma_start3A_45 = tpu.memref_slice %arg19[%dma_start3A_43, %dma_start3A_44] : memref<10000x128xf32, #tpu.memory_space<vmem_shared>> -> memref<16x128xf32, #tpu.memory_space<vmem_shared>>
        tpu.enqueue_dma source(%dma_start3A_45 : memref<16x128xf32, #tpu.memory_space<vmem_shared>>) target(%dma_start3A_42 : memref<16x128xf32, #tpu.memory_space<hbm>>) target_semaphore(%run_scoped3A : memref<!tpu.dma_semaphore, #tpu.memory_space<semaphore_mem>>)
        %dma_wait3A = arith.constant 9984 : i32
        %dma_wait3A_46 = arith.constant 0 : i32
        %dma_wait3A_47 = tpu.memref_slice %arg8[%dma_wait3A, %dma_wait3A_46] : memref<10000x128xf32, #tpu.memory_space<hbm>> -> memref<16x128xf32, #tpu.memory_space<hbm>>
        %dma_wait3A_48 = arith.constant 9984 : i32
        %dma_wait3A_49 = arith.constant 0 : i32
        %dma_wait3A_50 = tpu.memref_slice %arg19[%dma_wait3A_48, %dma_wait3A_49] : memref<10000x128xf32, #tpu.memory_space<vmem_shared>> -> memref<16x128xf32, #tpu.memory_space<vmem_shared>>
        tpu.wait_dma2 semaphore(%run_scoped3A : memref<!tpu.dma_semaphore, #tpu.memory_space<semaphore_mem>>) src(%dma_wait3A_50 : memref<16x128xf32, #tpu.memory_space<vmem_shared>>) dst(%dma_wait3A_47 : memref<16x128xf32, #tpu.memory_space<hbm>>)
        tpu.yield
      }) : () -> ()
      "tpu.region"() ({
        %run_scoped3A = tpu.sem_alloc : memref<!tpu.dma_semaphore, #tpu.memory_space<semaphore_mem>>
        tpu.enqueue_dma source(%arg20 : memref<10240xf32, #tpu.memory_space<vmem_shared>>) target(%arg10 : memref<10240xf32, #tpu.memory_space<hbm>>) target_semaphore(%run_scoped3A : memref<!tpu.dma_semaphore, #tpu.memory_space<semaphore_mem>>)
        tpu.wait_dma2 semaphore(%run_scoped3A : memref<!tpu.dma_semaphore, #tpu.memory_space<semaphore_mem>>) src(%arg20 : memref<10240xf32, #tpu.memory_space<vmem_shared>>) dst(%arg10 : memref<10240xf32, #tpu.memory_space<hbm>>)
        tpu.yield
      }) : () -> ()
    } else {
    }
    %eq3A_33 = arith.constant 1 : i32
    %eq3A_34 = arith.cmpi eq, %arg0, %eq3A_33 : i32
    %eq3A_35 = arith.constant 0 : i32
    %eq3A_36 = arith.cmpi eq, %arg1, %eq3A_35 : i32
    %and3A_37 = arith.andi %eq3A_34, %eq3A_36 : i1
    %convert_element_type3A_38 = arith.extui %and3A_37 : i1 to i32
    %cond3A_39 = arith.constant 0 : i32
    %cond3A_40 = arith.cmpi ne, %convert_element_type3A_38, %cond3A_39 : i32
    scf.if %cond3A_40 {
      "tpu.region"() ({
        %run_scoped3A = tpu.sem_alloc : memref<!tpu.dma_semaphore, #tpu.memory_space<semaphore_mem>>
        %dma_start3A = arith.constant 9984 : i32
        %dma_start3A_41 = arith.constant 0 : i32
        %dma_start3A_42 = tpu.memref_slice %arg9[%dma_start3A, %dma_start3A_41] : memref<10000x128xf32, #tpu.memory_space<hbm>> -> memref<16x128xf32, #tpu.memory_space<hbm>>
        %dma_start3A_43 = arith.constant 9984 : i32
        %dma_start3A_44 = arith.constant 0 : i32
        %dma_start3A_45 = tpu.memref_slice %arg19[%dma_start3A_43, %dma_start3A_44] : memref<10000x128xf32, #tpu.memory_space<vmem_shared>> -> memref<16x128xf32, #tpu.memory_space<vmem_shared>>
        tpu.enqueue_dma source(%dma_start3A_45 : memref<16x128xf32, #tpu.memory_space<vmem_shared>>) target(%dma_start3A_42 : memref<16x128xf32, #tpu.memory_space<hbm>>) target_semaphore(%run_scoped3A : memref<!tpu.dma_semaphore, #tpu.memory_space<semaphore_mem>>)
        %dma_wait3A = arith.constant 9984 : i32
        %dma_wait3A_46 = arith.constant 0 : i32
        %dma_wait3A_47 = tpu.memref_slice %arg9[%dma_wait3A, %dma_wait3A_46] : memref<10000x128xf32, #tpu.memory_space<hbm>> -> memref<16x128xf32, #tpu.memory_space<hbm>>
        %dma_wait3A_48 = arith.constant 9984 : i32
        %dma_wait3A_49 = arith.constant 0 : i32
        %dma_wait3A_50 = tpu.memref_slice %arg19[%dma_wait3A_48, %dma_wait3A_49] : memref<10000x128xf32, #tpu.memory_space<vmem_shared>> -> memref<16x128xf32, #tpu.memory_space<vmem_shared>>
        tpu.wait_dma2 semaphore(%run_scoped3A : memref<!tpu.dma_semaphore, #tpu.memory_space<semaphore_mem>>) src(%dma_wait3A_50 : memref<16x128xf32, #tpu.memory_space<vmem_shared>>) dst(%dma_wait3A_47 : memref<16x128xf32, #tpu.memory_space<hbm>>)
        tpu.yield
      }) : () -> ()
      "tpu.region"() ({
        %run_scoped3A = tpu.sem_alloc : memref<!tpu.dma_semaphore, #tpu.memory_space<semaphore_mem>>
        tpu.enqueue_dma source(%arg20 : memref<10240xf32, #tpu.memory_space<vmem_shared>>) target(%arg11 : memref<10240xf32, #tpu.memory_space<hbm>>) target_semaphore(%run_scoped3A : memref<!tpu.dma_semaphore, #tpu.memory_space<semaphore_mem>>)
        tpu.wait_dma2 semaphore(%run_scoped3A : memref<!tpu.dma_semaphore, #tpu.memory_space<semaphore_mem>>) src(%arg20 : memref<10240xf32, #tpu.memory_space<vmem_shared>>) dst(%arg11 : memref<10240xf32, #tpu.memory_space<hbm>>)
        tpu.yield
      }) : () -> ()
    } else {
    }
    return
  }
}

module attributes {stable_mosaic.version = 14 : i64} {
  func.func @_norm_body(%arg0: i32, %arg1: memref<2048x128xf32, #tpu.memory_space<vmem>>, %arg2: memref<2048x128xf32, #tpu.memory_space<vmem>>, %arg3: memref<2048x128xf32, #tpu.memory_space<vmem>>, %arg4: memref<10240xf32, #tpu.memory_space<vmem>>, %arg5: memref<10240xf32, #tpu.memory_space<vmem>>, %arg6: memref<1x128xf32, #tpu.memory_space<vmem>>, %arg7: memref<2048x128xf32, #tpu.memory_space<vmem>>) attributes {dimension_semantics = [#tpu.dimension_semantics<arbitrary>], iteration_bounds = array<i64: 5>, scalar_prefetch = 0 : i64, scratch_operands = 0 : i64, tpu.core_type = #tpu.core_type<tc>, window_params = [{transform_indices = @transform_0, window_bounds = array<i64: 2048, 128>}, {transform_indices = @transform_1, window_bounds = array<i64: 2048, 128>}, {transform_indices = @transform_2, window_bounds = array<i64: 2048, 128>}, {pipeline_mode = #tpu.pipeline_mode<synchronous>, transform_indices = @transform_3, window_bounds = array<i64: 10240>}, {pipeline_mode = #tpu.pipeline_mode<synchronous>, transform_indices = @transform_4, window_bounds = array<i64: 10240>}, {pipeline_mode = #tpu.pipeline_mode<synchronous>, transform_indices = @transform_5, window_bounds = array<i64: 1, 128>}, {transform_indices = @transform_6, window_bounds = array<i64: 2048, 128>}]} {
    %mul3A = arith.constant 2048 : i32
    %mul3A_0 = arith.muli %arg0, %mul3A : i32
    %get3A = arith.index_cast %mul3A_0 : i32 to index
    %get3A_1 = vector.load %arg4[%get3A] : memref<10240xf32, #tpu.memory_space<vmem>>, vector<2048xf32>
    %get3A_2 = arith.index_cast %mul3A_0 : i32 to index
    %get3A_3 = vector.load %arg5[%get3A_2] : memref<10240xf32, #tpu.memory_space<vmem>>, vector<2048xf32>
    %add3A = arith.addf %get3A_1, %get3A_3 : vector<2048xf32>
    %add3A_4 = arith.constant 1.000000e+00 : f32
    %add3A_5 = vector.broadcast %add3A_4 : f32 to vector<2048xf32>
    %add3A_6 = arith.addf %add3A, %add3A_5 : vector<2048xf32>
    %div3A = arith.constant 1.000000e+00 : f32
    %div3A_7 = vector.broadcast %div3A : f32 to vector<2048xf32>
    %div3A_8 = arith.divf %div3A_7, %add3A_6 : vector<2048xf32>
    %reshape3A = vector.shape_cast %div3A_8 : vector<2048xf32> to vector<2048x1xf32>
    %get3A_9 = arith.constant 0 : index
    %get3A_10 = arith.constant 0 : index
    %get3A_11 = vector.load %arg1[%get3A_9, %get3A_10] : memref<2048x128xf32, #tpu.memory_space<vmem>>, vector<2048x128xf32>
    %get3A_12 = arith.constant 0 : index
    %get3A_13 = arith.constant 0 : index
    %get3A_14 = vector.load %arg2[%get3A_12, %get3A_13] : memref<2048x128xf32, #tpu.memory_space<vmem>>, vector<2048x128xf32>
    %add3A_15 = arith.addf %get3A_11, %get3A_14 : vector<2048x128xf32>
    %get3A_16 = arith.constant 0 : index
    %get3A_17 = arith.constant 0 : index
    %get3A_18 = vector.load %arg3[%get3A_16, %get3A_17] : memref<2048x128xf32, #tpu.memory_space<vmem>>, vector<2048x128xf32>
    %add3A_19 = arith.addf %add3A_15, %get3A_18 : vector<2048x128xf32>
    %mul3A_20 = vector.broadcast %reshape3A : vector<2048x1xf32> to vector<2048x128xf32>
    %mul3A_21 = arith.mulf %add3A_19, %mul3A_20 : vector<2048x128xf32>
    %get3A_22 = arith.constant 0 : index
    %get3A_23 = arith.constant 0 : index
    %get3A_24 = vector.load %arg6[%get3A_22, %get3A_23] : memref<1x128xf32, #tpu.memory_space<vmem>>, vector<1x128xf32>
    %add3A_25 = vector.broadcast %get3A_24 : vector<1x128xf32> to vector<2048x128xf32>
    %add3A_26 = arith.addf %mul3A_21, %add3A_25 : vector<2048x128xf32>
    %swap3A = arith.constant 0 : index
    %swap3A_27 = arith.constant 0 : index
    %swap3A_28 = vector.load %arg7[%swap3A, %swap3A_27] : memref<2048x128xf32, #tpu.memory_space<vmem>>, vector<2048x128xf32>
    tpu.vector_store %arg7[%swap3A, %swap3A_27], %add3A_26 {strides = array<i32>} : memref<2048x128xf32, #tpu.memory_space<vmem>>, vector<2048x128xf32>,
    return
  }
  func.func @transform_0(%arg0: i32) -> (i32, i32) {
    %c0_i32 = arith.constant 0 : i32
    %c0_i32_0 = arith.constant 0 : i32
    return %arg0, %c0_i32 : i32, i32
  }
  func.func @transform_1(%arg0: i32) -> (i32, i32) {
    %c0_i32 = arith.constant 0 : i32
    %c0_i32_0 = arith.constant 0 : i32
    return %arg0, %c0_i32 : i32, i32
  }
  func.func @transform_2(%arg0: i32) -> (i32, i32) {
    %c0_i32 = arith.constant 0 : i32
    %c0_i32_0 = arith.constant 0 : i32
    return %arg0, %c0_i32 : i32, i32
  }
  func.func @transform_3(%arg0: i32) -> i32 {
    %c0_i32 = arith.constant 0 : i32
    %c0_i32_0 = arith.constant 0 : i32
    return %c0_i32 : i32
  }
  func.func @transform_4(%arg0: i32) -> i32 {
    %c0_i32 = arith.constant 0 : i32
    %c0_i32_0 = arith.constant 0 : i32
    return %c0_i32 : i32
  }
  func.func @transform_5(%arg0: i32) -> (i32, i32) {
    %c0_i32 = arith.constant 0 : i32
    %c0_i32_0 = arith.constant 0 : i32
    %c0_i32_1 = arith.constant 0 : i32
    return %c0_i32, %c0_i32_0 : i32, i32
  }
  func.func @transform_6(%arg0: i32) -> (i32, i32) {
    %c0_i32 = arith.constant 0 : i32
    %c0_i32_0 = arith.constant 0 : i32
    return %arg0, %c0_i32 : i32, i32
  }
}

module attributes {stable_mosaic.version = 14 : i64} {
  func.func @_norm_mm_body(%arg0: i32, %arg1: memref<2048x128xf32, #tpu.memory_space<vmem>>, %arg2: memref<2048x128xf32, #tpu.memory_space<vmem>>, %arg3: memref<2048x128xf32, #tpu.memory_space<vmem>>, %arg4: memref<10240xf32, #tpu.memory_space<vmem>>, %arg5: memref<10240xf32, #tpu.memory_space<vmem>>, %arg6: memref<1x128xf32, #tpu.memory_space<vmem>>, %arg7: memref<128x128xf32, #tpu.memory_space<vmem>>, %arg8: memref<128x128xf32, #tpu.memory_space<vmem>>, %arg9: memref<2048x128xf32, #tpu.memory_space<vmem>>, %arg10: memref<2048x128xf32, #tpu.memory_space<vmem>>) attributes {dimension_semantics = [#tpu.dimension_semantics<arbitrary>], iteration_bounds = array<i64: 5>, scalar_prefetch = 0 : i64, scratch_operands = 0 : i64, tpu.core_type = #tpu.core_type<tc>, window_params = [{transform_indices = @transform_0, window_bounds = array<i64: 2048, 128>}, {transform_indices = @transform_1, window_bounds = array<i64: 2048, 128>}, {transform_indices = @transform_2, window_bounds = array<i64: 2048, 128>}, {pipeline_mode = #tpu.pipeline_mode<synchronous>, transform_indices = @transform_3, window_bounds = array<i64: 10240>}, {pipeline_mode = #tpu.pipeline_mode<synchronous>, transform_indices = @transform_4, window_bounds = array<i64: 10240>}, {pipeline_mode = #tpu.pipeline_mode<synchronous>, transform_indices = @transform_5, window_bounds = array<i64: 1, 128>}, {pipeline_mode = #tpu.pipeline_mode<synchronous>, transform_indices = @transform_6, window_bounds = array<i64: 128, 128>}, {pipeline_mode = #tpu.pipeline_mode<synchronous>, transform_indices = @transform_7, window_bounds = array<i64: 128, 128>}, {transform_indices = @transform_8, window_bounds = array<i64: 2048, 128>}, {transform_indices = @transform_9, window_bounds = array<i64: 2048, 128>}]} {
    %mul3A = arith.constant 2048 : i32
    %mul3A_0 = arith.muli %arg0, %mul3A : i32
    %get3A = arith.index_cast %mul3A_0 : i32 to index
    %get3A_1 = vector.load %arg4[%get3A] : memref<10240xf32, #tpu.memory_space<vmem>>, vector<2048xf32>
    %get3A_2 = arith.index_cast %mul3A_0 : i32 to index
    %get3A_3 = vector.load %arg5[%get3A_2] : memref<10240xf32, #tpu.memory_space<vmem>>, vector<2048xf32>
    %add3A = arith.addf %get3A_1, %get3A_3 : vector<2048xf32>
    %add3A_4 = arith.constant 1.000000e+00 : f32
    %add3A_5 = vector.broadcast %add3A_4 : f32 to vector<2048xf32>
    %add3A_6 = arith.addf %add3A, %add3A_5 : vector<2048xf32>
    %div3A = arith.constant 1.000000e+00 : f32
    %div3A_7 = vector.broadcast %div3A : f32 to vector<2048xf32>
    %div3A_8 = arith.divf %div3A_7, %add3A_6 : vector<2048xf32>
    %reshape3A = vector.shape_cast %div3A_8 : vector<2048xf32> to vector<2048x1xf32>
    %get3A_9 = arith.constant 0 : index
    %get3A_10 = arith.constant 0 : index
    %get3A_11 = vector.load %arg1[%get3A_9, %get3A_10] : memref<2048x128xf32, #tpu.memory_space<vmem>>, vector<2048x128xf32>
    %get3A_12 = arith.constant 0 : index
    %get3A_13 = arith.constant 0 : index
    %get3A_14 = vector.load %arg2[%get3A_12, %get3A_13] : memref<2048x128xf32, #tpu.memory_space<vmem>>, vector<2048x128xf32>
    %add3A_15 = arith.addf %get3A_11, %get3A_14 : vector<2048x128xf32>
    %get3A_16 = arith.constant 0 : index
    %get3A_17 = arith.constant 0 : index
    %get3A_18 = vector.load %arg3[%get3A_16, %get3A_17] : memref<2048x128xf32, #tpu.memory_space<vmem>>, vector<2048x128xf32>
    %add3A_19 = arith.addf %add3A_15, %get3A_18 : vector<2048x128xf32>
    %mul3A_20 = vector.broadcast %reshape3A : vector<2048x1xf32> to vector<2048x128xf32>
    %mul3A_21 = arith.mulf %add3A_19, %mul3A_20 : vector<2048x128xf32>
    %get3A_22 = arith.constant 0 : index
    %get3A_23 = arith.constant 0 : index
    %get3A_24 = vector.load %arg7[%get3A_22, %get3A_23] : memref<128x128xf32, #tpu.memory_space<vmem>>, vector<128x128xf32>
    %dot_general3A = arith.constant dense<0.000000e+00> : vector<2048x128xf32>
    %dot_general3A_25 = tpu.matmul %mul3A_21, %get3A_24, %dot_general3A {dimension_numbers = #tpu.dot_dimension_numbers<[1], [1], [0], [0], [0, 0, 1, 0], [], []>, transpose_lhs_hint = false} : vector<2048x128xf32>, vector<128x128xf32>, vector<2048x128xf32> -> vector<2048x128xf32>
    %get3A_26 = arith.constant 0 : index
    %get3A_27 = arith.constant 0 : index
    %get3A_28 = vector.load %arg6[%get3A_26, %get3A_27] : memref<1x128xf32, #tpu.memory_space<vmem>>, vector<1x128xf32>
    %add3A_29 = vector.broadcast %get3A_28 : vector<1x128xf32> to vector<2048x128xf32>
    %add3A_30 = arith.addf %dot_general3A_25, %add3A_29 : vector<2048x128xf32>
    %max3A = arith.constant 0.000000e+00 : f32
    %max3A_31 = vector.broadcast %max3A : f32 to vector<2048x128xf32>
    %max3A_32 = arith.maximumf %add3A_30, %max3A_31 : vector<2048x128xf32>
    %swap3A = arith.constant 0 : index
    %swap3A_33 = arith.constant 0 : index
    %swap3A_34 = vector.load %arg9[%swap3A, %swap3A_33] : memref<2048x128xf32, #tpu.memory_space<vmem>>, vector<2048x128xf32>
    tpu.vector_store %arg9[%swap3A, %swap3A_33], %max3A_32 {strides = array<i32>} : memref<2048x128xf32, #tpu.memory_space<vmem>>, vector<2048x128xf32>,
    %get3A_35 = arith.constant 0 : index
    %get3A_36 = arith.constant 0 : index
    %get3A_37 = vector.load %arg8[%get3A_35, %get3A_36] : memref<128x128xf32, #tpu.memory_space<vmem>>, vector<128x128xf32>
    %dot_general3A_38 = arith.constant dense<0.000000e+00> : vector<2048x128xf32>
    %dot_general3A_39 = tpu.matmul %max3A_32, %get3A_37, %dot_general3A_38 {dimension_numbers = #tpu.dot_dimension_numbers<[1], [1], [0], [0], [0, 0, 1, 0], [], []>, transpose_lhs_hint = false} : vector<2048x128xf32>, vector<128x128xf32>, vector<2048x128xf32> -> vector<2048x128xf32>
    %swap3A_40 = arith.constant 0 : index
    %swap3A_41 = arith.constant 0 : index
    %swap3A_42 = vector.load %arg10[%swap3A_40, %swap3A_41] : memref<2048x128xf32, #tpu.memory_space<vmem>>, vector<2048x128xf32>
    tpu.vector_store %arg10[%swap3A_40, %swap3A_41], %dot_general3A_39 {strides = array<i32>} : memref<2048x128xf32, #tpu.memory_space<vmem>>, vector<2048x128xf32>,
    return
  }
  func.func @transform_0(%arg0: i32) -> (i32, i32) {
    %c0_i32 = arith.constant 0 : i32
    %c0_i32_0 = arith.constant 0 : i32
    return %arg0, %c0_i32 : i32, i32
  }
  func.func @transform_1(%arg0: i32) -> (i32, i32) {
    %c0_i32 = arith.constant 0 : i32
    %c0_i32_0 = arith.constant 0 : i32
    return %arg0, %c0_i32 : i32, i32
  }
  func.func @transform_2(%arg0: i32) -> (i32, i32) {
    %c0_i32 = arith.constant 0 : i32
    %c0_i32_0 = arith.constant 0 : i32
    return %arg0, %c0_i32 : i32, i32
  }
  func.func @transform_3(%arg0: i32) -> i32 {
    %c0_i32 = arith.constant 0 : i32
    %c0_i32_0 = arith.constant 0 : i32
    return %c0_i32 : i32
  }
  func.func @transform_4(%arg0: i32) -> i32 {
    %c0_i32 = arith.constant 0 : i32
    %c0_i32_0 = arith.constant 0 : i32
    return %c0_i32 : i32
  }
  func.func @transform_5(%arg0: i32) -> (i32, i32) {
    %c0_i32 = arith.constant 0 : i32
    %c0_i32_0 = arith.constant 0 : i32
    %c0_i32_1 = arith.constant 0 : i32
    return %c0_i32, %c0_i32_0 : i32, i32
  }
  func.func @transform_6(%arg0: i32) -> (i32, i32) {
    %c0_i32 = arith.constant 0 : i32
    %c0_i32_0 = arith.constant 0 : i32
    %c0_i32_1 = arith.constant 0 : i32
    return %c0_i32, %c0_i32_0 : i32, i32
  }
  func.func @transform_7(%arg0: i32) -> (i32, i32) {
    %c0_i32 = arith.constant 0 : i32
    %c0_i32_0 = arith.constant 0 : i32
    %c0_i32_1 = arith.constant 0 : i32
    return %c0_i32, %c0_i32_0 : i32, i32
  }
  func.func @transform_8(%arg0: i32) -> (i32, i32) {
    %c0_i32 = arith.constant 0 : i32
    %c0_i32_0 = arith.constant 0 : i32
    return %arg0, %c0_i32 : i32, i32
  }
  func.func @transform_9(%arg0: i32) -> (i32, i32) {
    %c0_i32 = arith.constant 0 : i32
    %c0_i32_0 = arith.constant 0 : i32
    return %arg0, %c0_i32 : i32, i32
  }
}

</mosaic_0001>

<sc_bundles>
// kernel: seg_sum.3.cloned.1.call-start
scs
__scs_entry_jumppad:
0x0: {  	(pc) =	sbr.rel $0x88, $3  }
0x1: {  	(tag) =	ssettag $0x0;
	lr =	simm.s32 $0x1  }
0x2: {  	[smem:$0x3F9B] =	sst lr;
	_ =	strace $0xD0000000  }
0x3: {  	_ = 	snop  }
0x4: {  	_ = 	snop  }
0x5: {  	_ = 	snop  }
0x6: {  	_ = 	snop  }
0x7: {  	_ = 	snop  }
__scs_overlays_trampoline_lowered:
0x8: {  	[smem:$0x3FAA] =	sst s0  }
0x9: {  	[smem:$0x3FAB] =	sst s1  }
0xa: {  	[smem:$0x3FAC] =	sst s2  }
0xb: {  	[smem:$0x3FAD] =	sst s3  }
0xc: {  	[smem:$0x3FAE] =	sst s4  }
0xd: {  	[smem:$0x3FAF] =	sst s5  }
0xe: {  	[smem:$0x3FB0] =	sst s6  }
0xf: {  	[smem:$0x3FB1] =	sst s7  }
0x10: {  	[smem:$0x3FB2] =	sst s8  }
0x11: {  	[smem:$0x3FB3] =	sst s9;
	s0 =	simm.s32 @!p0 $0x0  }
0x12: {  	s1 =	sld [smem:$0x3F99];
	s0 =	simm.s32 @p0 $0x1  }
0x13: {  	[smem:$0x3FB4] =	sst s0;
	s0 =	simm.s32 @!p1 $0x0  }
0x14: {  	s2 =	sld [smem:$0x3F98];
	s0 =	simm.s32 @p1 $0x1  }
0x15: {  	[smem:$0x3FB5] =	sst s0;
	s0 =	simm.s32 @!p2 $0x0  }
0x16: {  	s3 =	sld [smem:$0x3FDB];
	s0 =	simm.s32 @p2 $0x1  }
0x17: {  	s4 =	simm.s32 $0x1BF5;
	[smem:$0x3FB7] =	sst s0  }
0x18: {  	s0 =	sld [smem:$0x3F9A];
	_ =	swait.ge [sflag:s4], $0x0  }
0x19: {  	s7 =	sld [smem:$0x3F9B]  }
0x1a: {  	s8 =	sadd.s32 $0xFFFFE003, lr  }
0x1b: {  	s9 =	sadd.s32 $0xFFFFFEF7, lr;
	s5 =	simm.s32 $0xFFFFFFFF;
	p2 =	slt.u32 s8, $0xFFFFF086  }
0x1c: {  	p1 =	slt.u32 s9, $0xF7A;
	s5 =	simm.s32 @!p2 $0x0  }
0x1d: {  	s5 =	simm.s32 @p1 $0x1;
	p0 =	seq.s32 s7, s2  }
0x1e: {  	s7 =	smul.u32 @!p0 $0xF7A, s2;
	p2 =	seq.s32 @!p0 s5, $0x0  }
0x1f: {  	s9 =	smul.u32 $0xF7A, s1;
	s8 =	simm.s32 @!p0 $0x1BF5;
	p2 =	por !p2, p0  }
0x20: {  	[sflag:s8] =	ssyncset.s32 @!p0 $0xFFFFF086;
	s6 =	sadd.s32 @!p0 s3, s7;
	s7 =	simm.s32 @!p0 $0x108  }
0x21: {  	s3 =	sadd.s32 s3, s9;
	s6 =	sadd.s32 @!p0 $0x88, s6;
	s7 =	simm.s32 @p2 $0x1082  }
0x22: {  	[simem:s7], [sflag:s8] =	dma.local @!p0 [hbm:s6], $0xF7A  }
0x23: {  	s9 =	sor.u32 $0xD0000000, s2;
	s6 =	simm.s32 $0x108;
	_ =	swait.ge @!p0 [sflag:s8], $0x0  }
0x24: {  	s3 =	sadd.s32 $0x88, s3;
	s6 =	simm.s32 @!p1 $0x1082;
	[sflag:s4] =	ssyncset.s32 $0xFFFFF086  }
0x25: {  	[simem:s6], [sflag:s4] =	dma.local [hbm:s3], $0xF7A  }
0x26: {  	[smem:$0x3F9B] =	sst s1;
	(tag) =	ssettag s2;
	_ =	strace s9  }
0x27: {  	s1 =	sld [smem:$0x3FAB]  }
0x28: {  	s2 =	sld [smem:$0x3FAC]  }
0x29: {  	s4 =	sld [smem:$0x3FAE]  }
0x2a: {  	p0 =	seq.s32 s5, $0x0;
	s5 =	sld [smem:$0x3FAF]  }
0x2b: {  	s6 =	sld [smem:$0x3FB0]  }
0x2c: {  	s7 =	sld [smem:$0x3FB1]  }
0x2d: {  	s3 =	simm.s32 $0x108;
	s8 =	sld [smem:$0x3FB2]  }
0x2e: {  	s3 =	simm.s32 @!p0 $0x1082;
	s9 =	sld [smem:$0x3FB3]  }
0x2f: {  	lr =	sadd.s32 s0, s3;
	s0 =	sld [smem:$0x3FAA]  }
0x30: {  	s3 =	sld [smem:$0x3FAD]  }
0x31: {  	[smem:$0x3FB6] =	sst s10  }
0x32: {  	s10 =	sld [smem:$0x3FB4];
	_ =	sdelay $0x3  }
0x33: {  	p0 =	seq.s32 s10, $0x1;
	s10 =	sld [smem:$0x3FB6];
	_ =	sdelay $0x3  }
0x34: {  	[smem:$0x3FB6] =	sst s10  }
0x35: {  	s10 =	sld [smem:$0x3FB5];
	_ =	sdelay $0x3  }
0x36: {  	p1 =	seq.s32 s10, $0x1;
	s10 =	sld [smem:$0x3FB6];
	_ =	sdelay $0x3  }
0x37: {  	[smem:$0x3FB6] =	sst s10  }
0x38: {  	s10 =	sld [smem:$0x3FB7]  }
0x39: {  	_ = 	snop;
	(pc) =	sbr.ind lr, $3  }
0x3a: {  	_ = 	snop  }
0x3b: {  	_ = 	snop  }
0x3c: {  	p2 =	seq.s32 s10, $0x1;
	s10 =	sld [smem:$0x3FB6]  }
0x3d: {  	_ =	shalt  }
0x3e: {  	_ =	shalt  }
0x3f: {  	_ =	shalt  }
0x40: {  	_ =	shalt  }
0x41: {  	_ =	shalt  }
0x42: {  	_ =	shalt  }
0x43: {  	_ =	shalt  }
0x44: {  	_ =	shalt  }
0x45: {  	_ =	shalt  }
0x46: {  	_ =	shalt  }
0x47: {  	_ =	shalt  }
0x48: {  	_ =	shalt  }
0x49: {  	_ =	shalt  }
0x4a: {  	_ =	shalt  }
0x4b: {  	_ =	shalt  }
0x4c: {  	_ =	shalt  }
0x4d: {  	_ =	shalt  }
0x4e: {  	_ =	shalt  }
0x4f: {  	_ =	shalt  }
0x50: {  	_ =	shalt  }
0x51: {  	_ =	shalt  }
0x52: {  	_ =	shalt  }
0x53: {  	_ =	shalt  }
0x54: {  	_ =	shalt  }
0x55: {  	_ =	shalt  }
0x56: {  	_ =	shalt  }
0x57: {  	_ =	shalt  }
0x58: {  	_ =	shalt  }
0x59: {  	_ =	shalt  }
0x5a: {  	_ =	shalt  }
0x5b: {  	_ =	shalt  }
0x5c: {  	_ =	shalt  }
0x5d: {  	_ =	shalt  }
0x5e: {  	_ =	shalt  }
0x5f: {  	_ =	shalt  }
0x60: {  	_ =	shalt  }
0x61: {  	_ =	shalt  }
0x62: {  	_ =	shalt  }
0x63: {  	_ =	shalt  }
0x64: {  	_ =	shalt  }
0x65: {  	_ =	shalt  }
0x66: {  	_ =	shalt  }
0x67: {  	_ =	shalt  }
0x68: {  	_ =	shalt  }
0x69: {  	_ =	shalt  }
0x6a: {  	_ =	shalt  }
0x6b: {  	_ =	shalt  }
0x6c: {  	_ =	shalt  }
0x6d: {  	_ =	shalt  }
0x6e: {  	_ =	shalt  }
0x6f: {  	_ =	shalt  }
0x70: {  	_ =	shalt  }
0x71: {  	_ =	shalt  }
0x72: {  	_ =	shalt  }
0x73: {  	_ =	shalt  }
0x74: {  	_ =	shalt  }
0x75: {  	_ =	shalt  }
0x76: {  	_ =	shalt  }
0x77: {  	_ =	shalt  }
0x78: {  	_ =	shalt  }
0x79: {  	_ =	shalt  }
0x7a: {  	_ =	shalt  }
0x7b: {  	_ =	shalt  }
0x7c: {  	_ =	shalt  }
0x7d: {  	_ =	shalt  }
0x7e: {  	_ =	shalt  }
0x7f: {  	_ =	shalt  }
0x80: {  	_ =	shalt  }
0x81: {  	_ =	shalt  }
0x82: {  	_ =	shalt  }
0x83: {  	_ =	shalt  }
0x84: {  	_ =	shalt  }
0x85: {  	_ =	shalt  }
0x86: {  	_ =	shalt  }
0x87: {  	_ =	shalt  }
.Lfunc_end0:
.L_simem_size_0:
called_computation.1_lowered:
.L_overlay_start_0:
0x88: {  	s2 =	sld [smem:$0x3FD9]  }
0x89: {  	s3 =	sld [smem:$0x3FFE];
	_ =	sdelay $0x1  }
0x8a: {  	s1 =	srdreg.scid  }
0x8b: {  	s0 =	sand.u32 $0x1, s1  }
0x8c: {  	s14 =	sshll.u32 s0, $0xA;
	s2 =	sadd.s32 s3, s2  }
0x8d: {  	s2 =	sadd.s32 s2, s14  }
0x8e: {  	[smem:$0x3FC2] =	sst s2  }
0x8f: {  	_ = 	snop  }
0x90: {  	s2 =	sld [smem:$0x3FD0];
	_ =	sdelay $0x2  }
0x91: {  	s15 =	simm.s32 $0xA;
	s4 =	simm.s32 $0x10  }
0x92: {  	[smem:s4], [sflag:s15] =	dma.local [hbm:s2], $0x1  }
0x93: {  	_ =	swait.eq [sflag:s15], $0x1  }
0x94: {  	[sflag:s15] =	ssyncset.done $0x0  }
0x95: {  	[sflag:s15] =	ssyncadd.s32 $0xFFFFFFFF  }
0x96: {  	s16 =	sld [smem:$0x11];
	(tm) =	ssettm $0x1  }
0x97: {  	s17 =	sld [smem:$0x3FFB];
	_ =	sdelay $0x3  }
0x98: {  	_ =	strace s17  }
0x99: {  	s3 =	sld [smem:$0x3FFC];
	_ =	sdelay $0x3  }
0x9a: {  	_ =	strace s3  }
0x9b: {  	s3 =	sld [smem:$0x3FFD];
	_ =	sdelay $0x3  }
0x9c: {  	_ =	strace s3  }
0x9d: {  	_ =	strace $0x8FFFFFFF  }
0x9e: {  	s18 =	sld [smem:$0x3FDB];
	_ =	sdelay $0x1  }
0x9f: {  	s19 =	simm.s32 $_scs_section_size  }
0xa0: {  	s5 =	simm.s32 $_size__tile_overlayer_lowered;
	s6 =	simm.s32 $_tile_overlayer_lowered  }
0xa1: {  	s22 =	simm.s32 $0x1BFF;
	s21 =	sshll.u32 s6, $0x1;
	s3 =	sadd.s32 s19, s18  }
0xa2: {  	s7 =	simm.s32 $0x0;
	s20 =	sshll.u32 s5, $0x1;
	s5 =	sadd.s32 s21, s3  }
0xa3: {  	[timem:s7], [sflag:s22] =	dma.local [hbm:s5], s20  }
0xa4: {  	_ =	swait.ge [sflag:s22], s20  }
0xa5: {  	s4 =	ssub.s32 $0x0, s20;
	[sflag:s22] =	ssyncset.done $0x0  }
0xa6: {  	[sflag:s22] =	ssyncadd.s32 s4;
	_ =	sdelay $0x1  }
0xa7: {  	s23 =	simm.s32 $0x1B8B  }
0xa8: {  	_ =	swait.ge [sflag:s23], $0x1  }
0xa9: {  	[sflag:s23] =	ssyncset.done $0x0  }
0xaa: {  	s25 =	simm.s32 $0x1B8E;
	s24 =	sld [smem:$0x3FFE];
	[sflag:s23] =	ssyncadd.s32 $0xFFFFFFFF  }
0xab: {  	s26 =	simm.s32 $execute0_lowered;
	[smem:$0x3FD2] =	sst s25  }
0xac: {  	s5 =	sshll.u32 s26, $0x1;
	_ =	strace $0x80000049;
	[dreg:$0x1] =	wrdreg $0xFFFFFFFF  }
0xad: {  	s28 =	simm.s32 $_size_execute0_lowered;
	s3 =	sadd.s32 s3, s5;
	[dreg:$0x0] =	wrdreg $0x0  }
0xae: {  	s5 =	sshll.u32 s28, $0x1;
	[dreg:$0x2] =	wrdreg s3  }
0xaf: {  	[dreg:$0x3] =	wrdreg s5  }
0xb0: {  	[dreg:$0x4] =	wrdreg $0xC0  }
0xb1: {  	_ =	task [dreg:s7], $0x5FFFF  }
0xb2: {  	[dreg:$0x1] =	wrdreg $0xFFFFFFFF  }
0xb3: {  	[dreg:$0x0] =	wrdreg $0x60  }
0xb4: {  	[dreg:$0x2] =	wrdreg s24  }
0xb5: {  	[dreg:$0x3] =	wrdreg s16  }
0xb6: {  	[dreg:$0x4] =	wrdreg $0xB8000  }
0xb7: {  	[dreg:$0x5] =	wrdreg $0x9  }
0xb8: {  	_ =	task.clear_ibuf [dreg:s7], $0x6FFFF;
	_ =	strace $0x90000049  }
0xb9: {  	s29 =	simm.s32 $0x9;
	_ =	strace $0x8000004B  }
0xba: {  	_ =	swait.ge [sflag:s29], $0x1  }
0xbb: {  	[sflag:s29] =	ssyncadd.s32 $0xFFFFFFFF  }
0xbc: {  	_ =	strace $0x9000004B  }
0xbd: {  	_ =	sfence  }
0xbe: {  	s30 =	sld [smem:$0x0];
	_ =	sdelay $0x2  }
0xbf: {  	s31 =	sshll.u32 s1, $0xD;
	s1 =	sshrl.u32 s1, $0x2  }
0xc0: {  	s3 =	sand.u32 $0x4000, s31;
	s1 =	sadd.s32 s1, s30  }
0xc1: {  	s0 =	sor.u32 s3, s0;
	s1 =	sshll.u32 s1, $0x11  }
0xc2: {  	s0 =	sor.u32 s1, s0  }
0xc3: {  	s0 =	sadd.s32 $0x8F2B, s0  }
0xc4: {  	[sflag:s0] =	ssyncadd.remote.s32 $0x1  }
0xc5: {  	_ =	sfence.sel $0xFFFF  }
0xc6: {  	[dreg:$0x0] =	wrdreg $0xFFFFFFFF;
	(pc) =	sbr.abs _section_cstart, $3  }
0xc7: {  	[dreg:$0x1] =	wrdreg $0xFFFFFFFF  }
0xc8: {  	_ =	task.clear_ibuf [dreg:s7], $0x2FFFF;
	_ =	strace $0x9FFFFFFF  }
0xc9: {  	(tm) =	ssettm $0x7FFFFFFF  }
tec
execute0_lowered:
.L_overlay_start_1:
0x0: {  	(tag) =	ssettag $0x1  }
0x1: {  	s0 =	srdreg.scid;
	s4 =	stileid.u32  }
0x2: {  	s0 =	sand.u32 $0x1, s0;
	s6 =	smul.u32 $0x2710, s4  }
0x3: {  	s5 =	rddreg [dreg:$0x0];
	s3 =	smul.u32 $0x27100, s0  }
0x4: {  	s1 =	rddreg [dreg:$0x1]  }
0x5: {  	s2 =	rddreg [dreg:$0x2];
	s6 =	sadd.s32 s6, s3;
	s3 =	simm.s32 $0x0  }
0x6: {  	s9 =	simm.s32 $0xA0;
	[smem:$0x7FF] =	sst s3  }
0x7: {  	s10 =	simm.s32 $0xF0;
	_ =	strace $0x8000004A;
	[dreg:$0x5] =	wrdreg s9  }
0x8: {  	s11 =	simm.s32 $0x880;
	[dreg:$0x6] =	wrdreg s10  }
0x9: {  	s12 =	simm.s32 $0x140;
	[dreg:$0x7] =	wrdreg s11  }
0xa: {  	s13 =	simm.s32 $0x900;
	[dreg:$0x8] =	wrdreg s12  }
0xb: {  	s14 =	simm.s32 $0x190;
	[dreg:$0x9] =	wrdreg s13  }
0xc: {  	s15 =	simm.s32 $0x980;
	[dreg:$0xa] =	wrdreg s14  }
0xd: {  	s17 =	simm.s32 $0x1E0;
	[dreg:$0xb] =	wrdreg s15  }
0xe: {  	s18 =	simm.s32 $0xA00;
	[dreg:$0xc] =	wrdreg s17  }
0xf: {  	s19 =	simm.s32 $0x230;
	[dreg:$0xd] =	wrdreg s18  }
0x10: {  	s21 =	simm.s32 $0xA80;
	s22 =	simm.s32 $0x280;
	[dreg:$0xe] =	wrdreg s19  }
0x11: {  	s23 =	simm.s32 $0xB00;
	s8 =	smul.u32 $0x5000, s4;
	[dreg:$0xf] =	wrdreg s21  }
0x12: {  	s24 =	simm.s32 $0x2D0;
	s7 =	smul.u32 $0x50000, s0;
	[dreg:$0x10] =	wrdreg s22  }
0x13: {  	s26 =	simm.s32 $0xB80;
	s16 =	smul.u32 $0x2700, s4;
	[dreg:$0x11] =	wrdreg s23  }
0x14: {  	s28 =	simm.s32 $0x6;
	s7 =	sadd.s32 s8, s7;
	[dreg:$0x12] =	wrdreg s24  }
0x15: {  	s8 =	sadd.s32 s16, s5;
	s16 =	simm.s32 $0xC80;
	[dreg:$0x13] =	wrdreg s26  }
0x16: {  	s29 =	simm.s32 $0x4;
	s9 =	sadd.s32 $0x21A00, s5;
	[dreg:$0x17] =	wrdreg s16  }
0x17: {  	s30 =	simm.s32 $0x7;
	s12 =	simm.s32 $0x320;
	[smem:$0x7E6] =	sst s9  }
0x18: {  	s31 =	simm.s32 $0x8;
	s14 =	simm.s32 $0xC00;
	[dreg:$0x14] =	wrdreg s12  }
0x19: {  	p1 =	seq.s32 s4, $0x0;
	s15 =	simm.s32 $0x370;
	[dreg:$0x15] =	wrdreg s14  }
0x1a: {  	p2 =	sne.s32 s4, $0x0;
	s17 =	simm.s32 $0x3C0;
	[dreg:$0x16] =	wrdreg s15  }
0x1b: {  	s20 =	ssub.s32 $0x2, s0;
	s18 =	simm.s32 $0xD00;
	[dreg:$0x18] =	wrdreg s17  }
0x1c: {  	p0 =	seq.s32 s0, $0x1;
	s19 =	simm.s32 $0x410;
	[dreg:$0x19] =	wrdreg s18  }
0x1d: {  	p3 =	sne.s32 s0, $0x0;
	s22 =	sadd.s32 $0x4BE00, s5;
	[dreg:$0x1a] =	wrdreg s19  }
0x1e: {  	s6 =	sshrl.u32 s6, $0x3;
	s21 =	simm.s32 $0x460;
	[smem:$0x7E9] =	sst s22  }
0x1f: {  	s7 =	sshrl.u32 s7, $0x3;
	s23 =	simm.s32 $0xE00;
	[dreg:$0x1c] =	wrdreg s21  }
0x20: {  	s6 =	sadd.s32 s6, s5;
	s24 =	simm.s32 $0x4B0;
	[dreg:$0x1d] =	wrdreg s23  }
0x21: {  	s7 =	sadd.s32 s7, s5;
	s5 =	sadd.s32 $0x73000, s5;
	[dreg:$0x1e] =	wrdreg s24  }
0x22: {  	p1 =	por !p1, !p0;
	s26 =	simm.s32 $0x500;
	[smem:$0x7EA] =	sst s5  }
0x23: {  	p1 =	por !p1, !p1;
	s16 =	simm.s32 $0x550;
	[smem:$0x7EC] =	sst s26  }
0x24: {  	s10 =	sshrl.u32 s20, $0x1;
	s6 =	sadd.s32 $0x3400, s6;
	[smem:$0x7EF] =	sst s16  }
0x25: {  	s11 =	smul.u32 $0x4E000, s4;
	s12 =	sadd.s32 $0x24E00, s8;
	[dreg:$0x4] =	wrdreg s6  }
0x26: {  	s13 =	sshll.u32 s4, $0x6;
	s8 =	sadd.s32 $0x4C000, s8;
	[smem:$0x7E7] =	sst s12  }
0x27: {  	s9 =	ssub.s32 s20, s10;
	s20 =	simm.s32 $0xD80;
	[smem:$0x7E8] =	sst s8  }
0x28: {  	s13 =	sor.u32 $0x1C09, s13;
	s15 =	sadd.s32 $0xD200, s7;
	[dreg:$0x1b] =	wrdreg s20  }
0x29: {  	s10 =	sadd.s32 $0x138000, s2;
	s14 =	simm.s32 $0xF00;
	[smem:$0x7ED] =	sst s15  }
0x2a: {  	s17 =	simm.s32 $0xF80;
	s19 =	simm.s32 $0x5A0;
	[smem:$0x7EE] =	sst s14  }
0x2b: {  	s21 =	simm.s32 $0x5F0;
	s22 =	simm.s32 $0x1080;
	[smem:$0x7F2] =	sst s17  }
0x2c: {  	s23 =	simm.s32 $0x640;
	s24 =	simm.s32 $0x1100;
	[smem:$0x7F3] =	sst s19  }
0x2d: {  	s26 =	simm.s32 $0x1180;
	s16 =	simm.s32 $0x1400;
	[smem:$0x7F4] =	sst s10  }
0x2e: {  	s25 =	sshrl.u32 s11, $0x2;
	s8 =	sor.u32 s4, s0;
	[smem:$0x7F7] =	sst s21  }
0x2f: {  	s12 =	smax.u32 s9, $0x1;
	s15 =	simm.s32 $0x9;
	[smem:$0x7F8] =	sst s22  }
0x30: {  	s20 =	simm.s32 $0x1000;
	s5 =	sshrl.u32 @!p2 s10, $0x3;
	[smem:$0x7F9] =	sst s23  }
0x31: {  	s17 =	simm.s32 $0x800;
	s19 =	simm.s32 $0x1800;
	[smem:$0x7FA] =	sst s24  }
0x32: {  	s21 =	simm.s32 $0x6800;
	s22 =	simm.s32 $0x1;
	[smem:$0x7FC] =	sst s26  }
0x33: {  	s23 =	simm.s32 $0x9000;
	s24 =	simm.s32 $0x2;
	s26 =	simm.s32 $0x3  }
0x34: {  	s0 =	simm.s32 $0x6E0;
	s9 =	simm.s32 $0x730;
	[smem:$0x7FD] =	sst s13  }
0x35: {  	s10 =	simm.s32 $0x1280;
	s14 =	simm.s32 $0x1380;
	[smem:$0x7EB] =	sst s12  }
0x36: {  	s6 =	simm.s32 $0x0;
	s11 =	sadd.s32 s25, s2;
	[smem:$0x7F5] =	sst s5  }
0x37: {  	s25 =	simm.s32 $0xE80;
	[smem:$0x7F6] =	sst s20;
	s20 =	simm.s32 $0x4000  }
0x38: {  	p4 =	sne.s32 s8, $0x0;
	s8 =	simm.s32 $0x1200;
	[dreg:$0x1f] =	wrdreg s25  }
0x39: {  	s12 =	simm.s32 $0x1300;
	[smem:$0x7F0] =	sst s11;
	s18 =	sshrl.u32 s11, $0x3  }
0x3a: {  	s25 =	simm.s32 $0x690;
	s11 =	simm.s32 $0x780;
	[smem:$0x7F1] =	sst s18  }
0x3b: {  	s18 =	simm.s32 $0x50;
	[smem:$0x7FB] =	sst s25;
	s25 =	simm.s32 $0x5  }
.LBB2_1:
0x3c: {  	s4 =	sld [smem:$0x7E6]  }
0x3d: {  	s5 =	sld [smem:$0x7F1];
	_ =	sdelay $0x1  }
0x3e: {  	[smem:$0x7E5] =	sst s6  }
0x3f: {  	[spmem:s5], [sflag:s13] =	dma.local [hbm:s4], $0x2700  }
0x40: {  	_ =	swait.ge [sflag:s15], $0x2700  }
0x41: {  	s5 =	sld [smem:$0x7F5]  }
0x42: {  	[sflag:s15] =	ssyncset.done $0x0  }
0x43: {  	[sflag:s15] =	ssyncadd.s32 $0xFFFFD900  }
0x44: {  	[spmem:s5], [sflag:s13] =	dma.local @!p2 [hbm:s4], $0x100  }
0x45: {  	s5 =	simm.s32 @!p2 $0x9  }
0x46: {  	_ =	swait.ge @!p2 [sflag:s5], $0x100  }
0x47: {  	[sflag:s5] =	ssyncset.done @!p2 $0x0  }
0x48: {  	[sflag:s5] =	ssyncadd.s32 @!p2 $0xFFFFFF00  }
0x49: {  	[bflag:$0x0] =	sbarrier.arrive $0xFFFF  }
0x4a: {  	s13 =	rddreg [dreg:$0x4]  }
0x4b: {  	s5 =	sadd.s32 $0x0, s13  }
0x4c: {  	[tilespmem:s3], [sflag:$0x9] =	stream.linear.gather [hbm4b:s5+s3], $0x7D0, $0x38;
	[tilespmem:$0x1F080] =	vst v63  }
0x4d: {  	_ =	swait.ge [sflag:s15], $0x7D0  }
0x4e: {  	s13 =	sld [smem:$0x7ED]  }
0x4f: {  	[sflag:s15] =	ssyncset.done $0x0  }
0x50: {  	[sflag:s15] =	ssyncadd.s32 $0xFFFFF830  }
0x51: {  	[tilespmem:s17], [sflag:$0x9] =	stream.linear.gather [hbm4b:s13+s3], $0xC80, $0x38;
	[tilespmem:$0x1F080] =	vst v63  }
0x52: {  	_ =	swait.ge [sflag:s15], $0xC80  }
0x53: {  	[sflag:s15] =	ssyncset.done $0x0  }
0x54: {  	[sflag:s15] =	ssyncadd.s32 $0xFFFFF380  }
0x55: {  	[tilespmem:s19], [sflag:$0x1] =	stream.indirect.gather [hbm4b:s1+s18], $0x80, s3, s18, $0xb8;
	[tilespmem:$0x1F080] =	vst v63  }
0x56: {  	_ = 	snop  }
0x57: {  	[tilespmem:s20], [sflag:$0x2] =	stream.indirect.gather [hbm4b:s1+s18], $0x80, s18, s18, $0xb8;
	[tilespmem:$0x1F080] =	vst v63  }
0x58: {  	s4 =	rddreg [dreg:$0x5]  }
0x59: {  	[tilespmem:s21], [sflag:$0x3] =	stream.indirect.gather [hbm4b:s1+s18], $0x80, s4, s18, $0xb8;
	[tilespmem:$0x1F080] =	vst v63  }
0x5a: {  	_ =	swait.ge [sflag:s22], $0x2800  }
0x5b: {  	[sflag:s22] =	ssyncset.done $0x0  }
0x5c: {  	[sflag:s22] =	ssyncadd.s32 $0xFFFFD800  }
0x5d: {  	[spmem:s2] =	stream.indirect.scatter.add.f32 [tilespmem:s19], [sflag:$0x5], $0x80, s17, s18, $0xb8;
	[tilespmem:$0x1F080] =	vst v63  }
0x5e: {  	s6 =	rddreg [dreg:$0x6]  }
0x5f: {  	[tilespmem:s23], [sflag:$0x4] =	stream.indirect.gather [hbm4b:s1+s18], $0x80, s6, s18, $0xb8;
	[tilespmem:$0x1F080] =	vst v63  }
0x60: {  	_ =	swait.ge [sflag:s24], $0x2800  }
0x61: {  	[sflag:s24] =	ssyncset.done $0x0  }
0x62: {  	s7 =	rddreg [dreg:$0x7];
	[sflag:s24] =	ssyncadd.s32 $0xFFFFD800  }
0x63: {  	[spmem:s2] =	stream.indirect.scatter.add.f32 [tilespmem:s20], [sflag:$0x6], $0x80, s7, s18, $0xb8;
	[tilespmem:$0x1F080] =	vst v63  }
0x64: {  	_ =	swait.ge [sflag:s25], $0x2800  }
0x65: {  	[sflag:s25] =	ssyncset.done $0x0  }
0x66: {  	s4 =	rddreg [dreg:$0x8];
	[sflag:s25] =	ssyncadd.s32 $0xFFFFD800  }
0x67: {  	[tilespmem:s19], [sflag:$0x1] =	stream.indirect.gather [hbm4b:s1+s18], $0x80, s4, s18, $0xb8;
	[tilespmem:$0x1F080] =	vst v63  }
0x68: {  	_ =	swait.ge [sflag:s26], $0x2800  }
0x69: {  	[sflag:s26] =	ssyncset.done $0x0  }
0x6a: {  	s6 =	rddreg [dreg:$0x9];
	[sflag:s26] =	ssyncadd.s32 $0xFFFFD800  }
0x6b: {  	[spmem:s2] =	stream.indirect.scatter.add.f32 [tilespmem:s21], [sflag:$0x7], $0x80, s6, s18, $0xb8;
	[tilespmem:$0x1F080] =	vst v63  }
0x6c: {  	_ =	swait.ge [sflag:s28], $0x2800  }
0x6d: {  	[sflag:s28] =	ssyncset.done $0x0  }
0x6e: {  	s7 =	rddreg [dreg:$0xa];
	[sflag:s28] =	ssyncadd.s32 $0xFFFFD800  }
0x6f: {  	[tilespmem:s20], [sflag:$0x2] =	stream.indirect.gather [hbm4b:s1+s18], $0x80, s7, s18, $0xb8;
	[tilespmem:$0x1F080] =	vst v63  }
0x70: {  	_ =	swait.ge [sflag:s29], $0x2800  }
0x71: {  	[sflag:s29] =	ssyncset.done $0x0  }
0x72: {  	s4 =	rddreg [dreg:$0xb];
	[sflag:s29] =	ssyncadd.s32 $0xFFFFD800  }
0x73: {  	[spmem:s2] =	stream.indirect.scatter.add.f32 [tilespmem:s23], [sflag:$0x8], $0x80, s4, s18, $0xb8;
	[tilespmem:$0x1F080] =	vst v63  }
0x74: {  	_ =	swait.ge [sflag:s30], $0x2800  }
0x75: {  	[sflag:s30] =	ssyncset.done $0x0  }
0x76: {  	s6 =	rddreg [dreg:$0xc];
	[sflag:s30] =	ssyncadd.s32 $0xFFFFD800  }
0x77: {  	[tilespmem:s21], [sflag:$0x3] =	stream.indirect.gather [hbm4b:s1+s18], $0x80, s6, s18, $0xb8;
	[tilespmem:$0x1F080] =	vst v63  }
0x78: {  	_ =	swait.ge [sflag:s22], $0x2800  }
0x79: {  	[sflag:s22] =	ssyncset.done $0x0  }
0x7a: {  	s7 =	rddreg [dreg:$0xd];
	[sflag:s22] =	ssyncadd.s32 $0xFFFFD800  }
0x7b: {  	[spmem:s2] =	stream.indirect.scatter.add.f32 [tilespmem:s19], [sflag:$0x5], $0x80, s7, s18, $0xb8;
	[tilespmem:$0x1F080] =	vst v63  }
0x7c: {  	_ =	swait.ge [sflag:s31], $0x2800  }
0x7d: {  	[sflag:s31] =	ssyncset.done $0x0  }
0x7e: {  	s4 =	rddreg [dreg:$0xe];
	[sflag:s31] =	ssyncadd.s32 $0xFFFFD800  }
0x7f: {  	[tilespmem:s23], [sflag:$0x4] =	stream.indirect.gather [hbm4b:s1+s18], $0x80, s4, s18, $0xb8;
	[tilespmem:$0x1F080] =	vst v63  }
0x80: {  	_ =	swait.ge [sflag:s24], $0x2800  }
0x81: {  	[sflag:s24] =	ssyncset.done $0x0  }
0x82: {  	s6 =	rddreg [dreg:$0xf];
	[sflag:s24] =	ssyncadd.s32 $0xFFFFD800  }
0x83: {  	[spmem:s2] =	stream.indirect.scatter.add.f32 [tilespmem:s20], [sflag:$0x6], $0x80, s6, s18, $0xb8;
	[tilespmem:$0x1F080] =	vst v63  }
0x84: {  	_ =	swait.ge [sflag:s25], $0x2800  }
0x85: {  	[sflag:s25] =	ssyncset.done $0x0  }
0x86: {  	s7 =	rddreg [dreg:$0x10];
	[sflag:s25] =	ssyncadd.s32 $0xFFFFD800  }
0x87: {  	[tilespmem:s19], [sflag:$0x1] =	stream.indirect.gather [hbm4b:s1+s18], $0x80, s7, s18, $0xb8;
	[tilespmem:$0x1F080] =	vst v63  }
0x88: {  	_ =	swait.ge [sflag:s26], $0x2800  }
0x89: {  	[sflag:s26] =	ssyncset.done $0x0  }
0x8a: {  	s4 =	rddreg [dreg:$0x11];
	[sflag:s26] =	ssyncadd.s32 $0xFFFFD800  }
0x8b: {  	[spmem:s2] =	stream.indirect.scatter.add.f32 [tilespmem:s21], [sflag:$0x7], $0x80, s4, s18, $0xb8;
	[tilespmem:$0x1F080] =	vst v63  }
0x8c: {  	_ =	swait.ge [sflag:s28], $0x2800  }
0x8d: {  	[sflag:s28] =	ssyncset.done $0x0  }
0x8e: {  	s6 =	rddreg [dreg:$0x12];
	[sflag:s28] =	ssyncadd.s32 $0xFFFFD800  }
0x8f: {  	[tilespmem:s20], [sflag:$0x2] =	stream.indirect.gather [hbm4b:s1+s18], $0x80, s6, s18, $0xb8;
	[tilespmem:$0x1F080] =	vst v63  }
0x90: {  	_ =	swait.ge [sflag:s29], $0x2800  }
0x91: {  	[sflag:s29] =	ssyncset.done $0x0  }
0x92: {  	s7 =	rddreg [dreg:$0x13];
	[sflag:s29] =	ssyncadd.s32 $0xFFFFD800  }
0x93: {  	[spmem:s2] =	stream.indirect.scatter.add.f32 [tilespmem:s23], [sflag:$0x8], $0x80, s7, s18, $0xb8;
	[tilespmem:$0x1F080] =	vst v63  }
0x94: {  	_ =	swait.ge [sflag:s30], $0x2800  }
0x95: {  	[sflag:s30] =	ssyncset.done $0x0  }
0x96: {  	s4 =	rddreg [dreg:$0x14];
	[sflag:s30] =	ssyncadd.s32 $0xFFFFD800  }
0x97: {  	[tilespmem:s21], [sflag:$0x3] =	stream.indirect.gather [hbm4b:s1+s18], $0x80, s4, s18, $0xb8;
	[tilespmem:$0x1F080] =	vst v63  }
0x98: {  	_ =	swait.ge [sflag:s22], $0x2800  }
0x99: {  	[sflag:s22] =	ssyncset.done $0x0  }
0x9a: {  	s6 =	rddreg [dreg:$0x15];
	[sflag:s22] =	ssyncadd.s32 $0xFFFFD800  }
0x9b: {  	[spmem:s2] =	stream.indirect.scatter.add.f32 [tilespmem:s19], [sflag:$0x5], $0x80, s6, s18, $0xb8;
	[tilespmem:$0x1F080] =	vst v63  }
0x9c: {  	_ =	swait.ge [sflag:s31], $0x2800  }
0x9d: {  	[sflag:s31] =	ssyncset.done $0x0  }
0x9e: {  	s7 =	rddreg [dreg:$0x16];
	[sflag:s31] =	ssyncadd.s32 $0xFFFFD800  }
0x9f: {  	[tilespmem:s23], [sflag:$0x4] =	stream.indirect.gather [hbm4b:s1+s18], $0x80, s7, s18, $0xb8;
	[tilespmem:$0x1F080] =	vst v63  }
0xa0: {  	_ =	swait.ge [sflag:s24], $0x2800  }
0xa1: {  	[sflag:s24] =	ssyncset.done $0x0  }
0xa2: {  	s4 =	rddreg [dreg:$0x17];
	[sflag:s24] =	ssyncadd.s32 $0xFFFFD800  }
0xa3: {  	[spmem:s2] =	stream.indirect.scatter.add.f32 [tilespmem:s20], [sflag:$0x6], $0x80, s4, s18, $0xb8;
	[tilespmem:$0x1F080] =	vst v63  }
0xa4: {  	_ =	swait.ge [sflag:s25], $0x2800  }
0xa5: {  	[sflag:s25] =	ssyncset.done $0x0  }
0xa6: {  	s6 =	rddreg [dreg:$0x18];
	[sflag:s25] =	ssyncadd.s32 $0xFFFFD800  }
0xa7: {  	[tilespmem:s19], [sflag:$0x1] =	stream.indirect.gather [hbm4b:s1+s18], $0x80, s6, s18, $0xb8;
	[tilespmem:$0x1F080] =	vst v63  }
0xa8: {  	_ =	swait.ge [sflag:s26], $0x2800  }
0xa9: {  	[sflag:s26] =	ssyncset.done $0x0  }
0xaa: {  	s7 =	rddreg [dreg:$0x19];
	[sflag:s26] =	ssyncadd.s32 $0xFFFFD800  }
0xab: {  	[spmem:s2] =	stream.indirect.scatter.add.f32 [tilespmem:s21], [sflag:$0x7], $0x80, s7, s18, $0xb8;
	[tilespmem:$0x1F080] =	vst v63  }
0xac: {  	_ =	swait.ge [sflag:s28], $0x2800  }
0xad: {  	[sflag:s28] =	ssyncset.done $0x0  }
0xae: {  	s4 =	rddreg [dreg:$0x1a];
	[sflag:s28] =	ssyncadd.s32 $0xFFFFD800  }
0xaf: {  	[tilespmem:s20], [sflag:$0x2] =	stream.indirect.gather [hbm4b:s1+s18], $0x80, s4, s18, $0xb8;
	[tilespmem:$0x1F080] =	vst v63  }
0xb0: {  	_ =	swait.ge [sflag:s29], $0x2800  }
0xb1: {  	[sflag:s29] =	ssyncset.done $0x0  }
0xb2: {  	s6 =	rddreg [dreg:$0x1b];
	[sflag:s29] =	ssyncadd.s32 $0xFFFFD800  }
0xb3: {  	[spmem:s2] =	stream.indirect.scatter.add.f32 [tilespmem:s23], [sflag:$0x8], $0x80, s6, s18, $0xb8;
	[tilespmem:$0x1F080] =	vst v63  }
0xb4: {  	_ =	swait.ge [sflag:s30], $0x2800  }
0xb5: {  	[sflag:s30] =	ssyncset.done $0x0  }
0xb6: {  	s7 =	rddreg [dreg:$0x1c];
	[sflag:s30] =	ssyncadd.s32 $0xFFFFD800  }
0xb7: {  	[tilespmem:s21], [sflag:$0x3] =	stream.indirect.gather [hbm4b:s1+s18], $0x80, s7, s18, $0xb8;
	[tilespmem:$0x1F080] =	vst v63  }
0xb8: {  	_ =	swait.ge [sflag:s22], $0x2800  }
0xb9: {  	[sflag:s22] =	ssyncset.done $0x0  }
0xba: {  	s4 =	rddreg [dreg:$0x1d];
	[sflag:s22] =	ssyncadd.s32 $0xFFFFD800  }
0xbb: {  	[spmem:s2] =	stream.indirect.scatter.add.f32 [tilespmem:s19], [sflag:$0x5], $0x80, s4, s18, $0xb8;
	[tilespmem:$0x1F080] =	vst v63  }
0xbc: {  	_ =	swait.ge [sflag:s31], $0x2800  }
0xbd: {  	[sflag:s31] =	ssyncset.done $0x0  }
0xbe: {  	s6 =	rddreg [dreg:$0x1e];
	[sflag:s31] =	ssyncadd.s32 $0xFFFFD800  }
0xbf: {  	[tilespmem:s23], [sflag:$0x4] =	stream.indirect.gather [hbm4b:s1+s18], $0x80, s6, s18, $0xb8;
	[tilespmem:$0x1F080] =	vst v63  }
0xc0: {  	_ =	swait.ge [sflag:s24], $0x2800  }
0xc1: {  	[sflag:s24] =	ssyncset.done $0x0  }
0xc2: {  	s7 =	rddreg [dreg:$0x1f];
	[sflag:s24] =	ssyncadd.s32 $0xFFFFD800  }
0xc3: {  	[spmem:s2] =	stream.indirect.scatter.add.f32 [tilespmem:s20], [sflag:$0x6], $0x80, s7, s18, $0xb8;
	[tilespmem:$0x1F080] =	vst v63  }
0xc4: {  	_ =	swait.ge [sflag:s25], $0x2800  }
0xc5: {  	s4 =	sld [smem:$0x7EC]  }
0xc6: {  	[sflag:s25] =	ssyncset.done $0x0  }
0xc7: {  	[sflag:s25] =	ssyncadd.s32 $0xFFFFD800  }
0xc8: {  	[tilespmem:s19], [sflag:$0x1] =	stream.indirect.gather [hbm4b:s1+s18], $0x80, s4, s18, $0xb8;
	[tilespmem:$0x1F080] =	vst v63  }
0xc9: {  	_ =	swait.ge [sflag:s26], $0x2800  }
0xca: {  	s6 =	sld [smem:$0x7EE]  }
0xcb: {  	[sflag:s26] =	ssyncset.done $0x0  }
0xcc: {  	[sflag:s26] =	ssyncadd.s32 $0xFFFFD800  }
0xcd: {  	[spmem:s2] =	stream.indirect.scatter.add.f32 [tilespmem:s21], [sflag:$0x7], $0x80, s6, s18, $0xb8;
	[tilespmem:$0x1F080] =	vst v63  }
0xce: {  	_ =	swait.ge [sflag:s28], $0x2800  }
0xcf: {  	s7 =	sld [smem:$0x7EF]  }
0xd0: {  	[sflag:s28] =	ssyncset.done $0x0  }
0xd1: {  	[sflag:s28] =	ssyncadd.s32 $0xFFFFD800  }
0xd2: {  	[tilespmem:s20], [sflag:$0x2] =	stream.indirect.gather [hbm4b:s1+s18], $0x80, s7, s18, $0xb8;
	[tilespmem:$0x1F080] =	vst v63  }
0xd3: {  	_ =	swait.ge [sflag:s29], $0x2800  }
0xd4: {  	s4 =	sld [smem:$0x7F2]  }
0xd5: {  	[sflag:s29] =	ssyncset.done $0x0  }
0xd6: {  	[sflag:s29] =	ssyncadd.s32 $0xFFFFD800  }
0xd7: {  	[spmem:s2] =	stream.indirect.scatter.add.f32 [tilespmem:s23], [sflag:$0x8], $0x80, s4, s18, $0xb8;
	[tilespmem:$0x1F080] =	vst v63  }
0xd8: {  	_ =	swait.ge [sflag:s30], $0x2800  }
0xd9: {  	s6 =	sld [smem:$0x7F3]  }
0xda: {  	[sflag:s30] =	ssyncset.done $0x0  }
0xdb: {  	[sflag:s30] =	ssyncadd.s32 $0xFFFFD800  }
0xdc: {  	[tilespmem:s21], [sflag:$0x3] =	stream.indirect.gather [hbm4b:s1+s18], $0x80, s6, s18, $0xb8;
	[tilespmem:$0x1F080] =	vst v63  }
0xdd: {  	_ =	swait.ge [sflag:s22], $0x2800  }
0xde: {  	s7 =	sld [smem:$0x7F6]  }
0xdf: {  	[sflag:s22] =	ssyncset.done $0x0  }
0xe0: {  	[sflag:s22] =	ssyncadd.s32 $0xFFFFD800  }
0xe1: {  	[spmem:s2] =	stream.indirect.scatter.add.f32 [tilespmem:s19], [sflag:$0x5], $0x80, s7, s18, $0xb8;
	[tilespmem:$0x1F080] =	vst v63  }
0xe2: {  	_ =	swait.ge [sflag:s31], $0x2800  }
0xe3: {  	s4 =	sld [smem:$0x7F7]  }
0xe4: {  	[sflag:s31] =	ssyncset.done $0x0  }
0xe5: {  	[sflag:s31] =	ssyncadd.s32 $0xFFFFD800  }
0xe6: {  	[tilespmem:s23], [sflag:$0x4] =	stream.indirect.gather [hbm4b:s1+s18], $0x80, s4, s18, $0xb8;
	[tilespmem:$0x1F080] =	vst v63  }
0xe7: {  	_ =	swait.ge [sflag:s24], $0x2800  }
0xe8: {  	s6 =	sld [smem:$0x7F8]  }
0xe9: {  	[sflag:s24] =	ssyncset.done $0x0  }
0xea: {  	[sflag:s24] =	ssyncadd.s32 $0xFFFFD800  }
0xeb: {  	[spmem:s2] =	stream.indirect.scatter.add.f32 [tilespmem:s20], [sflag:$0x6], $0x80, s6, s18, $0xb8;
	[tilespmem:$0x1F080] =	vst v63  }
0xec: {  	_ =	swait.ge [sflag:s25], $0x2800  }
0xed: {  	s7 =	sld [smem:$0x7F9]  }
0xee: {  	[sflag:s25] =	ssyncset.done $0x0  }
0xef: {  	[sflag:s25] =	ssyncadd.s32 $0xFFFFD800  }
0xf0: {  	[tilespmem:s19], [sflag:$0x1] =	stream.indirect.gather [hbm4b:s1+s18], $0x80, s7, s18, $0xb8;
	[tilespmem:$0x1F080] =	vst v63  }
0xf1: {  	_ =	swait.ge [sflag:s26], $0x2800  }
0xf2: {  	s4 =	sld [smem:$0x7FA]  }
0xf3: {  	[sflag:s26] =	ssyncset.done $0x0  }
0xf4: {  	[sflag:s26] =	ssyncadd.s32 $0xFFFFD800  }
0xf5: {  	[spmem:s2] =	stream.indirect.scatter.add.f32 [tilespmem:s21], [sflag:$0x7], $0x80, s4, s18, $0xb8;
	[tilespmem:$0x1F080] =	vst v63  }
0xf6: {  	_ =	swait.ge [sflag:s28], $0x2800  }
0xf7: {  	s6 =	sld [smem:$0x7FB]  }
0xf8: {  	[sflag:s28] =	ssyncset.done $0x0  }
0xf9: {  	[sflag:s28] =	ssyncadd.s32 $0xFFFFD800  }
0xfa: {  	[tilespmem:s20], [sflag:$0x2] =	stream.indirect.gather [hbm4b:s1+s18], $0x80, s6, s18, $0xb8;
	[tilespmem:$0x1F080] =	vst v63  }
0xfb: {  	_ =	swait.ge [sflag:s29], $0x2800  }
0xfc: {  	s7 =	sld [smem:$0x7FC]  }
0xfd: {  	[sflag:s29] =	ssyncset.done $0x0  }
0xfe: {  	[sflag:s29] =	ssyncadd.s32 $0xFFFFD800  }
0xff: {  	[spmem:s2] =	stream.indirect.scatter.add.f32 [tilespmem:s23], [sflag:$0x8], $0x80, s7, s18, $0xb8;
	[tilespmem:$0x1F080] =	vst v63  }
0x100: {  	_ =	swait.ge [sflag:s30], $0x2800  }
0x101: {  	[sflag:s30] =	ssyncset.done $0x0  }
0x102: {  	[sflag:s30] =	ssyncadd.s32 $0xFFFFD800  }
0x103: {  	[tilespmem:s21], [sflag:$0x3] =	stream.indirect.gather [hbm4b:s1+s18], $0x80, s0, s18, $0xb8;
	[tilespmem:$0x1F080] =	vst v63  }
0x104: {  	_ =	swait.ge [sflag:s22], $0x2800  }
0x105: {  	[sflag:s22] =	ssyncset.done $0x0  }
0x106: {  	[sflag:s22] =	ssyncadd.s32 $0xFFFFD800  }
0x107: {  	[spmem:s2] =	stream.indirect.scatter.add.f32 [tilespmem:s19], [sflag:$0x5], $0x80, s8, s18, $0xb8;
	[tilespmem:$0x1F080] =	vst v63  }
0x108: {  	_ =	swait.ge [sflag:s31], $0x2800  }
0x109: {  	[sflag:s31] =	ssyncset.done $0x0  }
0x10a: {  	[sflag:s31] =	ssyncadd.s32 $0xFFFFD800  }
0x10b: {  	[tilespmem:s23], [sflag:$0x4] =	stream.indirect.gather [hbm4b:s1+s18], $0x80, s9, s18, $0xb8;
	[tilespmem:$0x1F080] =	vst v63  }
0x10c: {  	_ =	swait.ge [sflag:s24], $0x2800  }
0x10d: {  	[sflag:s24] =	ssyncset.done $0x0  }
0x10e: {  	[sflag:s24] =	ssyncadd.s32 $0xFFFFD800  }
0x10f: {  	[spmem:s2] =	stream.indirect.scatter.add.f32 [tilespmem:s20], [sflag:$0x6], $0x80, s10, s18, $0xb8;
	[tilespmem:$0x1F080] =	vst v63  }
0x110: {  	_ =	swait.ge [sflag:s25], $0x2800  }
0x111: {  	[sflag:s25] =	ssyncset.done $0x0  }
0x112: {  	[sflag:s25] =	ssyncadd.s32 $0xFFFFD800  }
0x113: {  	[tilespmem:s19], [sflag:$0x1] =	stream.indirect.gather [hbm4b:s1+s18], $0x80, s11, s18, $0xb8;
	[tilespmem:$0x1F080] =	vst v63  }
0x114: {  	_ =	swait.ge [sflag:s26], $0x2800  }
0x115: {  	[sflag:s26] =	ssyncset.done $0x0  }
0x116: {  	[sflag:s26] =	ssyncadd.s32 $0xFFFFD800  }
0x117: {  	[spmem:s2] =	stream.indirect.scatter.add.f32 [tilespmem:s21], [sflag:$0x7], $0x80, s12, s18, $0xb8;
	[tilespmem:$0x1F080] =	vst v63  }
0x118: {  	_ =	swait.ge [sflag:s29], $0x2800  }
0x119: {  	[sflag:s29] =	ssyncset.done $0x0  }
0x11a: {  	[sflag:s29] =	ssyncadd.s32 $0xFFFFD800  }
0x11b: {  	[spmem:s2] =	stream.indirect.scatter.add.f32 [tilespmem:s23], [sflag:$0x8], $0x80, s14, s18, $0xb8;
	[tilespmem:$0x1F080] =	vst v63  }
0x11c: {  	_ =	swait.ge [sflag:s22], $0x2800  }
0x11d: {  	[sflag:s22] =	ssyncset.done $0x0  }
0x11e: {  	[sflag:s22] =	ssyncadd.s32 $0xFFFFD800  }
0x11f: {  	[spmem:s2] =	stream.indirect.scatter.add.f32 [tilespmem:s19], [sflag:$0x5], $0x80, s16, s18, $0xb8;
	[tilespmem:$0x1F080] =	vst v63  }
0x120: {  	_ =	swait.ge [sflag:s28], $0x2800  }
0x121: {  	[sflag:s28] =	ssyncset.done $0x0  }
0x122: {  	[sflag:s28] =	ssyncadd.s32 $0xFFFFD800  }
0x123: {  	_ =	swait.ge [sflag:s30], $0x2800  }
0x124: {  	[sflag:s30] =	ssyncset.done $0x0  }
0x125: {  	[sflag:s30] =	ssyncadd.s32 $0xFFFFD800  }
0x126: {  	_ =	swait.ge [sflag:s31], $0x2800  }
0x127: {  	[sflag:s31] =	ssyncset.done $0x0  }
0x128: {  	[sflag:s31] =	ssyncadd.s32 $0xFFFFD800  }
0x129: {  	s5 =	simm.s32 $0x1F4;
	_ =	swait.ge [sflag:s25], $0x2800  }
0x12a: {  	s7 =	simm.s32 $0xFA;
	s6 =	rddreg [dreg:$0x4];
	[sflag:s25] =	ssyncset.done $0x0  }
.LBB2_2:
0x12b: {  	[sflag:s25] =	ssyncadd.s32 $0xFFFFD800;
	s6 =	sadd.s32 s7, s6  }
0x12c: {  	[tilespmem:s3], [sflag:$0x9] =	stream.linear.gather [hbm4b:s6+s3], $0x7D0, $0x38;
	[tilespmem:$0x1F080] =	vst v63  }
0x12d: {  	_ =	swait.ge [sflag:s15], $0x7D0  }
0x12e: {  	[sflag:s15] =	ssyncset.done $0x0  }
0x12f: {  	s13 =	sadd.s32 $0x200, s13;
	[sflag:s15] =	ssyncadd.s32 $0xFFFFF830  }
0x130: {  	[tilespmem:s17], [sflag:$0x9] =	stream.linear.gather [hbm4b:s13+s3], $0xC80, $0x38;
	[tilespmem:$0x1F080] =	vst v63  }
0x131: {  	_ =	swait.ge [sflag:s15], $0xC80  }
0x132: {  	[sflag:s15] =	ssyncset.done $0x0  }
0x133: {  	[sflag:s15] =	ssyncadd.s32 $0xFFFFF380  }
0x134: {  	[tilespmem:s19], [sflag:$0x1] =	stream.indirect.gather [hbm4b:s1+s18], $0x80, s3, s18, $0xb8;
	[tilespmem:$0x1F080] =	vst v63  }
0x135: {  	_ = 	snop  }
0x136: {  	[tilespmem:s20], [sflag:$0x2] =	stream.indirect.gather [hbm4b:s1+s18], $0x80, s18, s18, $0xb8;
	[tilespmem:$0x1F080] =	vst v63  }
0x137: {  	s6 =	rddreg [dreg:$0x5]  }
0x138: {  	[tilespmem:s21], [sflag:$0x3] =	stream.indirect.gather [hbm4b:s1+s18], $0x80, s6, s18, $0xb8;
	[tilespmem:$0x1F080] =	vst v63  }
0x139: {  	_ =	swait.ge [sflag:s22], $0x2800  }
0x13a: {  	[sflag:s22] =	ssyncset.done $0x0  }
0x13b: {  	[sflag:s22] =	ssyncadd.s32 $0xFFFFD800  }
0x13c: {  	[spmem:s2] =	stream.indirect.scatter.add.f32 [tilespmem:s19], [sflag:$0x5], $0x80, s17, s18, $0xb8;
	[tilespmem:$0x1F080] =	vst v63  }
0x13d: {  	s6 =	rddreg [dreg:$0x6]  }
0x13e: {  	[tilespmem:s23], [sflag:$0x4] =	stream.indirect.gather [hbm4b:s1+s18], $0x80, s6, s18, $0xb8;
	[tilespmem:$0x1F080] =	vst v63  }
0x13f: {  	_ =	swait.ge [sflag:s24], $0x2800  }
0x140: {  	[sflag:s24] =	ssyncset.done $0x0  }
0x141: {  	s6 =	rddreg [dreg:$0x7];
	[sflag:s24] =	ssyncadd.s32 $0xFFFFD800  }
0x142: {  	[spmem:s2] =	stream.indirect.scatter.add.f32 [tilespmem:s20], [sflag:$0x6], $0x80, s6, s18, $0xb8;
	[tilespmem:$0x1F080] =	vst v63  }
0x143: {  	_ =	swait.ge [sflag:s25], $0x2800  }
0x144: {  	[sflag:s25] =	ssyncset.done $0x0  }
0x145: {  	s6 =	rddreg [dreg:$0x8];
	[sflag:s25] =	ssyncadd.s32 $0xFFFFD800  }
0x146: {  	[tilespmem:s19], [sflag:$0x1] =	stream.indirect.gather [hbm4b:s1+s18], $0x80, s6, s18, $0xb8;
	[tilespmem:$0x1F080] =	vst v63  }
0x147: {  	_ =	swait.ge [sflag:s26], $0x2800  }
0x148: {  	[sflag:s26] =	ssyncset.done $0x0  }
0x149: {  	s6 =	rddreg [dreg:$0x9];
	[sflag:s26] =	ssyncadd.s32 $0xFFFFD800  }
0x14a: {  	[spmem:s2] =	stream.indirect.scatter.add.f32 [tilespmem:s21], [sflag:$0x7], $0x80, s6, s18, $0xb8;
	[tilespmem:$0x1F080] =	vst v63  }
0x14b: {  	_ =	swait.ge [sflag:s28], $0x2800  }
0x14c: {  	[sflag:s28] =	ssyncset.done $0x0  }
0x14d: {  	s6 =	rddreg [dreg:$0xa];
	[sflag:s28] =	ssyncadd.s32 $0xFFFFD800  }
0x14e: {  	[tilespmem:s20], [sflag:$0x2] =	stream.indirect.gather [hbm4b:s1+s18], $0x80, s6, s18, $0xb8;
	[tilespmem:$0x1F080] =	vst v63  }
0x14f: {  	_ =	swait.ge [sflag:s29], $0x2800  }
0x150: {  	[sflag:s29] =	ssyncset.done $0x0  }
0x151: {  	s6 =	rddreg [dreg:$0xb];
	[sflag:s29] =	ssyncadd.s32 $0xFFFFD800  }
0x152: {  	[spmem:s2] =	stream.indirect.scatter.add.f32 [tilespmem:s23], [sflag:$0x8], $0x80, s6, s18, $0xb8;
	[tilespmem:$0x1F080] =	vst v63  }
0x153: {  	_ =	swait.ge [sflag:s30], $0x2800  }
0x154: {  	[sflag:s30] =	ssyncset.done $0x0  }
0x155: {  	s6 =	rddreg [dreg:$0xc];
	[sflag:s30] =	ssyncadd.s32 $0xFFFFD800  }
0x156: {  	[tilespmem:s21], [sflag:$0x3] =	stream.indirect.gather [hbm4b:s1+s18], $0x80, s6, s18, $0xb8;
	[tilespmem:$0x1F080] =	vst v63  }
0x157: {  	_ =	swait.ge [sflag:s22], $0x2800  }
0x158: {  	[sflag:s22] =	ssyncset.done $0x0  }
0x159: {  	s6 =	rddreg [dreg:$0xd];
	[sflag:s22] =	ssyncadd.s32 $0xFFFFD800  }
0x15a: {  	[spmem:s2] =	stream.indirect.scatter.add.f32 [tilespmem:s19], [sflag:$0x5], $0x80, s6, s18, $0xb8;
	[tilespmem:$0x1F080] =	vst v63  }
0x15b: {  	_ =	swait.ge [sflag:s31], $0x2800  }
0x15c: {  	[sflag:s31] =	ssyncset.done $0x0  }
0x15d: {  	s6 =	rddreg [dreg:$0xe];
	[sflag:s31] =	ssyncadd.s32 $0xFFFFD800  }
0x15e: {  	[tilespmem:s23], [sflag:$0x4] =	stream.indirect.gather [hbm4b:s1+s18], $0x80, s6, s18, $0xb8;
	[tilespmem:$0x1F080] =	vst v63  }
0x15f: {  	_ =	swait.ge [sflag:s24], $0x2800  }
0x160: {  	[sflag:s24] =	ssyncset.done $0x0  }
0x161: {  	s6 =	rddreg [dreg:$0xf];
	[sflag:s24] =	ssyncadd.s32 $0xFFFFD800  }
0x162: {  	[spmem:s2] =	stream.indirect.scatter.add.f32 [tilespmem:s20], [sflag:$0x6], $0x80, s6, s18, $0xb8;
	[tilespmem:$0x1F080] =	vst v63  }
0x163: {  	_ =	swait.ge [sflag:s25], $0x2800  }
0x164: {  	[sflag:s25] =	ssyncset.done $0x0  }
0x165: {  	s6 =	rddreg [dreg:$0x10];
	[sflag:s25] =	ssyncadd.s32 $0xFFFFD800  }
0x166: {  	[tilespmem:s19], [sflag:$0x1] =	stream.indirect.gather [hbm4b:s1+s18], $0x80, s6, s18, $0xb8;
	[tilespmem:$0x1F080] =	vst v63  }
0x167: {  	_ =	swait.ge [sflag:s26], $0x2800  }
0x168: {  	[sflag:s26] =	ssyncset.done $0x0  }
0x169: {  	s6 =	rddreg [dreg:$0x11];
	[sflag:s26] =	ssyncadd.s32 $0xFFFFD800  }
0x16a: {  	[spmem:s2] =	stream.indirect.scatter.add.f32 [tilespmem:s21], [sflag:$0x7], $0x80, s6, s18, $0xb8;
	[tilespmem:$0x1F080] =	vst v63  }
0x16b: {  	_ =	swait.ge [sflag:s28], $0x2800  }
0x16c: {  	[sflag:s28] =	ssyncset.done $0x0  }
0x16d: {  	s6 =	rddreg [dreg:$0x12];
	[sflag:s28] =	ssyncadd.s32 $0xFFFFD800  }
0x16e: {  	[tilespmem:s20], [sflag:$0x2] =	stream.indirect.gather [hbm4b:s1+s18], $0x80, s6, s18, $0xb8;
	[tilespmem:$0x1F080] =	vst v63  }
0x16f: {  	_ =	swait.ge [sflag:s29], $0x2800  }
0x170: {  	[sflag:s29] =	ssyncset.done $0x0  }
0x171: {  	s6 =	rddreg [dreg:$0x13];
	[sflag:s29] =	ssyncadd.s32 $0xFFFFD800  }
0x172: {  	[spmem:s2] =	stream.indirect.scatter.add.f32 [tilespmem:s23], [sflag:$0x8], $0x80, s6, s18, $0xb8;
	[tilespmem:$0x1F080] =	vst v63  }
0x173: {  	_ =	swait.ge [sflag:s30], $0x2800  }
0x174: {  	[sflag:s30] =	ssyncset.done $0x0  }
0x175: {  	s6 =	rddreg [dreg:$0x14];
	[sflag:s30] =	ssyncadd.s32 $0xFFFFD800  }
0x176: {  	[tilespmem:s21], [sflag:$0x3] =	stream.indirect.gather [hbm4b:s1+s18], $0x80, s6, s18, $0xb8;
	[tilespmem:$0x1F080] =	vst v63  }
0x177: {  	_ =	swait.ge [sflag:s22], $0x2800  }
0x178: {  	[sflag:s22] =	ssyncset.done $0x0  }
0x179: {  	s6 =	rddreg [dreg:$0x15];
	[sflag:s22] =	ssyncadd.s32 $0xFFFFD800  }
0x17a: {  	[spmem:s2] =	stream.indirect.scatter.add.f32 [tilespmem:s19], [sflag:$0x5], $0x80, s6, s18, $0xb8;
	[tilespmem:$0x1F080] =	vst v63  }
0x17b: {  	_ =	swait.ge [sflag:s31], $0x2800  }
0x17c: {  	[sflag:s31] =	ssyncset.done $0x0  }
0x17d: {  	s6 =	rddreg [dreg:$0x16];
	[sflag:s31] =	ssyncadd.s32 $0xFFFFD800  }
0x17e: {  	[tilespmem:s23], [sflag:$0x4] =	stream.indirect.gather [hbm4b:s1+s18], $0x80, s6, s18, $0xb8;
	[tilespmem:$0x1F080] =	vst v63  }
0x17f: {  	_ =	swait.ge [sflag:s24], $0x2800  }
0x180: {  	[sflag:s24] =	ssyncset.done $0x0  }
0x181: {  	s6 =	rddreg [dreg:$0x17];
	[sflag:s24] =	ssyncadd.s32 $0xFFFFD800  }
0x182: {  	[spmem:s2] =	stream.indirect.scatter.add.f32 [tilespmem:s20], [sflag:$0x6], $0x80, s6, s18, $0xb8;
	[tilespmem:$0x1F080] =	vst v63  }
0x183: {  	_ =	swait.ge [sflag:s25], $0x2800  }
0x184: {  	[sflag:s25] =	ssyncset.done $0x0  }
0x185: {  	s6 =	rddreg [dreg:$0x18];
	[sflag:s25] =	ssyncadd.s32 $0xFFFFD800  }
0x186: {  	[tilespmem:s19], [sflag:$0x1] =	stream.indirect.gather [hbm4b:s1+s18], $0x80, s6, s18, $0xb8;
	[tilespmem:$0x1F080] =	vst v63  }
0x187: {  	_ =	swait.ge [sflag:s26], $0x2800  }
0x188: {  	[sflag:s26] =	ssyncset.done $0x0  }
0x189: {  	s6 =	rddreg [dreg:$0x19];
	[sflag:s26] =	ssyncadd.s32 $0xFFFFD800  }
0x18a: {  	[spmem:s2] =	stream.indirect.scatter.add.f32 [tilespmem:s21], [sflag:$0x7], $0x80, s6, s18, $0xb8;
	[tilespmem:$0x1F080] =	vst v63  }
0x18b: {  	_ =	swait.ge [sflag:s28], $0x2800  }
0x18c: {  	[sflag:s28] =	ssyncset.done $0x0  }
0x18d: {  	s6 =	rddreg [dreg:$0x1a];
	[sflag:s28] =	ssyncadd.s32 $0xFFFFD800  }
0x18e: {  	[tilespmem:s20], [sflag:$0x2] =	stream.indirect.gather [hbm4b:s1+s18], $0x80, s6, s18, $0xb8;
	[tilespmem:$0x1F080] =	vst v63  }
0x18f: {  	_ =	swait.ge [sflag:s29], $0x2800  }
0x190: {  	[sflag:s29] =	ssyncset.done $0x0  }
0x191: {  	s6 =	rddreg [dreg:$0x1b];
	[sflag:s29] =	ssyncadd.s32 $0xFFFFD800  }
0x192: {  	[spmem:s2] =	stream.indirect.scatter.add.f32 [tilespmem:s23], [sflag:$0x8], $0x80, s6, s18, $0xb8;
	[tilespmem:$0x1F080] =	vst v63  }
0x193: {  	_ =	swait.ge [sflag:s30], $0x2800  }
0x194: {  	[sflag:s30] =	ssyncset.done $0x0  }
0x195: {  	s6 =	rddreg [dreg:$0x1c];
	[sflag:s30] =	ssyncadd.s32 $0xFFFFD800  }
0x196: {  	[tilespmem:s21], [sflag:$0x3] =	stream.indirect.gather [hbm4b:s1+s18], $0x80, s6, s18, $0xb8;
	[tilespmem:$0x1F080] =	vst v63  }
0x197: {  	_ =	swait.ge [sflag:s22], $0x2800  }
0x198: {  	[sflag:s22] =	ssyncset.done $0x0  }
0x199: {  	s6 =	rddreg [dreg:$0x1d];
	[sflag:s22] =	ssyncadd.s32 $0xFFFFD800  }
0x19a: {  	[spmem:s2] =	stream.indirect.scatter.add.f32 [tilespmem:s19], [sflag:$0x5], $0x80, s6, s18, $0xb8;
	[tilespmem:$0x1F080] =	vst v63  }
0x19b: {  	_ =	swait.ge [sflag:s31], $0x2800  }
0x19c: {  	[sflag:s31] =	ssyncset.done $0x0  }
0x19d: {  	s6 =	rddreg [dreg:$0x1e];
	[sflag:s31] =	ssyncadd.s32 $0xFFFFD800  }
0x19e: {  	[tilespmem:s23], [sflag:$0x4] =	stream.indirect.gather [hbm4b:s1+s18], $0x80, s6, s18, $0xb8;
	[tilespmem:$0x1F080] =	vst v63  }
0x19f: {  	_ =	swait.ge [sflag:s24], $0x2800  }
0x1a0: {  	[sflag:s24] =	ssyncset.done $0x0  }
0x1a1: {  	s6 =	rddreg [dreg:$0x1f];
	[sflag:s24] =	ssyncadd.s32 $0xFFFFD800  }
0x1a2: {  	[spmem:s2] =	stream.indirect.scatter.add.f32 [tilespmem:s20], [sflag:$0x6], $0x80, s6, s18, $0xb8;
	[tilespmem:$0x1F080] =	vst v63  }
0x1a3: {  	_ =	swait.ge [sflag:s25], $0x2800  }
0x1a4: {  	s6 =	sld [smem:$0x7EC]  }
0x1a5: {  	[sflag:s25] =	ssyncset.done $0x0  }
0x1a6: {  	[sflag:s25] =	ssyncadd.s32 $0xFFFFD800  }
0x1a7: {  	[tilespmem:s19], [sflag:$0x1] =	stream.indirect.gather [hbm4b:s1+s18], $0x80, s6, s18, $0xb8;
	[tilespmem:$0x1F080] =	vst v63  }
0x1a8: {  	_ =	swait.ge [sflag:s26], $0x2800  }
0x1a9: {  	s6 =	sld [smem:$0x7EE]  }
0x1aa: {  	[sflag:s26] =	ssyncset.done $0x0  }
0x1ab: {  	[sflag:s26] =	ssyncadd.s32 $0xFFFFD800  }
0x1ac: {  	[spmem:s2] =	stream.indirect.scatter.add.f32 [tilespmem:s21], [sflag:$0x7], $0x80, s6, s18, $0xb8;
	[tilespmem:$0x1F080] =	vst v63  }
0x1ad: {  	_ =	swait.ge [sflag:s28], $0x2800  }
0x1ae: {  	s6 =	sld [smem:$0x7EF]  }
0x1af: {  	[sflag:s28] =	ssyncset.done $0x0  }
0x1b0: {  	[sflag:s28] =	ssyncadd.s32 $0xFFFFD800  }
0x1b1: {  	[tilespmem:s20], [sflag:$0x2] =	stream.indirect.gather [hbm4b:s1+s18], $0x80, s6, s18, $0xb8;
	[tilespmem:$0x1F080] =	vst v63  }
0x1b2: {  	_ =	swait.ge [sflag:s29], $0x2800  }
0x1b3: {  	s6 =	sld [smem:$0x7F2]  }
0x1b4: {  	[sflag:s29] =	ssyncset.done $0x0  }
0x1b5: {  	[sflag:s29] =	ssyncadd.s32 $0xFFFFD800  }
0x1b6: {  	[spmem:s2] =	stream.indirect.scatter.add.f32 [tilespmem:s23], [sflag:$0x8], $0x80, s6, s18, $0xb8;
	[tilespmem:$0x1F080] =	vst v63  }
0x1b7: {  	_ =	swait.ge [sflag:s30], $0x2800  }
0x1b8: {  	s6 =	sld [smem:$0x7F3]  }
0x1b9: {  	[sflag:s30] =	ssyncset.done $0x0  }
0x1ba: {  	[sflag:s30] =	ssyncadd.s32 $0xFFFFD800  }
0x1bb: {  	[tilespmem:s21], [sflag:$0x3] =	stream.indirect.gather [hbm4b:s1+s18], $0x80, s6, s18, $0xb8;
	[tilespmem:$0x1F080] =	vst v63  }
0x1bc: {  	_ =	swait.ge [sflag:s22], $0x2800  }
0x1bd: {  	s6 =	sld [smem:$0x7F6]  }
0x1be: {  	[sflag:s22] =	ssyncset.done $0x0  }
0x1bf: {  	[sflag:s22] =	ssyncadd.s32 $0xFFFFD800  }
0x1c0: {  	[spmem:s2] =	stream.indirect.scatter.add.f32 [tilespmem:s19], [sflag:$0x5], $0x80, s6, s18, $0xb8;
	[tilespmem:$0x1F080] =	vst v63  }
0x1c1: {  	_ =	swait.ge [sflag:s31], $0x2800  }
0x1c2: {  	s6 =	sld [smem:$0x7F7]  }
0x1c3: {  	[sflag:s31] =	ssyncset.done $0x0  }
0x1c4: {  	[sflag:s31] =	ssyncadd.s32 $0xFFFFD800  }
0x1c5: {  	[tilespmem:s23], [sflag:$0x4] =	stream.indirect.gather [hbm4b:s1+s18], $0x80, s6, s18, $0xb8;
	[tilespmem:$0x1F080] =	vst v63  }
0x1c6: {  	_ =	swait.ge [sflag:s24], $0x2800  }
0x1c7: {  	s6 =	sld [smem:$0x7F8]  }
0x1c8: {  	[sflag:s24] =	ssyncset.done $0x0  }
0x1c9: {  	[sflag:s24] =	ssyncadd.s32 $0xFFFFD800  }
0x1ca: {  	[spmem:s2] =	stream.indirect.scatter.add.f32 [tilespmem:s20], [sflag:$0x6], $0x80, s6, s18, $0xb8;
	[tilespmem:$0x1F080] =	vst v63  }
0x1cb: {  	_ =	swait.ge [sflag:s25], $0x2800  }
0x1cc: {  	s6 =	sld [smem:$0x7F9]  }
0x1cd: {  	[sflag:s25] =	ssyncset.done $0x0  }
0x1ce: {  	[sflag:s25] =	ssyncadd.s32 $0xFFFFD800  }
0x1cf: {  	[tilespmem:s19], [sflag:$0x1] =	stream.indirect.gather [hbm4b:s1+s18], $0x80, s6, s18, $0xb8;
	[tilespmem:$0x1F080] =	vst v63  }
0x1d0: {  	_ =	swait.ge [sflag:s26], $0x2800  }
0x1d1: {  	s6 =	sld [smem:$0x7FA]  }
0x1d2: {  	[sflag:s26] =	ssyncset.done $0x0  }
0x1d3: {  	[sflag:s26] =	ssyncadd.s32 $0xFFFFD800  }
0x1d4: {  	[spmem:s2] =	stream.indirect.scatter.add.f32 [tilespmem:s21], [sflag:$0x7], $0x80, s6, s18, $0xb8;
	[tilespmem:$0x1F080] =	vst v63  }
0x1d5: {  	_ =	swait.ge [sflag:s28], $0x2800  }
0x1d6: {  	s6 =	sld [smem:$0x7FB]  }
0x1d7: {  	[sflag:s28] =	ssyncset.done $0x0  }
0x1d8: {  	[sflag:s28] =	ssyncadd.s32 $0xFFFFD800  }
0x1d9: {  	[tilespmem:s20], [sflag:$0x2] =	stream.indirect.gather [hbm4b:s1+s18], $0x80, s6, s18, $0xb8;
	[tilespmem:$0x1F080] =	vst v63  }
0x1da: {  	_ =	swait.ge [sflag:s29], $0x2800  }
0x1db: {  	s6 =	sld [smem:$0x7FC]  }
0x1dc: {  	[sflag:s29] =	ssyncset.done $0x0  }
0x1dd: {  	[sflag:s29] =	ssyncadd.s32 $0xFFFFD800  }
0x1de: {  	[spmem:s2] =	stream.indirect.scatter.add.f32 [tilespmem:s23], [sflag:$0x8], $0x80, s6, s18, $0xb8;
	[tilespmem:$0x1F080] =	vst v63  }
0x1df: {  	_ =	swait.ge [sflag:s30], $0x2800  }
0x1e0: {  	[sflag:s30] =	ssyncset.done $0x0  }
0x1e1: {  	[sflag:s30] =	ssyncadd.s32 $0xFFFFD800  }
0x1e2: {  	[tilespmem:s21], [sflag:$0x3] =	stream.indirect.gather [hbm4b:s1+s18], $0x80, s0, s18, $0xb8;
	[tilespmem:$0x1F080] =	vst v63  }
0x1e3: {  	_ =	swait.ge [sflag:s22], $0x2800  }
0x1e4: {  	[sflag:s22] =	ssyncset.done $0x0  }
0x1e5: {  	[sflag:s22] =	ssyncadd.s32 $0xFFFFD800  }
0x1e6: {  	[spmem:s2] =	stream.indirect.scatter.add.f32 [tilespmem:s19], [sflag:$0x5], $0x80, s8, s18, $0xb8;
	[tilespmem:$0x1F080] =	vst v63  }
0x1e7: {  	_ =	swait.ge [sflag:s31], $0x2800  }
0x1e8: {  	[sflag:s31] =	ssyncset.done $0x0  }
0x1e9: {  	[sflag:s31] =	ssyncadd.s32 $0xFFFFD800  }
0x1ea: {  	[tilespmem:s23], [sflag:$0x4] =	stream.indirect.gather [hbm4b:s1+s18], $0x80, s9, s18, $0xb8;
	[tilespmem:$0x1F080] =	vst v63  }
0x1eb: {  	_ =	swait.ge [sflag:s24], $0x2800  }
0x1ec: {  	[sflag:s24] =	ssyncset.done $0x0  }
0x1ed: {  	[sflag:s24] =	ssyncadd.s32 $0xFFFFD800  }
0x1ee: {  	[spmem:s2] =	stream.indirect.scatter.add.f32 [tilespmem:s20], [sflag:$0x6], $0x80, s10, s18, $0xb8;
	[tilespmem:$0x1F080] =	vst v63  }
0x1ef: {  	_ =	swait.ge [sflag:s25], $0x2800  }
0x1f0: {  	[sflag:s25] =	ssyncset.done $0x0  }
0x1f1: {  	[sflag:s25] =	ssyncadd.s32 $0xFFFFD800  }
0x1f2: {  	[tilespmem:s19], [sflag:$0x1] =	stream.indirect.gather [hbm4b:s1+s18], $0x80, s11, s18, $0xb8;
	[tilespmem:$0x1F080] =	vst v63  }
0x1f3: {  	_ =	swait.ge [sflag:s26], $0x2800  }
0x1f4: {  	[sflag:s26] =	ssyncset.done $0x0  }
0x1f5: {  	[sflag:s26] =	ssyncadd.s32 $0xFFFFD800  }
0x1f6: {  	[spmem:s2] =	stream.indirect.scatter.add.f32 [tilespmem:s21], [sflag:$0x7], $0x80, s12, s18, $0xb8;
	[tilespmem:$0x1F080] =	vst v63  }
0x1f7: {  	_ =	swait.ge [sflag:s29], $0x2800  }
0x1f8: {  	[sflag:s29] =	ssyncset.done $0x0  }
0x1f9: {  	[sflag:s29] =	ssyncadd.s32 $0xFFFFD800  }
0x1fa: {  	[spmem:s2] =	stream.indirect.scatter.add.f32 [tilespmem:s23], [sflag:$0x8], $0x80, s14, s18, $0xb8;
	[tilespmem:$0x1F080] =	vst v63  }
0x1fb: {  	_ =	swait.ge [sflag:s22], $0x2800  }
0x1fc: {  	[sflag:s22] =	ssyncset.done $0x0  }
0x1fd: {  	[sflag:s22] =	ssyncadd.s32 $0xFFFFD800  }
0x1fe: {  	[spmem:s2] =	stream.indirect.scatter.add.f32 [tilespmem:s19], [sflag:$0x5], $0x80, s16, s18, $0xb8;
	[tilespmem:$0x1F080] =	vst v63  }
0x1ff: {  	_ =	swait.ge [sflag:s28], $0x2800  }
0x200: {  	[sflag:s28] =	ssyncset.done $0x0  }
0x201: {  	[sflag:s28] =	ssyncadd.s32 $0xFFFFD800  }
0x202: {  	_ =	swait.ge [sflag:s30], $0x2800  }
0x203: {  	[sflag:s30] =	ssyncset.done $0x0  }
0x204: {  	p5 =	sne.s32 s5, $0x3E8;
	[sflag:s30] =	ssyncadd.s32 $0xFFFFD800  }
.Ltmp0:
0x205: {  	_ =	swait.ge [sflag:s31], $0x2800;
	(pc) =	sbr.rel @p5 .LBB2_2-.Ltmp0, $4  }
0x206: {  	[sflag:s31] =	ssyncset.done $0x0  }
0x207: {  	[sflag:s31] =	ssyncadd.s32 $0xFFFFD800  }
0x208: {  	s4 =	smov.u32 s5;
	s5 =	sadd.s32 $0xFA, s5;
	_ =	swait.ge [sflag:s25], $0x2800  }
0x209: {  	s7 =	smov.u32 s4;
	s6 =	rddreg [dreg:$0x4];
	[sflag:s25] =	ssyncset.done $0x0  }
0x20a: {  	s4 =	sadd.s32 s7, s6;
	[sflag:s25] =	ssyncadd.s32 $0xFFFFD800  }
0x20b: {  	[tilespmem:s3], [sflag:$0x9] =	stream.linear.gather [hbm4b:s4+s3], $0x7D0, $0x38;
	[tilespmem:$0x1F080] =	vst v63  }
0x20c: {  	_ =	swait.ge [sflag:s15], $0x7D0  }
0x20d: {  	[sflag:s15] =	ssyncset.done $0x0  }
0x20e: {  	s5 =	sadd.s32 $0x200, s13;
	[sflag:s15] =	ssyncadd.s32 $0xFFFFF830  }
0x20f: {  	[tilespmem:s17], [sflag:$0x9] =	stream.linear.gather [hbm4b:s5+s3], $0xC80, $0x38;
	[tilespmem:$0x1F080] =	vst v63  }
0x210: {  	_ =	swait.ge [sflag:s15], $0xC80  }
0x211: {  	[sflag:s15] =	ssyncset.done $0x0  }
0x212: {  	[sflag:s15] =	ssyncadd.s32 $0xFFFFF380  }
0x213: {  	[tilespmem:s19], [sflag:$0x1] =	stream.indirect.gather [hbm4b:s1+s18], $0x80, s3, s18, $0xb8;
	[tilespmem:$0x1F080] =	vst v63  }
0x214: {  	_ = 	snop  }
0x215: {  	[tilespmem:s20], [sflag:$0x2] =	stream.indirect.gather [hbm4b:s1+s18], $0x80, s18, s18, $0xb8;
	[tilespmem:$0x1F080] =	vst v63  }
0x216: {  	s6 =	rddreg [dreg:$0x5]  }
0x217: {  	[tilespmem:s21], [sflag:$0x3] =	stream.indirect.gather [hbm4b:s1+s18], $0x80, s6, s18, $0xb8;
	[tilespmem:$0x1F080] =	vst v63  }
0x218: {  	_ =	swait.ge [sflag:s22], $0x2800  }
0x219: {  	[sflag:s22] =	ssyncset.done $0x0  }
0x21a: {  	[sflag:s22] =	ssyncadd.s32 $0xFFFFD800  }
0x21b: {  	[spmem:s2] =	stream.indirect.scatter.add.f32 [tilespmem:s19], [sflag:$0x5], $0x80, s17, s18, $0xb8;
	[tilespmem:$0x1F080] =	vst v63  }
0x21c: {  	s7 =	rddreg [dreg:$0x6]  }
0x21d: {  	[tilespmem:s23], [sflag:$0x4] =	stream.indirect.gather [hbm4b:s1+s18], $0x80, s7, s18, $0xb8;
	[tilespmem:$0x1F080] =	vst v63  }
0x21e: {  	_ =	swait.ge [sflag:s24], $0x2800  }
0x21f: {  	[sflag:s24] =	ssyncset.done $0x0  }
0x220: {  	s13 =	rddreg [dreg:$0x7];
	[sflag:s24] =	ssyncadd.s32 $0xFFFFD800  }
0x221: {  	[spmem:s2] =	stream.indirect.scatter.add.f32 [tilespmem:s20], [sflag:$0x6], $0x80, s13, s18, $0xb8;
	[tilespmem:$0x1F080] =	vst v63  }
0x222: {  	_ =	swait.ge [sflag:s25], $0x2800  }
0x223: {  	[sflag:s25] =	ssyncset.done $0x0  }
0x224: {  	s5 =	rddreg [dreg:$0x8];
	[sflag:s25] =	ssyncadd.s32 $0xFFFFD800  }
0x225: {  	[tilespmem:s19], [sflag:$0x1] =	stream.indirect.gather [hbm4b:s1+s18], $0x80, s5, s18, $0xb8;
	[tilespmem:$0x1F080] =	vst v63  }
0x226: {  	_ =	swait.ge [sflag:s26], $0x2800  }
0x227: {  	[sflag:s26] =	ssyncset.done $0x0  }
0x228: {  	s6 =	rddreg [dreg:$0x9];
	[sflag:s26] =	ssyncadd.s32 $0xFFFFD800  }
0x229: {  	[spmem:s2] =	stream.indirect.scatter.add.f32 [tilespmem:s21], [sflag:$0x7], $0x80, s6, s18, $0xb8;
	[tilespmem:$0x1F080] =	vst v63  }
0x22a: {  	_ =	swait.ge [sflag:s28], $0x2800  }
0x22b: {  	[sflag:s28] =	ssyncset.done $0x0  }
0x22c: {  	s7 =	rddreg [dreg:$0xa];
	[sflag:s28] =	ssyncadd.s32 $0xFFFFD800  }
0x22d: {  	[tilespmem:s20], [sflag:$0x2] =	stream.indirect.gather [hbm4b:s1+s18], $0x80, s7, s18, $0xb8;
	[tilespmem:$0x1F080] =	vst v63  }
0x22e: {  	_ =	swait.ge [sflag:s29], $0x2800  }
0x22f: {  	[sflag:s29] =	ssyncset.done $0x0  }
0x230: {  	s13 =	rddreg [dreg:$0xb];
	[sflag:s29] =	ssyncadd.s32 $0xFFFFD800  }
0x231: {  	[spmem:s2] =	stream.indirect.scatter.add.f32 [tilespmem:s23], [sflag:$0x8], $0x80, s13, s18, $0xb8;
	[tilespmem:$0x1F080] =	vst v63  }
0x232: {  	_ =	swait.ge [sflag:s30], $0x2800  }
0x233: {  	[sflag:s30] =	ssyncset.done $0x0  }
0x234: {  	s5 =	rddreg [dreg:$0xc];
	[sflag:s30] =	ssyncadd.s32 $0xFFFFD800  }
0x235: {  	[tilespmem:s21], [sflag:$0x3] =	stream.indirect.gather [hbm4b:s1+s18], $0x80, s5, s18, $0xb8;
	[tilespmem:$0x1F080] =	vst v63  }
0x236: {  	_ =	swait.ge [sflag:s22], $0x2800  }
0x237: {  	[sflag:s22] =	ssyncset.done $0x0  }
0x238: {  	s6 =	rddreg [dreg:$0xd];
	[sflag:s22] =	ssyncadd.s32 $0xFFFFD800  }
0x239: {  	[spmem:s2] =	stream.indirect.scatter.add.f32 [tilespmem:s19], [sflag:$0x5], $0x80, s6, s18, $0xb8;
	[tilespmem:$0x1F080] =	vst v63  }
0x23a: {  	_ =	swait.ge [sflag:s31], $0x2800  }
0x23b: {  	[sflag:s31] =	ssyncset.done $0x0  }
0x23c: {  	s7 =	rddreg [dreg:$0xe];
	[sflag:s31] =	ssyncadd.s32 $0xFFFFD800  }
0x23d: {  	[tilespmem:s23], [sflag:$0x4] =	stream.indirect.gather [hbm4b:s1+s18], $0x80, s7, s18, $0xb8;
	[tilespmem:$0x1F080] =	vst v63  }
0x23e: {  	_ =	swait.ge [sflag:s24], $0x2800  }
0x23f: {  	[sflag:s24] =	ssyncset.done $0x0  }
0x240: {  	s13 =	rddreg [dreg:$0xf];
	[sflag:s24] =	ssyncadd.s32 $0xFFFFD800  }
0x241: {  	[spmem:s2] =	stream.indirect.scatter.add.f32 [tilespmem:s20], [sflag:$0x6], $0x80, s13, s18, $0xb8;
	[tilespmem:$0x1F080] =	vst v63  }
0x242: {  	_ =	swait.ge [sflag:s25], $0x2800  }
0x243: {  	[sflag:s25] =	ssyncset.done $0x0  }
0x244: {  	s5 =	rddreg [dreg:$0x10];
	[sflag:s25] =	ssyncadd.s32 $0xFFFFD800  }
0x245: {  	[tilespmem:s19], [sflag:$0x1] =	stream.indirect.gather [hbm4b:s1+s18], $0x80, s5, s18, $0xb8;
	[tilespmem:$0x1F080] =	vst v63  }
0x246: {  	_ =	swait.ge [sflag:s26], $0x2800  }
0x247: {  	[sflag:s26] =	ssyncset.done $0x0  }
0x248: {  	s6 =	rddreg [dreg:$0x11];
	[sflag:s26] =	ssyncadd.s32 $0xFFFFD800  }
0x249: {  	[spmem:s2] =	stream.indirect.scatter.add.f32 [tilespmem:s21], [sflag:$0x7], $0x80, s6, s18, $0xb8;
	[tilespmem:$0x1F080] =	vst v63  }
0x24a: {  	_ =	swait.ge [sflag:s28], $0x2800  }
0x24b: {  	[sflag:s28] =	ssyncset.done $0x0  }
0x24c: {  	s7 =	rddreg [dreg:$0x12];
	[sflag:s28] =	ssyncadd.s32 $0xFFFFD800  }
0x24d: {  	[tilespmem:s20], [sflag:$0x2] =	stream.indirect.gather [hbm4b:s1+s18], $0x80, s7, s18, $0xb8;
	[tilespmem:$0x1F080] =	vst v63  }
0x24e: {  	_ =	swait.ge [sflag:s29], $0x2800  }
0x24f: {  	[sflag:s29] =	ssyncset.done $0x0  }
0x250: {  	s13 =	rddreg [dreg:$0x13];
	[sflag:s29] =	ssyncadd.s32 $0xFFFFD800  }
0x251: {  	[spmem:s2] =	stream.indirect.scatter.add.f32 [tilespmem:s23], [sflag:$0x8], $0x80, s13, s18, $0xb8;
	[tilespmem:$0x1F080] =	vst v63  }
0x252: {  	_ =	swait.ge [sflag:s30], $0x2800  }
0x253: {  	[sflag:s30] =	ssyncset.done $0x0  }
0x254: {  	s5 =	rddreg [dreg:$0x14];
	[sflag:s30] =	ssyncadd.s32 $0xFFFFD800  }
0x255: {  	[tilespmem:s21], [sflag:$0x3] =	stream.indirect.gather [hbm4b:s1+s18], $0x80, s5, s18, $0xb8;
	[tilespmem:$0x1F080] =	vst v63  }
0x256: {  	_ =	swait.ge [sflag:s22], $0x2800  }
0x257: {  	[sflag:s22] =	ssyncset.done $0x0  }
0x258: {  	s6 =	rddreg [dreg:$0x15];
	[sflag:s22] =	ssyncadd.s32 $0xFFFFD800  }
0x259: {  	[spmem:s2] =	stream.indirect.scatter.add.f32 [tilespmem:s19], [sflag:$0x5], $0x80, s6, s18, $0xb8;
	[tilespmem:$0x1F080] =	vst v63  }
0x25a: {  	_ =	swait.ge [sflag:s31], $0x2800  }
0x25b: {  	[sflag:s31] =	ssyncset.done $0x0  }
0x25c: {  	s7 =	rddreg [dreg:$0x16];
	[sflag:s31] =	ssyncadd.s32 $0xFFFFD800  }
0x25d: {  	[tilespmem:s23], [sflag:$0x4] =	stream.indirect.gather [hbm4b:s1+s18], $0x80, s7, s18, $0xb8;
	[tilespmem:$0x1F080] =	vst v63  }
0x25e: {  	_ =	swait.ge [sflag:s24], $0x2800  }
0x25f: {  	[sflag:s24] =	ssyncset.done $0x0  }
0x260: {  	s13 =	rddreg [dreg:$0x17];
	[sflag:s24] =	ssyncadd.s32 $0xFFFFD800  }
0x261: {  	[spmem:s2] =	stream.indirect.scatter.add.f32 [tilespmem:s20], [sflag:$0x6], $0x80, s13, s18, $0xb8;
	[tilespmem:$0x1F080] =	vst v63  }
0x262: {  	_ =	swait.ge [sflag:s25], $0x2800  }
0x263: {  	[sflag:s25] =	ssyncset.done $0x0  }
0x264: {  	s5 =	rddreg [dreg:$0x18];
	[sflag:s25] =	ssyncadd.s32 $0xFFFFD800  }
0x265: {  	[tilespmem:s19], [sflag:$0x1] =	stream.indirect.gather [hbm4b:s1+s18], $0x80, s5, s18, $0xb8;
	[tilespmem:$0x1F080] =	vst v63  }
0x266: {  	_ =	swait.ge [sflag:s26], $0x2800  }
0x267: {  	[sflag:s26] =	ssyncset.done $0x0  }
0x268: {  	s6 =	rddreg [dreg:$0x19];
	[sflag:s26] =	ssyncadd.s32 $0xFFFFD800  }
0x269: {  	[spmem:s2] =	stream.indirect.scatter.add.f32 [tilespmem:s21], [sflag:$0x7], $0x80, s6, s18, $0xb8;
	[tilespmem:$0x1F080] =	vst v63  }
0x26a: {  	_ =	swait.ge [sflag:s28], $0x2800  }
0x26b: {  	[sflag:s28] =	ssyncset.done $0x0  }
0x26c: {  	s7 =	rddreg [dreg:$0x1a];
	[sflag:s28] =	ssyncadd.s32 $0xFFFFD800  }
0x26d: {  	[tilespmem:s20], [sflag:$0x2] =	stream.indirect.gather [hbm4b:s1+s18], $0x80, s7, s18, $0xb8;
	[tilespmem:$0x1F080] =	vst v63  }
0x26e: {  	_ =	swait.ge [sflag:s29], $0x2800  }
0x26f: {  	[sflag:s29] =	ssyncset.done $0x0  }
0x270: {  	s13 =	rddreg [dreg:$0x1b];
	[sflag:s29] =	ssyncadd.s32 $0xFFFFD800  }
0x271: {  	[spmem:s2] =	stream.indirect.scatter.add.f32 [tilespmem:s23], [sflag:$0x8], $0x80, s13, s18, $0xb8;
	[tilespmem:$0x1F080] =	vst v63  }
0x272: {  	_ =	swait.ge [sflag:s30], $0x2800  }
0x273: {  	[sflag:s30] =	ssyncset.done $0x0  }
0x274: {  	s5 =	rddreg [dreg:$0x1c];
	[sflag:s30] =	ssyncadd.s32 $0xFFFFD800  }
0x275: {  	[tilespmem:s21], [sflag:$0x3] =	stream.indirect.gather [hbm4b:s1+s18], $0x80, s5, s18, $0xb8;
	[tilespmem:$0x1F080] =	vst v63  }
0x276: {  	_ =	swait.ge [sflag:s22], $0x2800  }
0x277: {  	[sflag:s22] =	ssyncset.done $0x0  }
0x278: {  	s6 =	rddreg [dreg:$0x1d];
	[sflag:s22] =	ssyncadd.s32 $0xFFFFD800  }
0x279: {  	[spmem:s2] =	stream.indirect.scatter.add.f32 [tilespmem:s19], [sflag:$0x5], $0x80, s6, s18, $0xb8;
	[tilespmem:$0x1F080] =	vst v63  }
0x27a: {  	_ =	swait.ge [sflag:s31], $0x2800  }
0x27b: {  	[sflag:s31] =	ssyncset.done $0x0  }
0x27c: {  	s7 =	rddreg [dreg:$0x1e];
	[sflag:s31] =	ssyncadd.s32 $0xFFFFD800  }
0x27d: {  	[tilespmem:s23], [sflag:$0x4] =	stream.indirect.gather [hbm4b:s1+s18], $0x80, s7, s18, $0xb8;
	[tilespmem:$0x1F080] =	vst v63  }
0x27e: {  	_ =	swait.ge [sflag:s24], $0x2800  }
0x27f: {  	[sflag:s24] =	ssyncset.done $0x0  }
0x280: {  	s13 =	rddreg [dreg:$0x1f];
	[sflag:s24] =	ssyncadd.s32 $0xFFFFD800  }
0x281: {  	[spmem:s2] =	stream.indirect.scatter.add.f32 [tilespmem:s20], [sflag:$0x6], $0x80, s13, s18, $0xb8;
	[tilespmem:$0x1F080] =	vst v63  }
0x282: {  	_ =	swait.ge [sflag:s25], $0x2800  }
0x283: {  	s5 =	sld [smem:$0x7EC]  }
0x284: {  	[sflag:s25] =	ssyncset.done $0x0  }
0x285: {  	[sflag:s25] =	ssyncadd.s32 $0xFFFFD800  }
0x286: {  	[tilespmem:s19], [sflag:$0x1] =	stream.indirect.gather [hbm4b:s1+s18], $0x80, s5, s18, $0xb8;
	[tilespmem:$0x1F080] =	vst v63  }
0x287: {  	_ =	swait.ge [sflag:s26], $0x2800  }
0x288: {  	s6 =	sld [smem:$0x7EE]  }
0x289: {  	[sflag:s26] =	ssyncset.done $0x0  }
0x28a: {  	[sflag:s26] =	ssyncadd.s32 $0xFFFFD800  }
0x28b: {  	[spmem:s2] =	stream.indirect.scatter.add.f32 [tilespmem:s21], [sflag:$0x7], $0x80, s6, s18, $0xb8;
	[tilespmem:$0x1F080] =	vst v63  }
0x28c: {  	_ =	swait.ge [sflag:s28], $0x2800  }
0x28d: {  	s7 =	sld [smem:$0x7EF]  }
0x28e: {  	[sflag:s28] =	ssyncset.done $0x0  }
0x28f: {  	[sflag:s28] =	ssyncadd.s32 $0xFFFFD800  }
0x290: {  	[tilespmem:s20], [sflag:$0x2] =	stream.indirect.gather [hbm4b:s1+s18], $0x80, s7, s18, $0xb8;
	[tilespmem:$0x1F080] =	vst v63  }
0x291: {  	_ =	swait.ge [sflag:s29], $0x2800  }
0x292: {  	s13 =	sld [smem:$0x7F2]  }
0x293: {  	[sflag:s29] =	ssyncset.done $0x0  }
0x294: {  	[sflag:s29] =	ssyncadd.s32 $0xFFFFD800  }
0x295: {  	[spmem:s2] =	stream.indirect.scatter.add.f32 [tilespmem:s23], [sflag:$0x8], $0x80, s13, s18, $0xb8;
	[tilespmem:$0x1F080] =	vst v63  }
0x296: {  	_ =	swait.ge [sflag:s30], $0x2800  }
0x297: {  	s5 =	sld [smem:$0x7F3]  }
0x298: {  	[sflag:s30] =	ssyncset.done $0x0  }
0x299: {  	[sflag:s30] =	ssyncadd.s32 $0xFFFFD800  }
0x29a: {  	[tilespmem:s21], [sflag:$0x3] =	stream.indirect.gather [hbm4b:s1+s18], $0x80, s5, s18, $0xb8;
	[tilespmem:$0x1F080] =	vst v63  }
0x29b: {  	_ =	swait.ge [sflag:s22], $0x2800  }
0x29c: {  	s6 =	sld [smem:$0x7F6]  }
0x29d: {  	[sflag:s22] =	ssyncset.done $0x0  }
0x29e: {  	[sflag:s22] =	ssyncadd.s32 $0xFFFFD800  }
0x29f: {  	[spmem:s2] =	stream.indirect.scatter.add.f32 [tilespmem:s19], [sflag:$0x5], $0x80, s6, s18, $0xb8;
	[tilespmem:$0x1F080] =	vst v63  }
0x2a0: {  	_ =	swait.ge [sflag:s31], $0x2800  }
0x2a1: {  	s7 =	sld [smem:$0x7F7]  }
0x2a2: {  	[sflag:s31] =	ssyncset.done $0x0  }
0x2a3: {  	[sflag:s31] =	ssyncadd.s32 $0xFFFFD800  }
0x2a4: {  	[tilespmem:s23], [sflag:$0x4] =	stream.indirect.gather [hbm4b:s1+s18], $0x80, s7, s18, $0xb8;
	[tilespmem:$0x1F080] =	vst v63  }
0x2a5: {  	_ =	swait.ge [sflag:s24], $0x2800  }
0x2a6: {  	s13 =	sld [smem:$0x7F8]  }
0x2a7: {  	[sflag:s24] =	ssyncset.done $0x0  }
0x2a8: {  	[sflag:s24] =	ssyncadd.s32 $0xFFFFD800  }
0x2a9: {  	[spmem:s2] =	stream.indirect.scatter.add.f32 [tilespmem:s20], [sflag:$0x6], $0x80, s13, s18, $0xb8;
	[tilespmem:$0x1F080] =	vst v63  }
0x2aa: {  	_ =	swait.ge [sflag:s25], $0x2800  }
0x2ab: {  	s5 =	sld [smem:$0x7F9]  }
0x2ac: {  	[sflag:s25] =	ssyncset.done $0x0  }
0x2ad: {  	[sflag:s25] =	ssyncadd.s32 $0xFFFFD800  }
0x2ae: {  	[tilespmem:s19], [sflag:$0x1] =	stream.indirect.gather [hbm4b:s1+s18], $0x80, s5, s18, $0xb8;
	[tilespmem:$0x1F080] =	vst v63  }
0x2af: {  	_ =	swait.ge [sflag:s26], $0x2800  }
0x2b0: {  	s6 =	sld [smem:$0x7FA]  }
0x2b1: {  	[sflag:s26] =	ssyncset.done $0x0  }
0x2b2: {  	[sflag:s26] =	ssyncadd.s32 $0xFFFFD800  }
0x2b3: {  	[spmem:s2] =	stream.indirect.scatter.add.f32 [tilespmem:s21], [sflag:$0x7], $0x80, s6, s18, $0xb8;
	[tilespmem:$0x1F080] =	vst v63  }
0x2b4: {  	_ =	swait.ge [sflag:s28], $0x2800  }
0x2b5: {  	s7 =	sld [smem:$0x7FB]  }
0x2b6: {  	[sflag:s28] =	ssyncset.done $0x0  }
0x2b7: {  	[sflag:s28] =	ssyncadd.s32 $0xFFFFD800  }
0x2b8: {  	[tilespmem:s20], [sflag:$0x2] =	stream.indirect.gather [hbm4b:s1+s18], $0x80, s7, s18, $0xb8;
	[tilespmem:$0x1F080] =	vst v63  }
0x2b9: {  	_ =	swait.ge [sflag:s29], $0x2800  }
0x2ba: {  	s13 =	sld [smem:$0x7FC]  }
0x2bb: {  	[sflag:s29] =	ssyncset.done $0x0  }
0x2bc: {  	[sflag:s29] =	ssyncadd.s32 $0xFFFFD800  }
0x2bd: {  	[spmem:s2] =	stream.indirect.scatter.add.f32 [tilespmem:s23], [sflag:$0x8], $0x80, s13, s18, $0xb8;
	[tilespmem:$0x1F080] =	vst v63  }
0x2be: {  	_ =	swait.ge [sflag:s30], $0x2800  }
0x2bf: {  	[sflag:s30] =	ssyncset.done $0x0  }
0x2c0: {  	[sflag:s30] =	ssyncadd.s32 $0xFFFFD800  }
0x2c1: {  	[tilespmem:s21], [sflag:$0x3] =	stream.indirect.gather [hbm4b:s1+s18], $0x80, s0, s18, $0xb8;
	[tilespmem:$0x1F080] =	vst v63  }
0x2c2: {  	_ =	swait.ge [sflag:s22], $0x2800  }
0x2c3: {  	[sflag:s22] =	ssyncset.done $0x0  }
0x2c4: {  	[sflag:s22] =	ssyncadd.s32 $0xFFFFD800  }
0x2c5: {  	[spmem:s2] =	stream.indirect.scatter.add.f32 [tilespmem:s19], [sflag:$0x5], $0x80, s8, s18, $0xb8;
	[tilespmem:$0x1F080] =	vst v63  }
0x2c6: {  	_ =	swait.ge [sflag:s31], $0x2800  }
0x2c7: {  	[sflag:s31] =	ssyncset.done $0x0  }
0x2c8: {  	[sflag:s31] =	ssyncadd.s32 $0xFFFFD800  }
0x2c9: {  	[tilespmem:s23], [sflag:$0x4] =	stream.indirect.gather [hbm4b:s1+s18], $0x80, s9, s18, $0xb8;
	[tilespmem:$0x1F080] =	vst v63  }
0x2ca: {  	_ =	swait.ge [sflag:s24], $0x2800  }
0x2cb: {  	[sflag:s24] =	ssyncset.done $0x0  }
0x2cc: {  	[sflag:s24] =	ssyncadd.s32 $0xFFFFD800  }
0x2cd: {  	[spmem:s2] =	stream.indirect.scatter.add.f32 [tilespmem:s20], [sflag:$0x6], $0x80, s10, s18, $0xb8;
	[tilespmem:$0x1F080] =	vst v63  }
0x2ce: {  	_ =	swait.ge [sflag:s25], $0x2800  }
0x2cf: {  	[sflag:s25] =	ssyncset.done $0x0  }
0x2d0: {  	[sflag:s25] =	ssyncadd.s32 $0xFFFFD800  }
0x2d1: {  	[tilespmem:s19], [sflag:$0x1] =	stream.indirect.gather [hbm4b:s1+s18], $0x80, s11, s18, $0xb8;
	[tilespmem:$0x1F080] =	vst v63  }
0x2d2: {  	_ =	swait.ge [sflag:s26], $0x2800  }
0x2d3: {  	[sflag:s26] =	ssyncset.done $0x0  }
0x2d4: {  	[sflag:s26] =	ssyncadd.s32 $0xFFFFD800  }
0x2d5: {  	[spmem:s2] =	stream.indirect.scatter.add.f32 [tilespmem:s21], [sflag:$0x7], $0x80, s12, s18, $0xb8;
	[tilespmem:$0x1F080] =	vst v63  }
0x2d6: {  	_ =	swait.ge [sflag:s29], $0x2800  }
0x2d7: {  	[sflag:s29] =	ssyncset.done $0x0  }
0x2d8: {  	[sflag:s29] =	ssyncadd.s32 $0xFFFFD800  }
0x2d9: {  	[spmem:s2] =	stream.indirect.scatter.add.f32 [tilespmem:s23], [sflag:$0x8], $0x80, s14, s18, $0xb8;
	[tilespmem:$0x1F080] =	vst v63  }
0x2da: {  	_ =	swait.ge [sflag:s22], $0x2800  }
0x2db: {  	[sflag:s22] =	ssyncset.done $0x0  }
0x2dc: {  	[sflag:s22] =	ssyncadd.s32 $0xFFFFD800  }
0x2dd: {  	[spmem:s2] =	stream.indirect.scatter.add.f32 [tilespmem:s19], [sflag:$0x5], $0x80, s16, s18, $0xb8;
	[tilespmem:$0x1F080] =	vst v63  }
0x2de: {  	_ =	swait.ge [sflag:s28], $0x2800  }
0x2df: {  	[sflag:s28] =	ssyncset.done $0x0  }
0x2e0: {  	[sflag:s28] =	ssyncadd.s32 $0xFFFFD800  }
0x2e1: {  	_ =	swait.ge [sflag:s30], $0x2800  }
0x2e2: {  	[sflag:s30] =	ssyncset.done $0x0  }
0x2e3: {  	[sflag:s30] =	ssyncadd.s32 $0xFFFFD800  }
0x2e4: {  	_ =	swait.ge [sflag:s31], $0x2800  }
0x2e5: {  	[sflag:s31] =	ssyncset.done $0x0  }
0x2e6: {  	[sflag:s31] =	ssyncadd.s32 $0xFFFFD800  }
0x2e7: {  	_ =	swait.ge [sflag:s25], $0x2800  }
0x2e8: {  	[sflag:s25] =	ssyncset.done $0x0  }
0x2e9: {  	[sflag:s25] =	ssyncadd.s32 $0xFFFFD800  }
0x2ea: {  	[bflag:$0x0] =	sbarrier.arrive $0xFFFF  }
0x2eb: {  	s5 =	sld [smem:$0x7F0]  }
0x2ec: {  	s13 =	sld [smem:$0x7FD]  }
0x2ed: {  	s6 =	sld [smem:$0x7E7];
	_ =	sdelay $0x1  }
0x2ee: {  	s4 =	sshrl.u32 @!p3 s5, $0x3  }
0x2ef: {  	[hbm:s6], [sflag:s13] =	dma.local @!p3 [spmem:s4], $0x2700  }
0x2f0: {  	s4 =	simm.s32 @!p3 $0x9  }
0x2f1: {  	_ =	swait.ge @!p3 [sflag:s4], $0x2700  }
0x2f2: {  	[sflag:s4] =	ssyncset.done @!p3 $0x0  }
0x2f3: {  	[sflag:s4] =	ssyncadd.s32 @!p3 $0xFFFFD900;
	s4 =	sshrl.u32 @p0 s5, $0x3;
	s5 =	sld [smem:$0x7E8]  }
0x2f4: {  	_ =	sdelay $0x1  }
0x2f5: {  	[hbm:s5], [sflag:s13] =	dma.local @p0 [spmem:s4], $0x2700  }
0x2f6: {  	s4 =	simm.s32 @p0 $0x9  }
0x2f7: {  	_ =	swait.ge @p0 [sflag:s4], $0x2700  }
0x2f8: {  	s5 =	sld [smem:$0x7F4]  }
0x2f9: {  	s6 =	sld [smem:$0x7E9]  }
0x2fa: {  	[sflag:s4] =	ssyncset.done @p0 $0x0  }
0x2fb: {  	[sflag:s4] =	ssyncadd.s32 @p0 $0xFFFFD900;
	s4 =	sshrl.u32 @!p4 s5, $0x3  }
0x2fc: {  	[hbm:s6], [sflag:s13] =	dma.local @!p4 [spmem:s4], $0x100  }
0x2fd: {  	s4 =	simm.s32 @!p4 $0x9  }
0x2fe: {  	_ =	swait.ge @!p4 [sflag:s4], $0x100  }
0x2ff: {  	[sflag:s4] =	ssyncset.done @!p4 $0x0  }
0x300: {  	[sflag:s4] =	ssyncadd.s32 @!p4 $0xFFFFFF00;
	s4 =	sshrl.u32 @p1 s5, $0x3;
	s5 =	sld [smem:$0x7EA]  }
0x301: {  	_ =	sdelay $0x1  }
0x302: {  	[hbm:s5], [sflag:s13] =	dma.local @p1 [spmem:s4], $0x100  }
0x303: {  	s4 =	simm.s32 @p1 $0x9  }
0x304: {  	_ =	swait.ge @p1 [sflag:s4], $0x100  }
0x305: {  	s5 =	sld [smem:$0x7E5]  }
0x306: {  	s7 =	sld [smem:$0x7EB];
	_ =	sdelay $0x1  }
0x307: {  	s6 =	sadd.s32 $0x1, s5  }
0x308: {  	p5 =	sne.s32 s6, s7  }
.Ltmp1:
0x309: {  	_ = 	snop;
	(pc) =	sbr.rel @p5 .LBB2_1-.Ltmp1, $3  }
0x30a: {  	_ =	sdelay $0x1  }
0x30b: {  	[sflag:s4] =	ssyncset.done @p1 $0x0  }
0x30c: {  	[sflag:s4] =	ssyncadd.s32 @p1 $0xFFFFFF00  }
0x30d: {  	_ =	sfence.sel $0x180000  }
0x30e: {  	[bflag:$0x0] =	sbarrier.arrive $0xFFFF  }
0x30f: {  	_ =	strace $0x9000004A  }
0x310: {  	[bflag:$0x2] =	sbarrier.arrive $0xFFFF  }
0x311: {  	s0 =	rddreg [dreg:$0x3]  }
0x312: {  	s0 =	sadd.s32 @!p2 $0x100000, s0  }
0x313: {  	[sflag:s0] =	ssyncadd.tile.s32 @!p2 $0x1;
	_ =	shalt  }
.Lfunc_end2:
_tile_overlayer_lowered:
.L_overlay_start_2:
0x314: {  	(tag) =	ssettag $0x2  }
0x315: {  	s0 =	rddreg [dreg:$0x0];
	s2 =	stileid.u32  }
0x316: {  	s1 =	rddreg [dreg:$0x1];
	p0 =	sne.s32 s2, $0x0  }
0x317: {  	s3 =	rddreg [dreg:$0x2];
	[bflag:$0x3] =	sbarrier.arrive $0xFFFF;
	s2 =	simm.s32 @!p0 $0x1C09  }
0x318: {  	[timem:s3], [sflag:s2] =	dma.local @!p0 [hbm:s0], s1  }
0x319: {  	s0 =	simm.s32 @!p0 $0x9  }
0x31a: {  	_ =	swait.ge @!p0 [sflag:s0], s1  }
0x31b: {  	s1 =	ssub.s32 @!p0 $0x0, s1;
	[sflag:s0] =	ssyncset.done @!p0 $0x0  }
0x31c: {  	[sflag:s0] =	ssyncadd.s32 @!p0 s1  }
0x31d: {  	[bflag:$0x3] =	sbarrier.arrive $0xFFFF  }
0x31e: {  	_ =	shalt  }

// kernel: seg_sum_deg.3.cloned.1.call-start
scs
__scs_entry_jumppad:
0x0: {  	(pc) =	sbr.rel $0x88, $3  }
0x1: {  	(tag) =	ssettag $0x0;
	lr =	simm.s32 $0x1  }
0x2: {  	[smem:$0x3F9B] =	sst lr;
	_ =	strace $0xD0000000  }
0x3: {  	_ = 	snop  }
0x4: {  	_ = 	snop  }
0x5: {  	_ = 	snop  }
0x6: {  	_ = 	snop  }
0x7: {  	_ = 	snop  }
__scs_overlays_trampoline_lowered:
0x8: {  	[smem:$0x3FAA] =	sst s0  }
0x9: {  	[smem:$0x3FAB] =	sst s1  }
0xa: {  	[smem:$0x3FAC] =	sst s2  }
0xb: {  	[smem:$0x3FAD] =	sst s3  }
0xc: {  	[smem:$0x3FAE] =	sst s4  }
0xd: {  	[smem:$0x3FAF] =	sst s5  }
0xe: {  	[smem:$0x3FB0] =	sst s6  }
0xf: {  	[smem:$0x3FB1] =	sst s7  }
0x10: {  	[smem:$0x3FB2] =	sst s8  }
0x11: {  	[smem:$0x3FB3] =	sst s9;
	s0 =	simm.s32 @!p0 $0x0  }
0x12: {  	s1 =	sld [smem:$0x3F99];
	s0 =	simm.s32 @p0 $0x1  }
0x13: {  	[smem:$0x3FB4] =	sst s0;
	s0 =	simm.s32 @!p1 $0x0  }
0x14: {  	s2 =	sld [smem:$0x3F98];
	s0 =	simm.s32 @p1 $0x1  }
0x15: {  	[smem:$0x3FB5] =	sst s0;
	s0 =	simm.s32 @!p2 $0x0  }
0x16: {  	s3 =	sld [smem:$0x3FDB];
	s0 =	simm.s32 @p2 $0x1  }
0x17: {  	s4 =	simm.s32 $0x1BF5;
	[smem:$0x3FB7] =	sst s0  }
0x18: {  	s0 =	sld [smem:$0x3F9A];
	_ =	swait.ge [sflag:s4], $0x0  }
0x19: {  	s7 =	sld [smem:$0x3F9B]  }
0x1a: {  	s8 =	sadd.s32 $0xFFFFE003, lr  }
0x1b: {  	s9 =	sadd.s32 $0xFFFFFEF7, lr;
	s5 =	simm.s32 $0xFFFFFFFF;
	p2 =	slt.u32 s8, $0xFFFFF086  }
0x1c: {  	p1 =	slt.u32 s9, $0xF7A;
	s5 =	simm.s32 @!p2 $0x0  }
0x1d: {  	s5 =	simm.s32 @p1 $0x1;
	p0 =	seq.s32 s7, s2  }
0x1e: {  	s7 =	smul.u32 @!p0 $0xF7A, s2;
	p2 =	seq.s32 @!p0 s5, $0x0  }
0x1f: {  	s9 =	smul.u32 $0xF7A, s1;
	s8 =	simm.s32 @!p0 $0x1BF5;
	p2 =	por !p2, p0  }
0x20: {  	[sflag:s8] =	ssyncset.s32 @!p0 $0xFFFFF086;
	s6 =	sadd.s32 @!p0 s3, s7;
	s7 =	simm.s32 @!p0 $0x108  }
0x21: {  	s3 =	sadd.s32 s3, s9;
	s6 =	sadd.s32 @!p0 $0x88, s6;
	s7 =	simm.s32 @p2 $0x1082  }
0x22: {  	[simem:s7], [sflag:s8] =	dma.local @!p0 [hbm:s6], $0xF7A  }
0x23: {  	s9 =	sor.u32 $0xD0000000, s2;
	s6 =	simm.s32 $0x108;
	_ =	swait.ge @!p0 [sflag:s8], $0x0  }
0x24: {  	s3 =	sadd.s32 $0x88, s3;
	s6 =	simm.s32 @!p1 $0x1082;
	[sflag:s4] =	ssyncset.s32 $0xFFFFF086  }
0x25: {  	[simem:s6], [sflag:s4] =	dma.local [hbm:s3], $0xF7A  }
0x26: {  	[smem:$0x3F9B] =	sst s1;
	(tag) =	ssettag s2;
	_ =	strace s9  }
0x27: {  	s1 =	sld [smem:$0x3FAB]  }
0x28: {  	s2 =	sld [smem:$0x3FAC]  }
0x29: {  	s4 =	sld [smem:$0x3FAE]  }
0x2a: {  	p0 =	seq.s32 s5, $0x0;
	s5 =	sld [smem:$0x3FAF]  }
0x2b: {  	s6 =	sld [smem:$0x3FB0]  }
0x2c: {  	s7 =	sld [smem:$0x3FB1]  }
0x2d: {  	s3 =	simm.s32 $0x108;
	s8 =	sld [smem:$0x3FB2]  }
0x2e: {  	s3 =	simm.s32 @!p0 $0x1082;
	s9 =	sld [smem:$0x3FB3]  }
0x2f: {  	lr =	sadd.s32 s0, s3;
	s0 =	sld [smem:$0x3FAA]  }
0x30: {  	s3 =	sld [smem:$0x3FAD]  }
0x31: {  	[smem:$0x3FB6] =	sst s10  }
0x32: {  	s10 =	sld [smem:$0x3FB4];
	_ =	sdelay $0x3  }
0x33: {  	p0 =	seq.s32 s10, $0x1;
	s10 =	sld [smem:$0x3FB6];
	_ =	sdelay $0x3  }
0x34: {  	[smem:$0x3FB6] =	sst s10  }
0x35: {  	s10 =	sld [smem:$0x3FB5];
	_ =	sdelay $0x3  }
0x36: {  	p1 =	seq.s32 s10, $0x1;
	s10 =	sld [smem:$0x3FB6];
	_ =	sdelay $0x3  }
0x37: {  	[smem:$0x3FB6] =	sst s10  }
0x38: {  	s10 =	sld [smem:$0x3FB7]  }
0x39: {  	_ = 	snop;
	(pc) =	sbr.ind lr, $3  }
0x3a: {  	_ = 	snop  }
0x3b: {  	_ = 	snop  }
0x3c: {  	p2 =	seq.s32 s10, $0x1;
	s10 =	sld [smem:$0x3FB6]  }
0x3d: {  	_ =	shalt  }
0x3e: {  	_ =	shalt  }
0x3f: {  	_ =	shalt  }
0x40: {  	_ =	shalt  }
0x41: {  	_ =	shalt  }
0x42: {  	_ =	shalt  }
0x43: {  	_ =	shalt  }
0x44: {  	_ =	shalt  }
0x45: {  	_ =	shalt  }
0x46: {  	_ =	shalt  }
0x47: {  	_ =	shalt  }
0x48: {  	_ =	shalt  }
0x49: {  	_ =	shalt  }
0x4a: {  	_ =	shalt  }
0x4b: {  	_ =	shalt  }
0x4c: {  	_ =	shalt  }
0x4d: {  	_ =	shalt  }
0x4e: {  	_ =	shalt  }
0x4f: {  	_ =	shalt  }
0x50: {  	_ =	shalt  }
0x51: {  	_ =	shalt  }
0x52: {  	_ =	shalt  }
0x53: {  	_ =	shalt  }
0x54: {  	_ =	shalt  }
0x55: {  	_ =	shalt  }
0x56: {  	_ =	shalt  }
0x57: {  	_ =	shalt  }
0x58: {  	_ =	shalt  }
0x59: {  	_ =	shalt  }
0x5a: {  	_ =	shalt  }
0x5b: {  	_ =	shalt  }
0x5c: {  	_ =	shalt  }
0x5d: {  	_ =	shalt  }
0x5e: {  	_ =	shalt  }
0x5f: {  	_ =	shalt  }
0x60: {  	_ =	shalt  }
0x61: {  	_ =	shalt  }
0x62: {  	_ =	shalt  }
0x63: {  	_ =	shalt  }
0x64: {  	_ =	shalt  }
0x65: {  	_ =	shalt  }
0x66: {  	_ =	shalt  }
0x67: {  	_ =	shalt  }
0x68: {  	_ =	shalt  }
0x69: {  	_ =	shalt  }
0x6a: {  	_ =	shalt  }
0x6b: {  	_ =	shalt  }
0x6c: {  	_ =	shalt  }
0x6d: {  	_ =	shalt  }
0x6e: {  	_ =	shalt  }
0x6f: {  	_ =	shalt  }
0x70: {  	_ =	shalt  }
0x71: {  	_ =	shalt  }
0x72: {  	_ =	shalt  }
0x73: {  	_ =	shalt  }
0x74: {  	_ =	shalt  }
0x75: {  	_ =	shalt  }
0x76: {  	_ =	shalt  }
0x77: {  	_ =	shalt  }
0x78: {  	_ =	shalt  }
0x79: {  	_ =	shalt  }
0x7a: {  	_ =	shalt  }
0x7b: {  	_ =	shalt  }
0x7c: {  	_ =	shalt  }
0x7d: {  	_ =	shalt  }
0x7e: {  	_ =	shalt  }
0x7f: {  	_ =	shalt  }
0x80: {  	_ =	shalt  }
0x81: {  	_ =	shalt  }
0x82: {  	_ =	shalt  }
0x83: {  	_ =	shalt  }
0x84: {  	_ =	shalt  }
0x85: {  	_ =	shalt  }
0x86: {  	_ =	shalt  }
0x87: {  	_ =	shalt  }
.Lfunc_end0:
.L_simem_size_0:
called_computation_lowered:
.L_overlay_start_0:
0x88: {  	s2 =	sld [smem:$0x3FD9]  }
0x89: {  	s3 =	sld [smem:$0x3FFE];
	_ =	sdelay $0x1  }
0x8a: {  	s1 =	srdreg.scid  }
0x8b: {  	s0 =	sand.u32 $0x1, s1  }
0x8c: {  	s14 =	sshll.u32 s0, $0xA;
	s2 =	sadd.s32 s3, s2  }
0x8d: {  	s2 =	sadd.s32 s2, s14  }
0x8e: {  	[smem:$0x3FC2] =	sst s2  }
0x8f: {  	_ = 	snop  }
0x90: {  	s2 =	sld [smem:$0x3FD0];
	_ =	sdelay $0x2  }
0x91: {  	s4 =	simm.s32 $0xA;
	s5 =	simm.s32 $0x10;
	s15 =	sld [smem:$0x3FC8]  }
0x92: {  	[smem:s5], [sflag:s4] =	dma.local [hbm:s2], $0x1  }
0x93: {  	_ =	swait.eq [sflag:s4], $0x1  }
0x94: {  	[sflag:s4] =	ssyncset.done $0x0  }
0x95: {  	s16 =	sld [smem:$0x10];
	[sflag:s4] =	ssyncadd.s32 $0xFFFFFFFF  }
0x96: {  	s17 =	sld [smem:$0x11];
	(tm) =	ssettm $0x1  }
0x97: {  	s18 =	sld [smem:$0x3FFB];
	_ =	sdelay $0x3  }
0x98: {  	_ =	strace s18  }
0x99: {  	s5 =	sld [smem:$0x3FFC];
	_ =	sdelay $0x3  }
0x9a: {  	_ =	strace s5  }
0x9b: {  	s5 =	sld [smem:$0x3FFD];
	_ =	sdelay $0x3  }
0x9c: {  	_ =	strace s5  }
0x9d: {  	_ =	strace $0x8FFFFFFF  }
0x9e: {  	s19 =	sld [smem:$0x3FDB];
	_ =	sdelay $0x1  }
0x9f: {  	s6 =	simm.s32 $_scs_section_size  }
0xa0: {  	s7 =	simm.s32 $_size__tile_overlayer_lowered;
	s8 =	simm.s32 $_tile_overlayer_lowered  }
0xa1: {  	s22 =	simm.s32 $0x1BFF;
	s21 =	sshll.u32 s8, $0x1;
	s5 =	sadd.s32 s6, s19  }
0xa2: {  	s9 =	simm.s32 $0x0;
	s20 =	sshll.u32 s7, $0x1;
	s7 =	sadd.s32 s21, s5  }
0xa3: {  	[timem:s9], [sflag:s22] =	dma.local [hbm:s7], s20  }
0xa4: {  	_ =	swait.ge [sflag:s22], s20  }
0xa5: {  	s6 =	ssub.s32 $0x0, s20;
	[sflag:s22] =	ssyncset.done $0x0  }
0xa6: {  	[sflag:s22] =	ssyncadd.s32 s6;
	_ =	sdelay $0x1  }
0xa7: {  	s23 =	simm.s32 $0x1B8B  }
0xa8: {  	_ =	swait.ge [sflag:s23], $0x1  }
0xa9: {  	[sflag:s23] =	ssyncset.done $0x0  }
0xaa: {  	s25 =	simm.s32 $0x1B8E;
	s24 =	sld [smem:$0x3FFE];
	[sflag:s23] =	ssyncadd.s32 $0xFFFFFFFF  }
0xab: {  	s26 =	simm.s32 $execute0_lowered;
	[smem:$0x3FD2] =	sst s25  }
0xac: {  	s7 =	sshll.u32 s26, $0x1;
	_ =	strace $0x80000046;
	[dreg:$0x1] =	wrdreg $0xFFFFFFFF  }
0xad: {  	s28 =	simm.s32 $_size_execute0_lowered;
	s5 =	sadd.s32 s5, s7;
	[dreg:$0x0] =	wrdreg $0x0  }
0xae: {  	s7 =	sshll.u32 s28, $0x1;
	[dreg:$0x2] =	wrdreg s5  }
0xaf: {  	[dreg:$0x3] =	wrdreg s7  }
0xb0: {  	[dreg:$0x4] =	wrdreg $0xC0  }
0xb1: {  	_ =	task [dreg:s9], $0x5FFFF  }
0xb2: {  	[dreg:$0x1] =	wrdreg $0xFFFFFFFF  }
0xb3: {  	[dreg:$0x0] =	wrdreg $0x60  }
0xb4: {  	[dreg:$0x2] =	wrdreg s24  }
0xb5: {  	[dreg:$0x3] =	wrdreg s15  }
0xb6: {  	[dreg:$0x4] =	wrdreg s17  }
0xb7: {  	[dreg:$0x5] =	wrdreg s16  }
0xb8: {  	[dreg:$0x6] =	wrdreg $0xB8800  }
0xb9: {  	[dreg:$0x7] =	wrdreg $0x1F1000  }
0xba: {  	[dreg:$0x8] =	wrdreg $0x9  }
0xbb: {  	_ =	task.clear_ibuf [dreg:s9], $0x9FFFF;
	_ =	strace $0x90000046  }
0xbc: {  	s29 =	simm.s32 $0x9;
	_ =	strace $0x80000048  }
0xbd: {  	_ =	swait.ge [sflag:s29], $0x1  }
0xbe: {  	[sflag:s29] =	ssyncadd.s32 $0xFFFFFFFF  }
0xbf: {  	_ =	strace $0x90000048  }
0xc0: {  	_ =	sfence  }
0xc1: {  	s30 =	sld [smem:$0x0];
	_ =	sdelay $0x2  }
0xc2: {  	s31 =	sshll.u32 s1, $0xD;
	s1 =	sshrl.u32 s1, $0x2  }
0xc3: {  	s3 =	sand.u32 $0x4000, s31;
	s1 =	sadd.s32 s1, s30  }
0xc4: {  	s0 =	sor.u32 s3, s0;
	s1 =	sshll.u32 s1, $0x11  }
0xc5: {  	s0 =	sor.u32 s1, s0  }
0xc6: {  	s0 =	sadd.s32 $0x8F2B, s0  }
0xc7: {  	[sflag:s0] =	ssyncadd.remote.s32 $0x1  }
0xc8: {  	_ =	sfence.sel $0xFFFF  }
0xc9: {  	[dreg:$0x0] =	wrdreg $0xFFFFFFFF;
	(pc) =	sbr.abs _section_cstart, $3  }
0xca: {  	[dreg:$0x1] =	wrdreg $0xFFFFFFFF  }
0xcb: {  	_ =	task.clear_ibuf [dreg:s9], $0x2FFFF;
	_ =	strace $0x9FFFFFFF  }
0xcc: {  	(tm) =	ssettm $0x7FFFFFFF  }
0xcd: {  	_ =	shalt  }
tec
execute0_lowered:
.L_overlay_start_1:
0x0: {  	(tag) =	ssettag $0x1  }
0x1: {  	s9 =	rddreg [dreg:$0x0]  }
0x2: {  	s0 =	rddreg [dreg:$0x1]  }
0x3: {  	s7 =	rddreg [dreg:$0x2]  }
0x4: {  	s6 =	rddreg [dreg:$0x3]  }
0x5: {  	s1 =	srdreg.scid;
	s2 =	rddreg [dreg:$0x4]  }
0x6: {  	s5 =	stileid.u32;
	s3 =	rddreg [dreg:$0x5];
	s4 =	simm.s32 $0x0  }
0x7: {  	s26 =	simm.s32 $0xA0;
	s14 =	simm.s32 $0x140;
	s15 =	simm.s32 $0x190  }
0x8: {  	s28 =	simm.s32 $0xB800;
	s29 =	simm.s32 $0x9000;
	s30 =	simm.s32 $0x2  }
0x9: {  	s31 =	simm.s32 $0x1380;
	[smem:$0x7FF] =	sst s4;
	s19 =	sadd.s32 $0x21A00, s9  }
0xa: {  	s20 =	sadd.s32 $0x21400, s9;
	_ =	strace $0x80000047;
	[dreg:$0x1f] =	wrdreg s19  }
0xb: {  	s10 =	smul.u32 $0x2710, s5;
	s21 =	sadd.s32 $0x21200, s9;
	[smem:$0x7F0] =	sst s20  }
0xc: {  	s12 =	smul.u32 $0x5000, s5;
	s22 =	sadd.s32 $0x24200, s9;
	[smem:$0x7F1] =	sst s21  }
0xd: {  	s1 =	sand.u32 $0x1, s1;
	s25 =	smul.u32 $0x4E000, s5;
	[smem:$0x7F2] =	sst s22  }
0xe: {  	p1 =	seq.s32 s5, $0x0;
	s8 =	smul.u32 $0x27100, s1;
	[dreg:$0x8] =	wrdreg s26  }
0xf: {  	p2 =	sne.s32 s5, $0x0;
	s11 =	smul.u32 $0x50000, s1;
	[dreg:$0xa] =	wrdreg s14  }
0x10: {  	s23 =	ssub.s32 $0x2, s1;
	[dreg:$0xb] =	wrdreg s15;
	s19 =	simm.s32 $0x280  }
0x11: {  	s20 =	smul.u32 $0x2700, s5;
	s21 =	simm.s32 $0x2D0;
	[dreg:$0xe] =	wrdreg s19  }
0x12: {  	s22 =	simm.s32 $0x320;
	p0 =	seq.s32 s1, $0x1;
	[dreg:$0xf] =	wrdreg s21  }
0x13: {  	s26 =	simm.s32 $0x460;
	s14 =	simm.s32 $0x550;
	[dreg:$0x10] =	wrdreg s22  }
0x14: {  	s15 =	simm.s32 $0x5A0;
	p3 =	sne.s32 s1, $0x0;
	[dreg:$0x14] =	wrdreg s26  }
0x15: {  	s24 =	sshrl.u32 s23, $0x1;
	s13 =	sshrl.u32 s25, $0x2;
	[dreg:$0x17] =	wrdreg s14  }
0x16: {  	s19 =	sadd.s32 $0x138000, s2;
	s25 =	simm.s32 $0x410;
	[dreg:$0x18] =	wrdreg s15  }
0x17: {  	p1 =	por !p1, !p0;
	s21 =	simm.s32 $0x640;
	[dreg:$0x13] =	wrdreg s25  }
0x18: {  	s22 =	simm.s32 $0x690;
	s26 =	simm.s32 $0x780;
	[dreg:$0x1a] =	wrdreg s21  }
0x19: {  	s15 =	simm.s32 $0x7;
	s14 =	simm.s32 $0x0;
	[dreg:$0x1b] =	wrdreg s22  }
0x1a: {  	s8 =	sadd.s32 s10, s8;
	s16 =	sadd.s32 s12, s11;
	[dreg:$0x1e] =	wrdreg s26  }
0x1b: {  	s12 =	sadd.s32 s13, s2;
	s13 =	sadd.s32 s7, s20;
	[smem:$0x7FD] =	sst s19  }
0x1c: {  	s7 =	sadd.s32 $0x27000, s7;
	s10 =	simm.s32 $0x4B0;
	[smem:$0x7F4] =	sst s13  }
0x1d: {  	p1 =	por !p1, !p1;
	s25 =	simm.s32 $0x730;
	[smem:$0x7F6] =	sst s7  }
0x1e: {  	s21 =	simm.s32 $0x800;
	s22 =	simm.s32 $0x50;
	[dreg:$0x15] =	wrdreg s10  }
0x1f: {  	s8 =	sshrl.u32 s8, $0x3;
	s18 =	sshrl.u32 s16, $0x3;
	[smem:$0x7FA] =	sst s12  }
0x20: {  	s13 =	simm.s32 $0x500;
	[dreg:$0x1d] =	wrdreg s25;
	s17 =	sadd.s32 s8, s9  }
0x21: {  	s8 =	sadd.s32 s18, s9;
	s9 =	sadd.s32 $0x24800, s9;
	[dreg:$0x16] =	wrdreg s13  }
0x22: {  	s16 =	sshll.u32 s5, $0x6;
	s18 =	simm.s32 $0x230;
	[smem:$0x7F3] =	sst s9  }
0x23: {  	s26 =	simm.s32 $0x1;
	s16 =	sor.u32 $0x1C09, s16;
	[dreg:$0xd] =	wrdreg s18  }
0x24: {  	s25 =	simm.s32 $0x6800;
	s11 =	sadd.s32 $0x3400, s17;
	[smem:$0x7FC] =	sst s16  }
0x25: {  	s10 =	simm.s32 $0x1180;
	s17 =	simm.s32 $0x1E0;
	[dreg:$0x7] =	wrdreg s11  }
0x26: {  	s9 =	ssub.s32 s23, s24;
	s23 =	simm.s32 $0x370;
	[dreg:$0xc] =	wrdreg s17  }
0x27: {  	s13 =	simm.s32 $0x4;
	s24 =	simm.s32 $0x3C0;
	[dreg:$0x11] =	wrdreg s23  }
0x28: {  	s18 =	simm.s32 $0x5F0;
	s11 =	simm.s32 $0xF0;
	[dreg:$0x12] =	wrdreg s24  }
0x29: {  	s17 =	smax.u32 s9, $0x1;
	[dreg:$0x19] =	wrdreg s18;
	s23 =	sshrl.u32 s12, $0x3  }
0x2a: {  	s24 =	simm.s32 $0x6E0;
	s9 =	simm.s32 $0x6;
	[dreg:$0x9] =	wrdreg s11  }
0x2b: {  	s18 =	simm.s32 $0x1200;
	s12 =	simm.s32 $0x1280;
	[smem:$0x7F8] =	sst s17  }
0x2c: {  	s11 =	sadd.s32 s6, s20;
	s6 =	sadd.s32 $0x27000, s6;
	[smem:$0x7FB] =	sst s23  }
0x2d: {  	s20 =	sadd.s32 $0xD200, s8;
	[dreg:$0x1c] =	wrdreg s24;
	s23 =	simm.s32 $0x1800  }
0x2e: {  	s24 =	simm.s32 $0x4000;
	s17 =	simm.s32 $0x8;
	[smem:$0x7F5] =	sst s11  }
0x2f: {  	s8 =	simm.s32 $0x1400;
	s11 =	sor.u32 s5, s1;
	[smem:$0x7F7] =	sst s6  }
0x30: {  	[smem:$0x7F9] =	sst s20;
	s20 =	simm.s32 $0x9;
	s1 =	simm.s32 $0x5  }
0x31: {  	s6 =	simm.s32 $0x3;
	p4 =	sne.s32 s11, $0x0;
	s11 =	simm.s32 $0x1300  }
.LBB2_1:
0x32: {  	s5 =	sld [smem:$0x7FB]  }
0x33: {  	[smem:$0x7EF] =	sst s14  }
0x34: {  	s7 =	rddreg [dreg:$0x1f]  }
0x35: {  	[spmem:s5], [sflag:s16] =	dma.local [hbm:s7], $0x2700  }
0x36: {  	_ =	swait.ge [sflag:s20], $0x2700  }
0x37: {  	s5 =	sld [smem:$0x7F1]  }
0x38: {  	s14 =	simm.s32 @p2 $0xB800;
	s7 =	smov.u32 s16;
	[sflag:s20] =	ssyncset.done $0x0  }
0x39: {  	s16 =	smov.u32 s19;
	s19 =	simm.s32 @p2 $0x0;
	[sflag:s20] =	ssyncadd.s32 $0xFFFFD900  }
0x3a: {  	[tilespmem:s14], [sflag:$0x9] =	stream.linear.gather @p2 [hbm4b:s5+s19], $0x80, $0x38;
	[tilespmem:$0x1F380] =	vst v63  }
0x3b: {  	s14 =	smov.u32 s5;
	s5 =	simm.s32 @p2 $0x9  }
0x3c: {  	_ =	swait.ge @p2 [sflag:s5], $0x80  }
0x3d: {  	[sflag:s5] =	ssyncset.done @p2 $0x0  }
0x3e: {  	[sflag:s5] =	ssyncadd.s32 @p2 $0xFFFFFF80;
	s5 =	sshrl.u32 @!p2 s16, $0x3;
	s16 =	rddreg [dreg:$0x1f]  }
0x3f: {  	[spmem:s5], [sflag:s7] =	dma.local @!p2 [hbm:s16], $0x100  }
0x40: {  	s5 =	simm.s32 @!p2 $0x9  }
0x41: {  	_ =	swait.ge @!p2 [sflag:s5], $0x100  }
0x42: {  	s19 =	smov.u32 s7;
	[sflag:s5] =	ssyncset.done @!p2 $0x0  }
0x43: {  	s16 =	simm.s32 @!p2 $0xB800;
	s7 =	simm.s32 @!p2 $0x0;
	[sflag:s5] =	ssyncadd.s32 @!p2 $0xFFFFFF00  }
0x44: {  	[tilespmem:s16], [sflag:$0x9] =	stream.linear.gather @!p2 [hbm4b:s14+s7], $0x80, $0x38;
	[tilespmem:$0x1F380] =	vst v63  }
0x45: {  	_ =	swait.ge @!p2 [sflag:s5], $0x80  }
0x46: {  	s7 =	sld [smem:$0x7F0]  }
0x47: {  	[sflag:s5] =	ssyncset.done @!p2 $0x0  }
0x48: {  	s14 =	sshrl.u32 @!p2 s3, $0x3;
	[sflag:s5] =	ssyncadd.s32 @!p2 $0xFFFFFF80  }
0x49: {  	[spmem:s14], [sflag:s19] =	dma.local @!p2 [hbm:s7], $0x500  }
0x4a: {  	_ =	swait.ge @!p2 [sflag:s5], $0x500  }
0x4b: {  	[sflag:s5] =	ssyncset.done @!p2 $0x0  }
0x4c: {  	[sflag:s5] =	ssyncadd.s32 @!p2 $0xFFFFFB00  }
0x4d: {  	[bflag:$0x0] =	sbarrier.arrive $0xFFFF  }
0x4e: {  	s14 =	rddreg [dreg:$0x7]  }
0x4f: {  	s5 =	sadd.s32 $0x0, s14  }
0x50: {  	[tilespmem:s4], [sflag:$0x9] =	stream.linear.gather [hbm4b:s5+s4], $0x7D0, $0x38;
	[tilespmem:$0x1F380] =	vst v63  }
0x51: {  	_ =	swait.ge [sflag:s20], $0x7D0  }
0x52: {  	s14 =	sld [smem:$0x7F9]  }
0x53: {  	[sflag:s20] =	ssyncset.done $0x0  }
0x54: {  	[sflag:s20] =	ssyncadd.s32 $0xFFFFF830  }
0x55: {  	[tilespmem:s21], [sflag:$0x9] =	stream.linear.gather [hbm4b:s14+s4], $0xC80, $0x38;
	[tilespmem:$0x1F380] =	vst v63  }
0x56: {  	_ =	swait.ge [sflag:s20], $0xC80  }
0x57: {  	[sflag:s20] =	ssyncset.done $0x0  }
0x58: {  	[sflag:s20] =	ssyncadd.s32 $0xFFFFF380  }
0x59: {  	[tilespmem:s23], [sflag:$0x1] =	stream.indirect.gather [hbm4b:s0+s22], $0x80, s4, s22, $0xb8;
	[tilespmem:$0x1F380] =	vst v63  }
0x5a: {  	_ = 	snop  }
0x5b: {  	[tilespmem:s24], [sflag:$0x2] =	stream.indirect.gather [hbm4b:s0+s22], $0x80, s22, s22, $0xb8;
	[tilespmem:$0x1F380] =	vst v63  }
0x5c: {  	s16 =	rddreg [dreg:$0x8]  }
0x5d: {  	[tilespmem:s25], [sflag:$0x3] =	stream.indirect.gather [hbm4b:s0+s22], $0x80, s16, s22, $0xb8;
	[tilespmem:$0x1F380] =	vst v63  }
0x5e: {  	_ =	swait.ge [sflag:s26], $0x2800  }
0x5f: {  	[sflag:s26] =	ssyncset.done $0x0  }
0x60: {  	[sflag:s26] =	ssyncadd.s32 $0xFFFFD800  }
0x61: {  	[spmem:s2] =	stream.indirect.scatter.add.f32 [tilespmem:s23], [sflag:$0x5], $0x80, s21, s22, $0xb8;
	[tilespmem:$0x1F380] =	vst v63  }
0x62: {  	_ = 	snop  }
0x63: {  	[spmem:s3] =	stream.indirect.scatter.add.f32 [tilespmem:s28], [sflag:$0x9], $0x1, s21, s22, $0xb8;
	[tilespmem:$0x1F380] =	vst v63  }
0x64: {  	_ =	swait.ge [sflag:s20], $0x50  }
0x65: {  	[sflag:s20] =	ssyncset.done $0x0  }
0x66: {  	s19 =	rddreg [dreg:$0x9];
	[sflag:s20] =	ssyncadd.s32 $0xFFFFFFB0  }
0x67: {  	[tilespmem:s29], [sflag:$0x4] =	stream.indirect.gather [hbm4b:s0+s22], $0x80, s19, s22, $0xb8;
	[tilespmem:$0x1F380] =	vst v63  }
0x68: {  	_ =	swait.ge [sflag:s30], $0x2800  }
0x69: {  	[sflag:s30] =	ssyncset.done $0x0  }
0x6a: {  	s7 =	simm.s32 $0x880;
	[sflag:s30] =	ssyncadd.s32 $0xFFFFD800  }
0x6b: {  	[spmem:s2] =	stream.indirect.scatter.add.f32 [tilespmem:s24], [sflag:$0x6], $0x80, s7, s22, $0xb8;
	[tilespmem:$0x1F380] =	vst v63  }
0x6c: {  	_ = 	snop  }
0x6d: {  	[spmem:s3] =	stream.indirect.scatter.add.f32 [tilespmem:s28], [sflag:$0x9], $0x1, s7, s22, $0xb8;
	[tilespmem:$0x1F380] =	vst v63  }
0x6e: {  	_ =	swait.ge [sflag:s20], $0x50  }
0x6f: {  	[sflag:s20] =	ssyncset.done $0x0  }
0x70: {  	[sflag:s20] =	ssyncadd.s32 $0xFFFFFFB0  }
0x71: {  	_ =	swait.ge [sflag:s1], $0x2800  }
0x72: {  	[sflag:s1] =	ssyncset.done $0x0  }
0x73: {  	s16 =	rddreg [dreg:$0xa];
	[sflag:s1] =	ssyncadd.s32 $0xFFFFD800  }
0x74: {  	[tilespmem:s23], [sflag:$0x1] =	stream.indirect.gather [hbm4b:s0+s22], $0x80, s16, s22, $0xb8;
	[tilespmem:$0x1F380] =	vst v63  }
0x75: {  	_ =	swait.ge [sflag:s6], $0x2800  }
0x76: {  	[sflag:s6] =	ssyncset.done $0x0  }
0x77: {  	s19 =	simm.s32 $0x900;
	[sflag:s6] =	ssyncadd.s32 $0xFFFFD800  }
0x78: {  	[spmem:s2] =	stream.indirect.scatter.add.f32 [tilespmem:s25], [sflag:$0x7], $0x80, s19, s22, $0xb8;
	[tilespmem:$0x1F380] =	vst v63  }
0x79: {  	_ = 	snop  }
0x7a: {  	[spmem:s3] =	stream.indirect.scatter.add.f32 [tilespmem:s28], [sflag:$0x9], $0x1, s19, s22, $0xb8;
	[tilespmem:$0x1F380] =	vst v63  }
0x7b: {  	_ =	swait.ge [sflag:s20], $0x50  }
0x7c: {  	[sflag:s20] =	ssyncset.done $0x0  }
0x7d: {  	[sflag:s20] =	ssyncadd.s32 $0xFFFFFFB0  }
0x7e: {  	_ =	swait.ge [sflag:s9], $0x2800  }
0x7f: {  	[sflag:s9] =	ssyncset.done $0x0  }
0x80: {  	s7 =	rddreg [dreg:$0xb];
	[sflag:s9] =	ssyncadd.s32 $0xFFFFD800  }
0x81: {  	[tilespmem:s24], [sflag:$0x2] =	stream.indirect.gather [hbm4b:s0+s22], $0x80, s7, s22, $0xb8;
	[tilespmem:$0x1F380] =	vst v63  }
0x82: {  	_ =	swait.ge [sflag:s13], $0x2800  }
0x83: {  	[sflag:s13] =	ssyncset.done $0x0  }
0x84: {  	s16 =	simm.s32 $0x980;
	[sflag:s13] =	ssyncadd.s32 $0xFFFFD800  }
0x85: {  	[spmem:s2] =	stream.indirect.scatter.add.f32 [tilespmem:s29], [sflag:$0x8], $0x80, s16, s22, $0xb8;
	[tilespmem:$0x1F380] =	vst v63  }
0x86: {  	_ = 	snop  }
0x87: {  	[spmem:s3] =	stream.indirect.scatter.add.f32 [tilespmem:s28], [sflag:$0x9], $0x1, s16, s22, $0xb8;
	[tilespmem:$0x1F380] =	vst v63  }
0x88: {  	_ =	swait.ge [sflag:s20], $0x50  }
0x89: {  	[sflag:s20] =	ssyncset.done $0x0  }
0x8a: {  	[sflag:s20] =	ssyncadd.s32 $0xFFFFFFB0  }
0x8b: {  	_ =	swait.ge [sflag:s15], $0x2800  }
0x8c: {  	[sflag:s15] =	ssyncset.done $0x0  }
0x8d: {  	s19 =	rddreg [dreg:$0xc];
	[sflag:s15] =	ssyncadd.s32 $0xFFFFD800  }
0x8e: {  	[tilespmem:s25], [sflag:$0x3] =	stream.indirect.gather [hbm4b:s0+s22], $0x80, s19, s22, $0xb8;
	[tilespmem:$0x1F380] =	vst v63  }
0x8f: {  	_ =	swait.ge [sflag:s26], $0x2800  }
0x90: {  	[sflag:s26] =	ssyncset.done $0x0  }
0x91: {  	s7 =	simm.s32 $0xA00;
	[sflag:s26] =	ssyncadd.s32 $0xFFFFD800  }
0x92: {  	[spmem:s2] =	stream.indirect.scatter.add.f32 [tilespmem:s23], [sflag:$0x5], $0x80, s7, s22, $0xb8;
	[tilespmem:$0x1F380] =	vst v63  }
0x93: {  	_ = 	snop  }
0x94: {  	[spmem:s3] =	stream.indirect.scatter.add.f32 [tilespmem:s28], [sflag:$0x9], $0x1, s7, s22, $0xb8;
	[tilespmem:$0x1F380] =	vst v63  }
0x95: {  	_ =	swait.ge [sflag:s20], $0x50  }
0x96: {  	[sflag:s20] =	ssyncset.done $0x0  }
0x97: {  	[sflag:s20] =	ssyncadd.s32 $0xFFFFFFB0  }
0x98: {  	_ =	swait.ge [sflag:s17], $0x2800  }
0x99: {  	[sflag:s17] =	ssyncset.done $0x0  }
0x9a: {  	s16 =	rddreg [dreg:$0xd];
	[sflag:s17] =	ssyncadd.s32 $0xFFFFD800  }
0x9b: {  	[tilespmem:s29], [sflag:$0x4] =	stream.indirect.gather [hbm4b:s0+s22], $0x80, s16, s22, $0xb8;
	[tilespmem:$0x1F380] =	vst v63  }
0x9c: {  	_ =	swait.ge [sflag:s30], $0x2800  }
0x9d: {  	[sflag:s30] =	ssyncset.done $0x0  }
0x9e: {  	s19 =	simm.s32 $0xA80;
	[sflag:s30] =	ssyncadd.s32 $0xFFFFD800  }
0x9f: {  	[spmem:s2] =	stream.indirect.scatter.add.f32 [tilespmem:s24], [sflag:$0x6], $0x80, s19, s22, $0xb8;
	[tilespmem:$0x1F380] =	vst v63  }
0xa0: {  	_ = 	snop  }
0xa1: {  	[spmem:s3] =	stream.indirect.scatter.add.f32 [tilespmem:s28], [sflag:$0x9], $0x1, s19, s22, $0xb8;
	[tilespmem:$0x1F380] =	vst v63  }
0xa2: {  	_ =	swait.ge [sflag:s20], $0x50  }
0xa3: {  	[sflag:s20] =	ssyncset.done $0x0  }
0xa4: {  	[sflag:s20] =	ssyncadd.s32 $0xFFFFFFB0  }
0xa5: {  	_ =	swait.ge [sflag:s1], $0x2800  }
0xa6: {  	[sflag:s1] =	ssyncset.done $0x0  }
0xa7: {  	s7 =	rddreg [dreg:$0xe];
	[sflag:s1] =	ssyncadd.s32 $0xFFFFD800  }
0xa8: {  	[tilespmem:s23], [sflag:$0x1] =	stream.indirect.gather [hbm4b:s0+s22], $0x80, s7, s22, $0xb8;
	[tilespmem:$0x1F380] =	vst v63  }
0xa9: {  	_ =	swait.ge [sflag:s6], $0x2800  }
0xaa: {  	[sflag:s6] =	ssyncset.done $0x0  }
0xab: {  	s16 =	simm.s32 $0xB00;
	[sflag:s6] =	ssyncadd.s32 $0xFFFFD800  }
0xac: {  	[spmem:s2] =	stream.indirect.scatter.add.f32 [tilespmem:s25], [sflag:$0x7], $0x80, s16, s22, $0xb8;
	[tilespmem:$0x1F380] =	vst v63  }
0xad: {  	_ = 	snop  }
0xae: {  	[spmem:s3] =	stream.indirect.scatter.add.f32 [tilespmem:s28], [sflag:$0x9], $0x1, s16, s22, $0xb8;
	[tilespmem:$0x1F380] =	vst v63  }
0xaf: {  	_ =	swait.ge [sflag:s20], $0x50  }
0xb0: {  	[sflag:s20] =	ssyncset.done $0x0  }
0xb1: {  	[sflag:s20] =	ssyncadd.s32 $0xFFFFFFB0  }
0xb2: {  	_ =	swait.ge [sflag:s9], $0x2800  }
0xb3: {  	[sflag:s9] =	ssyncset.done $0x0  }
0xb4: {  	s19 =	rddreg [dreg:$0xf];
	[sflag:s9] =	ssyncadd.s32 $0xFFFFD800  }
0xb5: {  	[tilespmem:s24], [sflag:$0x2] =	stream.indirect.gather [hbm4b:s0+s22], $0x80, s19, s22, $0xb8;
	[tilespmem:$0x1F380] =	vst v63  }
0xb6: {  	_ =	swait.ge [sflag:s13], $0x2800  }
0xb7: {  	[sflag:s13] =	ssyncset.done $0x0  }
0xb8: {  	s7 =	simm.s32 $0xB80;
	[sflag:s13] =	ssyncadd.s32 $0xFFFFD800  }
0xb9: {  	[spmem:s2] =	stream.indirect.scatter.add.f32 [tilespmem:s29], [sflag:$0x8], $0x80, s7, s22, $0xb8;
	[tilespmem:$0x1F380] =	vst v63  }
0xba: {  	_ = 	snop  }
0xbb: {  	[spmem:s3] =	stream.indirect.scatter.add.f32 [tilespmem:s28], [sflag:$0x9], $0x1, s7, s22, $0xb8;
	[tilespmem:$0x1F380] =	vst v63  }
0xbc: {  	_ =	swait.ge [sflag:s20], $0x50  }
0xbd: {  	[sflag:s20] =	ssyncset.done $0x0  }
0xbe: {  	[sflag:s20] =	ssyncadd.s32 $0xFFFFFFB0  }
0xbf: {  	_ =	swait.ge [sflag:s15], $0x2800  }
0xc0: {  	[sflag:s15] =	ssyncset.done $0x0  }
0xc1: {  	s16 =	rddreg [dreg:$0x10];
	[sflag:s15] =	ssyncadd.s32 $0xFFFFD800  }
0xc2: {  	[tilespmem:s25], [sflag:$0x3] =	stream.indirect.gather [hbm4b:s0+s22], $0x80, s16, s22, $0xb8;
	[tilespmem:$0x1F380] =	vst v63  }
0xc3: {  	_ =	swait.ge [sflag:s26], $0x2800  }
0xc4: {  	[sflag:s26] =	ssyncset.done $0x0  }
0xc5: {  	s19 =	simm.s32 $0xC00;
	[sflag:s26] =	ssyncadd.s32 $0xFFFFD800  }
0xc6: {  	[spmem:s2] =	stream.indirect.scatter.add.f32 [tilespmem:s23], [sflag:$0x5], $0x80, s19, s22, $0xb8;
	[tilespmem:$0x1F380] =	vst v63  }
0xc7: {  	_ = 	snop  }
0xc8: {  	[spmem:s3] =	stream.indirect.scatter.add.f32 [tilespmem:s28], [sflag:$0x9], $0x1, s19, s22, $0xb8;
	[tilespmem:$0x1F380] =	vst v63  }
0xc9: {  	_ =	swait.ge [sflag:s20], $0x50  }
0xca: {  	[sflag:s20] =	ssyncset.done $0x0  }
0xcb: {  	[sflag:s20] =	ssyncadd.s32 $0xFFFFFFB0  }
0xcc: {  	_ =	swait.ge [sflag:s17], $0x2800  }
0xcd: {  	[sflag:s17] =	ssyncset.done $0x0  }
0xce: {  	s7 =	rddreg [dreg:$0x11];
	[sflag:s17] =	ssyncadd.s32 $0xFFFFD800  }
0xcf: {  	[tilespmem:s29], [sflag:$0x4] =	stream.indirect.gather [hbm4b:s0+s22], $0x80, s7, s22, $0xb8;
	[tilespmem:$0x1F380] =	vst v63  }
0xd0: {  	_ =	swait.ge [sflag:s30], $0x2800  }
0xd1: {  	[sflag:s30] =	ssyncset.done $0x0  }
0xd2: {  	s16 =	simm.s32 $0xC80;
	[sflag:s30] =	ssyncadd.s32 $0xFFFFD800  }
0xd3: {  	[spmem:s2] =	stream.indirect.scatter.add.f32 [tilespmem:s24], [sflag:$0x6], $0x80, s16, s22, $0xb8;
	[tilespmem:$0x1F380] =	vst v63  }
0xd4: {  	_ = 	snop  }
0xd5: {  	[spmem:s3] =	stream.indirect.scatter.add.f32 [tilespmem:s28], [sflag:$0x9], $0x1, s16, s22, $0xb8;
	[tilespmem:$0x1F380] =	vst v63  }
0xd6: {  	_ =	swait.ge [sflag:s20], $0x50  }
0xd7: {  	[sflag:s20] =	ssyncset.done $0x0  }
0xd8: {  	[sflag:s20] =	ssyncadd.s32 $0xFFFFFFB0  }
0xd9: {  	_ =	swait.ge [sflag:s1], $0x2800  }
0xda: {  	[sflag:s1] =	ssyncset.done $0x0  }
0xdb: {  	s19 =	rddreg [dreg:$0x12];
	[sflag:s1] =	ssyncadd.s32 $0xFFFFD800  }
0xdc: {  	[tilespmem:s23], [sflag:$0x1] =	stream.indirect.gather [hbm4b:s0+s22], $0x80, s19, s22, $0xb8;
	[tilespmem:$0x1F380] =	vst v63  }
0xdd: {  	_ =	swait.ge [sflag:s6], $0x2800  }
0xde: {  	[sflag:s6] =	ssyncset.done $0x0  }
0xdf: {  	s7 =	simm.s32 $0xD00;
	[sflag:s6] =	ssyncadd.s32 $0xFFFFD800  }
0xe0: {  	[spmem:s2] =	stream.indirect.scatter.add.f32 [tilespmem:s25], [sflag:$0x7], $0x80, s7, s22, $0xb8;
	[tilespmem:$0x1F380] =	vst v63  }
0xe1: {  	_ = 	snop  }
0xe2: {  	[spmem:s3] =	stream.indirect.scatter.add.f32 [tilespmem:s28], [sflag:$0x9], $0x1, s7, s22, $0xb8;
	[tilespmem:$0x1F380] =	vst v63  }
0xe3: {  	_ =	swait.ge [sflag:s20], $0x50  }
0xe4: {  	[sflag:s20] =	ssyncset.done $0x0  }
0xe5: {  	[sflag:s20] =	ssyncadd.s32 $0xFFFFFFB0  }
0xe6: {  	_ =	swait.ge [sflag:s9], $0x2800  }
0xe7: {  	[sflag:s9] =	ssyncset.done $0x0  }
0xe8: {  	s16 =	rddreg [dreg:$0x13];
	[sflag:s9] =	ssyncadd.s32 $0xFFFFD800  }
0xe9: {  	[tilespmem:s24], [sflag:$0x2] =	stream.indirect.gather [hbm4b:s0+s22], $0x80, s16, s22, $0xb8;
	[tilespmem:$0x1F380] =	vst v63  }
0xea: {  	_ =	swait.ge [sflag:s13], $0x2800  }
0xeb: {  	[sflag:s13] =	ssyncset.done $0x0  }
0xec: {  	s19 =	simm.s32 $0xD80;
	[sflag:s13] =	ssyncadd.s32 $0xFFFFD800  }
0xed: {  	[spmem:s2] =	stream.indirect.scatter.add.f32 [tilespmem:s29], [sflag:$0x8], $0x80, s19, s22, $0xb8;
	[tilespmem:$0x1F380] =	vst v63  }
0xee: {  	_ = 	snop  }
0xef: {  	[spmem:s3] =	stream.indirect.scatter.add.f32 [tilespmem:s28], [sflag:$0x9], $0x1, s19, s22, $0xb8;
	[tilespmem:$0x1F380] =	vst v63  }
0xf0: {  	_ =	swait.ge [sflag:s20], $0x50  }
0xf1: {  	[sflag:s20] =	ssyncset.done $0x0  }
0xf2: {  	[sflag:s20] =	ssyncadd.s32 $0xFFFFFFB0  }
0xf3: {  	_ =	swait.ge [sflag:s15], $0x2800  }
0xf4: {  	[sflag:s15] =	ssyncset.done $0x0  }
0xf5: {  	s7 =	rddreg [dreg:$0x14];
	[sflag:s15] =	ssyncadd.s32 $0xFFFFD800  }
0xf6: {  	[tilespmem:s25], [sflag:$0x3] =	stream.indirect.gather [hbm4b:s0+s22], $0x80, s7, s22, $0xb8;
	[tilespmem:$0x1F380] =	vst v63  }
0xf7: {  	_ =	swait.ge [sflag:s26], $0x2800  }
0xf8: {  	[sflag:s26] =	ssyncset.done $0x0  }
0xf9: {  	s16 =	simm.s32 $0xE00;
	[sflag:s26] =	ssyncadd.s32 $0xFFFFD800  }
0xfa: {  	[spmem:s2] =	stream.indirect.scatter.add.f32 [tilespmem:s23], [sflag:$0x5], $0x80, s16, s22, $0xb8;
	[tilespmem:$0x1F380] =	vst v63  }
0xfb: {  	_ = 	snop  }
0xfc: {  	[spmem:s3] =	stream.indirect.scatter.add.f32 [tilespmem:s28], [sflag:$0x9], $0x1, s16, s22, $0xb8;
	[tilespmem:$0x1F380] =	vst v63  }
0xfd: {  	_ =	swait.ge [sflag:s20], $0x50  }
0xfe: {  	[sflag:s20] =	ssyncset.done $0x0  }
0xff: {  	[sflag:s20] =	ssyncadd.s32 $0xFFFFFFB0  }
0x100: {  	_ =	swait.ge [sflag:s17], $0x2800  }
0x101: {  	[sflag:s17] =	ssyncset.done $0x0  }
0x102: {  	s19 =	rddreg [dreg:$0x15];
	[sflag:s17] =	ssyncadd.s32 $0xFFFFD800  }
0x103: {  	[tilespmem:s29], [sflag:$0x4] =	stream.indirect.gather [hbm4b:s0+s22], $0x80, s19, s22, $0xb8;
	[tilespmem:$0x1F380] =	vst v63  }
0x104: {  	_ =	swait.ge [sflag:s30], $0x2800  }
0x105: {  	[sflag:s30] =	ssyncset.done $0x0  }
0x106: {  	s7 =	simm.s32 $0xE80;
	[sflag:s30] =	ssyncadd.s32 $0xFFFFD800  }
0x107: {  	[spmem:s2] =	stream.indirect.scatter.add.f32 [tilespmem:s24], [sflag:$0x6], $0x80, s7, s22, $0xb8;
	[tilespmem:$0x1F380] =	vst v63  }
0x108: {  	_ = 	snop  }
0x109: {  	[spmem:s3] =	stream.indirect.scatter.add.f32 [tilespmem:s28], [sflag:$0x9], $0x1, s7, s22, $0xb8;
	[tilespmem:$0x1F380] =	vst v63  }
0x10a: {  	_ =	swait.ge [sflag:s20], $0x50  }
0x10b: {  	[sflag:s20] =	ssyncset.done $0x0  }
0x10c: {  	[sflag:s20] =	ssyncadd.s32 $0xFFFFFFB0  }
0x10d: {  	_ =	swait.ge [sflag:s1], $0x2800  }
0x10e: {  	[sflag:s1] =	ssyncset.done $0x0  }
0x10f: {  	s16 =	rddreg [dreg:$0x16];
	[sflag:s1] =	ssyncadd.s32 $0xFFFFD800  }
0x110: {  	[tilespmem:s23], [sflag:$0x1] =	stream.indirect.gather [hbm4b:s0+s22], $0x80, s16, s22, $0xb8;
	[tilespmem:$0x1F380] =	vst v63  }
0x111: {  	_ =	swait.ge [sflag:s6], $0x2800  }
0x112: {  	[sflag:s6] =	ssyncset.done $0x0  }
0x113: {  	s19 =	simm.s32 $0xF00;
	[sflag:s6] =	ssyncadd.s32 $0xFFFFD800  }
0x114: {  	[spmem:s2] =	stream.indirect.scatter.add.f32 [tilespmem:s25], [sflag:$0x7], $0x80, s19, s22, $0xb8;
	[tilespmem:$0x1F380] =	vst v63  }
0x115: {  	_ = 	snop  }
0x116: {  	[spmem:s3] =	stream.indirect.scatter.add.f32 [tilespmem:s28], [sflag:$0x9], $0x1, s19, s22, $0xb8;
	[tilespmem:$0x1F380] =	vst v63  }
0x117: {  	_ =	swait.ge [sflag:s20], $0x50  }
0x118: {  	[sflag:s20] =	ssyncset.done $0x0  }
0x119: {  	[sflag:s20] =	ssyncadd.s32 $0xFFFFFFB0  }
0x11a: {  	_ =	swait.ge [sflag:s9], $0x2800  }
0x11b: {  	[sflag:s9] =	ssyncset.done $0x0  }
0x11c: {  	s7 =	rddreg [dreg:$0x17];
	[sflag:s9] =	ssyncadd.s32 $0xFFFFD800  }
0x11d: {  	[tilespmem:s24], [sflag:$0x2] =	stream.indirect.gather [hbm4b:s0+s22], $0x80, s7, s22, $0xb8;
	[tilespmem:$0x1F380] =	vst v63  }
0x11e: {  	_ =	swait.ge [sflag:s13], $0x2800  }
0x11f: {  	[sflag:s13] =	ssyncset.done $0x0  }
0x120: {  	s16 =	simm.s32 $0xF80;
	[sflag:s13] =	ssyncadd.s32 $0xFFFFD800  }
0x121: {  	[spmem:s2] =	stream.indirect.scatter.add.f32 [tilespmem:s29], [sflag:$0x8], $0x80, s16, s22, $0xb8;
	[tilespmem:$0x1F380] =	vst v63  }
0x122: {  	_ = 	snop  }
0x123: {  	[spmem:s3] =	stream.indirect.scatter.add.f32 [tilespmem:s28], [sflag:$0x9], $0x1, s16, s22, $0xb8;
	[tilespmem:$0x1F380] =	vst v63  }
0x124: {  	_ =	swait.ge [sflag:s20], $0x50  }
0x125: {  	[sflag:s20] =	ssyncset.done $0x0  }
0x126: {  	[sflag:s20] =	ssyncadd.s32 $0xFFFFFFB0  }
0x127: {  	_ =	swait.ge [sflag:s15], $0x2800  }
0x128: {  	[sflag:s15] =	ssyncset.done $0x0  }
0x129: {  	s19 =	rddreg [dreg:$0x18];
	[sflag:s15] =	ssyncadd.s32 $0xFFFFD800  }
0x12a: {  	[tilespmem:s25], [sflag:$0x3] =	stream.indirect.gather [hbm4b:s0+s22], $0x80, s19, s22, $0xb8;
	[tilespmem:$0x1F380] =	vst v63  }
0x12b: {  	_ =	swait.ge [sflag:s26], $0x2800  }
0x12c: {  	[sflag:s26] =	ssyncset.done $0x0  }
0x12d: {  	s7 =	simm.s32 $0x1000;
	[sflag:s26] =	ssyncadd.s32 $0xFFFFD800  }
0x12e: {  	[spmem:s2] =	stream.indirect.scatter.add.f32 [tilespmem:s23], [sflag:$0x5], $0x80, s7, s22, $0xb8;
	[tilespmem:$0x1F380] =	vst v63  }
0x12f: {  	_ = 	snop  }
0x130: {  	[spmem:s3] =	stream.indirect.scatter.add.f32 [tilespmem:s28], [sflag:$0x9], $0x1, s7, s22, $0xb8;
	[tilespmem:$0x1F380] =	vst v63  }
0x131: {  	_ =	swait.ge [sflag:s20], $0x50  }
0x132: {  	[sflag:s20] =	ssyncset.done $0x0  }
0x133: {  	[sflag:s20] =	ssyncadd.s32 $0xFFFFFFB0  }
0x134: {  	_ =	swait.ge [sflag:s17], $0x2800  }
0x135: {  	[sflag:s17] =	ssyncset.done $0x0  }
0x136: {  	s16 =	rddreg [dreg:$0x19];
	[sflag:s17] =	ssyncadd.s32 $0xFFFFD800  }
0x137: {  	[tilespmem:s29], [sflag:$0x4] =	stream.indirect.gather [hbm4b:s0+s22], $0x80, s16, s22, $0xb8;
	[tilespmem:$0x1F380] =	vst v63  }
0x138: {  	_ =	swait.ge [sflag:s30], $0x2800  }
0x139: {  	[sflag:s30] =	ssyncset.done $0x0  }
0x13a: {  	s19 =	simm.s32 $0x1080;
	[sflag:s30] =	ssyncadd.s32 $0xFFFFD800  }
0x13b: {  	[spmem:s2] =	stream.indirect.scatter.add.f32 [tilespmem:s24], [sflag:$0x6], $0x80, s19, s22, $0xb8;
	[tilespmem:$0x1F380] =	vst v63  }
0x13c: {  	_ = 	snop  }
0x13d: {  	[spmem:s3] =	stream.indirect.scatter.add.f32 [tilespmem:s28], [sflag:$0x9], $0x1, s19, s22, $0xb8;
	[tilespmem:$0x1F380] =	vst v63  }
0x13e: {  	_ =	swait.ge [sflag:s20], $0x50  }
0x13f: {  	[sflag:s20] =	ssyncset.done $0x0  }
0x140: {  	[sflag:s20] =	ssyncadd.s32 $0xFFFFFFB0  }
0x141: {  	_ =	swait.ge [sflag:s1], $0x2800  }
0x142: {  	[sflag:s1] =	ssyncset.done $0x0  }
0x143: {  	s7 =	rddreg [dreg:$0x1a];
	[sflag:s1] =	ssyncadd.s32 $0xFFFFD800  }
0x144: {  	[tilespmem:s23], [sflag:$0x1] =	stream.indirect.gather [hbm4b:s0+s22], $0x80, s7, s22, $0xb8;
	[tilespmem:$0x1F380] =	vst v63  }
0x145: {  	_ =	swait.ge [sflag:s6], $0x2800  }
0x146: {  	[sflag:s6] =	ssyncset.done $0x0  }
0x147: {  	s16 =	simm.s32 $0x1100;
	[sflag:s6] =	ssyncadd.s32 $0xFFFFD800  }
0x148: {  	[spmem:s2] =	stream.indirect.scatter.add.f32 [tilespmem:s25], [sflag:$0x7], $0x80, s16, s22, $0xb8;
	[tilespmem:$0x1F380] =	vst v63  }
0x149: {  	_ = 	snop  }
0x14a: {  	[spmem:s3] =	stream.indirect.scatter.add.f32 [tilespmem:s28], [sflag:$0x9], $0x1, s16, s22, $0xb8;
	[tilespmem:$0x1F380] =	vst v63  }
0x14b: {  	_ =	swait.ge [sflag:s20], $0x50  }
0x14c: {  	[sflag:s20] =	ssyncset.done $0x0  }
0x14d: {  	[sflag:s20] =	ssyncadd.s32 $0xFFFFFFB0  }
0x14e: {  	_ =	swait.ge [sflag:s9], $0x2800  }
0x14f: {  	[sflag:s9] =	ssyncset.done $0x0  }
0x150: {  	s19 =	rddreg [dreg:$0x1b];
	[sflag:s9] =	ssyncadd.s32 $0xFFFFD800  }
0x151: {  	[tilespmem:s24], [sflag:$0x2] =	stream.indirect.gather [hbm4b:s0+s22], $0x80, s19, s22, $0xb8;
	[tilespmem:$0x1F380] =	vst v63  }
0x152: {  	_ =	swait.ge [sflag:s13], $0x2800  }
0x153: {  	[sflag:s13] =	ssyncset.done $0x0  }
0x154: {  	[sflag:s13] =	ssyncadd.s32 $0xFFFFD800  }
0x155: {  	[spmem:s2] =	stream.indirect.scatter.add.f32 [tilespmem:s29], [sflag:$0x8], $0x80, s10, s22, $0xb8;
	[tilespmem:$0x1F380] =	vst v63  }
0x156: {  	_ = 	snop  }
0x157: {  	[spmem:s3] =	stream.indirect.scatter.add.f32 [tilespmem:s28], [sflag:$0x9], $0x1, s10, s22, $0xb8;
	[tilespmem:$0x1F380] =	vst v63  }
0x158: {  	_ =	swait.ge [sflag:s20], $0x50  }
0x159: {  	[sflag:s20] =	ssyncset.done $0x0  }
0x15a: {  	[sflag:s20] =	ssyncadd.s32 $0xFFFFFFB0  }
0x15b: {  	_ =	swait.ge [sflag:s15], $0x2800  }
0x15c: {  	[sflag:s15] =	ssyncset.done $0x0  }
0x15d: {  	s7 =	rddreg [dreg:$0x1c];
	[sflag:s15] =	ssyncadd.s32 $0xFFFFD800  }
0x15e: {  	[tilespmem:s25], [sflag:$0x3] =	stream.indirect.gather [hbm4b:s0+s22], $0x80, s7, s22, $0xb8;
	[tilespmem:$0x1F380] =	vst v63  }
0x15f: {  	_ =	swait.ge [sflag:s26], $0x2800  }
0x160: {  	[sflag:s26] =	ssyncset.done $0x0  }
0x161: {  	[sflag:s26] =	ssyncadd.s32 $0xFFFFD800  }
0x162: {  	[spmem:s2] =	stream.indirect.scatter.add.f32 [tilespmem:s23], [sflag:$0x5], $0x80, s18, s22, $0xb8;
	[tilespmem:$0x1F380] =	vst v63  }
0x163: {  	_ = 	snop  }
0x164: {  	[spmem:s3] =	stream.indirect.scatter.add.f32 [tilespmem:s28], [sflag:$0x9], $0x1, s18, s22, $0xb8;
	[tilespmem:$0x1F380] =	vst v63  }
0x165: {  	_ =	swait.ge [sflag:s20], $0x50  }
0x166: {  	[sflag:s20] =	ssyncset.done $0x0  }
0x167: {  	[sflag:s20] =	ssyncadd.s32 $0xFFFFFFB0  }
0x168: {  	_ =	swait.ge [sflag:s17], $0x2800  }
0x169: {  	[sflag:s17] =	ssyncset.done $0x0  }
0x16a: {  	s16 =	rddreg [dreg:$0x1d];
	[sflag:s17] =	ssyncadd.s32 $0xFFFFD800  }
0x16b: {  	[tilespmem:s29], [sflag:$0x4] =	stream.indirect.gather [hbm4b:s0+s22], $0x80, s16, s22, $0xb8;
	[tilespmem:$0x1F380] =	vst v63  }
0x16c: {  	_ =	swait.ge [sflag:s30], $0x2800  }
0x16d: {  	[sflag:s30] =	ssyncset.done $0x0  }
0x16e: {  	[sflag:s30] =	ssyncadd.s32 $0xFFFFD800  }
0x16f: {  	[spmem:s2] =	stream.indirect.scatter.add.f32 [tilespmem:s24], [sflag:$0x6], $0x80, s12, s22, $0xb8;
	[tilespmem:$0x1F380] =	vst v63  }
0x170: {  	_ = 	snop  }
0x171: {  	[spmem:s3] =	stream.indirect.scatter.add.f32 [tilespmem:s28], [sflag:$0x9], $0x1, s12, s22, $0xb8;
	[tilespmem:$0x1F380] =	vst v63  }
0x172: {  	_ =	swait.ge [sflag:s20], $0x50  }
0x173: {  	[sflag:s20] =	ssyncset.done $0x0  }
0x174: {  	[sflag:s20] =	ssyncadd.s32 $0xFFFFFFB0  }
0x175: {  	_ =	swait.ge [sflag:s1], $0x2800  }
0x176: {  	[sflag:s1] =	ssyncset.done $0x0  }
0x177: {  	s19 =	rddreg [dreg:$0x1e];
	[sflag:s1] =	ssyncadd.s32 $0xFFFFD800  }
0x178: {  	[tilespmem:s23], [sflag:$0x1] =	stream.indirect.gather [hbm4b:s0+s22], $0x80, s19, s22, $0xb8;
	[tilespmem:$0x1F380] =	vst v63  }
0x179: {  	_ =	swait.ge [sflag:s6], $0x2800  }
0x17a: {  	[sflag:s6] =	ssyncset.done $0x0  }
0x17b: {  	[sflag:s6] =	ssyncadd.s32 $0xFFFFD800  }
0x17c: {  	[spmem:s2] =	stream.indirect.scatter.add.f32 [tilespmem:s25], [sflag:$0x7], $0x80, s11, s22, $0xb8;
	[tilespmem:$0x1F380] =	vst v63  }
0x17d: {  	_ = 	snop  }
0x17e: {  	[spmem:s3] =	stream.indirect.scatter.add.f32 [tilespmem:s28], [sflag:$0x9], $0x1, s11, s22, $0xb8;
	[tilespmem:$0x1F380] =	vst v63  }
0x17f: {  	_ =	swait.ge [sflag:s20], $0x50  }
0x180: {  	[sflag:s20] =	ssyncset.done $0x0  }
0x181: {  	[sflag:s20] =	ssyncadd.s32 $0xFFFFFFB0  }
0x182: {  	_ =	swait.ge [sflag:s13], $0x2800  }
0x183: {  	[sflag:s13] =	ssyncset.done $0x0  }
0x184: {  	[sflag:s13] =	ssyncadd.s32 $0xFFFFD800  }
0x185: {  	[spmem:s2] =	stream.indirect.scatter.add.f32 [tilespmem:s29], [sflag:$0x8], $0x80, s31, s22, $0xb8;
	[tilespmem:$0x1F380] =	vst v63  }
0x186: {  	_ = 	snop  }
0x187: {  	[spmem:s3] =	stream.indirect.scatter.add.f32 [tilespmem:s28], [sflag:$0x9], $0x1, s31, s22, $0xb8;
	[tilespmem:$0x1F380] =	vst v63  }
0x188: {  	_ =	swait.ge [sflag:s20], $0x50  }
0x189: {  	[sflag:s20] =	ssyncset.done $0x0  }
0x18a: {  	[sflag:s20] =	ssyncadd.s32 $0xFFFFFFB0  }
0x18b: {  	_ =	swait.ge [sflag:s26], $0x2800  }
0x18c: {  	[sflag:s26] =	ssyncset.done $0x0  }
0x18d: {  	[sflag:s26] =	ssyncadd.s32 $0xFFFFD800  }
0x18e: {  	[spmem:s2] =	stream.indirect.scatter.add.f32 [tilespmem:s23], [sflag:$0x5], $0x80, s8, s22, $0xb8;
	[tilespmem:$0x1F380] =	vst v63  }
0x18f: {  	_ = 	snop  }
0x190: {  	[spmem:s3] =	stream.indirect.scatter.add.f32 [tilespmem:s28], [sflag:$0x9], $0x1, s8, s22, $0xb8;
	[tilespmem:$0x1F380] =	vst v63  }
0x191: {  	_ =	swait.ge [sflag:s20], $0x50  }
0x192: {  	[sflag:s20] =	ssyncset.done $0x0  }
0x193: {  	[sflag:s20] =	ssyncadd.s32 $0xFFFFFFB0  }
0x194: {  	_ =	swait.ge [sflag:s9], $0x2800  }
0x195: {  	[sflag:s9] =	ssyncset.done $0x0  }
0x196: {  	[sflag:s9] =	ssyncadd.s32 $0xFFFFD800  }
0x197: {  	_ =	swait.ge [sflag:s15], $0x2800  }
0x198: {  	[sflag:s15] =	ssyncset.done $0x0  }
0x199: {  	[sflag:s15] =	ssyncadd.s32 $0xFFFFD800  }
0x19a: {  	_ =	swait.ge [sflag:s17], $0x2800  }
0x19b: {  	[sflag:s17] =	ssyncset.done $0x0  }
0x19c: {  	[sflag:s17] =	ssyncadd.s32 $0xFFFFD800  }
0x19d: {  	s16 =	simm.s32 $0xFA;
	_ =	swait.ge [sflag:s1], $0x2800  }
0x19e: {  	s19 =	simm.s32 $0x1F4;
	s5 =	rddreg [dreg:$0x7];
	[sflag:s1] =	ssyncset.done $0x0  }
.LBB2_2:
0x19f: {  	[sflag:s1] =	ssyncadd.s32 $0xFFFFD800;
	s5 =	sadd.s32 s16, s5  }
0x1a0: {  	[tilespmem:s4], [sflag:$0x9] =	stream.linear.gather [hbm4b:s5+s4], $0x7D0, $0x38;
	[tilespmem:$0x1F380] =	vst v63  }
0x1a1: {  	_ =	swait.ge [sflag:s20], $0x7D0  }
0x1a2: {  	[sflag:s20] =	ssyncset.done $0x0  }
0x1a3: {  	s14 =	sadd.s32 $0x200, s14;
	[sflag:s20] =	ssyncadd.s32 $0xFFFFF830  }
0x1a4: {  	[tilespmem:s21], [sflag:$0x9] =	stream.linear.gather [hbm4b:s14+s4], $0xC80, $0x38;
	[tilespmem:$0x1F380] =	vst v63  }
0x1a5: {  	_ =	swait.ge [sflag:s20], $0xC80  }
0x1a6: {  	[sflag:s20] =	ssyncset.done $0x0  }
0x1a7: {  	[sflag:s20] =	ssyncadd.s32 $0xFFFFF380  }
0x1a8: {  	[tilespmem:s23], [sflag:$0x1] =	stream.indirect.gather [hbm4b:s0+s22], $0x80, s4, s22, $0xb8;
	[tilespmem:$0x1F380] =	vst v63  }
0x1a9: {  	s7 =	smov.u32 s19  }
0x1aa: {  	[tilespmem:s24], [sflag:$0x2] =	stream.indirect.gather [hbm4b:s0+s22], $0x80, s22, s22, $0xb8;
	[tilespmem:$0x1F380] =	vst v63  }
0x1ab: {  	s16 =	smov.u32 s7;
	s7 =	rddreg [dreg:$0x8]  }
0x1ac: {  	[tilespmem:s25], [sflag:$0x3] =	stream.indirect.gather [hbm4b:s0+s22], $0x80, s7, s22, $0xb8;
	[tilespmem:$0x1F380] =	vst v63  }
0x1ad: {  	_ =	swait.ge [sflag:s26], $0x2800  }
0x1ae: {  	[sflag:s26] =	ssyncset.done $0x0  }
0x1af: {  	[sflag:s26] =	ssyncadd.s32 $0xFFFFD800  }
0x1b0: {  	[spmem:s2] =	stream.indirect.scatter.add.f32 [tilespmem:s23], [sflag:$0x5], $0x80, s21, s22, $0xb8;
	[tilespmem:$0x1F380] =	vst v63  }
0x1b1: {  	_ = 	snop  }
0x1b2: {  	[spmem:s3] =	stream.indirect.scatter.add.f32 [tilespmem:s28], [sflag:$0x9], $0x1, s21, s22, $0xb8;
	[tilespmem:$0x1F380] =	vst v63  }
0x1b3: {  	_ =	swait.ge [sflag:s20], $0x50  }
0x1b4: {  	[sflag:s20] =	ssyncset.done $0x0  }
0x1b5: {  	s7 =	rddreg [dreg:$0x9];
	[sflag:s20] =	ssyncadd.s32 $0xFFFFFFB0  }
0x1b6: {  	[tilespmem:s29], [sflag:$0x4] =	stream.indirect.gather [hbm4b:s0+s22], $0x80, s7, s22, $0xb8;
	[tilespmem:$0x1F380] =	vst v63  }
0x1b7: {  	_ =	swait.ge [sflag:s30], $0x2800  }
0x1b8: {  	[sflag:s30] =	ssyncset.done $0x0  }
0x1b9: {  	s7 =	simm.s32 $0x880;
	[sflag:s30] =	ssyncadd.s32 $0xFFFFD800  }
0x1ba: {  	[spmem:s2] =	stream.indirect.scatter.add.f32 [tilespmem:s24], [sflag:$0x6], $0x80, s7, s22, $0xb8;
	[tilespmem:$0x1F380] =	vst v63  }
0x1bb: {  	_ = 	snop  }
0x1bc: {  	[spmem:s3] =	stream.indirect.scatter.add.f32 [tilespmem:s28], [sflag:$0x9], $0x1, s7, s22, $0xb8;
	[tilespmem:$0x1F380] =	vst v63  }
0x1bd: {  	_ =	swait.ge [sflag:s20], $0x50  }
0x1be: {  	[sflag:s20] =	ssyncset.done $0x0  }
0x1bf: {  	[sflag:s20] =	ssyncadd.s32 $0xFFFFFFB0  }
0x1c0: {  	_ =	swait.ge [sflag:s1], $0x2800  }
0x1c1: {  	[sflag:s1] =	ssyncset.done $0x0  }
0x1c2: {  	s7 =	rddreg [dreg:$0xa];
	[sflag:s1] =	ssyncadd.s32 $0xFFFFD800  }
0x1c3: {  	[tilespmem:s23], [sflag:$0x1] =	stream.indirect.gather [hbm4b:s0+s22], $0x80, s7, s22, $0xb8;
	[tilespmem:$0x1F380] =	vst v63  }
0x1c4: {  	_ =	swait.ge [sflag:s6], $0x2800  }
0x1c5: {  	[sflag:s6] =	ssyncset.done $0x0  }
0x1c6: {  	s7 =	simm.s32 $0x900;
	[sflag:s6] =	ssyncadd.s32 $0xFFFFD800  }
0x1c7: {  	[spmem:s2] =	stream.indirect.scatter.add.f32 [tilespmem:s25], [sflag:$0x7], $0x80, s7, s22, $0xb8;
	[tilespmem:$0x1F380] =	vst v63  }
0x1c8: {  	_ = 	snop  }
0x1c9: {  	[spmem:s3] =	stream.indirect.scatter.add.f32 [tilespmem:s28], [sflag:$0x9], $0x1, s7, s22, $0xb8;
	[tilespmem:$0x1F380] =	vst v63  }
0x1ca: {  	_ =	swait.ge [sflag:s20], $0x50  }
0x1cb: {  	[sflag:s20] =	ssyncset.done $0x0  }
0x1cc: {  	[sflag:s20] =	ssyncadd.s32 $0xFFFFFFB0  }
0x1cd: {  	_ =	swait.ge [sflag:s9], $0x2800  }
0x1ce: {  	[sflag:s9] =	ssyncset.done $0x0  }
0x1cf: {  	s7 =	rddreg [dreg:$0xb];
	[sflag:s9] =	ssyncadd.s32 $0xFFFFD800  }
0x1d0: {  	[tilespmem:s24], [sflag:$0x2] =	stream.indirect.gather [hbm4b:s0+s22], $0x80, s7, s22, $0xb8;
	[tilespmem:$0x1F380] =	vst v63  }
0x1d1: {  	_ =	swait.ge [sflag:s13], $0x2800  }
0x1d2: {  	[sflag:s13] =	ssyncset.done $0x0  }
0x1d3: {  	s7 =	simm.s32 $0x980;
	[sflag:s13] =	ssyncadd.s32 $0xFFFFD800  }
0x1d4: {  	[spmem:s2] =	stream.indirect.scatter.add.f32 [tilespmem:s29], [sflag:$0x8], $0x80, s7, s22, $0xb8;
	[tilespmem:$0x1F380] =	vst v63  }
0x1d5: {  	_ = 	snop  }
0x1d6: {  	[spmem:s3] =	stream.indirect.scatter.add.f32 [tilespmem:s28], [sflag:$0x9], $0x1, s7, s22, $0xb8;
	[tilespmem:$0x1F380] =	vst v63  }
0x1d7: {  	_ =	swait.ge [sflag:s20], $0x50  }
0x1d8: {  	[sflag:s20] =	ssyncset.done $0x0  }
0x1d9: {  	[sflag:s20] =	ssyncadd.s32 $0xFFFFFFB0  }
0x1da: {  	_ =	swait.ge [sflag:s15], $0x2800  }
0x1db: {  	[sflag:s15] =	ssyncset.done $0x0  }
0x1dc: {  	s7 =	rddreg [dreg:$0xc];
	[sflag:s15] =	ssyncadd.s32 $0xFFFFD800  }
0x1dd: {  	[tilespmem:s25], [sflag:$0x3] =	stream.indirect.gather [hbm4b:s0+s22], $0x80, s7, s22, $0xb8;
	[tilespmem:$0x1F380] =	vst v63  }
0x1de: {  	_ =	swait.ge [sflag:s26], $0x2800  }
0x1df: {  	[sflag:s26] =	ssyncset.done $0x0  }
0x1e0: {  	s7 =	simm.s32 $0xA00;
	[sflag:s26] =	ssyncadd.s32 $0xFFFFD800  }
0x1e1: {  	[spmem:s2] =	stream.indirect.scatter.add.f32 [tilespmem:s23], [sflag:$0x5], $0x80, s7, s22, $0xb8;
	[tilespmem:$0x1F380] =	vst v63  }
0x1e2: {  	_ = 	snop  }
0x1e3: {  	[spmem:s3] =	stream.indirect.scatter.add.f32 [tilespmem:s28], [sflag:$0x9], $0x1, s7, s22, $0xb8;
	[tilespmem:$0x1F380] =	vst v63  }
0x1e4: {  	_ =	swait.ge [sflag:s20], $0x50  }
0x1e5: {  	[sflag:s20] =	ssyncset.done $0x0  }
0x1e6: {  	[sflag:s20] =	ssyncadd.s32 $0xFFFFFFB0  }
0x1e7: {  	_ =	swait.ge [sflag:s17], $0x2800  }
0x1e8: {  	[sflag:s17] =	ssyncset.done $0x0  }
0x1e9: {  	s7 =	rddreg [dreg:$0xd];
	[sflag:s17] =	ssyncadd.s32 $0xFFFFD800  }
0x1ea: {  	[tilespmem:s29], [sflag:$0x4] =	stream.indirect.gather [hbm4b:s0+s22], $0x80, s7, s22, $0xb8;
	[tilespmem:$0x1F380] =	vst v63  }
0x1eb: {  	_ =	swait.ge [sflag:s30], $0x2800  }
0x1ec: {  	[sflag:s30] =	ssyncset.done $0x0  }
0x1ed: {  	s7 =	simm.s32 $0xA80;
	[sflag:s30] =	ssyncadd.s32 $0xFFFFD800  }
0x1ee: {  	[spmem:s2] =	stream.indirect.scatter.add.f32 [tilespmem:s24], [sflag:$0x6], $0x80, s7, s22, $0xb8;
	[tilespmem:$0x1F380] =	vst v63  }
0x1ef: {  	_ = 	snop  }
0x1f0: {  	[spmem:s3] =	stream.indirect.scatter.add.f32 [tilespmem:s28], [sflag:$0x9], $0x1, s7, s22, $0xb8;
	[tilespmem:$0x1F380] =	vst v63  }
0x1f1: {  	_ =	swait.ge [sflag:s20], $0x50  }
0x1f2: {  	[sflag:s20] =	ssyncset.done $0x0  }
0x1f3: {  	[sflag:s20] =	ssyncadd.s32 $0xFFFFFFB0  }
0x1f4: {  	_ =	swait.ge [sflag:s1], $0x2800  }
0x1f5: {  	[sflag:s1] =	ssyncset.done $0x0  }
0x1f6: {  	s7 =	rddreg [dreg:$0xe];
	[sflag:s1] =	ssyncadd.s32 $0xFFFFD800  }
0x1f7: {  	[tilespmem:s23], [sflag:$0x1] =	stream.indirect.gather [hbm4b:s0+s22], $0x80, s7, s22, $0xb8;
	[tilespmem:$0x1F380] =	vst v63  }
0x1f8: {  	_ =	swait.ge [sflag:s6], $0x2800  }
0x1f9: {  	[sflag:s6] =	ssyncset.done $0x0  }
0x1fa: {  	s7 =	simm.s32 $0xB00;
	[sflag:s6] =	ssyncadd.s32 $0xFFFFD800  }
0x1fb: {  	[spmem:s2] =	stream.indirect.scatter.add.f32 [tilespmem:s25], [sflag:$0x7], $0x80, s7, s22, $0xb8;
	[tilespmem:$0x1F380] =	vst v63  }
0x1fc: {  	_ = 	snop  }
0x1fd: {  	[spmem:s3] =	stream.indirect.scatter.add.f32 [tilespmem:s28], [sflag:$0x9], $0x1, s7, s22, $0xb8;
	[tilespmem:$0x1F380] =	vst v63  }
0x1fe: {  	_ =	swait.ge [sflag:s20], $0x50  }
0x1ff: {  	[sflag:s20] =	ssyncset.done $0x0  }
0x200: {  	[sflag:s20] =	ssyncadd.s32 $0xFFFFFFB0  }
0x201: {  	_ =	swait.ge [sflag:s9], $0x2800  }
0x202: {  	[sflag:s9] =	ssyncset.done $0x0  }
0x203: {  	s7 =	rddreg [dreg:$0xf];
	[sflag:s9] =	ssyncadd.s32 $0xFFFFD800  }
0x204: {  	[tilespmem:s24], [sflag:$0x2] =	stream.indirect.gather [hbm4b:s0+s22], $0x80, s7, s22, $0xb8;
	[tilespmem:$0x1F380] =	vst v63  }
0x205: {  	_ =	swait.ge [sflag:s13], $0x2800  }
0x206: {  	[sflag:s13] =	ssyncset.done $0x0  }
0x207: {  	s7 =	simm.s32 $0xB80;
	[sflag:s13] =	ssyncadd.s32 $0xFFFFD800  }
0x208: {  	[spmem:s2] =	stream.indirect.scatter.add.f32 [tilespmem:s29], [sflag:$0x8], $0x80, s7, s22, $0xb8;
	[tilespmem:$0x1F380] =	vst v63  }
0x209: {  	_ = 	snop  }
0x20a: {  	[spmem:s3] =	stream.indirect.scatter.add.f32 [tilespmem:s28], [sflag:$0x9], $0x1, s7, s22, $0xb8;
	[tilespmem:$0x1F380] =	vst v63  }
0x20b: {  	_ =	swait.ge [sflag:s20], $0x50  }
0x20c: {  	[sflag:s20] =	ssyncset.done $0x0  }
0x20d: {  	[sflag:s20] =	ssyncadd.s32 $0xFFFFFFB0  }
0x20e: {  	_ =	swait.ge [sflag:s15], $0x2800  }
0x20f: {  	[sflag:s15] =	ssyncset.done $0x0  }
0x210: {  	s7 =	rddreg [dreg:$0x10];
	[sflag:s15] =	ssyncadd.s32 $0xFFFFD800  }
0x211: {  	[tilespmem:s25], [sflag:$0x3] =	stream.indirect.gather [hbm4b:s0+s22], $0x80, s7, s22, $0xb8;
	[tilespmem:$0x1F380] =	vst v63  }
0x212: {  	_ =	swait.ge [sflag:s26], $0x2800  }
0x213: {  	[sflag:s26] =	ssyncset.done $0x0  }
0x214: {  	s7 =	simm.s32 $0xC00;
	[sflag:s26] =	ssyncadd.s32 $0xFFFFD800  }
0x215: {  	[spmem:s2] =	stream.indirect.scatter.add.f32 [tilespmem:s23], [sflag:$0x5], $0x80, s7, s22, $0xb8;
	[tilespmem:$0x1F380] =	vst v63  }
0x216: {  	_ = 	snop  }
0x217: {  	[spmem:s3] =	stream.indirect.scatter.add.f32 [tilespmem:s28], [sflag:$0x9], $0x1, s7, s22, $0xb8;
	[tilespmem:$0x1F380] =	vst v63  }
0x218: {  	_ =	swait.ge [sflag:s20], $0x50  }
0x219: {  	[sflag:s20] =	ssyncset.done $0x0  }
0x21a: {  	[sflag:s20] =	ssyncadd.s32 $0xFFFFFFB0  }
0x21b: {  	_ =	swait.ge [sflag:s17], $0x2800  }
0x21c: {  	[sflag:s17] =	ssyncset.done $0x0  }
0x21d: {  	s7 =	rddreg [dreg:$0x11];
	[sflag:s17] =	ssyncadd.s32 $0xFFFFD800  }
0x21e: {  	[tilespmem:s29], [sflag:$0x4] =	stream.indirect.gather [hbm4b:s0+s22], $0x80, s7, s22, $0xb8;
	[tilespmem:$0x1F380] =	vst v63  }
0x21f: {  	_ =	swait.ge [sflag:s30], $0x2800  }
0x220: {  	[sflag:s30] =	ssyncset.done $0x0  }
0x221: {  	s7 =	simm.s32 $0xC80;
	[sflag:s30] =	ssyncadd.s32 $0xFFFFD800  }
0x222: {  	[spmem:s2] =	stream.indirect.scatter.add.f32 [tilespmem:s24], [sflag:$0x6], $0x80, s7, s22, $0xb8;
	[tilespmem:$0x1F380] =	vst v63  }
0x223: {  	_ = 	snop  }
0x224: {  	[spmem:s3] =	stream.indirect.scatter.add.f32 [tilespmem:s28], [sflag:$0x9], $0x1, s7, s22, $0xb8;
	[tilespmem:$0x1F380] =	vst v63  }
0x225: {  	_ =	swait.ge [sflag:s20], $0x50  }
0x226: {  	[sflag:s20] =	ssyncset.done $0x0  }
0x227: {  	[sflag:s20] =	ssyncadd.s32 $0xFFFFFFB0  }
0x228: {  	_ =	swait.ge [sflag:s1], $0x2800  }
0x229: {  	[sflag:s1] =	ssyncset.done $0x0  }
0x22a: {  	s7 =	rddreg [dreg:$0x12];
	[sflag:s1] =	ssyncadd.s32 $0xFFFFD800  }
0x22b: {  	[tilespmem:s23], [sflag:$0x1] =	stream.indirect.gather [hbm4b:s0+s22], $0x80, s7, s22, $0xb8;
	[tilespmem:$0x1F380] =	vst v63  }
0x22c: {  	_ =	swait.ge [sflag:s6], $0x2800  }
0x22d: {  	[sflag:s6] =	ssyncset.done $0x0  }
0x22e: {  	s7 =	simm.s32 $0xD00;
	[sflag:s6] =	ssyncadd.s32 $0xFFFFD800  }
0x22f: {  	[spmem:s2] =	stream.indirect.scatter.add.f32 [tilespmem:s25], [sflag:$0x7], $0x80, s7, s22, $0xb8;
	[tilespmem:$0x1F380] =	vst v63  }
0x230: {  	_ = 	snop  }
0x231: {  	[spmem:s3] =	stream.indirect.scatter.add.f32 [tilespmem:s28], [sflag:$0x9], $0x1, s7, s22, $0xb8;
	[tilespmem:$0x1F380] =	vst v63  }
0x232: {  	_ =	swait.ge [sflag:s20], $0x50  }
0x233: {  	[sflag:s20] =	ssyncset.done $0x0  }
0x234: {  	[sflag:s20] =	ssyncadd.s32 $0xFFFFFFB0  }
0x235: {  	_ =	swait.ge [sflag:s9], $0x2800  }
0x236: {  	[sflag:s9] =	ssyncset.done $0x0  }
0x237: {  	s7 =	rddreg [dreg:$0x13];
	[sflag:s9] =	ssyncadd.s32 $0xFFFFD800  }
0x238: {  	[tilespmem:s24], [sflag:$0x2] =	stream.indirect.gather [hbm4b:s0+s22], $0x80, s7, s22, $0xb8;
	[tilespmem:$0x1F380] =	vst v63  }
0x239: {  	_ =	swait.ge [sflag:s13], $0x2800  }
0x23a: {  	[sflag:s13] =	ssyncset.done $0x0  }
0x23b: {  	s7 =	simm.s32 $0xD80;
	[sflag:s13] =	ssyncadd.s32 $0xFFFFD800  }
0x23c: {  	[spmem:s2] =	stream.indirect.scatter.add.f32 [tilespmem:s29], [sflag:$0x8], $0x80, s7, s22, $0xb8;
	[tilespmem:$0x1F380] =	vst v63  }
0x23d: {  	_ = 	snop  }
0x23e: {  	[spmem:s3] =	stream.indirect.scatter.add.f32 [tilespmem:s28], [sflag:$0x9], $0x1, s7, s22, $0xb8;
	[tilespmem:$0x1F380] =	vst v63  }
0x23f: {  	_ =	swait.ge [sflag:s20], $0x50  }
0x240: {  	[sflag:s20] =	ssyncset.done $0x0  }
0x241: {  	[sflag:s20] =	ssyncadd.s32 $0xFFFFFFB0  }
0x242: {  	_ =	swait.ge [sflag:s15], $0x2800  }
0x243: {  	[sflag:s15] =	ssyncset.done $0x0  }
0x244: {  	s7 =	rddreg [dreg:$0x14];
	[sflag:s15] =	ssyncadd.s32 $0xFFFFD800  }
0x245: {  	[tilespmem:s25], [sflag:$0x3] =	stream.indirect.gather [hbm4b:s0+s22], $0x80, s7, s22, $0xb8;
	[tilespmem:$0x1F380] =	vst v63  }
0x246: {  	_ =	swait.ge [sflag:s26], $0x2800  }
0x247: {  	[sflag:s26] =	ssyncset.done $0x0  }
0x248: {  	s7 =	simm.s32 $0xE00;
	[sflag:s26] =	ssyncadd.s32 $0xFFFFD800  }
0x249: {  	[spmem:s2] =	stream.indirect.scatter.add.f32 [tilespmem:s23], [sflag:$0x5], $0x80, s7, s22, $0xb8;
	[tilespmem:$0x1F380] =	vst v63  }
0x24a: {  	_ = 	snop  }
0x24b: {  	[spmem:s3] =	stream.indirect.scatter.add.f32 [tilespmem:s28], [sflag:$0x9], $0x1, s7, s22, $0xb8;
	[tilespmem:$0x1F380] =	vst v63  }
0x24c: {  	_ =	swait.ge [sflag:s20], $0x50  }
0x24d: {  	[sflag:s20] =	ssyncset.done $0x0  }
0x24e: {  	[sflag:s20] =	ssyncadd.s32 $0xFFFFFFB0  }
0x24f: {  	_ =	swait.ge [sflag:s17], $0x2800  }
0x250: {  	[sflag:s17] =	ssyncset.done $0x0  }
0x251: {  	s7 =	rddreg [dreg:$0x15];
	[sflag:s17] =	ssyncadd.s32 $0xFFFFD800  }
0x252: {  	[tilespmem:s29], [sflag:$0x4] =	stream.indirect.gather [hbm4b:s0+s22], $0x80, s7, s22, $0xb8;
	[tilespmem:$0x1F380] =	vst v63  }
0x253: {  	_ =	swait.ge [sflag:s30], $0x2800  }
0x254: {  	[sflag:s30] =	ssyncset.done $0x0  }
0x255: {  	s7 =	simm.s32 $0xE80;
	[sflag:s30] =	ssyncadd.s32 $0xFFFFD800  }
0x256: {  	[spmem:s2] =	stream.indirect.scatter.add.f32 [tilespmem:s24], [sflag:$0x6], $0x80, s7, s22, $0xb8;
	[tilespmem:$0x1F380] =	vst v63  }
0x257: {  	_ = 	snop  }
0x258: {  	[spmem:s3] =	stream.indirect.scatter.add.f32 [tilespmem:s28], [sflag:$0x9], $0x1, s7, s22, $0xb8;
	[tilespmem:$0x1F380] =	vst v63  }
0x259: {  	_ =	swait.ge [sflag:s20], $0x50  }
0x25a: {  	[sflag:s20] =	ssyncset.done $0x0  }
0x25b: {  	[sflag:s20] =	ssyncadd.s32 $0xFFFFFFB0  }
0x25c: {  	_ =	swait.ge [sflag:s1], $0x2800  }
0x25d: {  	[sflag:s1] =	ssyncset.done $0x0  }
0x25e: {  	s7 =	rddreg [dreg:$0x16];
	[sflag:s1] =	ssyncadd.s32 $0xFFFFD800  }
0x25f: {  	[tilespmem:s23], [sflag:$0x1] =	stream.indirect.gather [hbm4b:s0+s22], $0x80, s7, s22, $0xb8;
	[tilespmem:$0x1F380] =	vst v63  }
0x260: {  	_ =	swait.ge [sflag:s6], $0x2800  }
0x261: {  	[sflag:s6] =	ssyncset.done $0x0  }
0x262: {  	s7 =	simm.s32 $0xF00;
	[sflag:s6] =	ssyncadd.s32 $0xFFFFD800  }
0x263: {  	[spmem:s2] =	stream.indirect.scatter.add.f32 [tilespmem:s25], [sflag:$0x7], $0x80, s7, s22, $0xb8;
	[tilespmem:$0x1F380] =	vst v63  }
0x264: {  	_ = 	snop  }
0x265: {  	[spmem:s3] =	stream.indirect.scatter.add.f32 [tilespmem:s28], [sflag:$0x9], $0x1, s7, s22, $0xb8;
	[tilespmem:$0x1F380] =	vst v63  }
0x266: {  	_ =	swait.ge [sflag:s20], $0x50  }
0x267: {  	[sflag:s20] =	ssyncset.done $0x0  }
0x268: {  	[sflag:s20] =	ssyncadd.s32 $0xFFFFFFB0  }
0x269: {  	_ =	swait.ge [sflag:s9], $0x2800  }
0x26a: {  	[sflag:s9] =	ssyncset.done $0x0  }
0x26b: {  	s7 =	rddreg [dreg:$0x17];
	[sflag:s9] =	ssyncadd.s32 $0xFFFFD800  }
0x26c: {  	[tilespmem:s24], [sflag:$0x2] =	stream.indirect.gather [hbm4b:s0+s22], $0x80, s7, s22, $0xb8;
	[tilespmem:$0x1F380] =	vst v63  }
0x26d: {  	_ =	swait.ge [sflag:s13], $0x2800  }
0x26e: {  	[sflag:s13] =	ssyncset.done $0x0  }
0x26f: {  	s7 =	simm.s32 $0xF80;
	[sflag:s13] =	ssyncadd.s32 $0xFFFFD800  }
0x270: {  	[spmem:s2] =	stream.indirect.scatter.add.f32 [tilespmem:s29], [sflag:$0x8], $0x80, s7, s22, $0xb8;
	[tilespmem:$0x1F380] =	vst v63  }
0x271: {  	_ = 	snop  }
0x272: {  	[spmem:s3] =	stream.indirect.scatter.add.f32 [tilespmem:s28], [sflag:$0x9], $0x1, s7, s22, $0xb8;
	[tilespmem:$0x1F380] =	vst v63  }
0x273: {  	_ =	swait.ge [sflag:s20], $0x50  }
0x274: {  	[sflag:s20] =	ssyncset.done $0x0  }
0x275: {  	[sflag:s20] =	ssyncadd.s32 $0xFFFFFFB0  }
0x276: {  	_ =	swait.ge [sflag:s15], $0x2800  }
0x277: {  	[sflag:s15] =	ssyncset.done $0x0  }
0x278: {  	s7 =	rddreg [dreg:$0x18];
	[sflag:s15] =	ssyncadd.s32 $0xFFFFD800  }
0x279: {  	[tilespmem:s25], [sflag:$0x3] =	stream.indirect.gather [hbm4b:s0+s22], $0x80, s7, s22, $0xb8;
	[tilespmem:$0x1F380] =	vst v63  }
0x27a: {  	_ =	swait.ge [sflag:s26], $0x2800  }
0x27b: {  	[sflag:s26] =	ssyncset.done $0x0  }
0x27c: {  	s7 =	simm.s32 $0x1000;
	[sflag:s26] =	ssyncadd.s32 $0xFFFFD800  }
0x27d: {  	[spmem:s2] =	stream.indirect.scatter.add.f32 [tilespmem:s23], [sflag:$0x5], $0x80, s7, s22, $0xb8;
	[tilespmem:$0x1F380] =	vst v63  }
0x27e: {  	_ = 	snop  }
0x27f: {  	[spmem:s3] =	stream.indirect.scatter.add.f32 [tilespmem:s28], [sflag:$0x9], $0x1, s7, s22, $0xb8;
	[tilespmem:$0x1F380] =	vst v63  }
0x280: {  	_ =	swait.ge [sflag:s20], $0x50  }
0x281: {  	[sflag:s20] =	ssyncset.done $0x0  }
0x282: {  	[sflag:s20] =	ssyncadd.s32 $0xFFFFFFB0  }
0x283: {  	_ =	swait.ge [sflag:s17], $0x2800  }
0x284: {  	[sflag:s17] =	ssyncset.done $0x0  }
0x285: {  	s7 =	rddreg [dreg:$0x19];
	[sflag:s17] =	ssyncadd.s32 $0xFFFFD800  }
0x286: {  	[tilespmem:s29], [sflag:$0x4] =	stream.indirect.gather [hbm4b:s0+s22], $0x80, s7, s22, $0xb8;
	[tilespmem:$0x1F380] =	vst v63  }
0x287: {  	_ =	swait.ge [sflag:s30], $0x2800  }
0x288: {  	[sflag:s30] =	ssyncset.done $0x0  }
0x289: {  	s7 =	simm.s32 $0x1080;
	[sflag:s30] =	ssyncadd.s32 $0xFFFFD800  }
0x28a: {  	[spmem:s2] =	stream.indirect.scatter.add.f32 [tilespmem:s24], [sflag:$0x6], $0x80, s7, s22, $0xb8;
	[tilespmem:$0x1F380] =	vst v63  }
0x28b: {  	_ = 	snop  }
0x28c: {  	[spmem:s3] =	stream.indirect.scatter.add.f32 [tilespmem:s28], [sflag:$0x9], $0x1, s7, s22, $0xb8;
	[tilespmem:$0x1F380] =	vst v63  }
0x28d: {  	_ =	swait.ge [sflag:s20], $0x50  }
0x28e: {  	[sflag:s20] =	ssyncset.done $0x0  }
0x28f: {  	[sflag:s20] =	ssyncadd.s32 $0xFFFFFFB0  }
0x290: {  	_ =	swait.ge [sflag:s1], $0x2800  }
0x291: {  	[sflag:s1] =	ssyncset.done $0x0  }
0x292: {  	s7 =	rddreg [dreg:$0x1a];
	[sflag:s1] =	ssyncadd.s32 $0xFFFFD800  }
0x293: {  	[tilespmem:s23], [sflag:$0x1] =	stream.indirect.gather [hbm4b:s0+s22], $0x80, s7, s22, $0xb8;
	[tilespmem:$0x1F380] =	vst v63  }
0x294: {  	_ =	swait.ge [sflag:s6], $0x2800  }
0x295: {  	[sflag:s6] =	ssyncset.done $0x0  }
0x296: {  	s7 =	simm.s32 $0x1100;
	[sflag:s6] =	ssyncadd.s32 $0xFFFFD800  }
0x297: {  	[spmem:s2] =	stream.indirect.scatter.add.f32 [tilespmem:s25], [sflag:$0x7], $0x80, s7, s22, $0xb8;
	[tilespmem:$0x1F380] =	vst v63  }
0x298: {  	_ = 	snop  }
0x299: {  	[spmem:s3] =	stream.indirect.scatter.add.f32 [tilespmem:s28], [sflag:$0x9], $0x1, s7, s22, $0xb8;
	[tilespmem:$0x1F380] =	vst v63  }
0x29a: {  	_ =	swait.ge [sflag:s20], $0x50  }
0x29b: {  	[sflag:s20] =	ssyncset.done $0x0  }
0x29c: {  	[sflag:s20] =	ssyncadd.s32 $0xFFFFFFB0  }
0x29d: {  	_ =	swait.ge [sflag:s9], $0x2800  }
0x29e: {  	[sflag:s9] =	ssyncset.done $0x0  }
0x29f: {  	s7 =	rddreg [dreg:$0x1b];
	[sflag:s9] =	ssyncadd.s32 $0xFFFFD800  }
0x2a0: {  	[tilespmem:s24], [sflag:$0x2] =	stream.indirect.gather [hbm4b:s0+s22], $0x80, s7, s22, $0xb8;
	[tilespmem:$0x1F380] =	vst v63  }
0x2a1: {  	_ =	swait.ge [sflag:s13], $0x2800  }
0x2a2: {  	[sflag:s13] =	ssyncset.done $0x0  }
0x2a3: {  	[sflag:s13] =	ssyncadd.s32 $0xFFFFD800  }
0x2a4: {  	[spmem:s2] =	stream.indirect.scatter.add.f32 [tilespmem:s29], [sflag:$0x8], $0x80, s10, s22, $0xb8;
	[tilespmem:$0x1F380] =	vst v63  }
0x2a5: {  	_ = 	snop  }
0x2a6: {  	[spmem:s3] =	stream.indirect.scatter.add.f32 [tilespmem:s28], [sflag:$0x9], $0x1, s10, s22, $0xb8;
	[tilespmem:$0x1F380] =	vst v63  }
0x2a7: {  	_ =	swait.ge [sflag:s20], $0x50  }
0x2a8: {  	[sflag:s20] =	ssyncset.done $0x0  }
0x2a9: {  	[sflag:s20] =	ssyncadd.s32 $0xFFFFFFB0  }
0x2aa: {  	_ =	swait.ge [sflag:s15], $0x2800  }
0x2ab: {  	[sflag:s15] =	ssyncset.done $0x0  }
0x2ac: {  	s7 =	rddreg [dreg:$0x1c];
	[sflag:s15] =	ssyncadd.s32 $0xFFFFD800  }
0x2ad: {  	[tilespmem:s25], [sflag:$0x3] =	stream.indirect.gather [hbm4b:s0+s22], $0x80, s7, s22, $0xb8;
	[tilespmem:$0x1F380] =	vst v63  }
0x2ae: {  	_ =	swait.ge [sflag:s26], $0x2800  }
0x2af: {  	[sflag:s26] =	ssyncset.done $0x0  }
0x2b0: {  	[sflag:s26] =	ssyncadd.s32 $0xFFFFD800  }
0x2b1: {  	[spmem:s2] =	stream.indirect.scatter.add.f32 [tilespmem:s23], [sflag:$0x5], $0x80, s18, s22, $0xb8;
	[tilespmem:$0x1F380] =	vst v63  }
0x2b2: {  	_ = 	snop  }
0x2b3: {  	[spmem:s3] =	stream.indirect.scatter.add.f32 [tilespmem:s28], [sflag:$0x9], $0x1, s18, s22, $0xb8;
	[tilespmem:$0x1F380] =	vst v63  }
0x2b4: {  	_ =	swait.ge [sflag:s20], $0x50  }
0x2b5: {  	[sflag:s20] =	ssyncset.done $0x0  }
0x2b6: {  	[sflag:s20] =	ssyncadd.s32 $0xFFFFFFB0  }
0x2b7: {  	_ =	swait.ge [sflag:s17], $0x2800  }
0x2b8: {  	[sflag:s17] =	ssyncset.done $0x0  }
0x2b9: {  	s7 =	rddreg [dreg:$0x1d];
	[sflag:s17] =	ssyncadd.s32 $0xFFFFD800  }
0x2ba: {  	[tilespmem:s29], [sflag:$0x4] =	stream.indirect.gather [hbm4b:s0+s22], $0x80, s7, s22, $0xb8;
	[tilespmem:$0x1F380] =	vst v63  }
0x2bb: {  	_ =	swait.ge [sflag:s30], $0x2800  }
0x2bc: {  	[sflag:s30] =	ssyncset.done $0x0  }
0x2bd: {  	[sflag:s30] =	ssyncadd.s32 $0xFFFFD800  }
0x2be: {  	[spmem:s2] =	stream.indirect.scatter.add.f32 [tilespmem:s24], [sflag:$0x6], $0x80, s12, s22, $0xb8;
	[tilespmem:$0x1F380] =	vst v63  }
0x2bf: {  	_ = 	snop  }
0x2c0: {  	[spmem:s3] =	stream.indirect.scatter.add.f32 [tilespmem:s28], [sflag:$0x9], $0x1, s12, s22, $0xb8;
	[tilespmem:$0x1F380] =	vst v63  }
0x2c1: {  	_ =	swait.ge [sflag:s20], $0x50  }
0x2c2: {  	[sflag:s20] =	ssyncset.done $0x0  }
0x2c3: {  	[sflag:s20] =	ssyncadd.s32 $0xFFFFFFB0  }
0x2c4: {  	_ =	swait.ge [sflag:s1], $0x2800  }
0x2c5: {  	[sflag:s1] =	ssyncset.done $0x0  }
0x2c6: {  	s7 =	rddreg [dreg:$0x1e];
	[sflag:s1] =	ssyncadd.s32 $0xFFFFD800  }
0x2c7: {  	[tilespmem:s23], [sflag:$0x1] =	stream.indirect.gather [hbm4b:s0+s22], $0x80, s7, s22, $0xb8;
	[tilespmem:$0x1F380] =	vst v63  }
0x2c8: {  	_ =	swait.ge [sflag:s6], $0x2800  }
0x2c9: {  	[sflag:s6] =	ssyncset.done $0x0  }
0x2ca: {  	[sflag:s6] =	ssyncadd.s32 $0xFFFFD800  }
0x2cb: {  	[spmem:s2] =	stream.indirect.scatter.add.f32 [tilespmem:s25], [sflag:$0x7], $0x80, s11, s22, $0xb8;
	[tilespmem:$0x1F380] =	vst v63  }
0x2cc: {  	_ = 	snop  }
0x2cd: {  	[spmem:s3] =	stream.indirect.scatter.add.f32 [tilespmem:s28], [sflag:$0x9], $0x1, s11, s22, $0xb8;
	[tilespmem:$0x1F380] =	vst v63  }
0x2ce: {  	_ =	swait.ge [sflag:s20], $0x50  }
0x2cf: {  	[sflag:s20] =	ssyncset.done $0x0  }
0x2d0: {  	[sflag:s20] =	ssyncadd.s32 $0xFFFFFFB0  }
0x2d1: {  	_ =	swait.ge [sflag:s13], $0x2800  }
0x2d2: {  	[sflag:s13] =	ssyncset.done $0x0  }
0x2d3: {  	[sflag:s13] =	ssyncadd.s32 $0xFFFFD800  }
0x2d4: {  	[spmem:s2] =	stream.indirect.scatter.add.f32 [tilespmem:s29], [sflag:$0x8], $0x80, s31, s22, $0xb8;
	[tilespmem:$0x1F380] =	vst v63  }
0x2d5: {  	_ = 	snop  }
0x2d6: {  	[spmem:s3] =	stream.indirect.scatter.add.f32 [tilespmem:s28], [sflag:$0x9], $0x1, s31, s22, $0xb8;
	[tilespmem:$0x1F380] =	vst v63  }
0x2d7: {  	_ =	swait.ge [sflag:s20], $0x50  }
0x2d8: {  	[sflag:s20] =	ssyncset.done $0x0  }
0x2d9: {  	[sflag:s20] =	ssyncadd.s32 $0xFFFFFFB0  }
0x2da: {  	_ =	swait.ge [sflag:s26], $0x2800  }
0x2db: {  	[sflag:s26] =	ssyncset.done $0x0  }
0x2dc: {  	[sflag:s26] =	ssyncadd.s32 $0xFFFFD800  }
0x2dd: {  	[spmem:s2] =	stream.indirect.scatter.add.f32 [tilespmem:s23], [sflag:$0x5], $0x80, s8, s22, $0xb8;
	[tilespmem:$0x1F380] =	vst v63  }
0x2de: {  	_ = 	snop  }
0x2df: {  	[spmem:s3] =	stream.indirect.scatter.add.f32 [tilespmem:s28], [sflag:$0x9], $0x1, s8, s22, $0xb8;
	[tilespmem:$0x1F380] =	vst v63  }
0x2e0: {  	_ =	swait.ge [sflag:s20], $0x50  }
0x2e1: {  	[sflag:s20] =	ssyncset.done $0x0  }
0x2e2: {  	[sflag:s20] =	ssyncadd.s32 $0xFFFFFFB0  }
0x2e3: {  	_ =	swait.ge [sflag:s9], $0x2800  }
0x2e4: {  	[sflag:s9] =	ssyncset.done $0x0  }
0x2e5: {  	[sflag:s9] =	ssyncadd.s32 $0xFFFFD800  }
0x2e6: {  	_ =	swait.ge [sflag:s15], $0x2800  }
0x2e7: {  	[sflag:s15] =	ssyncset.done $0x0  }
0x2e8: {  	p5 =	sne.s32 s19, $0x3E8;
	[sflag:s15] =	ssyncadd.s32 $0xFFFFD800  }
.Ltmp0:
0x2e9: {  	_ =	swait.ge [sflag:s17], $0x2800;
	(pc) =	sbr.rel @p5 .LBB2_2-.Ltmp0, $4  }
0x2ea: {  	[sflag:s17] =	ssyncset.done $0x0  }
0x2eb: {  	[sflag:s17] =	ssyncadd.s32 $0xFFFFD800  }
0x2ec: {  	_ =	swait.ge [sflag:s1], $0x2800  }
0x2ed: {  	s19 =	sadd.s32 $0xFA, s19;
	s5 =	rddreg [dreg:$0x7];
	[sflag:s1] =	ssyncset.done $0x0  }
0x2ee: {  	s5 =	sadd.s32 s16, s5;
	[sflag:s1] =	ssyncadd.s32 $0xFFFFD800  }
0x2ef: {  	[tilespmem:s4], [sflag:$0x9] =	stream.linear.gather [hbm4b:s5+s4], $0x7D0, $0x38;
	[tilespmem:$0x1F380] =	vst v63  }
0x2f0: {  	_ =	swait.ge [sflag:s20], $0x7D0  }
0x2f1: {  	[sflag:s20] =	ssyncset.done $0x0  }
0x2f2: {  	s16 =	sadd.s32 $0x200, s14;
	[sflag:s20] =	ssyncadd.s32 $0xFFFFF830  }
0x2f3: {  	[tilespmem:s21], [sflag:$0x9] =	stream.linear.gather [hbm4b:s16+s4], $0xC80, $0x38;
	[tilespmem:$0x1F380] =	vst v63  }
0x2f4: {  	_ =	swait.ge [sflag:s20], $0xC80  }
0x2f5: {  	[sflag:s20] =	ssyncset.done $0x0  }
0x2f6: {  	[sflag:s20] =	ssyncadd.s32 $0xFFFFF380  }
0x2f7: {  	[tilespmem:s23], [sflag:$0x1] =	stream.indirect.gather [hbm4b:s0+s22], $0x80, s4, s22, $0xb8;
	[tilespmem:$0x1F380] =	vst v63  }
0x2f8: {  	_ = 	snop  }
0x2f9: {  	[tilespmem:s24], [sflag:$0x2] =	stream.indirect.gather [hbm4b:s0+s22], $0x80, s22, s22, $0xb8;
	[tilespmem:$0x1F380] =	vst v63  }
0x2fa: {  	s19 =	rddreg [dreg:$0x8]  }
0x2fb: {  	[tilespmem:s25], [sflag:$0x3] =	stream.indirect.gather [hbm4b:s0+s22], $0x80, s19, s22, $0xb8;
	[tilespmem:$0x1F380] =	vst v63  }
0x2fc: {  	_ =	swait.ge [sflag:s26], $0x2800  }
0x2fd: {  	[sflag:s26] =	ssyncset.done $0x0  }
0x2fe: {  	[sflag:s26] =	ssyncadd.s32 $0xFFFFD800  }
0x2ff: {  	[spmem:s2] =	stream.indirect.scatter.add.f32 [tilespmem:s23], [sflag:$0x5], $0x80, s21, s22, $0xb8;
	[tilespmem:$0x1F380] =	vst v63  }
0x300: {  	_ = 	snop  }
0x301: {  	[spmem:s3] =	stream.indirect.scatter.add.f32 [tilespmem:s28], [sflag:$0x9], $0x1, s21, s22, $0xb8;
	[tilespmem:$0x1F380] =	vst v63  }
0x302: {  	_ =	swait.ge [sflag:s20], $0x50  }
0x303: {  	[sflag:s20] =	ssyncset.done $0x0  }
0x304: {  	s7 =	rddreg [dreg:$0x9];
	[sflag:s20] =	ssyncadd.s32 $0xFFFFFFB0  }
0x305: {  	[tilespmem:s29], [sflag:$0x4] =	stream.indirect.gather [hbm4b:s0+s22], $0x80, s7, s22, $0xb8;
	[tilespmem:$0x1F380] =	vst v63  }
0x306: {  	_ =	swait.ge [sflag:s30], $0x2800  }
0x307: {  	[sflag:s30] =	ssyncset.done $0x0  }
0x308: {  	s14 =	simm.s32 $0x880;
	[sflag:s30] =	ssyncadd.s32 $0xFFFFD800  }
0x309: {  	[spmem:s2] =	stream.indirect.scatter.add.f32 [tilespmem:s24], [sflag:$0x6], $0x80, s14, s22, $0xb8;
	[tilespmem:$0x1F380] =	vst v63  }
0x30a: {  	_ = 	snop  }
0x30b: {  	[spmem:s3] =	stream.indirect.scatter.add.f32 [tilespmem:s28], [sflag:$0x9], $0x1, s14, s22, $0xb8;
	[tilespmem:$0x1F380] =	vst v63  }
0x30c: {  	_ =	swait.ge [sflag:s20], $0x50  }
0x30d: {  	[sflag:s20] =	ssyncset.done $0x0  }
0x30e: {  	[sflag:s20] =	ssyncadd.s32 $0xFFFFFFB0  }
0x30f: {  	_ =	swait.ge [sflag:s1], $0x2800  }
0x310: {  	[sflag:s1] =	ssyncset.done $0x0  }
0x311: {  	s16 =	rddreg [dreg:$0xa];
	[sflag:s1] =	ssyncadd.s32 $0xFFFFD800  }
0x312: {  	[tilespmem:s23], [sflag:$0x1] =	stream.indirect.gather [hbm4b:s0+s22], $0x80, s16, s22, $0xb8;
	[tilespmem:$0x1F380] =	vst v63  }
0x313: {  	_ =	swait.ge [sflag:s6], $0x2800  }
0x314: {  	[sflag:s6] =	ssyncset.done $0x0  }
0x315: {  	s19 =	simm.s32 $0x900;
	[sflag:s6] =	ssyncadd.s32 $0xFFFFD800  }
0x316: {  	[spmem:s2] =	stream.indirect.scatter.add.f32 [tilespmem:s25], [sflag:$0x7], $0x80, s19, s22, $0xb8;
	[tilespmem:$0x1F380] =	vst v63  }
0x317: {  	_ = 	snop  }
0x318: {  	[spmem:s3] =	stream.indirect.scatter.add.f32 [tilespmem:s28], [sflag:$0x9], $0x1, s19, s22, $0xb8;
	[tilespmem:$0x1F380] =	vst v63  }
0x319: {  	_ =	swait.ge [sflag:s20], $0x50  }
0x31a: {  	[sflag:s20] =	ssyncset.done $0x0  }
0x31b: {  	[sflag:s20] =	ssyncadd.s32 $0xFFFFFFB0  }
0x31c: {  	_ =	swait.ge [sflag:s9], $0x2800  }
0x31d: {  	[sflag:s9] =	ssyncset.done $0x0  }
0x31e: {  	s7 =	rddreg [dreg:$0xb];
	[sflag:s9] =	ssyncadd.s32 $0xFFFFD800  }
0x31f: {  	[tilespmem:s24], [sflag:$0x2] =	stream.indirect.gather [hbm4b:s0+s22], $0x80, s7, s22, $0xb8;
	[tilespmem:$0x1F380] =	vst v63  }
0x320: {  	_ =	swait.ge [sflag:s13], $0x2800  }
0x321: {  	[sflag:s13] =	ssyncset.done $0x0  }
0x322: {  	s14 =	simm.s32 $0x980;
	[sflag:s13] =	ssyncadd.s32 $0xFFFFD800  }
0x323: {  	[spmem:s2] =	stream.indirect.scatter.add.f32 [tilespmem:s29], [sflag:$0x8], $0x80, s14, s22, $0xb8;
	[tilespmem:$0x1F380] =	vst v63  }
0x324: {  	_ = 	snop  }
0x325: {  	[spmem:s3] =	stream.indirect.scatter.add.f32 [tilespmem:s28], [sflag:$0x9], $0x1, s14, s22, $0xb8;
	[tilespmem:$0x1F380] =	vst v63  }
0x326: {  	_ =	swait.ge [sflag:s20], $0x50  }
0x327: {  	[sflag:s20] =	ssyncset.done $0x0  }
0x328: {  	[sflag:s20] =	ssyncadd.s32 $0xFFFFFFB0  }
0x329: {  	_ =	swait.ge [sflag:s15], $0x2800  }
0x32a: {  	[sflag:s15] =	ssyncset.done $0x0  }
0x32b: {  	s16 =	rddreg [dreg:$0xc];
	[sflag:s15] =	ssyncadd.s32 $0xFFFFD800  }
0x32c: {  	[tilespmem:s25], [sflag:$0x3] =	stream.indirect.gather [hbm4b:s0+s22], $0x80, s16, s22, $0xb8;
	[tilespmem:$0x1F380] =	vst v63  }
0x32d: {  	_ =	swait.ge [sflag:s26], $0x2800  }
0x32e: {  	[sflag:s26] =	ssyncset.done $0x0  }
0x32f: {  	s19 =	simm.s32 $0xA00;
	[sflag:s26] =	ssyncadd.s32 $0xFFFFD800  }
0x330: {  	[spmem:s2] =	stream.indirect.scatter.add.f32 [tilespmem:s23], [sflag:$0x5], $0x80, s19, s22, $0xb8;
	[tilespmem:$0x1F380] =	vst v63  }
0x331: {  	_ = 	snop  }
0x332: {  	[spmem:s3] =	stream.indirect.scatter.add.f32 [tilespmem:s28], [sflag:$0x9], $0x1, s19, s22, $0xb8;
	[tilespmem:$0x1F380] =	vst v63  }
0x333: {  	_ =	swait.ge [sflag:s20], $0x50  }
0x334: {  	[sflag:s20] =	ssyncset.done $0x0  }
0x335: {  	[sflag:s20] =	ssyncadd.s32 $0xFFFFFFB0  }
0x336: {  	_ =	swait.ge [sflag:s17], $0x2800  }
0x337: {  	[sflag:s17] =	ssyncset.done $0x0  }
0x338: {  	s7 =	rddreg [dreg:$0xd];
	[sflag:s17] =	ssyncadd.s32 $0xFFFFD800  }
0x339: {  	[tilespmem:s29], [sflag:$0x4] =	stream.indirect.gather [hbm4b:s0+s22], $0x80, s7, s22, $0xb8;
	[tilespmem:$0x1F380] =	vst v63  }
0x33a: {  	_ =	swait.ge [sflag:s30], $0x2800  }
0x33b: {  	[sflag:s30] =	ssyncset.done $0x0  }
0x33c: {  	s14 =	simm.s32 $0xA80;
	[sflag:s30] =	ssyncadd.s32 $0xFFFFD800  }
0x33d: {  	[spmem:s2] =	stream.indirect.scatter.add.f32 [tilespmem:s24], [sflag:$0x6], $0x80, s14, s22, $0xb8;
	[tilespmem:$0x1F380] =	vst v63  }
0x33e: {  	_ = 	snop  }
0x33f: {  	[spmem:s3] =	stream.indirect.scatter.add.f32 [tilespmem:s28], [sflag:$0x9], $0x1, s14, s22, $0xb8;
	[tilespmem:$0x1F380] =	vst v63  }
0x340: {  	_ =	swait.ge [sflag:s20], $0x50  }
0x341: {  	[sflag:s20] =	ssyncset.done $0x0  }
0x342: {  	[sflag:s20] =	ssyncadd.s32 $0xFFFFFFB0  }
0x343: {  	_ =	swait.ge [sflag:s1], $0x2800  }
0x344: {  	[sflag:s1] =	ssyncset.done $0x0  }
0x345: {  	s16 =	rddreg [dreg:$0xe];
	[sflag:s1] =	ssyncadd.s32 $0xFFFFD800  }
0x346: {  	[tilespmem:s23], [sflag:$0x1] =	stream.indirect.gather [hbm4b:s0+s22], $0x80, s16, s22, $0xb8;
	[tilespmem:$0x1F380] =	vst v63  }
0x347: {  	_ =	swait.ge [sflag:s6], $0x2800  }
0x348: {  	[sflag:s6] =	ssyncset.done $0x0  }
0x349: {  	s19 =	simm.s32 $0xB00;
	[sflag:s6] =	ssyncadd.s32 $0xFFFFD800  }
0x34a: {  	[spmem:s2] =	stream.indirect.scatter.add.f32 [tilespmem:s25], [sflag:$0x7], $0x80, s19, s22, $0xb8;
	[tilespmem:$0x1F380] =	vst v63  }
0x34b: {  	_ = 	snop  }
0x34c: {  	[spmem:s3] =	stream.indirect.scatter.add.f32 [tilespmem:s28], [sflag:$0x9], $0x1, s19, s22, $0xb8;
	[tilespmem:$0x1F380] =	vst v63  }
0x34d: {  	_ =	swait.ge [sflag:s20], $0x50  }
0x34e: {  	[sflag:s20] =	ssyncset.done $0x0  }
0x34f: {  	[sflag:s20] =	ssyncadd.s32 $0xFFFFFFB0  }
0x350: {  	_ =	swait.ge [sflag:s9], $0x2800  }
0x351: {  	[sflag:s9] =	ssyncset.done $0x0  }
0x352: {  	s7 =	rddreg [dreg:$0xf];
	[sflag:s9] =	ssyncadd.s32 $0xFFFFD800  }
0x353: {  	[tilespmem:s24], [sflag:$0x2] =	stream.indirect.gather [hbm4b:s0+s22], $0x80, s7, s22, $0xb8;
	[tilespmem:$0x1F380] =	vst v63  }
0x354: {  	_ =	swait.ge [sflag:s13], $0x2800  }
0x355: {  	[sflag:s13] =	ssyncset.done $0x0  }
0x356: {  	s14 =	simm.s32 $0xB80;
	[sflag:s13] =	ssyncadd.s32 $0xFFFFD800  }
0x357: {  	[spmem:s2] =	stream.indirect.scatter.add.f32 [tilespmem:s29], [sflag:$0x8], $0x80, s14, s22, $0xb8;
	[tilespmem:$0x1F380] =	vst v63  }
0x358: {  	_ = 	snop  }
0x359: {  	[spmem:s3] =	stream.indirect.scatter.add.f32 [tilespmem:s28], [sflag:$0x9], $0x1, s14, s22, $0xb8;
	[tilespmem:$0x1F380] =	vst v63  }
0x35a: {  	_ =	swait.ge [sflag:s20], $0x50  }
0x35b: {  	[sflag:s20] =	ssyncset.done $0x0  }
0x35c: {  	[sflag:s20] =	ssyncadd.s32 $0xFFFFFFB0  }
0x35d: {  	_ =	swait.ge [sflag:s15], $0x2800  }
0x35e: {  	[sflag:s15] =	ssyncset.done $0x0  }
0x35f: {  	s16 =	rddreg [dreg:$0x10];
	[sflag:s15] =	ssyncadd.s32 $0xFFFFD800  }
0x360: {  	[tilespmem:s25], [sflag:$0x3] =	stream.indirect.gather [hbm4b:s0+s22], $0x80, s16, s22, $0xb8;
	[tilespmem:$0x1F380] =	vst v63  }
0x361: {  	_ =	swait.ge [sflag:s26], $0x2800  }
0x362: {  	[sflag:s26] =	ssyncset.done $0x0  }
0x363: {  	s19 =	simm.s32 $0xC00;
	[sflag:s26] =	ssyncadd.s32 $0xFFFFD800  }
0x364: {  	[spmem:s2] =	stream.indirect.scatter.add.f32 [tilespmem:s23], [sflag:$0x5], $0x80, s19, s22, $0xb8;
	[tilespmem:$0x1F380] =	vst v63  }
0x365: {  	_ = 	snop  }
0x366: {  	[spmem:s3] =	stream.indirect.scatter.add.f32 [tilespmem:s28], [sflag:$0x9], $0x1, s19, s22, $0xb8;
	[tilespmem:$0x1F380] =	vst v63  }
0x367: {  	_ =	swait.ge [sflag:s20], $0x50  }
0x368: {  	[sflag:s20] =	ssyncset.done $0x0  }
0x369: {  	[sflag:s20] =	ssyncadd.s32 $0xFFFFFFB0  }
0x36a: {  	_ =	swait.ge [sflag:s17], $0x2800  }
0x36b: {  	[sflag:s17] =	ssyncset.done $0x0  }
0x36c: {  	s7 =	rddreg [dreg:$0x11];
	[sflag:s17] =	ssyncadd.s32 $0xFFFFD800  }
0x36d: {  	[tilespmem:s29], [sflag:$0x4] =	stream.indirect.gather [hbm4b:s0+s22], $0x80, s7, s22, $0xb8;
	[tilespmem:$0x1F380] =	vst v63  }
0x36e: {  	_ =	swait.ge [sflag:s30], $0x2800  }
0x36f: {  	[sflag:s30] =	ssyncset.done $0x0  }
0x370: {  	s14 =	simm.s32 $0xC80;
	[sflag:s30] =	ssyncadd.s32 $0xFFFFD800  }
0x371: {  	[spmem:s2] =	stream.indirect.scatter.add.f32 [tilespmem:s24], [sflag:$0x6], $0x80, s14, s22, $0xb8;
	[tilespmem:$0x1F380] =	vst v63  }
0x372: {  	_ = 	snop  }
0x373: {  	[spmem:s3] =	stream.indirect.scatter.add.f32 [tilespmem:s28], [sflag:$0x9], $0x1, s14, s22, $0xb8;
	[tilespmem:$0x1F380] =	vst v63  }
0x374: {  	_ =	swait.ge [sflag:s20], $0x50  }
0x375: {  	[sflag:s20] =	ssyncset.done $0x0  }
0x376: {  	[sflag:s20] =	ssyncadd.s32 $0xFFFFFFB0  }
0x377: {  	_ =	swait.ge [sflag:s1], $0x2800  }
0x378: {  	[sflag:s1] =	ssyncset.done $0x0  }
0x379: {  	s16 =	rddreg [dreg:$0x12];
	[sflag:s1] =	ssyncadd.s32 $0xFFFFD800  }
0x37a: {  	[tilespmem:s23], [sflag:$0x1] =	stream.indirect.gather [hbm4b:s0+s22], $0x80, s16, s22, $0xb8;
	[tilespmem:$0x1F380] =	vst v63  }
0x37b: {  	_ =	swait.ge [sflag:s6], $0x2800  }
0x37c: {  	[sflag:s6] =	ssyncset.done $0x0  }
0x37d: {  	s19 =	simm.s32 $0xD00;
	[sflag:s6] =	ssyncadd.s32 $0xFFFFD800  }
0x37e: {  	[spmem:s2] =	stream.indirect.scatter.add.f32 [tilespmem:s25], [sflag:$0x7], $0x80, s19, s22, $0xb8;
	[tilespmem:$0x1F380] =	vst v63  }
0x37f: {  	_ = 	snop  }
0x380: {  	[spmem:s3] =	stream.indirect.scatter.add.f32 [tilespmem:s28], [sflag:$0x9], $0x1, s19, s22, $0xb8;
	[tilespmem:$0x1F380] =	vst v63  }
0x381: {  	_ =	swait.ge [sflag:s20], $0x50  }
0x382: {  	[sflag:s20] =	ssyncset.done $0x0  }
0x383: {  	[sflag:s20] =	ssyncadd.s32 $0xFFFFFFB0  }
0x384: {  	_ =	swait.ge [sflag:s9], $0x2800  }
0x385: {  	[sflag:s9] =	ssyncset.done $0x0  }
0x386: {  	s7 =	rddreg [dreg:$0x13];
	[sflag:s9] =	ssyncadd.s32 $0xFFFFD800  }
0x387: {  	[tilespmem:s24], [sflag:$0x2] =	stream.indirect.gather [hbm4b:s0+s22], $0x80, s7, s22, $0xb8;
	[tilespmem:$0x1F380] =	vst v63  }
0x388: {  	_ =	swait.ge [sflag:s13], $0x2800  }
0x389: {  	[sflag:s13] =	ssyncset.done $0x0  }
0x38a: {  	s14 =	simm.s32 $0xD80;
	[sflag:s13] =	ssyncadd.s32 $0xFFFFD800  }
0x38b: {  	[spmem:s2] =	stream.indirect.scatter.add.f32 [tilespmem:s29], [sflag:$0x8], $0x80, s14, s22, $0xb8;
	[tilespmem:$0x1F380] =	vst v63  }
0x38c: {  	_ = 	snop  }
0x38d: {  	[spmem:s3] =	stream.indirect.scatter.add.f32 [tilespmem:s28], [sflag:$0x9], $0x1, s14, s22, $0xb8;
	[tilespmem:$0x1F380] =	vst v63  }
0x38e: {  	_ =	swait.ge [sflag:s20], $0x50  }
0x38f: {  	[sflag:s20] =	ssyncset.done $0x0  }
0x390: {  	[sflag:s20] =	ssyncadd.s32 $0xFFFFFFB0  }
0x391: {  	_ =	swait.ge [sflag:s15], $0x2800  }
0x392: {  	[sflag:s15] =	ssyncset.done $0x0  }
0x393: {  	s16 =	rddreg [dreg:$0x14];
	[sflag:s15] =	ssyncadd.s32 $0xFFFFD800  }
0x394: {  	[tilespmem:s25], [sflag:$0x3] =	stream.indirect.gather [hbm4b:s0+s22], $0x80, s16, s22, $0xb8;
	[tilespmem:$0x1F380] =	vst v63  }
0x395: {  	_ =	swait.ge [sflag:s26], $0x2800  }
0x396: {  	[sflag:s26] =	ssyncset.done $0x0  }
0x397: {  	s19 =	simm.s32 $0xE00;
	[sflag:s26] =	ssyncadd.s32 $0xFFFFD800  }
0x398: {  	[spmem:s2] =	stream.indirect.scatter.add.f32 [tilespmem:s23], [sflag:$0x5], $0x80, s19, s22, $0xb8;
	[tilespmem:$0x1F380] =	vst v63  }
0x399: {  	_ = 	snop  }
0x39a: {  	[spmem:s3] =	stream.indirect.scatter.add.f32 [tilespmem:s28], [sflag:$0x9], $0x1, s19, s22, $0xb8;
	[tilespmem:$0x1F380] =	vst v63  }
0x39b: {  	_ =	swait.ge [sflag:s20], $0x50  }
0x39c: {  	[sflag:s20] =	ssyncset.done $0x0  }
0x39d: {  	[sflag:s20] =	ssyncadd.s32 $0xFFFFFFB0  }
0x39e: {  	_ =	swait.ge [sflag:s17], $0x2800  }
0x39f: {  	[sflag:s17] =	ssyncset.done $0x0  }
0x3a0: {  	s7 =	rddreg [dreg:$0x15];
	[sflag:s17] =	ssyncadd.s32 $0xFFFFD800  }
0x3a1: {  	[tilespmem:s29], [sflag:$0x4] =	stream.indirect.gather [hbm4b:s0+s22], $0x80, s7, s22, $0xb8;
	[tilespmem:$0x1F380] =	vst v63  }
0x3a2: {  	_ =	swait.ge [sflag:s30], $0x2800  }
0x3a3: {  	[sflag:s30] =	ssyncset.done $0x0  }
0x3a4: {  	s14 =	simm.s32 $0xE80;
	[sflag:s30] =	ssyncadd.s32 $0xFFFFD800  }
0x3a5: {  	[spmem:s2] =	stream.indirect.scatter.add.f32 [tilespmem:s24], [sflag:$0x6], $0x80, s14, s22, $0xb8;
	[tilespmem:$0x1F380] =	vst v63  }
0x3a6: {  	_ = 	snop  }
0x3a7: {  	[spmem:s3] =	stream.indirect.scatter.add.f32 [tilespmem:s28], [sflag:$0x9], $0x1, s14, s22, $0xb8;
	[tilespmem:$0x1F380] =	vst v63  }
0x3a8: {  	_ =	swait.ge [sflag:s20], $0x50  }
0x3a9: {  	[sflag:s20] =	ssyncset.done $0x0  }
0x3aa: {  	[sflag:s20] =	ssyncadd.s32 $0xFFFFFFB0  }
0x3ab: {  	_ =	swait.ge [sflag:s1], $0x2800  }
0x3ac: {  	[sflag:s1] =	ssyncset.done $0x0  }
0x3ad: {  	s16 =	rddreg [dreg:$0x16];
	[sflag:s1] =	ssyncadd.s32 $0xFFFFD800  }
0x3ae: {  	[tilespmem:s23], [sflag:$0x1] =	stream.indirect.gather [hbm4b:s0+s22], $0x80, s16, s22, $0xb8;
	[tilespmem:$0x1F380] =	vst v63  }
0x3af: {  	_ =	swait.ge [sflag:s6], $0x2800  }
0x3b0: {  	[sflag:s6] =	ssyncset.done $0x0  }
0x3b1: {  	s19 =	simm.s32 $0xF00;
	[sflag:s6] =	ssyncadd.s32 $0xFFFFD800  }
0x3b2: {  	[spmem:s2] =	stream.indirect.scatter.add.f32 [tilespmem:s25], [sflag:$0x7], $0x80, s19, s22, $0xb8;
	[tilespmem:$0x1F380] =	vst v63  }
0x3b3: {  	_ = 	snop  }
0x3b4: {  	[spmem:s3] =	stream.indirect.scatter.add.f32 [tilespmem:s28], [sflag:$0x9], $0x1, s19, s22, $0xb8;
	[tilespmem:$0x1F380] =	vst v63  }
0x3b5: {  	_ =	swait.ge [sflag:s20], $0x50  }
0x3b6: {  	[sflag:s20] =	ssyncset.done $0x0  }
0x3b7: {  	[sflag:s20] =	ssyncadd.s32 $0xFFFFFFB0  }
0x3b8: {  	_ =	swait.ge [sflag:s9], $0x2800  }
0x3b9: {  	[sflag:s9] =	ssyncset.done $0x0  }
0x3ba: {  	s7 =	rddreg [dreg:$0x17];
	[sflag:s9] =	ssyncadd.s32 $0xFFFFD800  }
0x3bb: {  	[tilespmem:s24], [sflag:$0x2] =	stream.indirect.gather [hbm4b:s0+s22], $0x80, s7, s22, $0xb8;
	[tilespmem:$0x1F380] =	vst v63  }
0x3bc: {  	_ =	swait.ge [sflag:s13], $0x2800  }
0x3bd: {  	[sflag:s13] =	ssyncset.done $0x0  }
0x3be: {  	s14 =	simm.s32 $0xF80;
	[sflag:s13] =	ssyncadd.s32 $0xFFFFD800  }
0x3bf: {  	[spmem:s2] =	stream.indirect.scatter.add.f32 [tilespmem:s29], [sflag:$0x8], $0x80, s14, s22, $0xb8;
	[tilespmem:$0x1F380] =	vst v63  }
0x3c0: {  	_ = 	snop  }
0x3c1: {  	[spmem:s3] =	stream.indirect.scatter.add.f32 [tilespmem:s28], [sflag:$0x9], $0x1, s14, s22, $0xb8;
	[tilespmem:$0x1F380] =	vst v63  }
0x3c2: {  	_ =	swait.ge [sflag:s20], $0x50  }
0x3c3: {  	[sflag:s20] =	ssyncset.done $0x0  }
0x3c4: {  	[sflag:s20] =	ssyncadd.s32 $0xFFFFFFB0  }
0x3c5: {  	_ =	swait.ge [sflag:s15], $0x2800  }
0x3c6: {  	[sflag:s15] =	ssyncset.done $0x0  }
0x3c7: {  	s16 =	rddreg [dreg:$0x18];
	[sflag:s15] =	ssyncadd.s32 $0xFFFFD800  }
0x3c8: {  	[tilespmem:s25], [sflag:$0x3] =	stream.indirect.gather [hbm4b:s0+s22], $0x80, s16, s22, $0xb8;
	[tilespmem:$0x1F380] =	vst v63  }
0x3c9: {  	_ =	swait.ge [sflag:s26], $0x2800  }
0x3ca: {  	[sflag:s26] =	ssyncset.done $0x0  }
0x3cb: {  	s19 =	simm.s32 $0x1000;
	[sflag:s26] =	ssyncadd.s32 $0xFFFFD800  }
0x3cc: {  	[spmem:s2] =	stream.indirect.scatter.add.f32 [tilespmem:s23], [sflag:$0x5], $0x80, s19, s22, $0xb8;
	[tilespmem:$0x1F380] =	vst v63  }
0x3cd: {  	_ = 	snop  }
0x3ce: {  	[spmem:s3] =	stream.indirect.scatter.add.f32 [tilespmem:s28], [sflag:$0x9], $0x1, s19, s22, $0xb8;
	[tilespmem:$0x1F380] =	vst v63  }
0x3cf: {  	_ =	swait.ge [sflag:s20], $0x50  }
0x3d0: {  	[sflag:s20] =	ssyncset.done $0x0  }
0x3d1: {  	[sflag:s20] =	ssyncadd.s32 $0xFFFFFFB0  }
0x3d2: {  	_ =	swait.ge [sflag:s17], $0x2800  }
0x3d3: {  	[sflag:s17] =	ssyncset.done $0x0  }
0x3d4: {  	s7 =	rddreg [dreg:$0x19];
	[sflag:s17] =	ssyncadd.s32 $0xFFFFD800  }
0x3d5: {  	[tilespmem:s29], [sflag:$0x4] =	stream.indirect.gather [hbm4b:s0+s22], $0x80, s7, s22, $0xb8;
	[tilespmem:$0x1F380] =	vst v63  }
0x3d6: {  	_ =	swait.ge [sflag:s30], $0x2800  }
0x3d7: {  	[sflag:s30] =	ssyncset.done $0x0  }
0x3d8: {  	s14 =	simm.s32 $0x1080;
	[sflag:s30] =	ssyncadd.s32 $0xFFFFD800  }
0x3d9: {  	[spmem:s2] =	stream.indirect.scatter.add.f32 [tilespmem:s24], [sflag:$0x6], $0x80, s14, s22, $0xb8;
	[tilespmem:$0x1F380] =	vst v63  }
0x3da: {  	_ = 	snop  }
0x3db: {  	[spmem:s3] =	stream.indirect.scatter.add.f32 [tilespmem:s28], [sflag:$0x9], $0x1, s14, s22, $0xb8;
	[tilespmem:$0x1F380] =	vst v63  }
0x3dc: {  	_ =	swait.ge [sflag:s20], $0x50  }
0x3dd: {  	[sflag:s20] =	ssyncset.done $0x0  }
0x3de: {  	[sflag:s20] =	ssyncadd.s32 $0xFFFFFFB0  }
0x3df: {  	_ =	swait.ge [sflag:s1], $0x2800  }
0x3e0: {  	[sflag:s1] =	ssyncset.done $0x0  }
0x3e1: {  	s16 =	rddreg [dreg:$0x1a];
	[sflag:s1] =	ssyncadd.s32 $0xFFFFD800  }
0x3e2: {  	[tilespmem:s23], [sflag:$0x1] =	stream.indirect.gather [hbm4b:s0+s22], $0x80, s16, s22, $0xb8;
	[tilespmem:$0x1F380] =	vst v63  }
0x3e3: {  	_ =	swait.ge [sflag:s6], $0x2800  }
0x3e4: {  	[sflag:s6] =	ssyncset.done $0x0  }
0x3e5: {  	s19 =	simm.s32 $0x1100;
	[sflag:s6] =	ssyncadd.s32 $0xFFFFD800  }
0x3e6: {  	[spmem:s2] =	stream.indirect.scatter.add.f32 [tilespmem:s25], [sflag:$0x7], $0x80, s19, s22, $0xb8;
	[tilespmem:$0x1F380] =	vst v63  }
0x3e7: {  	_ = 	snop  }
0x3e8: {  	[spmem:s3] =	stream.indirect.scatter.add.f32 [tilespmem:s28], [sflag:$0x9], $0x1, s19, s22, $0xb8;
	[tilespmem:$0x1F380] =	vst v63  }
0x3e9: {  	_ =	swait.ge [sflag:s20], $0x50  }
0x3ea: {  	[sflag:s20] =	ssyncset.done $0x0  }
0x3eb: {  	[sflag:s20] =	ssyncadd.s32 $0xFFFFFFB0  }
0x3ec: {  	_ =	swait.ge [sflag:s9], $0x2800  }
0x3ed: {  	[sflag:s9] =	ssyncset.done $0x0  }
0x3ee: {  	s7 =	rddreg [dreg:$0x1b];
	[sflag:s9] =	ssyncadd.s32 $0xFFFFD800  }
0x3ef: {  	[tilespmem:s24], [sflag:$0x2] =	stream.indirect.gather [hbm4b:s0+s22], $0x80, s7, s22, $0xb8;
	[tilespmem:$0x1F380] =	vst v63  }
0x3f0: {  	_ =	swait.ge [sflag:s13], $0x2800  }
0x3f1: {  	[sflag:s13] =	ssyncset.done $0x0  }
0x3f2: {  	[sflag:s13] =	ssyncadd.s32 $0xFFFFD800  }
0x3f3: {  	[spmem:s2] =	stream.indirect.scatter.add.f32 [tilespmem:s29], [sflag:$0x8], $0x80, s10, s22, $0xb8;
	[tilespmem:$0x1F380] =	vst v63  }
0x3f4: {  	_ = 	snop  }
0x3f5: {  	[spmem:s3] =	stream.indirect.scatter.add.f32 [tilespmem:s28], [sflag:$0x9], $0x1, s10, s22, $0xb8;
	[tilespmem:$0x1F380] =	vst v63  }
0x3f6: {  	_ =	swait.ge [sflag:s20], $0x50  }
0x3f7: {  	[sflag:s20] =	ssyncset.done $0x0  }
0x3f8: {  	[sflag:s20] =	ssyncadd.s32 $0xFFFFFFB0  }
0x3f9: {  	_ =	swait.ge [sflag:s15], $0x2800  }
0x3fa: {  	[sflag:s15] =	ssyncset.done $0x0  }
0x3fb: {  	s14 =	rddreg [dreg:$0x1c];
	[sflag:s15] =	ssyncadd.s32 $0xFFFFD800  }
0x3fc: {  	[tilespmem:s25], [sflag:$0x3] =	stream.indirect.gather [hbm4b:s0+s22], $0x80, s14, s22, $0xb8;
	[tilespmem:$0x1F380] =	vst v63  }
0x3fd: {  	_ =	swait.ge [sflag:s26], $0x2800  }
0x3fe: {  	[sflag:s26] =	ssyncset.done $0x0  }
0x3ff: {  	[sflag:s26] =	ssyncadd.s32 $0xFFFFD800  }
0x400: {  	[spmem:s2] =	stream.indirect.scatter.add.f32 [tilespmem:s23], [sflag:$0x5], $0x80, s18, s22, $0xb8;
	[tilespmem:$0x1F380] =	vst v63  }
0x401: {  	_ = 	snop  }
0x402: {  	[spmem:s3] =	stream.indirect.scatter.add.f32 [tilespmem:s28], [sflag:$0x9], $0x1, s18, s22, $0xb8;
	[tilespmem:$0x1F380] =	vst v63  }
0x403: {  	_ =	swait.ge [sflag:s20], $0x50  }
0x404: {  	[sflag:s20] =	ssyncset.done $0x0  }
0x405: {  	[sflag:s20] =	ssyncadd.s32 $0xFFFFFFB0  }
0x406: {  	_ =	swait.ge [sflag:s17], $0x2800  }
0x407: {  	[sflag:s17] =	ssyncset.done $0x0  }
0x408: {  	s16 =	rddreg [dreg:$0x1d];
	[sflag:s17] =	ssyncadd.s32 $0xFFFFD800  }
0x409: {  	[tilespmem:s29], [sflag:$0x4] =	stream.indirect.gather [hbm4b:s0+s22], $0x80, s16, s22, $0xb8;
	[tilespmem:$0x1F380] =	vst v63  }
0x40a: {  	_ =	swait.ge [sflag:s30], $0x2800  }
0x40b: {  	[sflag:s30] =	ssyncset.done $0x0  }
0x40c: {  	[sflag:s30] =	ssyncadd.s32 $0xFFFFD800  }
0x40d: {  	[spmem:s2] =	stream.indirect.scatter.add.f32 [tilespmem:s24], [sflag:$0x6], $0x80, s12, s22, $0xb8;
	[tilespmem:$0x1F380] =	vst v63  }
0x40e: {  	_ = 	snop  }
0x40f: {  	[spmem:s3] =	stream.indirect.scatter.add.f32 [tilespmem:s28], [sflag:$0x9], $0x1, s12, s22, $0xb8;
	[tilespmem:$0x1F380] =	vst v63  }
0x410: {  	_ =	swait.ge [sflag:s20], $0x50  }
0x411: {  	[sflag:s20] =	ssyncset.done $0x0  }
0x412: {  	[sflag:s20] =	ssyncadd.s32 $0xFFFFFFB0  }
0x413: {  	_ =	swait.ge [sflag:s1], $0x2800  }
0x414: {  	[sflag:s1] =	ssyncset.done $0x0  }
0x415: {  	s19 =	rddreg [dreg:$0x1e];
	[sflag:s1] =	ssyncadd.s32 $0xFFFFD800  }
0x416: {  	[tilespmem:s23], [sflag:$0x1] =	stream.indirect.gather [hbm4b:s0+s22], $0x80, s19, s22, $0xb8;
	[tilespmem:$0x1F380] =	vst v63  }
0x417: {  	_ =	swait.ge [sflag:s6], $0x2800  }
0x418: {  	[sflag:s6] =	ssyncset.done $0x0  }
0x419: {  	[sflag:s6] =	ssyncadd.s32 $0xFFFFD800  }
0x41a: {  	[spmem:s2] =	stream.indirect.scatter.add.f32 [tilespmem:s25], [sflag:$0x7], $0x80, s11, s22, $0xb8;
	[tilespmem:$0x1F380] =	vst v63  }
0x41b: {  	_ = 	snop  }
0x41c: {  	[spmem:s3] =	stream.indirect.scatter.add.f32 [tilespmem:s28], [sflag:$0x9], $0x1, s11, s22, $0xb8;
	[tilespmem:$0x1F380] =	vst v63  }
0x41d: {  	_ =	swait.ge [sflag:s20], $0x50  }
0x41e: {  	[sflag:s20] =	ssyncset.done $0x0  }
0x41f: {  	[sflag:s20] =	ssyncadd.s32 $0xFFFFFFB0  }
0x420: {  	_ =	swait.ge [sflag:s13], $0x2800  }
0x421: {  	[sflag:s13] =	ssyncset.done $0x0  }
0x422: {  	[sflag:s13] =	ssyncadd.s32 $0xFFFFD800  }
0x423: {  	[spmem:s2] =	stream.indirect.scatter.add.f32 [tilespmem:s29], [sflag:$0x8], $0x80, s31, s22, $0xb8;
	[tilespmem:$0x1F380] =	vst v63  }
0x424: {  	_ = 	snop  }
0x425: {  	[spmem:s3] =	stream.indirect.scatter.add.f32 [tilespmem:s28], [sflag:$0x9], $0x1, s31, s22, $0xb8;
	[tilespmem:$0x1F380] =	vst v63  }
0x426: {  	_ =	swait.ge [sflag:s20], $0x50  }
0x427: {  	[sflag:s20] =	ssyncset.done $0x0  }
0x428: {  	[sflag:s20] =	ssyncadd.s32 $0xFFFFFFB0  }
0x429: {  	_ =	swait.ge [sflag:s26], $0x2800  }
0x42a: {  	[sflag:s26] =	ssyncset.done $0x0  }
0x42b: {  	[sflag:s26] =	ssyncadd.s32 $0xFFFFD800  }
0x42c: {  	[spmem:s2] =	stream.indirect.scatter.add.f32 [tilespmem:s23], [sflag:$0x5], $0x80, s8, s22, $0xb8;
	[tilespmem:$0x1F380] =	vst v63  }
0x42d: {  	_ = 	snop  }
0x42e: {  	[spmem:s3] =	stream.indirect.scatter.add.f32 [tilespmem:s28], [sflag:$0x9], $0x1, s8, s22, $0xb8;
	[tilespmem:$0x1F380] =	vst v63  }
0x42f: {  	_ =	swait.ge [sflag:s20], $0x50  }
0x430: {  	[sflag:s20] =	ssyncset.done $0x0  }
0x431: {  	[sflag:s20] =	ssyncadd.s32 $0xFFFFFFB0  }
0x432: {  	_ =	swait.ge [sflag:s9], $0x2800  }
0x433: {  	[sflag:s9] =	ssyncset.done $0x0  }
0x434: {  	[sflag:s9] =	ssyncadd.s32 $0xFFFFD800  }
0x435: {  	_ =	swait.ge [sflag:s15], $0x2800  }
0x436: {  	[sflag:s15] =	ssyncset.done $0x0  }
0x437: {  	[sflag:s15] =	ssyncadd.s32 $0xFFFFD800  }
0x438: {  	_ =	swait.ge [sflag:s17], $0x2800  }
0x439: {  	[sflag:s17] =	ssyncset.done $0x0  }
0x43a: {  	[sflag:s17] =	ssyncadd.s32 $0xFFFFD800  }
0x43b: {  	_ =	swait.ge [sflag:s1], $0x2800  }
0x43c: {  	[sflag:s1] =	ssyncset.done $0x0  }
0x43d: {  	[sflag:s1] =	ssyncadd.s32 $0xFFFFD800  }
0x43e: {  	[bflag:$0x0] =	sbarrier.arrive $0xFFFF  }
0x43f: {  	s7 =	sld [smem:$0x7FA]  }
0x440: {  	s16 =	sld [smem:$0x7FC]  }
0x441: {  	s14 =	sld [smem:$0x7F4];
	_ =	sdelay $0x1  }
0x442: {  	s5 =	sshrl.u32 @!p3 s7, $0x3  }
0x443: {  	[hbm:s14], [sflag:s16] =	dma.local @!p3 [spmem:s5], $0x2700  }
0x444: {  	s5 =	simm.s32 @!p3 $0x9  }
0x445: {  	_ =	swait.ge @!p3 [sflag:s5], $0x2700  }
0x446: {  	[sflag:s5] =	ssyncset.done @!p3 $0x0  }
0x447: {  	[sflag:s5] =	ssyncadd.s32 @!p3 $0xFFFFD900;
	s5 =	sshrl.u32 @p0 s7, $0x3;
	s7 =	sld [smem:$0x7F5]  }
0x448: {  	_ =	sdelay $0x1  }
0x449: {  	[hbm:s7], [sflag:s16] =	dma.local @p0 [spmem:s5], $0x2700  }
0x44a: {  	s5 =	simm.s32 @p0 $0x9  }
0x44b: {  	_ =	swait.ge @p0 [sflag:s5], $0x2700  }
0x44c: {  	s19 =	sld [smem:$0x7FD]  }
0x44d: {  	s7 =	sld [smem:$0x7F6]  }
0x44e: {  	[sflag:s5] =	ssyncset.done @p0 $0x0  }
0x44f: {  	[sflag:s5] =	ssyncadd.s32 @p0 $0xFFFFD900;
	s5 =	sshrl.u32 @!p4 s19, $0x3  }
0x450: {  	[hbm:s7], [sflag:s16] =	dma.local @!p4 [spmem:s5], $0x100  }
0x451: {  	s5 =	simm.s32 @!p4 $0x9  }
0x452: {  	_ =	swait.ge @!p4 [sflag:s5], $0x100  }
0x453: {  	s14 =	sld [smem:$0x7F2]  }
0x454: {  	[sflag:s5] =	ssyncset.done @!p4 $0x0  }
0x455: {  	s7 =	sshrl.u32 @!p4 s3, $0x3;
	[sflag:s5] =	ssyncadd.s32 @!p4 $0xFFFFFF00  }
0x456: {  	[hbm:s14], [sflag:s16] =	dma.local @!p4 [spmem:s7], $0x500  }
0x457: {  	_ =	swait.ge @!p4 [sflag:s5], $0x500  }
0x458: {  	s7 =	sld [smem:$0x7F7]  }
0x459: {  	[sflag:s5] =	ssyncset.done @!p4 $0x0  }
0x45a: {  	[sflag:s5] =	ssyncadd.s32 @!p4 $0xFFFFFB00;
	s5 =	sshrl.u32 @p1 s19, $0x3  }
0x45b: {  	[hbm:s7], [sflag:s16] =	dma.local @p1 [spmem:s5], $0x100  }
0x45c: {  	s5 =	simm.s32 @p1 $0x9  }
0x45d: {  	_ =	swait.ge @p1 [sflag:s5], $0x100  }
0x45e: {  	s14 =	sld [smem:$0x7F3]  }
0x45f: {  	[sflag:s5] =	ssyncset.done @p1 $0x0  }
0x460: {  	s7 =	sshrl.u32 @p1 s3, $0x3;
	[sflag:s5] =	ssyncadd.s32 @p1 $0xFFFFFF00  }
0x461: {  	[hbm:s14], [sflag:s16] =	dma.local @p1 [spmem:s7], $0x500  }
0x462: {  	_ =	swait.ge @p1 [sflag:s5], $0x500  }
0x463: {  	s7 =	sld [smem:$0x7EF];
	_ =	sdelay $0x2  }
0x464: {  	s14 =	sadd.s32 $0x1, s7;
	s7 =	sld [smem:$0x7F8];
	_ =	sdelay $0x2  }
0x465: {  	p5 =	sne.s32 s14, s7  }
.Ltmp1:
0x466: {  	_ = 	snop;
	(pc) =	sbr.rel @p5 .LBB2_1-.Ltmp1, $3  }
0x467: {  	_ =	sdelay $0x1  }
0x468: {  	[sflag:s5] =	ssyncset.done @p1 $0x0  }
0x469: {  	[sflag:s5] =	ssyncadd.s32 @p1 $0xFFFFFB00  }
0x46a: {  	_ =	sfence.sel $0x180000  }
0x46b: {  	[bflag:$0x0] =	sbarrier.arrive $0xFFFF  }
0x46c: {  	_ =	strace $0x90000047  }
0x46d: {  	[bflag:$0x2] =	sbarrier.arrive $0xFFFF  }
0x46e: {  	s0 =	rddreg [dreg:$0x6]  }
0x46f: {  	s0 =	sadd.s32 @!p2 $0x100000, s0  }
0x470: {  	[sflag:s0] =	ssyncadd.tile.s32 @!p2 $0x1;
	_ =	shalt  }
.Lfunc_end2:
_tile_overlayer_lowered:
.L_overlay_start_2:
0x471: {  	(tag) =	ssettag $0x2  }
0x472: {  	s0 =	rddreg [dreg:$0x0];
	s2 =	stileid.u32  }
0x473: {  	s1 =	rddreg [dreg:$0x1];
	p0 =	sne.s32 s2, $0x0  }
0x474: {  	s3 =	rddreg [dreg:$0x2];
	[bflag:$0x3] =	sbarrier.arrive $0xFFFF;
	s2 =	simm.s32 @!p0 $0x1C09  }
0x475: {  	[timem:s3], [sflag:s2] =	dma.local @!p0 [hbm:s0], s1  }
0x476: {  	s0 =	simm.s32 @!p0 $0x9  }
0x477: {  	_ =	swait.ge @!p0 [sflag:s0], s1  }
0x478: {  	s1 =	ssub.s32 @!p0 $0x0, s1;
	[sflag:s0] =	ssyncset.done @!p0 $0x0  }
0x479: {  	[sflag:s0] =	ssyncadd.s32 @!p0 s1  }
0x47a: {  	[bflag:$0x3] =	sbarrier.arrive $0xFFFF  }
0x47b: {  	_ =	shalt  }

</sc_bundles>
